<compile_context>
chip_gen: v7x
topology: tpu7x:2x2x1
jax: 0.10.2.dev20260603
libtpu: 0.0.44.dev20260713+nightly
codegen_flags: <defaults>
</compile_context>

<pallas_src>
import jax
import jax.numpy as jnp
from jax import lax
from jax.experimental import pallas as pl
from jax.experimental.pallas import tpu as pltpu
from jax.experimental.pallas import tpu_sc as plsc

NC = 2
NS = 16
NW = NC * NS
L = 16

N = 10000
E = 320000
D = 128
R = 4
B = 1024
U = 2 * B
QROWS = U * R
QROWS_C = U * 2
TRASH = QROWS_C
SROWS_C = QROWS_C + 128
NPAD = 10240
EPS = E // NS
NHALF = 5
NSTRIP = 2
STRIP = EPS // (NHALF * NSTRIP)
CAP = 4096
KB = 64


def _sc_body(src_hbm, dst_hbm, typ_hbm, nest_hbm, food_hbm, x_hbm,
             sb_hbm, dg_hbm, xu_hbm,
             es_v, ed_v, et_v, slotmap, u_v, srcc, combc, comb2d, rows2,
             ones_v, slb_v, s_sh, deg_sh, sem_g, sem_s, sem_d):
  rows_v = rows2.at[0]
  cid = lax.axis_index("c")
  sid = lax.axis_index("s")
  wid = sid * NC + cid
  i16 = lax.broadcasted_iota(jnp.int32, (L,), 0)

  pltpu.sync_copy(nest_hbm, u_v.at[pl.ds(0, B)])
  pltpu.sync_copy(food_hbm, u_v.at[pl.ds(B, B)])

  def zrows(i, c):
    for cc in range(D // L):
      rows2[0, i, pl.ds(cc * L, L)] = jnp.zeros((L,), jnp.float32)
      ones_v[i, pl.ds(cc * L, L)] = jnp.full((L,), 1.0, jnp.float32)
    return c
  lax.fori_loop(0, KB, zrows, 0)

  s0 = sid * (SROWS_C // NS)
  zcopies = []
  for off, nn in ((0, KB), (KB, KB), (2 * KB, KB), (3 * KB, KB),
                  (4 * KB, 8)):
    zcopies.append(pltpu.async_copy(rows_v.at[pl.ds(0, nn)],
                                    s_sh.at[pl.ds(s0 + off, nn)], sem_s))
    zcopies.append(pltpu.async_copy(rows_v.at[pl.ds(0, nn)],
                                    deg_sh.at[pl.ds(s0 + off, nn)], sem_d))

  def sm_init(g, c):
    slotmap[pl.ds(g * L, L)] = jnp.full((L,), -1, jnp.int32)
    return c
  lax.fori_loop(0, NPAD // L, sm_init, 0)

  def sm_scat(g, c):
    idx = u_v[pl.ds(g * L, L)]
    plsc.store_scatter(slotmap, [idx], g * L + i16)
    return c
  lax.fori_loop(0, U // L, sm_scat, 0)

  for zc in zcopies:
    zc.wait()
  plsc.subcore_barrier()

  for half in range(NHALF):
    def strip_body(s, cnt):
      base = sid * EPS + (half * NSTRIP + s) * STRIP
      e1 = pltpu.async_copy(src_hbm.at[pl.ds(base, STRIP)], es_v, sem_g)
      e2 = pltpu.async_copy(dst_hbm.at[pl.ds(base, STRIP)], ed_v, sem_g)
      e3 = pltpu.async_copy(typ_hbm.at[pl.ds(base, STRIP)], et_v, sem_g)
      e1.wait()
      e2.wait()
      e3.wait()

      def grp(g, cnt):
        d16 = ed_v[pl.ds(g * L, L)]
        t16 = et_v[pl.ds(g * L, L)]
        s16 = es_v[pl.ds(g * L, L)]
        sl = plsc.load_gather(slotmap, [d16])
        m = jnp.logical_and(sl >= 0,
                            lax.shift_right_logical(t16, 1) == cid)
        comb = sl * 2 + lax.bitwise_and(t16, 1)
        plsc.store_compressed(srcc.at[pl.ds(cnt, L)], s16, mask=m)
        plsc.store_compressed(combc.at[pl.ds(cnt, L)], comb, mask=m)
        pc = plsc.all_reduce_population_count(m)
        return cnt + pc.max().astype(jnp.int32)
      return lax.fori_loop(0, STRIP // L, grp, cnt)
    cnt = lax.fori_loop(0, NSTRIP, strip_body, jnp.int32(0))

    def padt(t, c):
      srcc[pl.ds(cnt + t * L, L)] = jnp.zeros((L,), jnp.int32)
      combc[pl.ds(cnt + t * L, L)] = jnp.full((L,), TRASH, jnp.int32)
      return c
    lax.fori_loop(0, KB // L, padt, 0)
    nbat = lax.shift_right_logical(cnt + KB - 1, 6)

    def repack(g, c):
      comb2d[lax.shift_right_logical(g, 2),
             pl.ds(lax.bitwise_and(g, 3) * L, L)] = combc[pl.ds(g * L, L)]
      return c
    lax.fori_loop(0, nbat * (KB // L), repack, 0)

    @pl.when(nbat > 0)
    def _prime():
      pltpu.async_copy(x_hbm.at[srcc.at[pl.ds(0, KB)]], rows2.at[0], sem_g)

    def bat(bi, c):
      b = lax.bitwise_and(bi, 1)
      cur = rows2.at[b]
      pltpu.make_async_copy(x_hbm.at[srcc.at[pl.ds(bi * KB, KB)]], cur,
                            sem_g).wait()

      @pl.when(bi >= 1)
      def _drain_prev():
        prev = rows2.at[1 - b]
        pltpu.make_async_copy(prev, s_sh.at[comb2d.at[bi - 1]], sem_s).wait()
        pltpu.make_async_copy(ones_v, deg_sh.at[comb2d.at[bi - 1]],
                              sem_d).wait()

      @pl.when(bi + 1 < nbat)
      def _next_gather():
        pltpu.async_copy(x_hbm.at[srcc.at[pl.ds((bi + 1) * KB, KB)]],
                         rows2.at[1 - b], sem_g)

      pltpu.async_copy(cur, s_sh.at[comb2d.at[bi]], sem_s, add=True)
      pltpu.async_copy(ones_v, deg_sh.at[comb2d.at[bi]], sem_d, add=True)
      return c
    lax.fori_loop(0, nbat, bat, 0)

    @pl.when(nbat > 0)
    def _drain_last():
      bl = nbat - 1
      pltpu.make_async_copy(rows2.at[lax.bitwise_and(bl, 1)],
                            s_sh.at[comb2d.at[bl]], sem_s).wait()
      pltpu.make_async_copy(ones_v, deg_sh.at[comb2d.at[bl]], sem_d).wait()

  plsc.subcore_barrier()

  qbase = sid * (QROWS_C // NS)
  def slb_b(g, c):
    q = qbase + g * L + i16
    rp = lax.shift_right_logical(q, 11)
    j = lax.bitwise_and(q, 2047)
    uj = plsc.load_gather(u_v, [j])
    sl = plsc.load_gather(slotmap, [uj])
    slb_v[pl.ds(g * L, L)] = sl * 2 + rp
    return c
  lax.fori_loop(0, (QROWS_C // NS) // L, slb_b, 0)

  for k in range(4):
    idxs = slb_v.at[pl.ds(k * KB, KB)]
    gs = pltpu.async_copy(s_sh.at[idxs], rows2.at[0], sem_g)
    gd = pltpu.async_copy(deg_sh.at[idxs], rows2.at[1], sem_d)
    gs.wait()
    pltpu.sync_copy(rows2.at[0],
                    sb_hbm.at[pl.ds(cid * QROWS_C + qbase + k * KB, KB)])
    gd.wait()
    pltpu.sync_copy(rows2.at[1],
                    dg_hbm.at[pl.ds(cid * QROWS_C + qbase + k * KB, KB)])

  xo = wid * (U // NW)
  g1 = pltpu.async_copy(x_hbm.at[u_v.at[pl.ds(xo, 32)]],
                        rows2.at[0, pl.ds(0, 32)], sem_g)
  g2 = pltpu.async_copy(x_hbm.at[u_v.at[pl.ds(xo + 32, 32)]],
                        rows2.at[1, pl.ds(0, 32)], sem_d)
  g1.wait()
  pltpu.sync_copy(rows2.at[0, pl.ds(0, 32)], xu_hbm.at[pl.ds(xo, 32)])
  g2.wait()
  pltpu.sync_copy(rows2.at[1, pl.ds(0, 32)], xu_hbm.at[pl.ds(xo + 32, 32)])


_sc_gather_scatter = pl.kernel(
    _sc_body,
    out_type=(
        jax.ShapeDtypeStruct((QROWS, D), jnp.float32),
        jax.ShapeDtypeStruct((QROWS, D), jnp.float32),
        jax.ShapeDtypeStruct((U, D), jnp.float32),
    ),
    mesh=plsc.VectorSubcoreMesh(core_axis_name="c", subcore_axis_name="s"),
    compiler_params=pltpu.CompilerParams(needs_layout_passes=False),
    scratch_types=[
        pltpu.VMEM((STRIP,), jnp.int32),
        pltpu.VMEM((STRIP,), jnp.int32),
        pltpu.VMEM((STRIP,), jnp.int32),
        pltpu.VMEM((NPAD,), jnp.int32),
        pltpu.VMEM((U,), jnp.int32),
        pltpu.VMEM((CAP,), jnp.int32),
        pltpu.VMEM((CAP,), jnp.int32),
        pltpu.VMEM((CAP // KB, KB), jnp.int32),
        pltpu.VMEM((2, KB, D), jnp.float32),
        pltpu.VMEM((KB, D), jnp.float32),
        pltpu.VMEM((QROWS_C // NS,), jnp.int32),
        pltpu.VMEM_SHARED((SROWS_C, D), jnp.float32),
        pltpu.VMEM_SHARED((SROWS_C, D), jnp.float32),
        pltpu.SemaphoreType.DMA,
        pltpu.SemaphoreType.DMA,
        pltpu.SemaphoreType.DMA,
    ],
)


def _head_body(sb_ref, dg_ref, xu_ref, wr_ref, wself_ref, benc_ref, wfc_ref,
               bfc_ref, wdir_ref, bdir_ref, wcont_ref, bcont_ref,
               logits_ref, mu_ref, logvar_ref):
  f32 = jnp.float32
  hi = jax.lax.Precision.HIGHEST
  scale = 1.0 / jnp.maximum(dg_ref[:, 0:1], 1.0)
  sn = sb_ref[...] * scale
  contrib = jnp.zeros((U, D), f32)
  for r in range(R):
    contrib = contrib + jnp.dot(sn[r * U:(r + 1) * U], wr_ref[r],
                                preferred_element_type=f32, precision=hi)
  node = contrib + jnp.dot(xu_ref[...], wself_ref[...],
                           preferred_element_type=f32, precision=hi)
  node = jnp.maximum(node + benc_ref[...], 0.0)
  hin = jnp.concatenate([node[:B], node[B:]], axis=1)
  h = jnp.tanh(jnp.dot(hin, wfc_ref[...], preferred_element_type=f32,
                       precision=hi) + bfc_ref[...])
  logits_ref[...] = jnp.dot(h, wdir_ref[...], preferred_element_type=f32,
                            precision=hi) + bdir_ref[...]
  cont = jnp.dot(h, wcont_ref[...], preferred_element_type=f32,
                 precision=hi) + bcont_ref[...]
  mu_ref[...] = cont[:, 0:1]
  logvar_ref[...] = cont[:, 1:2]


_head = pl.pallas_call(
    _head_body,
    out_shape=(
        jax.ShapeDtypeStruct((B, R), jnp.float32),
        jax.ShapeDtypeStruct((B, 1), jnp.float32),
        jax.ShapeDtypeStruct((B, 1), jnp.float32),
    ),
)


def kernel(x, Wr, W_self, b_enc, W_fc, b_fc, W_dir, b_dir, W_cont, b_cont,
           edge_index, edge_type, nest_tensor, food_tensor):
  src = edge_index[0].astype(jnp.int32)
  dst = edge_index[1].astype(jnp.int32)
  typ = edge_type.astype(jnp.int32)
  sb, dg, xu = _sc_gather_scatter(src, dst, typ,
                                  nest_tensor.astype(jnp.int32),
                                  food_tensor.astype(jnp.int32), x)
  logits, mu, logvar = _head(
      sb, dg, xu, Wr, W_self, b_enc.reshape(1, D), W_fc, b_fc.reshape(1, -1),
      W_dir, b_dir.reshape(1, -1), W_cont, b_cont.reshape(1, -1))
  return logits, mu, logvar

# --- scband reference (transcript-rebuilt; emitter-appended) ---
"""Pipeline reference for scband-bee-sender-80272938762305 (READ-ONLY COPY).

The authoritative reference and input builder live on the scoring server;
editing this copy changes nothing except your own understanding.
"""

import jax, jax.numpy as jnp
import numpy as np

N = 10000
E = 320000
D = 128      # n_features
EMB = 128    # embedding_dim
H = 256      # hidden_dim
R = 4        # n_relations
B = 1024     # number of (nest, food) pairs


def setup_inputs(seed: int = 0) -> dict:
    key = jax.random.key(seed)
    ks = jax.random.split(key, 16)
    x = jax.random.normal(ks[0], (N, D), jnp.float32)
    edge_index = jax.random.randint(ks[1], (2, E), 0, N)
    edge_type = jax.random.randint(ks[2], (E,), 0, R)
    nest = jax.random.randint(ks[3], (B,), 0, N)
    food = jax.random.randint(ks[4], (B,), 0, N)
    # RGCN encoder params: per-relation weights + self-loop weight + bias
    Wr = jax.random.normal(ks[5], (R, D, EMB), jnp.float32) * (1.0 / np.sqrt(D))
    W_self = jax.random.normal(ks[6], (D, EMB), jnp.float32) * (1.0 / np.sqrt(D))
    b_enc = jnp.zeros((EMB,), jnp.float32)
    # fc: Linear(2*EMB -> H)
    W_fc = jax.random.normal(ks[7], (2 * EMB, H), jnp.float32) * (1.0 / np.sqrt(2 * EMB))
    b_fc = jnp.zeros((H,), jnp.float32)
    # direction_head: Linear(H -> R)
    W_dir = jax.random.normal(ks[8], (H, R), jnp.float32) * (1.0 / np.sqrt(H))
    b_dir = jnp.zeros((R,), jnp.float32)
    # continuous_head: Linear(H -> 2)
    W_cont = jax.random.normal(ks[9], (H, 2), jnp.float32) * (1.0 / np.sqrt(H))
    b_cont = jnp.zeros((2,), jnp.float32)
    return {
        "x": x, "Wr": Wr, "W_self": W_self, "b_enc": b_enc,
        "W_fc": W_fc, "b_fc": b_fc, "W_dir": W_dir, "b_dir": b_dir,
        "W_cont": W_cont, "b_cont": b_cont,
        "edge_index": edge_index, "edge_type": edge_type,
        "nest_tensor": nest, "food_tensor": food,
    }


def reference(x, Wr, W_self, b_enc, W_fc, b_fc, W_dir, b_dir, W_cont, b_cont,
              edge_index, edge_type, nest_tensor, food_tensor):
    src = edge_index[0]
    dst = edge_index[1]
    # RGCN layer: per-relation transform, gather by (relation, src), normalize by
    # per-(node, relation) in-degree c_{i,r}, scatter-add to dst, add self-loop.
    xr = jnp.einsum('nd,rdo->rno', x, Wr)              # [R, N, EMB]
    msg = xr[edge_type, src]                           # [E, EMB] gather
    comb = dst * R + edge_type                         # [E]
    deg = jax.ops.segment_sum(jnp.ones((E,), x.dtype), comb, num_segments=N * R)
    norm = 1.0 / jnp.maximum(deg[comb], 1.0)           # [E]
    agg = jax.ops.segment_sum(msg * norm[:, None], dst, num_segments=N)  # [N, EMB]
    node = jax.nn.relu(agg + x @ W_self + b_enc)       # [N, EMB]
    # head
    h_in = jnp.concatenate([node[nest_tensor], node[food_tensor]], axis=-1)  # [B, 2*EMB]
    h = jnp.tanh(h_in @ W_fc + b_fc)                   # [B, H]
    logits = h @ W_dir + b_dir                         # [B, R]
    cont = h @ W_cont + b_cont                         # [B, 2]
    mu = cont[:, :1]
    logvar = cont[:, 1:]
    return logits, mu, logvar

if __name__ == "__main__":
    import jax
    _d = setup_inputs()
    print(jax.jit(kernel)(*tuple(_d.values())))

</pallas_src>

<mosaic_0001>
#map = affine_map<(d0, d1) -> (0)>
#map1 = affine_map<(d0, d1) -> (0, 0)>
module attributes {stable_mosaic.version = 14 : i64} {
  func.func @_sc_body(%arg0: i32, %arg1: i32, %arg2: memref<320000xi32, #tpu.memory_space<hbm>>, %arg3: memref<320000xi32, #tpu.memory_space<hbm>>, %arg4: memref<320000xi32, #tpu.memory_space<hbm>>, %arg5: memref<1024xi32, #tpu.memory_space<hbm>>, %arg6: memref<1024xi32, #tpu.memory_space<hbm>>, %arg7: memref<10000x128xf32, #tpu.memory_space<hbm>>, %arg8: memref<8192x128xf32, #tpu.memory_space<hbm>>, %arg9: memref<8192x128xf32, #tpu.memory_space<hbm>>, %arg10: memref<2048x128xf32, #tpu.memory_space<hbm>>, %arg11: memref<2000xi32, #tpu.memory_space<vmem>>, %arg12: memref<2000xi32, #tpu.memory_space<vmem>>, %arg13: memref<2000xi32, #tpu.memory_space<vmem>>, %arg14: memref<10240xi32, #tpu.memory_space<vmem>>, %arg15: memref<2048xi32, #tpu.memory_space<vmem>>, %arg16: memref<4096xi32, #tpu.memory_space<vmem>>, %arg17: memref<4096xi32, #tpu.memory_space<vmem>>, %arg18: memref<64x64xi32, #tpu.memory_space<vmem>>, %arg19: memref<2x64x128xf32, #tpu.memory_space<vmem>>, %arg20: memref<64x128xf32, #tpu.memory_space<vmem>>, %arg21: memref<256xi32, #tpu.memory_space<vmem>>, %arg22: memref<4224x128xf32, #tpu.memory_space<vmem_shared>>, %arg23: memref<4224x128xf32, #tpu.memory_space<vmem_shared>>, %arg24: memref<!tpu.dma_semaphore, #tpu.memory_space<semaphore_mem>>, %arg25: memref<!tpu.dma_semaphore, #tpu.memory_space<semaphore_mem>>, %arg26: memref<!tpu.dma_semaphore, #tpu.memory_space<semaphore_mem>>) attributes {dimension_semantics = [#tpu.dimension_semantics<core_parallel>, #tpu.dimension_semantics<subcore_parallel>], iteration_bounds = array<i64: 2, 16>, scalar_prefetch = 0 : i64, scratch_operands = 16 : i64, tpu.core_type = #tpu.core_type<sc_vector_subcore>, window_params = [{transform_indices = #map}, {transform_indices = #map}, {transform_indices = #map}, {transform_indices = #map}, {transform_indices = #map}, {transform_indices = #map1}, {transform_indices = #map1}, {transform_indices = #map1}, {transform_indices = #map1}]} {
    %mul3A = arith.constant 2 : i32
    %mul3A_0 = arith.muli %arg1, %mul3A : i32
    %add3A = arith.addi %mul3A_0, %arg0 : i32
    %iota3A = tpu.iota {dimensions = array<i32: 0>} : vector<16xi32>
    "tpu.region"() ({
      %run_scoped3A_927 = tpu.sem_alloc : memref<!tpu.dma_semaphore, #tpu.memory_space<semaphore_mem>>
      %dma_start3A_928 = arith.constant 0 : i32
      %dma_start3A_929 = tpu.memref_slice %arg15[%dma_start3A_928] : memref<2048xi32, #tpu.memory_space<vmem>> -> memref<1024xi32, #tpu.memory_space<vmem>>
      %dma_start3A_930 = arith.constant 0 : i32
      %dma_start3A_931 = tpu.memref_slice %arg15[%dma_start3A_930] : memref<2048xi32, #tpu.memory_space<vmem>> -> memref<1024xi32, #tpu.memory_space<vmem>>
      tpu.enqueue_dma source(%arg5 : memref<1024xi32, #tpu.memory_space<hbm>>) target(%dma_start3A_931 : memref<1024xi32, #tpu.memory_space<vmem>>) target_semaphore(%run_scoped3A_927 : memref<!tpu.dma_semaphore, #tpu.memory_space<semaphore_mem>>)
      %dma_wait3A_932 = arith.constant 0 : i32
      %dma_wait3A_933 = tpu.memref_slice %arg15[%dma_wait3A_932] : memref<2048xi32, #tpu.memory_space<vmem>> -> memref<1024xi32, #tpu.memory_space<vmem>>
      %dma_wait3A_934 = arith.constant 0 : i32
      %dma_wait3A_935 = tpu.memref_slice %arg15[%dma_wait3A_934] : memref<2048xi32, #tpu.memory_space<vmem>> -> memref<1024xi32, #tpu.memory_space<vmem>>
      tpu.wait_dma2 semaphore(%run_scoped3A_927 : memref<!tpu.dma_semaphore, #tpu.memory_space<semaphore_mem>>) src(%arg5 : memref<1024xi32, #tpu.memory_space<hbm>>) dst(%dma_wait3A_935 : memref<1024xi32, #tpu.memory_space<vmem>>)
      tpu.yield
    }) : () -> ()
    "tpu.region"() ({
      %run_scoped3A_927 = tpu.sem_alloc : memref<!tpu.dma_semaphore, #tpu.memory_space<semaphore_mem>>
      %dma_start3A_928 = arith.constant 1024 : i32
      %dma_start3A_929 = tpu.memref_slice %arg15[%dma_start3A_928] : memref<2048xi32, #tpu.memory_space<vmem>> -> memref<1024xi32, #tpu.memory_space<vmem>>
      %dma_start3A_930 = arith.constant 1024 : i32
      %dma_start3A_931 = tpu.memref_slice %arg15[%dma_start3A_930] : memref<2048xi32, #tpu.memory_space<vmem>> -> memref<1024xi32, #tpu.memory_space<vmem>>
      tpu.enqueue_dma source(%arg6 : memref<1024xi32, #tpu.memory_space<hbm>>) target(%dma_start3A_931 : memref<1024xi32, #tpu.memory_space<vmem>>) target_semaphore(%run_scoped3A_927 : memref<!tpu.dma_semaphore, #tpu.memory_space<semaphore_mem>>)
      %dma_wait3A_932 = arith.constant 1024 : i32
      %dma_wait3A_933 = tpu.memref_slice %arg15[%dma_wait3A_932] : memref<2048xi32, #tpu.memory_space<vmem>> -> memref<1024xi32, #tpu.memory_space<vmem>>
      %dma_wait3A_934 = arith.constant 1024 : i32
      %dma_wait3A_935 = tpu.memref_slice %arg15[%dma_wait3A_934] : memref<2048xi32, #tpu.memory_space<vmem>> -> memref<1024xi32, #tpu.memory_space<vmem>>
      tpu.wait_dma2 semaphore(%run_scoped3A_927 : memref<!tpu.dma_semaphore, #tpu.memory_space<semaphore_mem>>) src(%arg6 : memref<1024xi32, #tpu.memory_space<hbm>>) dst(%dma_wait3A_935 : memref<1024xi32, #tpu.memory_space<vmem>>)
      tpu.yield
    }) : () -> ()
    %scan3A = arith.constant 0 : i32
    %scan3A_1 = arith.constant 0 : i32
    %scan3A_2 = arith.constant 64 : i32
    %scan3A_3 = arith.addi %scan3A_1, %scan3A_2 : i32
    %scan3A_4 = arith.constant 1 : i32
    scf.for %scan3A_927 = %scan3A_1 to %scan3A_3 step %scan3A_4  : i32 {
      %broadcast_in_dim3A = arith.constant 0.000000e+00 : f32
      %broadcast_in_dim3A_928 = vector.broadcast %broadcast_in_dim3A : f32 to vector<16xf32>
      %swap3A = arith.constant 0 : i32
      %swap3A_929 = arith.index_cast %swap3A : i32 to index
      %swap3A_930 = arith.index_cast %scan3A_927 : i32 to index
      %swap3A_931 = arith.constant 0 : index
      %swap3A_932 = tpu.vector_load %arg19[%swap3A_929, %swap3A_930, %swap3A_931] {strides = array<i32>} : memref<2x64x128xf32, #tpu.memory_space<vmem>>, vector<16xf32>,
      tpu.vector_store %arg19[%swap3A_929, %swap3A_930, %swap3A_931], %broadcast_in_dim3A_928 {strides = array<i32>} : memref<2x64x128xf32, #tpu.memory_space<vmem>>, vector<16xf32>,
      %broadcast_in_dim3A_933 = arith.constant 1.000000e+00 : f32
      %broadcast_in_dim3A_934 = vector.broadcast %broadcast_in_dim3A_933 : f32 to vector<16xf32>
      %swap3A_935 = arith.index_cast %scan3A_927 : i32 to index
      %swap3A_936 = arith.constant 0 : index
      %swap3A_937 = tpu.vector_load %arg20[%swap3A_935, %swap3A_936] {strides = array<i32>} : memref<64x128xf32, #tpu.memory_space<vmem>>, vector<16xf32>,
      tpu.vector_store %arg20[%swap3A_935, %swap3A_936], %broadcast_in_dim3A_934 {strides = array<i32>} : memref<64x128xf32, #tpu.memory_space<vmem>>, vector<16xf32>,
      %broadcast_in_dim3A_938 = arith.constant 0.000000e+00 : f32
      %broadcast_in_dim3A_939 = vector.broadcast %broadcast_in_dim3A_938 : f32 to vector<16xf32>
      %swap3A_940 = arith.constant 0 : i32
      %swap3A_941 = arith.index_cast %swap3A_940 : i32 to index
      %swap3A_942 = arith.index_cast %scan3A_927 : i32 to index
      %swap3A_943 = arith.constant 16 : index
      %swap3A_944 = tpu.vector_load %arg19[%swap3A_941, %swap3A_942, %swap3A_943] {strides = array<i32>} : memref<2x64x128xf32, #tpu.memory_space<vmem>>, vector<16xf32>,
      tpu.vector_store %arg19[%swap3A_941, %swap3A_942, %swap3A_943], %broadcast_in_dim3A_939 {strides = array<i32>} : memref<2x64x128xf32, #tpu.memory_space<vmem>>, vector<16xf32>,
      %broadcast_in_dim3A_945 = arith.constant 1.000000e+00 : f32
      %broadcast_in_dim3A_946 = vector.broadcast %broadcast_in_dim3A_945 : f32 to vector<16xf32>
      %swap3A_947 = arith.index_cast %scan3A_927 : i32 to index
      %swap3A_948 = arith.constant 16 : index
      %swap3A_949 = tpu.vector_load %arg20[%swap3A_947, %swap3A_948] {strides = array<i32>} : memref<64x128xf32, #tpu.memory_space<vmem>>, vector<16xf32>,
      tpu.vector_store %arg20[%swap3A_947, %swap3A_948], %broadcast_in_dim3A_946 {strides = array<i32>} : memref<64x128xf32, #tpu.memory_space<vmem>>, vector<16xf32>,
      %broadcast_in_dim3A_950 = arith.constant 0.000000e+00 : f32
      %broadcast_in_dim3A_951 = vector.broadcast %broadcast_in_dim3A_950 : f32 to vector<16xf32>
      %swap3A_952 = arith.constant 0 : i32
      %swap3A_953 = arith.index_cast %swap3A_952 : i32 to index
      %swap3A_954 = arith.index_cast %scan3A_927 : i32 to index
      %swap3A_955 = arith.constant 32 : index
      %swap3A_956 = tpu.vector_load %arg19[%swap3A_953, %swap3A_954, %swap3A_955] {strides = array<i32>} : memref<2x64x128xf32, #tpu.memory_space<vmem>>, vector<16xf32>,
      tpu.vector_store %arg19[%swap3A_953, %swap3A_954, %swap3A_955], %broadcast_in_dim3A_951 {strides = array<i32>} : memref<2x64x128xf32, #tpu.memory_space<vmem>>, vector<16xf32>,
      %broadcast_in_dim3A_957 = arith.constant 1.000000e+00 : f32
      %broadcast_in_dim3A_958 = vector.broadcast %broadcast_in_dim3A_957 : f32 to vector<16xf32>
      %swap3A_959 = arith.index_cast %scan3A_927 : i32 to index
      %swap3A_960 = arith.constant 32 : index
      %swap3A_961 = tpu.vector_load %arg20[%swap3A_959, %swap3A_960] {strides = array<i32>} : memref<64x128xf32, #tpu.memory_space<vmem>>, vector<16xf32>,
      tpu.vector_store %arg20[%swap3A_959, %swap3A_960], %broadcast_in_dim3A_958 {strides = array<i32>} : memref<64x128xf32, #tpu.memory_space<vmem>>, vector<16xf32>,
      %broadcast_in_dim3A_962 = arith.constant 0.000000e+00 : f32
      %broadcast_in_dim3A_963 = vector.broadcast %broadcast_in_dim3A_962 : f32 to vector<16xf32>
      %swap3A_964 = arith.constant 0 : i32
      %swap3A_965 = arith.index_cast %swap3A_964 : i32 to index
      %swap3A_966 = arith.index_cast %scan3A_927 : i32 to index
      %swap3A_967 = arith.constant 48 : index
      %swap3A_968 = tpu.vector_load %arg19[%swap3A_965, %swap3A_966, %swap3A_967] {strides = array<i32>} : memref<2x64x128xf32, #tpu.memory_space<vmem>>, vector<16xf32>,
      tpu.vector_store %arg19[%swap3A_965, %swap3A_966, %swap3A_967], %broadcast_in_dim3A_963 {strides = array<i32>} : memref<2x64x128xf32, #tpu.memory_space<vmem>>, vector<16xf32>,
      %broadcast_in_dim3A_969 = arith.constant 1.000000e+00 : f32
      %broadcast_in_dim3A_970 = vector.broadcast %broadcast_in_dim3A_969 : f32 to vector<16xf32>
      %swap3A_971 = arith.index_cast %scan3A_927 : i32 to index
      %swap3A_972 = arith.constant 48 : index
      %swap3A_973 = tpu.vector_load %arg20[%swap3A_971, %swap3A_972] {strides = array<i32>} : memref<64x128xf32, #tpu.memory_space<vmem>>, vector<16xf32>,
      tpu.vector_store %arg20[%swap3A_971, %swap3A_972], %broadcast_in_dim3A_970 {strides = array<i32>} : memref<64x128xf32, #tpu.memory_space<vmem>>, vector<16xf32>,
      %broadcast_in_dim3A_974 = arith.constant 0.000000e+00 : f32
      %broadcast_in_dim3A_975 = vector.broadcast %broadcast_in_dim3A_974 : f32 to vector<16xf32>
      %swap3A_976 = arith.constant 0 : i32
      %swap3A_977 = arith.index_cast %swap3A_976 : i32 to index
      %swap3A_978 = arith.index_cast %scan3A_927 : i32 to index
      %swap3A_979 = arith.constant 64 : index
      %swap3A_980 = tpu.vector_load %arg19[%swap3A_977, %swap3A_978, %swap3A_979] {strides = array<i32>} : memref<2x64x128xf32, #tpu.memory_space<vmem>>, vector<16xf32>,
      tpu.vector_store %arg19[%swap3A_977, %swap3A_978, %swap3A_979], %broadcast_in_dim3A_975 {strides = array<i32>} : memref<2x64x128xf32, #tpu.memory_space<vmem>>, vector<16xf32>,
      %broadcast_in_dim3A_981 = arith.constant 1.000000e+00 : f32
      %broadcast_in_dim3A_982 = vector.broadcast %broadcast_in_dim3A_981 : f32 to vector<16xf32>
      %swap3A_983 = arith.index_cast %scan3A_927 : i32 to index
      %swap3A_984 = arith.constant 64 : index
      %swap3A_985 = tpu.vector_load %arg20[%swap3A_983, %swap3A_984] {strides = array<i32>} : memref<64x128xf32, #tpu.memory_space<vmem>>, vector<16xf32>,
      tpu.vector_store %arg20[%swap3A_983, %swap3A_984], %broadcast_in_dim3A_982 {strides = array<i32>} : memref<64x128xf32, #tpu.memory_space<vmem>>, vector<16xf32>,
      %broadcast_in_dim3A_986 = arith.constant 0.000000e+00 : f32
      %broadcast_in_dim3A_987 = vector.broadcast %broadcast_in_dim3A_986 : f32 to vector<16xf32>
      %swap3A_988 = arith.constant 0 : i32
      %swap3A_989 = arith.index_cast %swap3A_988 : i32 to index
      %swap3A_990 = arith.index_cast %scan3A_927 : i32 to index
      %swap3A_991 = arith.constant 80 : index
      %swap3A_992 = tpu.vector_load %arg19[%swap3A_989, %swap3A_990, %swap3A_991] {strides = array<i32>} : memref<2x64x128xf32, #tpu.memory_space<vmem>>, vector<16xf32>,
      tpu.vector_store %arg19[%swap3A_989, %swap3A_990, %swap3A_991], %broadcast_in_dim3A_987 {strides = array<i32>} : memref<2x64x128xf32, #tpu.memory_space<vmem>>, vector<16xf32>,
      %broadcast_in_dim3A_993 = arith.constant 1.000000e+00 : f32
      %broadcast_in_dim3A_994 = vector.broadcast %broadcast_in_dim3A_993 : f32 to vector<16xf32>
      %swap3A_995 = arith.index_cast %scan3A_927 : i32 to index
      %swap3A_996 = arith.constant 80 : index
      %swap3A_997 = tpu.vector_load %arg20[%swap3A_995, %swap3A_996] {strides = array<i32>} : memref<64x128xf32, #tpu.memory_space<vmem>>, vector<16xf32>,
      tpu.vector_store %arg20[%swap3A_995, %swap3A_996], %broadcast_in_dim3A_994 {strides = array<i32>} : memref<64x128xf32, #tpu.memory_space<vmem>>, vector<16xf32>,
      %broadcast_in_dim3A_998 = arith.constant 0.000000e+00 : f32
      %broadcast_in_dim3A_999 = vector.broadcast %broadcast_in_dim3A_998 : f32 to vector<16xf32>
      %swap3A_1000 = arith.constant 0 : i32
      %swap3A_1001 = arith.index_cast %swap3A_1000 : i32 to index
      %swap3A_1002 = arith.index_cast %scan3A_927 : i32 to index
      %swap3A_1003 = arith.constant 96 : index
      %swap3A_1004 = tpu.vector_load %arg19[%swap3A_1001, %swap3A_1002, %swap3A_1003] {strides = array<i32>} : memref<2x64x128xf32, #tpu.memory_space<vmem>>, vector<16xf32>,
      tpu.vector_store %arg19[%swap3A_1001, %swap3A_1002, %swap3A_1003], %broadcast_in_dim3A_999 {strides = array<i32>} : memref<2x64x128xf32, #tpu.memory_space<vmem>>, vector<16xf32>,
      %broadcast_in_dim3A_1005 = arith.constant 1.000000e+00 : f32
      %broadcast_in_dim3A_1006 = vector.broadcast %broadcast_in_dim3A_1005 : f32 to vector<16xf32>
      %swap3A_1007 = arith.index_cast %scan3A_927 : i32 to index
      %swap3A_1008 = arith.constant 96 : index
      %swap3A_1009 = tpu.vector_load %arg20[%swap3A_1007, %swap3A_1008] {strides = array<i32>} : memref<64x128xf32, #tpu.memory_space<vmem>>, vector<16xf32>,
      tpu.vector_store %arg20[%swap3A_1007, %swap3A_1008], %broadcast_in_dim3A_1006 {strides = array<i32>} : memref<64x128xf32, #tpu.memory_space<vmem>>, vector<16xf32>,
      %broadcast_in_dim3A_1010 = arith.constant 0.000000e+00 : f32
      %broadcast_in_dim3A_1011 = vector.broadcast %broadcast_in_dim3A_1010 : f32 to vector<16xf32>
      %swap3A_1012 = arith.constant 0 : i32
      %swap3A_1013 = arith.index_cast %swap3A_1012 : i32 to index
      %swap3A_1014 = arith.index_cast %scan3A_927 : i32 to index
      %swap3A_1015 = arith.constant 112 : index
      %swap3A_1016 = tpu.vector_load %arg19[%swap3A_1013, %swap3A_1014, %swap3A_1015] {strides = array<i32>} : memref<2x64x128xf32, #tpu.memory_space<vmem>>, vector<16xf32>,
      tpu.vector_store %arg19[%swap3A_1013, %swap3A_1014, %swap3A_1015], %broadcast_in_dim3A_1011 {strides = array<i32>} : memref<2x64x128xf32, #tpu.memory_space<vmem>>, vector<16xf32>,
      %broadcast_in_dim3A_1017 = arith.constant 1.000000e+00 : f32
      %broadcast_in_dim3A_1018 = vector.broadcast %broadcast_in_dim3A_1017 : f32 to vector<16xf32>
      %swap3A_1019 = arith.index_cast %scan3A_927 : i32 to index
      %swap3A_1020 = arith.constant 112 : index
      %swap3A_1021 = tpu.vector_load %arg20[%swap3A_1019, %swap3A_1020] {strides = array<i32>} : memref<64x128xf32, #tpu.memory_space<vmem>>, vector<16xf32>,
      tpu.vector_store %arg20[%swap3A_1019, %swap3A_1020], %broadcast_in_dim3A_1018 {strides = array<i32>} : memref<64x128xf32, #tpu.memory_space<vmem>>, vector<16xf32>,
    }
    %scan3A_5 = arith.constant 64 : i32
    %mul3A_6 = arith.constant 264 : i32
    %mul3A_7 = arith.muli %arg1, %mul3A_6 : i32
    %add3A_8 = arith.constant 0 : i32
    %add3A_9 = arith.addi %mul3A_7, %add3A_8 : i32
    %dma_start3A = arith.constant 0 : i32
    %dma_start3A_10 = arith.constant 0 : i32
    %dma_start3A_11 = arith.constant 0 : i32
    %dma_start3A_12 = tpu.memref_slice %arg19[%dma_start3A, %dma_start3A_10, %dma_start3A_11] : memref<2x64x128xf32, #tpu.memory_space<vmem>> -> memref<1x64x128xf32, #tpu.memory_space<vmem>>
    %dma_start3A_13 = tpu.memref_squeeze %dma_start3A_12 : memref<1x64x128xf32, #tpu.memory_space<vmem>> -> memref<64x128xf32, #tpu.memory_space<vmem>>
    %dma_start3A_14 = arith.constant 0 : i32
    %dma_start3A_15 = arith.constant 0 : i32
    %dma_start3A_16 = tpu.memref_slice %dma_start3A_13[%dma_start3A_14, %dma_start3A_15] : memref<64x128xf32, #tpu.memory_space<vmem>> -> memref<64x128xf32, #tpu.memory_space<vmem>>
    %dma_start3A_17 = arith.constant 0 : i32
    %dma_start3A_18 = tpu.memref_slice %arg22[%add3A_9, %dma_start3A_17] : memref<4224x128xf32, #tpu.memory_space<vmem_shared>> -> memref<64x128xf32, #tpu.memory_space<vmem_shared>>
    %dma_start3A_19 = arith.constant 0 : i32
    %dma_start3A_20 = tpu.memref_slice %arg22[%add3A_9, %dma_start3A_19] : memref<4224x128xf32, #tpu.memory_space<vmem_shared>> -> memref<64x128xf32, #tpu.memory_space<vmem_shared>>
    %dma_start3A_21 = arith.constant 0 : i32
    %dma_start3A_22 = arith.constant 0 : i32
    %dma_start3A_23 = tpu.memref_slice %arg19[%dma_start3A, %dma_start3A_21, %dma_start3A_22] : memref<2x64x128xf32, #tpu.memory_space<vmem>> -> memref<1x64x128xf32, #tpu.memory_space<vmem>>
    %dma_start3A_24 = tpu.memref_squeeze %dma_start3A_23 : memref<1x64x128xf32, #tpu.memory_space<vmem>> -> memref<64x128xf32, #tpu.memory_space<vmem>>
    %dma_start3A_25 = arith.constant 0 : i32
    %dma_start3A_26 = arith.constant 0 : i32
    %dma_start3A_27 = tpu.memref_slice %dma_start3A_24[%dma_start3A_25, %dma_start3A_26] : memref<64x128xf32, #tpu.memory_space<vmem>> -> memref<64x128xf32, #tpu.memory_space<vmem>>
    tpu.enqueue_dma source(%dma_start3A_27 : memref<64x128xf32, #tpu.memory_space<vmem>>) target(%dma_start3A_20 : memref<64x128xf32, #tpu.memory_space<vmem_shared>>) target_semaphore(%arg25 : memref<!tpu.dma_semaphore, #tpu.memory_space<semaphore_mem>>)
    %add3A_28 = arith.constant 0 : i32
    %add3A_29 = arith.addi %mul3A_7, %add3A_28 : i32
    %dma_start3A_30 = arith.constant 0 : i32
    %dma_start3A_31 = arith.constant 0 : i32
    %dma_start3A_32 = arith.constant 0 : i32
    %dma_start3A_33 = tpu.memref_slice %arg19[%dma_start3A_30, %dma_start3A_31, %dma_start3A_32] : memref<2x64x128xf32, #tpu.memory_space<vmem>> -> memref<1x64x128xf32, #tpu.memory_space<vmem>>
    %dma_start3A_34 = tpu.memref_squeeze %dma_start3A_33 : memref<1x64x128xf32, #tpu.memory_space<vmem>> -> memref<64x128xf32, #tpu.memory_space<vmem>>
    %dma_start3A_35 = arith.constant 0 : i32
    %dma_start3A_36 = arith.constant 0 : i32
    %dma_start3A_37 = tpu.memref_slice %dma_start3A_34[%dma_start3A_35, %dma_start3A_36] : memref<64x128xf32, #tpu.memory_space<vmem>> -> memref<64x128xf32, #tpu.memory_space<vmem>>
    %dma_start3A_38 = arith.constant 0 : i32
    %dma_start3A_39 = tpu.memref_slice %arg23[%add3A_29, %dma_start3A_38] : memref<4224x128xf32, #tpu.memory_space<vmem_shared>> -> memref<64x128xf32, #tpu.memory_space<vmem_shared>>
    %dma_start3A_40 = arith.constant 0 : i32
    %dma_start3A_41 = tpu.memref_slice %arg23[%add3A_29, %dma_start3A_40] : memref<4224x128xf32, #tpu.memory_space<vmem_shared>> -> memref<64x128xf32, #tpu.memory_space<vmem_shared>>
    %dma_start3A_42 = arith.constant 0 : i32
    %dma_start3A_43 = arith.constant 0 : i32
    %dma_start3A_44 = tpu.memref_slice %arg19[%dma_start3A_30, %dma_start3A_42, %dma_start3A_43] : memref<2x64x128xf32, #tpu.memory_space<vmem>> -> memref<1x64x128xf32, #tpu.memory_space<vmem>>
    %dma_start3A_45 = tpu.memref_squeeze %dma_start3A_44 : memref<1x64x128xf32, #tpu.memory_space<vmem>> -> memref<64x128xf32, #tpu.memory_space<vmem>>
    %dma_start3A_46 = arith.constant 0 : i32
    %dma_start3A_47 = arith.constant 0 : i32
    %dma_start3A_48 = tpu.memref_slice %dma_start3A_45[%dma_start3A_46, %dma_start3A_47] : memref<64x128xf32, #tpu.memory_space<vmem>> -> memref<64x128xf32, #tpu.memory_space<vmem>>
    tpu.enqueue_dma source(%dma_start3A_48 : memref<64x128xf32, #tpu.memory_space<vmem>>) target(%dma_start3A_41 : memref<64x128xf32, #tpu.memory_space<vmem_shared>>) target_semaphore(%arg26 : memref<!tpu.dma_semaphore, #tpu.memory_space<semaphore_mem>>)
    %add3A_49 = arith.constant 64 : i32
    %add3A_50 = arith.addi %mul3A_7, %add3A_49 : i32
    %dma_start3A_51 = arith.constant 0 : i32
    %dma_start3A_52 = arith.constant 0 : i32
    %dma_start3A_53 = arith.constant 0 : i32
    %dma_start3A_54 = tpu.memref_slice %arg19[%dma_start3A_51, %dma_start3A_52, %dma_start3A_53] : memref<2x64x128xf32, #tpu.memory_space<vmem>> -> memref<1x64x128xf32, #tpu.memory_space<vmem>>
    %dma_start3A_55 = tpu.memref_squeeze %dma_start3A_54 : memref<1x64x128xf32, #tpu.memory_space<vmem>> -> memref<64x128xf32, #tpu.memory_space<vmem>>
    %dma_start3A_56 = arith.constant 0 : i32
    %dma_start3A_57 = arith.constant 0 : i32
    %dma_start3A_58 = tpu.memref_slice %dma_start3A_55[%dma_start3A_56, %dma_start3A_57] : memref<64x128xf32, #tpu.memory_space<vmem>> -> memref<64x128xf32, #tpu.memory_space<vmem>>
    %dma_start3A_59 = arith.constant 0 : i32
    %dma_start3A_60 = tpu.memref_slice %arg22[%add3A_50, %dma_start3A_59] : memref<4224x128xf32, #tpu.memory_space<vmem_shared>> -> memref<64x128xf32, #tpu.memory_space<vmem_shared>>
    %dma_start3A_61 = arith.constant 0 : i32
    %dma_start3A_62 = tpu.memref_slice %arg22[%add3A_50, %dma_start3A_61] : memref<4224x128xf32, #tpu.memory_space<vmem_shared>> -> memref<64x128xf32, #tpu.memory_space<vmem_shared>>
    %dma_start3A_63 = arith.constant 0 : i32
    %dma_start3A_64 = arith.constant 0 : i32
    %dma_start3A_65 = tpu.memref_slice %arg19[%dma_start3A_51, %dma_start3A_63, %dma_start3A_64] : memref<2x64x128xf32, #tpu.memory_space<vmem>> -> memref<1x64x128xf32, #tpu.memory_space<vmem>>
    %dma_start3A_66 = tpu.memref_squeeze %dma_start3A_65 : memref<1x64x128xf32, #tpu.memory_space<vmem>> -> memref<64x128xf32, #tpu.memory_space<vmem>>
    %dma_start3A_67 = arith.constant 0 : i32
    %dma_start3A_68 = arith.constant 0 : i32
    %dma_start3A_69 = tpu.memref_slice %dma_start3A_66[%dma_start3A_67, %dma_start3A_68] : memref<64x128xf32, #tpu.memory_space<vmem>> -> memref<64x128xf32, #tpu.memory_space<vmem>>
    tpu.enqueue_dma source(%dma_start3A_69 : memref<64x128xf32, #tpu.memory_space<vmem>>) target(%dma_start3A_62 : memref<64x128xf32, #tpu.memory_space<vmem_shared>>) target_semaphore(%arg25 : memref<!tpu.dma_semaphore, #tpu.memory_space<semaphore_mem>>)
    %add3A_70 = arith.constant 64 : i32
    %add3A_71 = arith.addi %mul3A_7, %add3A_70 : i32
    %dma_start3A_72 = arith.constant 0 : i32
    %dma_start3A_73 = arith.constant 0 : i32
    %dma_start3A_74 = arith.constant 0 : i32
    %dma_start3A_75 = tpu.memref_slice %arg19[%dma_start3A_72, %dma_start3A_73, %dma_start3A_74] : memref<2x64x128xf32, #tpu.memory_space<vmem>> -> memref<1x64x128xf32, #tpu.memory_space<vmem>>
    %dma_start3A_76 = tpu.memref_squeeze %dma_start3A_75 : memref<1x64x128xf32, #tpu.memory_space<vmem>> -> memref<64x128xf32, #tpu.memory_space<vmem>>
    %dma_start3A_77 = arith.constant 0 : i32
    %dma_start3A_78 = arith.constant 0 : i32
    %dma_start3A_79 = tpu.memref_slice %dma_start3A_76[%dma_start3A_77, %dma_start3A_78] : memref<64x128xf32, #tpu.memory_space<vmem>> -> memref<64x128xf32, #tpu.memory_space<vmem>>
    %dma_start3A_80 = arith.constant 0 : i32
    %dma_start3A_81 = tpu.memref_slice %arg23[%add3A_71, %dma_start3A_80] : memref<4224x128xf32, #tpu.memory_space<vmem_shared>> -> memref<64x128xf32, #tpu.memory_space<vmem_shared>>
    %dma_start3A_82 = arith.constant 0 : i32
    %dma_start3A_83 = tpu.memref_slice %arg23[%add3A_71, %dma_start3A_82] : memref<4224x128xf32, #tpu.memory_space<vmem_shared>> -> memref<64x128xf32, #tpu.memory_space<vmem_shared>>
    %dma_start3A_84 = arith.constant 0 : i32
    %dma_start3A_85 = arith.constant 0 : i32
    %dma_start3A_86 = tpu.memref_slice %arg19[%dma_start3A_72, %dma_start3A_84, %dma_start3A_85] : memref<2x64x128xf32, #tpu.memory_space<vmem>> -> memref<1x64x128xf32, #tpu.memory_space<vmem>>
    %dma_start3A_87 = tpu.memref_squeeze %dma_start3A_86 : memref<1x64x128xf32, #tpu.memory_space<vmem>> -> memref<64x128xf32, #tpu.memory_space<vmem>>
    %dma_start3A_88 = arith.constant 0 : i32
    %dma_start3A_89 = arith.constant 0 : i32
    %dma_start3A_90 = tpu.memref_slice %dma_start3A_87[%dma_start3A_88, %dma_start3A_89] : memref<64x128xf32, #tpu.memory_space<vmem>> -> memref<64x128xf32, #tpu.memory_space<vmem>>
    tpu.enqueue_dma source(%dma_start3A_90 : memref<64x128xf32, #tpu.memory_space<vmem>>) target(%dma_start3A_83 : memref<64x128xf32, #tpu.memory_space<vmem_shared>>) target_semaphore(%arg26 : memref<!tpu.dma_semaphore, #tpu.memory_space<semaphore_mem>>)
    %add3A_91 = arith.constant 128 : i32
    %add3A_92 = arith.addi %mul3A_7, %add3A_91 : i32
    %dma_start3A_93 = arith.constant 0 : i32
    %dma_start3A_94 = arith.constant 0 : i32
    %dma_start3A_95 = arith.constant 0 : i32
    %dma_start3A_96 = tpu.memref_slice %arg19[%dma_start3A_93, %dma_start3A_94, %dma_start3A_95] : memref<2x64x128xf32, #tpu.memory_space<vmem>> -> memref<1x64x128xf32, #tpu.memory_space<vmem>>
    %dma_start3A_97 = tpu.memref_squeeze %dma_start3A_96 : memref<1x64x128xf32, #tpu.memory_space<vmem>> -> memref<64x128xf32, #tpu.memory_space<vmem>>
    %dma_start3A_98 = arith.constant 0 : i32
    %dma_start3A_99 = arith.constant 0 : i32
    %dma_start3A_100 = tpu.memref_slice %dma_start3A_97[%dma_start3A_98, %dma_start3A_99] : memref<64x128xf32, #tpu.memory_space<vmem>> -> memref<64x128xf32, #tpu.memory_space<vmem>>
    %dma_start3A_101 = arith.constant 0 : i32
    %dma_start3A_102 = tpu.memref_slice %arg22[%add3A_92, %dma_start3A_101] : memref<4224x128xf32, #tpu.memory_space<vmem_shared>> -> memref<64x128xf32, #tpu.memory_space<vmem_shared>>
    %dma_start3A_103 = arith.constant 0 : i32
    %dma_start3A_104 = tpu.memref_slice %arg22[%add3A_92, %dma_start3A_103] : memref<4224x128xf32, #tpu.memory_space<vmem_shared>> -> memref<64x128xf32, #tpu.memory_space<vmem_shared>>
    %dma_start3A_105 = arith.constant 0 : i32
    %dma_start3A_106 = arith.constant 0 : i32
    %dma_start3A_107 = tpu.memref_slice %arg19[%dma_start3A_93, %dma_start3A_105, %dma_start3A_106] : memref<2x64x128xf32, #tpu.memory_space<vmem>> -> memref<1x64x128xf32, #tpu.memory_space<vmem>>
    %dma_start3A_108 = tpu.memref_squeeze %dma_start3A_107 : memref<1x64x128xf32, #tpu.memory_space<vmem>> -> memref<64x128xf32, #tpu.memory_space<vmem>>
    %dma_start3A_109 = arith.constant 0 : i32
    %dma_start3A_110 = arith.constant 0 : i32
    %dma_start3A_111 = tpu.memref_slice %dma_start3A_108[%dma_start3A_109, %dma_start3A_110] : memref<64x128xf32, #tpu.memory_space<vmem>> -> memref<64x128xf32, #tpu.memory_space<vmem>>
    tpu.enqueue_dma source(%dma_start3A_111 : memref<64x128xf32, #tpu.memory_space<vmem>>) target(%dma_start3A_104 : memref<64x128xf32, #tpu.memory_space<vmem_shared>>) target_semaphore(%arg25 : memref<!tpu.dma_semaphore, #tpu.memory_space<semaphore_mem>>)
    %add3A_112 = arith.constant 128 : i32
    %add3A_113 = arith.addi %mul3A_7, %add3A_112 : i32
    %dma_start3A_114 = arith.constant 0 : i32
    %dma_start3A_115 = arith.constant 0 : i32
    %dma_start3A_116 = arith.constant 0 : i32
    %dma_start3A_117 = tpu.memref_slice %arg19[%dma_start3A_114, %dma_start3A_115, %dma_start3A_116] : memref<2x64x128xf32, #tpu.memory_space<vmem>> -> memref<1x64x128xf32, #tpu.memory_space<vmem>>
    %dma_start3A_118 = tpu.memref_squeeze %dma_start3A_117 : memref<1x64x128xf32, #tpu.memory_space<vmem>> -> memref<64x128xf32, #tpu.memory_space<vmem>>
    %dma_start3A_119 = arith.constant 0 : i32
    %dma_start3A_120 = arith.constant 0 : i32
    %dma_start3A_121 = tpu.memref_slice %dma_start3A_118[%dma_start3A_119, %dma_start3A_120] : memref<64x128xf32, #tpu.memory_space<vmem>> -> memref<64x128xf32, #tpu.memory_space<vmem>>
    %dma_start3A_122 = arith.constant 0 : i32
    %dma_start3A_123 = tpu.memref_slice %arg23[%add3A_113, %dma_start3A_122] : memref<4224x128xf32, #tpu.memory_space<vmem_shared>> -> memref<64x128xf32, #tpu.memory_space<vmem_shared>>
    %dma_start3A_124 = arith.constant 0 : i32
    %dma_start3A_125 = tpu.memref_slice %arg23[%add3A_113, %dma_start3A_124] : memref<4224x128xf32, #tpu.memory_space<vmem_shared>> -> memref<64x128xf32, #tpu.memory_space<vmem_shared>>
    %dma_start3A_126 = arith.constant 0 : i32
    %dma_start3A_127 = arith.constant 0 : i32
    %dma_start3A_128 = tpu.memref_slice %arg19[%dma_start3A_114, %dma_start3A_126, %dma_start3A_127] : memref<2x64x128xf32, #tpu.memory_space<vmem>> -> memref<1x64x128xf32, #tpu.memory_space<vmem>>
    %dma_start3A_129 = tpu.memref_squeeze %dma_start3A_128 : memref<1x64x128xf32, #tpu.memory_space<vmem>> -> memref<64x128xf32, #tpu.memory_space<vmem>>
    %dma_start3A_130 = arith.constant 0 : i32
    %dma_start3A_131 = arith.constant 0 : i32
    %dma_start3A_132 = tpu.memref_slice %dma_start3A_129[%dma_start3A_130, %dma_start3A_131] : memref<64x128xf32, #tpu.memory_space<vmem>> -> memref<64x128xf32, #tpu.memory_space<vmem>>
    tpu.enqueue_dma source(%dma_start3A_132 : memref<64x128xf32, #tpu.memory_space<vmem>>) target(%dma_start3A_125 : memref<64x128xf32, #tpu.memory_space<vmem_shared>>) target_semaphore(%arg26 : memref<!tpu.dma_semaphore, #tpu.memory_space<semaphore_mem>>)
    %add3A_133 = arith.constant 192 : i32
    %add3A_134 = arith.addi %mul3A_7, %add3A_133 : i32
    %dma_start3A_135 = arith.constant 0 : i32
    %dma_start3A_136 = arith.constant 0 : i32
    %dma_start3A_137 = arith.constant 0 : i32
    %dma_start3A_138 = tpu.memref_slice %arg19[%dma_start3A_135, %dma_start3A_136, %dma_start3A_137] : memref<2x64x128xf32, #tpu.memory_space<vmem>> -> memref<1x64x128xf32, #tpu.memory_space<vmem>>
    %dma_start3A_139 = tpu.memref_squeeze %dma_start3A_138 : memref<1x64x128xf32, #tpu.memory_space<vmem>> -> memref<64x128xf32, #tpu.memory_space<vmem>>
    %dma_start3A_140 = arith.constant 0 : i32
    %dma_start3A_141 = arith.constant 0 : i32
    %dma_start3A_142 = tpu.memref_slice %dma_start3A_139[%dma_start3A_140, %dma_start3A_141] : memref<64x128xf32, #tpu.memory_space<vmem>> -> memref<64x128xf32, #tpu.memory_space<vmem>>
    %dma_start3A_143 = arith.constant 0 : i32
    %dma_start3A_144 = tpu.memref_slice %arg22[%add3A_134, %dma_start3A_143] : memref<4224x128xf32, #tpu.memory_space<vmem_shared>> -> memref<64x128xf32, #tpu.memory_space<vmem_shared>>
    %dma_start3A_145 = arith.constant 0 : i32
    %dma_start3A_146 = tpu.memref_slice %arg22[%add3A_134, %dma_start3A_145] : memref<4224x128xf32, #tpu.memory_space<vmem_shared>> -> memref<64x128xf32, #tpu.memory_space<vmem_shared>>
    %dma_start3A_147 = arith.constant 0 : i32
    %dma_start3A_148 = arith.constant 0 : i32
    %dma_start3A_149 = tpu.memref_slice %arg19[%dma_start3A_135, %dma_start3A_147, %dma_start3A_148] : memref<2x64x128xf32, #tpu.memory_space<vmem>> -> memref<1x64x128xf32, #tpu.memory_space<vmem>>
    %dma_start3A_150 = tpu.memref_squeeze %dma_start3A_149 : memref<1x64x128xf32, #tpu.memory_space<vmem>> -> memref<64x128xf32, #tpu.memory_space<vmem>>
    %dma_start3A_151 = arith.constant 0 : i32
    %dma_start3A_152 = arith.constant 0 : i32
    %dma_start3A_153 = tpu.memref_slice %dma_start3A_150[%dma_start3A_151, %dma_start3A_152] : memref<64x128xf32, #tpu.memory_space<vmem>> -> memref<64x128xf32, #tpu.memory_space<vmem>>
    tpu.enqueue_dma source(%dma_start3A_153 : memref<64x128xf32, #tpu.memory_space<vmem>>) target(%dma_start3A_146 : memref<64x128xf32, #tpu.memory_space<vmem_shared>>) target_semaphore(%arg25 : memref<!tpu.dma_semaphore, #tpu.memory_space<semaphore_mem>>)
    %add3A_154 = arith.constant 192 : i32
    %add3A_155 = arith.addi %mul3A_7, %add3A_154 : i32
    %dma_start3A_156 = arith.constant 0 : i32
    %dma_start3A_157 = arith.constant 0 : i32
    %dma_start3A_158 = arith.constant 0 : i32
    %dma_start3A_159 = tpu.memref_slice %arg19[%dma_start3A_156, %dma_start3A_157, %dma_start3A_158] : memref<2x64x128xf32, #tpu.memory_space<vmem>> -> memref<1x64x128xf32, #tpu.memory_space<vmem>>
    %dma_start3A_160 = tpu.memref_squeeze %dma_start3A_159 : memref<1x64x128xf32, #tpu.memory_space<vmem>> -> memref<64x128xf32, #tpu.memory_space<vmem>>
    %dma_start3A_161 = arith.constant 0 : i32
    %dma_start3A_162 = arith.constant 0 : i32
    %dma_start3A_163 = tpu.memref_slice %dma_start3A_160[%dma_start3A_161, %dma_start3A_162] : memref<64x128xf32, #tpu.memory_space<vmem>> -> memref<64x128xf32, #tpu.memory_space<vmem>>
    %dma_start3A_164 = arith.constant 0 : i32
    %dma_start3A_165 = tpu.memref_slice %arg23[%add3A_155, %dma_start3A_164] : memref<4224x128xf32, #tpu.memory_space<vmem_shared>> -> memref<64x128xf32, #tpu.memory_space<vmem_shared>>
    %dma_start3A_166 = arith.constant 0 : i32
    %dma_start3A_167 = tpu.memref_slice %arg23[%add3A_155, %dma_start3A_166] : memref<4224x128xf32, #tpu.memory_space<vmem_shared>> -> memref<64x128xf32, #tpu.memory_space<vmem_shared>>
    %dma_start3A_168 = arith.constant 0 : i32
    %dma_start3A_169 = arith.constant 0 : i32
    %dma_start3A_170 = tpu.memref_slice %arg19[%dma_start3A_156, %dma_start3A_168, %dma_start3A_169] : memref<2x64x128xf32, #tpu.memory_space<vmem>> -> memref<1x64x128xf32, #tpu.memory_space<vmem>>
    %dma_start3A_171 = tpu.memref_squeeze %dma_start3A_170 : memref<1x64x128xf32, #tpu.memory_space<vmem>> -> memref<64x128xf32, #tpu.memory_space<vmem>>
    %dma_start3A_172 = arith.constant 0 : i32
    %dma_start3A_173 = arith.constant 0 : i32
    %dma_start3A_174 = tpu.memref_slice %dma_start3A_171[%dma_start3A_172, %dma_start3A_173] : memref<64x128xf32, #tpu.memory_space<vmem>> -> memref<64x128xf32, #tpu.memory_space<vmem>>
    tpu.enqueue_dma source(%dma_start3A_174 : memref<64x128xf32, #tpu.memory_space<vmem>>) target(%dma_start3A_167 : memref<64x128xf32, #tpu.memory_space<vmem_shared>>) target_semaphore(%arg26 : memref<!tpu.dma_semaphore, #tpu.memory_space<semaphore_mem>>)
    %add3A_175 = arith.constant 256 : i32
    %add3A_176 = arith.addi %mul3A_7, %add3A_175 : i32
    %dma_start3A_177 = arith.constant 0 : i32
    %dma_start3A_178 = arith.constant 0 : i32
    %dma_start3A_179 = arith.constant 0 : i32
    %dma_start3A_180 = tpu.memref_slice %arg19[%dma_start3A_177, %dma_start3A_178, %dma_start3A_179] : memref<2x64x128xf32, #tpu.memory_space<vmem>> -> memref<1x64x128xf32, #tpu.memory_space<vmem>>
    %dma_start3A_181 = tpu.memref_squeeze %dma_start3A_180 : memref<1x64x128xf32, #tpu.memory_space<vmem>> -> memref<64x128xf32, #tpu.memory_space<vmem>>
    %dma_start3A_182 = arith.constant 0 : i32
    %dma_start3A_183 = arith.constant 0 : i32
    %dma_start3A_184 = tpu.memref_slice %dma_start3A_181[%dma_start3A_182, %dma_start3A_183] : memref<64x128xf32, #tpu.memory_space<vmem>> -> memref<8x128xf32, #tpu.memory_space<vmem>>
    %dma_start3A_185 = arith.constant 0 : i32
    %dma_start3A_186 = tpu.memref_slice %arg22[%add3A_176, %dma_start3A_185] : memref<4224x128xf32, #tpu.memory_space<vmem_shared>> -> memref<8x128xf32, #tpu.memory_space<vmem_shared>>
    %dma_start3A_187 = arith.constant 0 : i32
    %dma_start3A_188 = tpu.memref_slice %arg22[%add3A_176, %dma_start3A_187] : memref<4224x128xf32, #tpu.memory_space<vmem_shared>> -> memref<8x128xf32, #tpu.memory_space<vmem_shared>>
    %dma_start3A_189 = arith.constant 0 : i32
    %dma_start3A_190 = arith.constant 0 : i32
    %dma_start3A_191 = tpu.memref_slice %arg19[%dma_start3A_177, %dma_start3A_189, %dma_start3A_190] : memref<2x64x128xf32, #tpu.memory_space<vmem>> -> memref<1x64x128xf32, #tpu.memory_space<vmem>>
    %dma_start3A_192 = tpu.memref_squeeze %dma_start3A_191 : memref<1x64x128xf32, #tpu.memory_space<vmem>> -> memref<64x128xf32, #tpu.memory_space<vmem>>
    %dma_start3A_193 = arith.constant 0 : i32
    %dma_start3A_194 = arith.constant 0 : i32
    %dma_start3A_195 = tpu.memref_slice %dma_start3A_192[%dma_start3A_193, %dma_start3A_194] : memref<64x128xf32, #tpu.memory_space<vmem>> -> memref<8x128xf32, #tpu.memory_space<vmem>>
    tpu.enqueue_dma source(%dma_start3A_195 : memref<8x128xf32, #tpu.memory_space<vmem>>) target(%dma_start3A_188 : memref<8x128xf32, #tpu.memory_space<vmem_shared>>) target_semaphore(%arg25 : memref<!tpu.dma_semaphore, #tpu.memory_space<semaphore_mem>>)
    %add3A_196 = arith.constant 256 : i32
    %add3A_197 = arith.addi %mul3A_7, %add3A_196 : i32
    %dma_start3A_198 = arith.constant 0 : i32
    %dma_start3A_199 = arith.constant 0 : i32
    %dma_start3A_200 = arith.constant 0 : i32
    %dma_start3A_201 = tpu.memref_slice %arg19[%dma_start3A_198, %dma_start3A_199, %dma_start3A_200] : memref<2x64x128xf32, #tpu.memory_space<vmem>> -> memref<1x64x128xf32, #tpu.memory_space<vmem>>
    %dma_start3A_202 = tpu.memref_squeeze %dma_start3A_201 : memref<1x64x128xf32, #tpu.memory_space<vmem>> -> memref<64x128xf32, #tpu.memory_space<vmem>>
    %dma_start3A_203 = arith.constant 0 : i32
    %dma_start3A_204 = arith.constant 0 : i32
    %dma_start3A_205 = tpu.memref_slice %dma_start3A_202[%dma_start3A_203, %dma_start3A_204] : memref<64x128xf32, #tpu.memory_space<vmem>> -> memref<8x128xf32, #tpu.memory_space<vmem>>
    %dma_start3A_206 = arith.constant 0 : i32
    %dma_start3A_207 = tpu.memref_slice %arg23[%add3A_197, %dma_start3A_206] : memref<4224x128xf32, #tpu.memory_space<vmem_shared>> -> memref<8x128xf32, #tpu.memory_space<vmem_shared>>
    %dma_start3A_208 = arith.constant 0 : i32
    %dma_start3A_209 = tpu.memref_slice %arg23[%add3A_197, %dma_start3A_208] : memref<4224x128xf32, #tpu.memory_space<vmem_shared>> -> memref<8x128xf32, #tpu.memory_space<vmem_shared>>
    %dma_start3A_210 = arith.constant 0 : i32
    %dma_start3A_211 = arith.constant 0 : i32
    %dma_start3A_212 = tpu.memref_slice %arg19[%dma_start3A_198, %dma_start3A_210, %dma_start3A_211] : memref<2x64x128xf32, #tpu.memory_space<vmem>> -> memref<1x64x128xf32, #tpu.memory_space<vmem>>
    %dma_start3A_213 = tpu.memref_squeeze %dma_start3A_212 : memref<1x64x128xf32, #tpu.memory_space<vmem>> -> memref<64x128xf32, #tpu.memory_space<vmem>>
    %dma_start3A_214 = arith.constant 0 : i32
    %dma_start3A_215 = arith.constant 0 : i32
    %dma_start3A_216 = tpu.memref_slice %dma_start3A_213[%dma_start3A_214, %dma_start3A_215] : memref<64x128xf32, #tpu.memory_space<vmem>> -> memref<8x128xf32, #tpu.memory_space<vmem>>
    tpu.enqueue_dma source(%dma_start3A_216 : memref<8x128xf32, #tpu.memory_space<vmem>>) target(%dma_start3A_209 : memref<8x128xf32, #tpu.memory_space<vmem_shared>>) target_semaphore(%arg26 : memref<!tpu.dma_semaphore, #tpu.memory_space<semaphore_mem>>)
    %scan3A_217 = arith.constant 0 : i32
    %scan3A_218 = arith.constant 0 : i32
    %scan3A_219 = arith.constant 640 : i32
    %scan3A_220 = arith.addi %scan3A_218, %scan3A_219 : i32
    %scan3A_221 = arith.constant 1 : i32
    scf.for %scan3A_927 = %scan3A_218 to %scan3A_220 step %scan3A_221  : i32 {
      %broadcast_in_dim3A = arith.constant -1 : i32
      %broadcast_in_dim3A_928 = vector.broadcast %broadcast_in_dim3A : i32 to vector<16xi32>
      %mul3A_929 = arith.constant 16 : i32
      %mul3A_930 = arith.muli %scan3A_927, %mul3A_929 : i32
      %swap3A = arith.index_cast %mul3A_930 : i32 to index
      %swap3A_931 = tpu.vector_load %arg14[%swap3A] {strides = array<i32>} : memref<10240xi32, #tpu.memory_space<vmem>>, vector<16xi32>,
      tpu.vector_store %arg14[%swap3A], %broadcast_in_dim3A_928 {strides = array<i32>} : memref<10240xi32, #tpu.memory_space<vmem>>, vector<16xi32>,
    }
    %scan3A_222 = arith.constant 640 : i32
    %scan3A_223 = arith.constant 0 : i32
    %scan3A_224 = arith.constant 0 : i32
    %scan3A_225 = arith.constant 128 : i32
    %scan3A_226 = arith.addi %scan3A_224, %scan3A_225 : i32
    %scan3A_227 = arith.constant 1 : i32
    scf.for %scan3A_927 = %scan3A_224 to %scan3A_226 step %scan3A_227  : i32 {
      %mul3A_928 = arith.constant 16 : i32
      %mul3A_929 = arith.muli %scan3A_927, %mul3A_928 : i32
      %get3A = arith.index_cast %mul3A_929 : i32 to index
      %get3A_930 = tpu.vector_load %arg15[%get3A] {strides = array<i32>} : memref<2048xi32, #tpu.memory_space<vmem>>, vector<16xi32>,
      %mul3A_931 = arith.constant 16 : i32
      %mul3A_932 = arith.muli %scan3A_927, %mul3A_931 : i32
      %add3A_933 = vector.broadcast %mul3A_932 : i32 to vector<16xi32>
      %add3A_934 = arith.addi %add3A_933, %iota3A : vector<16xi32>
      tpu.vector_store_idx %arg14[%get3A_930], %add3A_934 : memref<10240xi32, #tpu.memory_space<vmem>>[vector<16xi32>], vector<16xi32>,
    }
    %scan3A_228 = arith.constant 128 : i32
    %dma_wait3A = arith.constant 0 : i32
    %dma_wait3A_229 = arith.constant 0 : i32
    %dma_wait3A_230 = arith.constant 0 : i32
    %dma_wait3A_231 = tpu.memref_slice %arg19[%dma_wait3A, %dma_wait3A_229, %dma_wait3A_230] : memref<2x64x128xf32, #tpu.memory_space<vmem>> -> memref<1x64x128xf32, #tpu.memory_space<vmem>>
    %dma_wait3A_232 = tpu.memref_squeeze %dma_wait3A_231 : memref<1x64x128xf32, #tpu.memory_space<vmem>> -> memref<64x128xf32, #tpu.memory_space<vmem>>
    %dma_wait3A_233 = arith.constant 0 : i32
    %dma_wait3A_234 = arith.constant 0 : i32
    %dma_wait3A_235 = tpu.memref_slice %dma_wait3A_232[%dma_wait3A_233, %dma_wait3A_234] : memref<64x128xf32, #tpu.memory_space<vmem>> -> memref<64x128xf32, #tpu.memory_space<vmem>>
    %dma_wait3A_236 = arith.constant 0 : i32
    %dma_wait3A_237 = tpu.memref_slice %arg22[%add3A_9, %dma_wait3A_236] : memref<4224x128xf32, #tpu.memory_space<vmem_shared>> -> memref<64x128xf32, #tpu.memory_space<vmem_shared>>
    %dma_wait3A_238 = arith.constant 0 : i32
    %dma_wait3A_239 = tpu.memref_slice %arg22[%add3A_9, %dma_wait3A_238] : memref<4224x128xf32, #tpu.memory_space<vmem_shared>> -> memref<64x128xf32, #tpu.memory_space<vmem_shared>>
    %dma_wait3A_240 = arith.constant 0 : i32
    %dma_wait3A_241 = arith.constant 0 : i32
    %dma_wait3A_242 = tpu.memref_slice %arg19[%dma_wait3A, %dma_wait3A_240, %dma_wait3A_241] : memref<2x64x128xf32, #tpu.memory_space<vmem>> -> memref<1x64x128xf32, #tpu.memory_space<vmem>>
    %dma_wait3A_243 = tpu.memref_squeeze %dma_wait3A_242 : memref<1x64x128xf32, #tpu.memory_space<vmem>> -> memref<64x128xf32, #tpu.memory_space<vmem>>
    %dma_wait3A_244 = arith.constant 0 : i32
    %dma_wait3A_245 = arith.constant 0 : i32
    %dma_wait3A_246 = tpu.memref_slice %dma_wait3A_243[%dma_wait3A_244, %dma_wait3A_245] : memref<64x128xf32, #tpu.memory_space<vmem>> -> memref<64x128xf32, #tpu.memory_space<vmem>>
    tpu.wait_dma2 semaphore(%arg25 : memref<!tpu.dma_semaphore, #tpu.memory_space<semaphore_mem>>) src(%dma_wait3A_246 : memref<64x128xf32, #tpu.memory_space<vmem>>) dst(%dma_wait3A_239 : memref<64x128xf32, #tpu.memory_space<vmem_shared>>)
    %dma_wait3A_247 = arith.constant 0 : i32
    %dma_wait3A_248 = arith.constant 0 : i32
    %dma_wait3A_249 = arith.constant 0 : i32
    %dma_wait3A_250 = tpu.memref_slice %arg19[%dma_wait3A_247, %dma_wait3A_248, %dma_wait3A_249] : memref<2x64x128xf32, #tpu.memory_space<vmem>> -> memref<1x64x128xf32, #tpu.memory_space<vmem>>
    %dma_wait3A_251 = tpu.memref_squeeze %dma_wait3A_250 : memref<1x64x128xf32, #tpu.memory_space<vmem>> -> memref<64x128xf32, #tpu.memory_space<vmem>>
    %dma_wait3A_252 = arith.constant 0 : i32
    %dma_wait3A_253 = arith.constant 0 : i32
    %dma_wait3A_254 = tpu.memref_slice %dma_wait3A_251[%dma_wait3A_252, %dma_wait3A_253] : memref<64x128xf32, #tpu.memory_space<vmem>> -> memref<64x128xf32, #tpu.memory_space<vmem>>
    %dma_wait3A_255 = arith.constant 0 : i32
    %dma_wait3A_256 = tpu.memref_slice %arg23[%add3A_29, %dma_wait3A_255] : memref<4224x128xf32, #tpu.memory_space<vmem_shared>> -> memref<64x128xf32, #tpu.memory_space<vmem_shared>>
    %dma_wait3A_257 = arith.constant 0 : i32
    %dma_wait3A_258 = tpu.memref_slice %arg23[%add3A_29, %dma_wait3A_257] : memref<4224x128xf32, #tpu.memory_space<vmem_shared>> -> memref<64x128xf32, #tpu.memory_space<vmem_shared>>
    %dma_wait3A_259 = arith.constant 0 : i32
    %dma_wait3A_260 = arith.constant 0 : i32
    %dma_wait3A_261 = tpu.memref_slice %arg19[%dma_wait3A_247, %dma_wait3A_259, %dma_wait3A_260] : memref<2x64x128xf32, #tpu.memory_space<vmem>> -> memref<1x64x128xf32, #tpu.memory_space<vmem>>
    %dma_wait3A_262 = tpu.memref_squeeze %dma_wait3A_261 : memref<1x64x128xf32, #tpu.memory_space<vmem>> -> memref<64x128xf32, #tpu.memory_space<vmem>>
    %dma_wait3A_263 = arith.constant 0 : i32
    %dma_wait3A_264 = arith.constant 0 : i32
    %dma_wait3A_265 = tpu.memref_slice %dma_wait3A_262[%dma_wait3A_263, %dma_wait3A_264] : memref<64x128xf32, #tpu.memory_space<vmem>> -> memref<64x128xf32, #tpu.memory_space<vmem>>
    tpu.wait_dma2 semaphore(%arg26 : memref<!tpu.dma_semaphore, #tpu.memory_space<semaphore_mem>>) src(%dma_wait3A_265 : memref<64x128xf32, #tpu.memory_space<vmem>>) dst(%dma_wait3A_258 : memref<64x128xf32, #tpu.memory_space<vmem_shared>>)
    %dma_wait3A_266 = arith.constant 0 : i32
    %dma_wait3A_267 = arith.constant 0 : i32
    %dma_wait3A_268 = arith.constant 0 : i32
    %dma_wait3A_269 = tpu.memref_slice %arg19[%dma_wait3A_266, %dma_wait3A_267, %dma_wait3A_268] : memref<2x64x128xf32, #tpu.memory_space<vmem>> -> memref<1x64x128xf32, #tpu.memory_space<vmem>>
    %dma_wait3A_270 = tpu.memref_squeeze %dma_wait3A_269 : memref<1x64x128xf32, #tpu.memory_space<vmem>> -> memref<64x128xf32, #tpu.memory_space<vmem>>
    %dma_wait3A_271 = arith.constant 0 : i32
    %dma_wait3A_272 = arith.constant 0 : i32
    %dma_wait3A_273 = tpu.memref_slice %dma_wait3A_270[%dma_wait3A_271, %dma_wait3A_272] : memref<64x128xf32, #tpu.memory_space<vmem>> -> memref<64x128xf32, #tpu.memory_space<vmem>>
    %dma_wait3A_274 = arith.constant 0 : i32
    %dma_wait3A_275 = tpu.memref_slice %arg22[%add3A_50, %dma_wait3A_274] : memref<4224x128xf32, #tpu.memory_space<vmem_shared>> -> memref<64x128xf32, #tpu.memory_space<vmem_shared>>
    %dma_wait3A_276 = arith.constant 0 : i32
    %dma_wait3A_277 = tpu.memref_slice %arg22[%add3A_50, %dma_wait3A_276] : memref<4224x128xf32, #tpu.memory_space<vmem_shared>> -> memref<64x128xf32, #tpu.memory_space<vmem_shared>>
    %dma_wait3A_278 = arith.constant 0 : i32
    %dma_wait3A_279 = arith.constant 0 : i32
    %dma_wait3A_280 = tpu.memref_slice %arg19[%dma_wait3A_266, %dma_wait3A_278, %dma_wait3A_279] : memref<2x64x128xf32, #tpu.memory_space<vmem>> -> memref<1x64x128xf32, #tpu.memory_space<vmem>>
    %dma_wait3A_281 = tpu.memref_squeeze %dma_wait3A_280 : memref<1x64x128xf32, #tpu.memory_space<vmem>> -> memref<64x128xf32, #tpu.memory_space<vmem>>
    %dma_wait3A_282 = arith.constant 0 : i32
    %dma_wait3A_283 = arith.constant 0 : i32
    %dma_wait3A_284 = tpu.memref_slice %dma_wait3A_281[%dma_wait3A_282, %dma_wait3A_283] : memref<64x128xf32, #tpu.memory_space<vmem>> -> memref<64x128xf32, #tpu.memory_space<vmem>>
    tpu.wait_dma2 semaphore(%arg25 : memref<!tpu.dma_semaphore, #tpu.memory_space<semaphore_mem>>) src(%dma_wait3A_284 : memref<64x128xf32, #tpu.memory_space<vmem>>) dst(%dma_wait3A_277 : memref<64x128xf32, #tpu.memory_space<vmem_shared>>)
    %dma_wait3A_285 = arith.constant 0 : i32
    %dma_wait3A_286 = arith.constant 0 : i32
    %dma_wait3A_287 = arith.constant 0 : i32
    %dma_wait3A_288 = tpu.memref_slice %arg19[%dma_wait3A_285, %dma_wait3A_286, %dma_wait3A_287] : memref<2x64x128xf32, #tpu.memory_space<vmem>> -> memref<1x64x128xf32, #tpu.memory_space<vmem>>
    %dma_wait3A_289 = tpu.memref_squeeze %dma_wait3A_288 : memref<1x64x128xf32, #tpu.memory_space<vmem>> -> memref<64x128xf32, #tpu.memory_space<vmem>>
    %dma_wait3A_290 = arith.constant 0 : i32
    %dma_wait3A_291 = arith.constant 0 : i32
    %dma_wait3A_292 = tpu.memref_slice %dma_wait3A_289[%dma_wait3A_290, %dma_wait3A_291] : memref<64x128xf32, #tpu.memory_space<vmem>> -> memref<64x128xf32, #tpu.memory_space<vmem>>
    %dma_wait3A_293 = arith.constant 0 : i32
    %dma_wait3A_294 = tpu.memref_slice %arg23[%add3A_71, %dma_wait3A_293] : memref<4224x128xf32, #tpu.memory_space<vmem_shared>> -> memref<64x128xf32, #tpu.memory_space<vmem_shared>>
    %dma_wait3A_295 = arith.constant 0 : i32
    %dma_wait3A_296 = tpu.memref_slice %arg23[%add3A_71, %dma_wait3A_295] : memref<4224x128xf32, #tpu.memory_space<vmem_shared>> -> memref<64x128xf32, #tpu.memory_space<vmem_shared>>
    %dma_wait3A_297 = arith.constant 0 : i32
    %dma_wait3A_298 = arith.constant 0 : i32
    %dma_wait3A_299 = tpu.memref_slice %arg19[%dma_wait3A_285, %dma_wait3A_297, %dma_wait3A_298] : memref<2x64x128xf32, #tpu.memory_space<vmem>> -> memref<1x64x128xf32, #tpu.memory_space<vmem>>
    %dma_wait3A_300 = tpu.memref_squeeze %dma_wait3A_299 : memref<1x64x128xf32, #tpu.memory_space<vmem>> -> memref<64x128xf32, #tpu.memory_space<vmem>>
    %dma_wait3A_301 = arith.constant 0 : i32
    %dma_wait3A_302 = arith.constant 0 : i32
    %dma_wait3A_303 = tpu.memref_slice %dma_wait3A_300[%dma_wait3A_301, %dma_wait3A_302] : memref<64x128xf32, #tpu.memory_space<vmem>> -> memref<64x128xf32, #tpu.memory_space<vmem>>
    tpu.wait_dma2 semaphore(%arg26 : memref<!tpu.dma_semaphore, #tpu.memory_space<semaphore_mem>>) src(%dma_wait3A_303 : memref<64x128xf32, #tpu.memory_space<vmem>>) dst(%dma_wait3A_296 : memref<64x128xf32, #tpu.memory_space<vmem_shared>>)
    %dma_wait3A_304 = arith.constant 0 : i32
    %dma_wait3A_305 = arith.constant 0 : i32
    %dma_wait3A_306 = arith.constant 0 : i32
    %dma_wait3A_307 = tpu.memref_slice %arg19[%dma_wait3A_304, %dma_wait3A_305, %dma_wait3A_306] : memref<2x64x128xf32, #tpu.memory_space<vmem>> -> memref<1x64x128xf32, #tpu.memory_space<vmem>>
    %dma_wait3A_308 = tpu.memref_squeeze %dma_wait3A_307 : memref<1x64x128xf32, #tpu.memory_space<vmem>> -> memref<64x128xf32, #tpu.memory_space<vmem>>
    %dma_wait3A_309 = arith.constant 0 : i32
    %dma_wait3A_310 = arith.constant 0 : i32
    %dma_wait3A_311 = tpu.memref_slice %dma_wait3A_308[%dma_wait3A_309, %dma_wait3A_310] : memref<64x128xf32, #tpu.memory_space<vmem>> -> memref<64x128xf32, #tpu.memory_space<vmem>>
    %dma_wait3A_312 = arith.constant 0 : i32
    %dma_wait3A_313 = tpu.memref_slice %arg22[%add3A_92, %dma_wait3A_312] : memref<4224x128xf32, #tpu.memory_space<vmem_shared>> -> memref<64x128xf32, #tpu.memory_space<vmem_shared>>
    %dma_wait3A_314 = arith.constant 0 : i32
    %dma_wait3A_315 = tpu.memref_slice %arg22[%add3A_92, %dma_wait3A_314] : memref<4224x128xf32, #tpu.memory_space<vmem_shared>> -> memref<64x128xf32, #tpu.memory_space<vmem_shared>>
    %dma_wait3A_316 = arith.constant 0 : i32
    %dma_wait3A_317 = arith.constant 0 : i32
    %dma_wait3A_318 = tpu.memref_slice %arg19[%dma_wait3A_304, %dma_wait3A_316, %dma_wait3A_317] : memref<2x64x128xf32, #tpu.memory_space<vmem>> -> memref<1x64x128xf32, #tpu.memory_space<vmem>>
    %dma_wait3A_319 = tpu.memref_squeeze %dma_wait3A_318 : memref<1x64x128xf32, #tpu.memory_space<vmem>> -> memref<64x128xf32, #tpu.memory_space<vmem>>
    %dma_wait3A_320 = arith.constant 0 : i32
    %dma_wait3A_321 = arith.constant 0 : i32
    %dma_wait3A_322 = tpu.memref_slice %dma_wait3A_319[%dma_wait3A_320, %dma_wait3A_321] : memref<64x128xf32, #tpu.memory_space<vmem>> -> memref<64x128xf32, #tpu.memory_space<vmem>>
    tpu.wait_dma2 semaphore(%arg25 : memref<!tpu.dma_semaphore, #tpu.memory_space<semaphore_mem>>) src(%dma_wait3A_322 : memref<64x128xf32, #tpu.memory_space<vmem>>) dst(%dma_wait3A_315 : memref<64x128xf32, #tpu.memory_space<vmem_shared>>)
    %dma_wait3A_323 = arith.constant 0 : i32
    %dma_wait3A_324 = arith.constant 0 : i32
    %dma_wait3A_325 = arith.constant 0 : i32
    %dma_wait3A_326 = tpu.memref_slice %arg19[%dma_wait3A_323, %dma_wait3A_324, %dma_wait3A_325] : memref<2x64x128xf32, #tpu.memory_space<vmem>> -> memref<1x64x128xf32, #tpu.memory_space<vmem>>
    %dma_wait3A_327 = tpu.memref_squeeze %dma_wait3A_326 : memref<1x64x128xf32, #tpu.memory_space<vmem>> -> memref<64x128xf32, #tpu.memory_space<vmem>>
    %dma_wait3A_328 = arith.constant 0 : i32
    %dma_wait3A_329 = arith.constant 0 : i32
    %dma_wait3A_330 = tpu.memref_slice %dma_wait3A_327[%dma_wait3A_328, %dma_wait3A_329] : memref<64x128xf32, #tpu.memory_space<vmem>> -> memref<64x128xf32, #tpu.memory_space<vmem>>
    %dma_wait3A_331 = arith.constant 0 : i32
    %dma_wait3A_332 = tpu.memref_slice %arg23[%add3A_113, %dma_wait3A_331] : memref<4224x128xf32, #tpu.memory_space<vmem_shared>> -> memref<64x128xf32, #tpu.memory_space<vmem_shared>>
    %dma_wait3A_333 = arith.constant 0 : i32
    %dma_wait3A_334 = tpu.memref_slice %arg23[%add3A_113, %dma_wait3A_333] : memref<4224x128xf32, #tpu.memory_space<vmem_shared>> -> memref<64x128xf32, #tpu.memory_space<vmem_shared>>
    %dma_wait3A_335 = arith.constant 0 : i32
    %dma_wait3A_336 = arith.constant 0 : i32
    %dma_wait3A_337 = tpu.memref_slice %arg19[%dma_wait3A_323, %dma_wait3A_335, %dma_wait3A_336] : memref<2x64x128xf32, #tpu.memory_space<vmem>> -> memref<1x64x128xf32, #tpu.memory_space<vmem>>
    %dma_wait3A_338 = tpu.memref_squeeze %dma_wait3A_337 : memref<1x64x128xf32, #tpu.memory_space<vmem>> -> memref<64x128xf32, #tpu.memory_space<vmem>>
    %dma_wait3A_339 = arith.constant 0 : i32
    %dma_wait3A_340 = arith.constant 0 : i32
    %dma_wait3A_341 = tpu.memref_slice %dma_wait3A_338[%dma_wait3A_339, %dma_wait3A_340] : memref<64x128xf32, #tpu.memory_space<vmem>> -> memref<64x128xf32, #tpu.memory_space<vmem>>
    tpu.wait_dma2 semaphore(%arg26 : memref<!tpu.dma_semaphore, #tpu.memory_space<semaphore_mem>>) src(%dma_wait3A_341 : memref<64x128xf32, #tpu.memory_space<vmem>>) dst(%dma_wait3A_334 : memref<64x128xf32, #tpu.memory_space<vmem_shared>>)
    %dma_wait3A_342 = arith.constant 0 : i32
    %dma_wait3A_343 = arith.constant 0 : i32
    %dma_wait3A_344 = arith.constant 0 : i32
    %dma_wait3A_345 = tpu.memref_slice %arg19[%dma_wait3A_342, %dma_wait3A_343, %dma_wait3A_344] : memref<2x64x128xf32, #tpu.memory_space<vmem>> -> memref<1x64x128xf32, #tpu.memory_space<vmem>>
    %dma_wait3A_346 = tpu.memref_squeeze %dma_wait3A_345 : memref<1x64x128xf32, #tpu.memory_space<vmem>> -> memref<64x128xf32, #tpu.memory_space<vmem>>
    %dma_wait3A_347 = arith.constant 0 : i32
    %dma_wait3A_348 = arith.constant 0 : i32
    %dma_wait3A_349 = tpu.memref_slice %dma_wait3A_346[%dma_wait3A_347, %dma_wait3A_348] : memref<64x128xf32, #tpu.memory_space<vmem>> -> memref<64x128xf32, #tpu.memory_space<vmem>>
    %dma_wait3A_350 = arith.constant 0 : i32
    %dma_wait3A_351 = tpu.memref_slice %arg22[%add3A_134, %dma_wait3A_350] : memref<4224x128xf32, #tpu.memory_space<vmem_shared>> -> memref<64x128xf32, #tpu.memory_space<vmem_shared>>
    %dma_wait3A_352 = arith.constant 0 : i32
    %dma_wait3A_353 = tpu.memref_slice %arg22[%add3A_134, %dma_wait3A_352] : memref<4224x128xf32, #tpu.memory_space<vmem_shared>> -> memref<64x128xf32, #tpu.memory_space<vmem_shared>>
    %dma_wait3A_354 = arith.constant 0 : i32
    %dma_wait3A_355 = arith.constant 0 : i32
    %dma_wait3A_356 = tpu.memref_slice %arg19[%dma_wait3A_342, %dma_wait3A_354, %dma_wait3A_355] : memref<2x64x128xf32, #tpu.memory_space<vmem>> -> memref<1x64x128xf32, #tpu.memory_space<vmem>>
    %dma_wait3A_357 = tpu.memref_squeeze %dma_wait3A_356 : memref<1x64x128xf32, #tpu.memory_space<vmem>> -> memref<64x128xf32, #tpu.memory_space<vmem>>
    %dma_wait3A_358 = arith.constant 0 : i32
    %dma_wait3A_359 = arith.constant 0 : i32
    %dma_wait3A_360 = tpu.memref_slice %dma_wait3A_357[%dma_wait3A_358, %dma_wait3A_359] : memref<64x128xf32, #tpu.memory_space<vmem>> -> memref<64x128xf32, #tpu.memory_space<vmem>>
    tpu.wait_dma2 semaphore(%arg25 : memref<!tpu.dma_semaphore, #tpu.memory_space<semaphore_mem>>) src(%dma_wait3A_360 : memref<64x128xf32, #tpu.memory_space<vmem>>) dst(%dma_wait3A_353 : memref<64x128xf32, #tpu.memory_space<vmem_shared>>)
    %dma_wait3A_361 = arith.constant 0 : i32
    %dma_wait3A_362 = arith.constant 0 : i32
    %dma_wait3A_363 = arith.constant 0 : i32
    %dma_wait3A_364 = tpu.memref_slice %arg19[%dma_wait3A_361, %dma_wait3A_362, %dma_wait3A_363] : memref<2x64x128xf32, #tpu.memory_space<vmem>> -> memref<1x64x128xf32, #tpu.memory_space<vmem>>
    %dma_wait3A_365 = tpu.memref_squeeze %dma_wait3A_364 : memref<1x64x128xf32, #tpu.memory_space<vmem>> -> memref<64x128xf32, #tpu.memory_space<vmem>>
    %dma_wait3A_366 = arith.constant 0 : i32
    %dma_wait3A_367 = arith.constant 0 : i32
    %dma_wait3A_368 = tpu.memref_slice %dma_wait3A_365[%dma_wait3A_366, %dma_wait3A_367] : memref<64x128xf32, #tpu.memory_space<vmem>> -> memref<64x128xf32, #tpu.memory_space<vmem>>
    %dma_wait3A_369 = arith.constant 0 : i32
    %dma_wait3A_370 = tpu.memref_slice %arg23[%add3A_155, %dma_wait3A_369] : memref<4224x128xf32, #tpu.memory_space<vmem_shared>> -> memref<64x128xf32, #tpu.memory_space<vmem_shared>>
    %dma_wait3A_371 = arith.constant 0 : i32
    %dma_wait3A_372 = tpu.memref_slice %arg23[%add3A_155, %dma_wait3A_371] : memref<4224x128xf32, #tpu.memory_space<vmem_shared>> -> memref<64x128xf32, #tpu.memory_space<vmem_shared>>
    %dma_wait3A_373 = arith.constant 0 : i32
    %dma_wait3A_374 = arith.constant 0 : i32
    %dma_wait3A_375 = tpu.memref_slice %arg19[%dma_wait3A_361, %dma_wait3A_373, %dma_wait3A_374] : memref<2x64x128xf32, #tpu.memory_space<vmem>> -> memref<1x64x128xf32, #tpu.memory_space<vmem>>
    %dma_wait3A_376 = tpu.memref_squeeze %dma_wait3A_375 : memref<1x64x128xf32, #tpu.memory_space<vmem>> -> memref<64x128xf32, #tpu.memory_space<vmem>>
    %dma_wait3A_377 = arith.constant 0 : i32
    %dma_wait3A_378 = arith.constant 0 : i32
    %dma_wait3A_379 = tpu.memref_slice %dma_wait3A_376[%dma_wait3A_377, %dma_wait3A_378] : memref<64x128xf32, #tpu.memory_space<vmem>> -> memref<64x128xf32, #tpu.memory_space<vmem>>
    tpu.wait_dma2 semaphore(%arg26 : memref<!tpu.dma_semaphore, #tpu.memory_space<semaphore_mem>>) src(%dma_wait3A_379 : memref<64x128xf32, #tpu.memory_space<vmem>>) dst(%dma_wait3A_372 : memref<64x128xf32, #tpu.memory_space<vmem_shared>>)
    %dma_wait3A_380 = arith.constant 0 : i32
    %dma_wait3A_381 = arith.constant 0 : i32
    %dma_wait3A_382 = arith.constant 0 : i32
    %dma_wait3A_383 = tpu.memref_slice %arg19[%dma_wait3A_380, %dma_wait3A_381, %dma_wait3A_382] : memref<2x64x128xf32, #tpu.memory_space<vmem>> -> memref<1x64x128xf32, #tpu.memory_space<vmem>>
    %dma_wait3A_384 = tpu.memref_squeeze %dma_wait3A_383 : memref<1x64x128xf32, #tpu.memory_space<vmem>> -> memref<64x128xf32, #tpu.memory_space<vmem>>
    %dma_wait3A_385 = arith.constant 0 : i32
    %dma_wait3A_386 = arith.constant 0 : i32
    %dma_wait3A_387 = tpu.memref_slice %dma_wait3A_384[%dma_wait3A_385, %dma_wait3A_386] : memref<64x128xf32, #tpu.memory_space<vmem>> -> memref<8x128xf32, #tpu.memory_space<vmem>>
    %dma_wait3A_388 = arith.constant 0 : i32
    %dma_wait3A_389 = tpu.memref_slice %arg22[%add3A_176, %dma_wait3A_388] : memref<4224x128xf32, #tpu.memory_space<vmem_shared>> -> memref<8x128xf32, #tpu.memory_space<vmem_shared>>
    %dma_wait3A_390 = arith.constant 0 : i32
    %dma_wait3A_391 = tpu.memref_slice %arg22[%add3A_176, %dma_wait3A_390] : memref<4224x128xf32, #tpu.memory_space<vmem_shared>> -> memref<8x128xf32, #tpu.memory_space<vmem_shared>>
    %dma_wait3A_392 = arith.constant 0 : i32
    %dma_wait3A_393 = arith.constant 0 : i32
    %dma_wait3A_394 = tpu.memref_slice %arg19[%dma_wait3A_380, %dma_wait3A_392, %dma_wait3A_393] : memref<2x64x128xf32, #tpu.memory_space<vmem>> -> memref<1x64x128xf32, #tpu.memory_space<vmem>>
    %dma_wait3A_395 = tpu.memref_squeeze %dma_wait3A_394 : memref<1x64x128xf32, #tpu.memory_space<vmem>> -> memref<64x128xf32, #tpu.memory_space<vmem>>
    %dma_wait3A_396 = arith.constant 0 : i32
    %dma_wait3A_397 = arith.constant 0 : i32
    %dma_wait3A_398 = tpu.memref_slice %dma_wait3A_395[%dma_wait3A_396, %dma_wait3A_397] : memref<64x128xf32, #tpu.memory_space<vmem>> -> memref<8x128xf32, #tpu.memory_space<vmem>>
    tpu.wait_dma2 semaphore(%arg25 : memref<!tpu.dma_semaphore, #tpu.memory_space<semaphore_mem>>) src(%dma_wait3A_398 : memref<8x128xf32, #tpu.memory_space<vmem>>) dst(%dma_wait3A_391 : memref<8x128xf32, #tpu.memory_space<vmem_shared>>)
    %dma_wait3A_399 = arith.constant 0 : i32
    %dma_wait3A_400 = arith.constant 0 : i32
    %dma_wait3A_401 = arith.constant 0 : i32
    %dma_wait3A_402 = tpu.memref_slice %arg19[%dma_wait3A_399, %dma_wait3A_400, %dma_wait3A_401] : memref<2x64x128xf32, #tpu.memory_space<vmem>> -> memref<1x64x128xf32, #tpu.memory_space<vmem>>
    %dma_wait3A_403 = tpu.memref_squeeze %dma_wait3A_402 : memref<1x64x128xf32, #tpu.memory_space<vmem>> -> memref<64x128xf32, #tpu.memory_space<vmem>>
    %dma_wait3A_404 = arith.constant 0 : i32
    %dma_wait3A_405 = arith.constant 0 : i32
    %dma_wait3A_406 = tpu.memref_slice %dma_wait3A_403[%dma_wait3A_404, %dma_wait3A_405] : memref<64x128xf32, #tpu.memory_space<vmem>> -> memref<8x128xf32, #tpu.memory_space<vmem>>
    %dma_wait3A_407 = arith.constant 0 : i32
    %dma_wait3A_408 = tpu.memref_slice %arg23[%add3A_197, %dma_wait3A_407] : memref<4224x128xf32, #tpu.memory_space<vmem_shared>> -> memref<8x128xf32, #tpu.memory_space<vmem_shared>>
    %dma_wait3A_409 = arith.constant 0 : i32
    %dma_wait3A_410 = tpu.memref_slice %arg23[%add3A_197, %dma_wait3A_409] : memref<4224x128xf32, #tpu.memory_space<vmem_shared>> -> memref<8x128xf32, #tpu.memory_space<vmem_shared>>
    %dma_wait3A_411 = arith.constant 0 : i32
    %dma_wait3A_412 = arith.constant 0 : i32
    %dma_wait3A_413 = tpu.memref_slice %arg19[%dma_wait3A_399, %dma_wait3A_411, %dma_wait3A_412] : memref<2x64x128xf32, #tpu.memory_space<vmem>> -> memref<1x64x128xf32, #tpu.memory_space<vmem>>
    %dma_wait3A_414 = tpu.memref_squeeze %dma_wait3A_413 : memref<1x64x128xf32, #tpu.memory_space<vmem>> -> memref<64x128xf32, #tpu.memory_space<vmem>>
    %dma_wait3A_415 = arith.constant 0 : i32
    %dma_wait3A_416 = arith.constant 0 : i32
    %dma_wait3A_417 = tpu.memref_slice %dma_wait3A_414[%dma_wait3A_415, %dma_wait3A_416] : memref<64x128xf32, #tpu.memory_space<vmem>> -> memref<8x128xf32, #tpu.memory_space<vmem>>
    tpu.wait_dma2 semaphore(%arg26 : memref<!tpu.dma_semaphore, #tpu.memory_space<semaphore_mem>>) src(%dma_wait3A_417 : memref<8x128xf32, #tpu.memory_space<vmem>>) dst(%dma_wait3A_410 : memref<8x128xf32, #tpu.memory_space<vmem_shared>>)
    %barrier3A = arith.constant 0 : index
    tpu.barrier barrier_id(%barrier3A)
    %scan3A_418 = arith.constant 0 : i32
    %scan3A_419 = arith.constant 0 : i32
    %scan3A_420 = arith.constant 2 : i32
    %scan3A_421 = arith.addi %scan3A_419, %scan3A_420 : i32
    %scan3A_422 = arith.constant 1 : i32
    %scan3A_423 = scf.for %scan3A_927 = %scan3A_419 to %scan3A_421 step %scan3A_422 iter_args(%scan3A_928 = %scan3A_418) -> (i32)  : i32 {
      %mul3A_929 = arith.constant 20000 : i32
      %mul3A_930 = arith.muli %arg1, %mul3A_929 : i32
      %add3A_931 = arith.constant 0 : i32
      %add3A_932 = arith.addi %add3A_931, %scan3A_927 : i32
      %mul3A_933 = arith.constant 2000 : i32
      %mul3A_934 = arith.muli %add3A_932, %mul3A_933 : i32
      %add3A_935 = arith.addi %mul3A_930, %mul3A_934 : i32
      %dma_start3A_936 = tpu.memref_slice %arg2[%add3A_935] : memref<320000xi32, #tpu.memory_space<hbm>> -> memref<2000xi32, #tpu.memory_space<hbm>>
      %dma_start3A_937 = tpu.memref_slice %arg2[%add3A_935] : memref<320000xi32, #tpu.memory_space<hbm>> -> memref<2000xi32, #tpu.memory_space<hbm>>
      tpu.enqueue_dma source(%dma_start3A_937 : memref<2000xi32, #tpu.memory_space<hbm>>) target(%arg11 : memref<2000xi32, #tpu.memory_space<vmem>>) target_semaphore(%arg24 : memref<!tpu.dma_semaphore, #tpu.memory_space<semaphore_mem>>)
      %dma_start3A_938 = tpu.memref_slice %arg3[%add3A_935] : memref<320000xi32, #tpu.memory_space<hbm>> -> memref<2000xi32, #tpu.memory_space<hbm>>
      %dma_start3A_939 = tpu.memref_slice %arg3[%add3A_935] : memref<320000xi32, #tpu.memory_space<hbm>> -> memref<2000xi32, #tpu.memory_space<hbm>>
      tpu.enqueue_dma source(%dma_start3A_939 : memref<2000xi32, #tpu.memory_space<hbm>>) target(%arg12 : memref<2000xi32, #tpu.memory_space<vmem>>) target_semaphore(%arg24 : memref<!tpu.dma_semaphore, #tpu.memory_space<semaphore_mem>>)
      %dma_start3A_940 = tpu.memref_slice %arg4[%add3A_935] : memref<320000xi32, #tpu.memory_space<hbm>> -> memref<2000xi32, #tpu.memory_space<hbm>>
      %dma_start3A_941 = tpu.memref_slice %arg4[%add3A_935] : memref<320000xi32, #tpu.memory_space<hbm>> -> memref<2000xi32, #tpu.memory_space<hbm>>
      tpu.enqueue_dma source(%dma_start3A_941 : memref<2000xi32, #tpu.memory_space<hbm>>) target(%arg13 : memref<2000xi32, #tpu.memory_space<vmem>>) target_semaphore(%arg24 : memref<!tpu.dma_semaphore, #tpu.memory_space<semaphore_mem>>)
      %dma_wait3A_942 = tpu.memref_slice %arg2[%add3A_935] : memref<320000xi32, #tpu.memory_space<hbm>> -> memref<2000xi32, #tpu.memory_space<hbm>>
      %dma_wait3A_943 = tpu.memref_slice %arg2[%add3A_935] : memref<320000xi32, #tpu.memory_space<hbm>> -> memref<2000xi32, #tpu.memory_space<hbm>>
      tpu.wait_dma2 semaphore(%arg24 : memref<!tpu.dma_semaphore, #tpu.memory_space<semaphore_mem>>) src(%dma_wait3A_943 : memref<2000xi32, #tpu.memory_space<hbm>>) dst(%arg11 : memref<2000xi32, #tpu.memory_space<vmem>>)
      %dma_wait3A_944 = tpu.memref_slice %arg3[%add3A_935] : memref<320000xi32, #tpu.memory_space<hbm>> -> memref<2000xi32, #tpu.memory_space<hbm>>
      %dma_wait3A_945 = tpu.memref_slice %arg3[%add3A_935] : memref<320000xi32, #tpu.memory_space<hbm>> -> memref<2000xi32, #tpu.memory_space<hbm>>
      tpu.wait_dma2 semaphore(%arg24 : memref<!tpu.dma_semaphore, #tpu.memory_space<semaphore_mem>>) src(%dma_wait3A_945 : memref<2000xi32, #tpu.memory_space<hbm>>) dst(%arg12 : memref<2000xi32, #tpu.memory_space<vmem>>)
      %dma_wait3A_946 = tpu.memref_slice %arg4[%add3A_935] : memref<320000xi32, #tpu.memory_space<hbm>> -> memref<2000xi32, #tpu.memory_space<hbm>>
      %dma_wait3A_947 = tpu.memref_slice %arg4[%add3A_935] : memref<320000xi32, #tpu.memory_space<hbm>> -> memref<2000xi32, #tpu.memory_space<hbm>>
      tpu.wait_dma2 semaphore(%arg24 : memref<!tpu.dma_semaphore, #tpu.memory_space<semaphore_mem>>) src(%dma_wait3A_947 : memref<2000xi32, #tpu.memory_space<hbm>>) dst(%arg13 : memref<2000xi32, #tpu.memory_space<vmem>>)
      %scan3A_948 = arith.constant 0 : i32
      %scan3A_949 = arith.constant 125 : i32
      %scan3A_950 = arith.addi %scan3A_948, %scan3A_949 : i32
      %scan3A_951 = arith.constant 1 : i32
      %scan3A_952 = scf.for %scan3A_954 = %scan3A_948 to %scan3A_950 step %scan3A_951 iter_args(%scan3A_955 = %scan3A_928) -> (i32)  : i32 {
        %mul3A_956 = arith.constant 16 : i32
        %mul3A_957 = arith.muli %scan3A_954, %mul3A_956 : i32
        %get3A = arith.index_cast %mul3A_957 : i32 to index
        %get3A_958 = tpu.vector_load %arg12[%get3A] {strides = array<i32>} : memref<2000xi32, #tpu.memory_space<vmem>>, vector<16xi32>,
        %mul3A_959 = arith.constant 16 : i32
        %mul3A_960 = arith.muli %scan3A_954, %mul3A_959 : i32
        %get3A_961 = arith.index_cast %mul3A_960 : i32 to index
        %get3A_962 = tpu.vector_load %arg13[%get3A_961] {strides = array<i32>} : memref<2000xi32, #tpu.memory_space<vmem>>, vector<16xi32>,
        %mul3A_963 = arith.constant 16 : i32
        %mul3A_964 = arith.muli %scan3A_954, %mul3A_963 : i32
        %get3A_965 = arith.index_cast %mul3A_964 : i32 to index
        %get3A_966 = tpu.vector_load %arg11[%get3A_965] {strides = array<i32>} : memref<2000xi32, #tpu.memory_space<vmem>>, vector<16xi32>,
        %gather3A = tpu.vector_load_idx %arg14[%get3A_958] : memref<10240xi32, #tpu.memory_space<vmem>>[vector<16xi32>], vector<16xi32>,
        %ge3A = arith.constant 0 : i32
        %ge3A_967 = vector.broadcast %ge3A : i32 to vector<16xi32>
        %ge3A_968 = arith.cmpi sge, %gather3A, %ge3A_967 : vector<16xi32>
        %shift_right_logical3A_969 = arith.constant 1 : i32
        %shift_right_logical3A_970 = vector.broadcast %shift_right_logical3A_969 : i32 to vector<16xi32>
        %shift_right_logical3A_971 = arith.shrui %get3A_962, %shift_right_logical3A_970 : vector<16xi32>
        %eq3A = vector.broadcast %arg0 : i32 to vector<16xi32>
        %eq3A_972 = arith.cmpi eq, %shift_right_logical3A_971, %eq3A : vector<16xi32>
        %and3A = arith.andi %ge3A_968, %eq3A_972 : vector<16xi1>
        %mul3A_973 = arith.constant 2 : i32
        %mul3A_974 = vector.broadcast %mul3A_973 : i32 to vector<16xi32>
        %mul3A_975 = arith.muli %gather3A, %mul3A_974 : vector<16xi32>
        %and3A_976 = arith.constant 1 : i32
        %and3A_977 = vector.broadcast %and3A_976 : i32 to vector<16xi32>
        %and3A_978 = arith.andi %get3A_962, %and3A_977 : vector<16xi32>
        %add3A_979 = arith.addi %mul3A_975, %and3A_978 : vector<16xi32>
        %swap3A = arith.index_cast %scan3A_955 : i32 to index
        %swap3A_980 = tpu.vector_load %arg16[%swap3A] masked %and3A {strides = array<i32>} : memref<4096xi32, #tpu.memory_space<vmem>>, vector<16xi32>, vector<16xi1>
        tpu.vector_store %arg16[%swap3A], %get3A_966 masked %and3A {strides = array<i32>} : memref<4096xi32, #tpu.memory_space<vmem>>, vector<16xi32>, vector<16xi1>
        %swap3A_981 = arith.index_cast %scan3A_955 : i32 to index
        %swap3A_982 = tpu.vector_load %arg17[%swap3A_981] masked %and3A {strides = array<i32>} : memref<4096xi32, #tpu.memory_space<vmem>>, vector<16xi32>, vector<16xi1>
        tpu.vector_store %arg17[%swap3A_981], %add3A_979 masked %and3A {strides = array<i32>} : memref<4096xi32, #tpu.memory_space<vmem>>, vector<16xi32>, vector<16xi1>
        %all_reduce_population_count3A = tpu.all_reduce %and3A {dim = 0 : i64, kind = #tpu.reduction_kind<sum>} : vector<16xi1> -> vector<16xi32>
        %reduce_max3A = arith.constant true
        %reduce_max3A_983 = vector.broadcast %reduce_max3A : i1 to vector<16xi1>
        %reduce_max3A_984 = arith.constant -2147483648 : i32
        %reduce_max3A_985 = vector.broadcast %reduce_max3A_984 : i32 to vector<16xi32>
        %reduce_max3A_986 = arith.xori %all_reduce_population_count3A, %reduce_max3A_985 : vector<16xi32>
        %reduce_max3A_987 = tpu.scan <max>, %reduce_max3A_986 masked %reduce_max3A_983 : vector<16xi32>, vector<16xi1> -> vector<16xi32>
        %reduce_max3A_988 = arith.xori %reduce_max3A_987, %reduce_max3A_985 : vector<16xi32>
        %reduce_max3A_989 = vector.extract %reduce_max3A_988[15] : i32 from vector<16xi32>
        %add3A_990 = arith.addi %scan3A_955, %reduce_max3A_989 : i32
        scf.yield %add3A_990 : i32
      }
      %scan3A_953 = arith.constant 125 : i32
      scf.yield %scan3A_952 : i32
    }
    %scan3A_424 = arith.constant 2 : i32
    %scan3A_425 = arith.constant 0 : i32
    %scan3A_426 = arith.constant 0 : i32
    %scan3A_427 = arith.constant 4 : i32
    %scan3A_428 = arith.addi %scan3A_426, %scan3A_427 : i32
    %scan3A_429 = arith.constant 1 : i32
    scf.for %scan3A_927 = %scan3A_426 to %scan3A_428 step %scan3A_429  : i32 {
      %broadcast_in_dim3A = arith.constant 0 : i32
      %broadcast_in_dim3A_928 = vector.broadcast %broadcast_in_dim3A : i32 to vector<16xi32>
      %mul3A_929 = arith.constant 16 : i32
      %mul3A_930 = arith.muli %scan3A_927, %mul3A_929 : i32
      %add3A_931 = arith.addi %scan3A_423, %mul3A_930 : i32
      %swap3A = arith.index_cast %add3A_931 : i32 to index
      %swap3A_932 = tpu.vector_load %arg16[%swap3A] {strides = array<i32>} : memref<4096xi32, #tpu.memory_space<vmem>>, vector<16xi32>,
      tpu.vector_store %arg16[%swap3A], %broadcast_in_dim3A_928 {strides = array<i32>} : memref<4096xi32, #tpu.memory_space<vmem>>, vector<16xi32>,
      %broadcast_in_dim3A_933 = arith.constant 4096 : i32
      %broadcast_in_dim3A_934 = vector.broadcast %broadcast_in_dim3A_933 : i32 to vector<16xi32>
      %mul3A_935 = arith.constant 16 : i32
      %mul3A_936 = arith.muli %scan3A_927, %mul3A_935 : i32
      %add3A_937 = arith.addi %scan3A_423, %mul3A_936 : i32
      %swap3A_938 = arith.index_cast %add3A_937 : i32 to index
      %swap3A_939 = tpu.vector_load %arg17[%swap3A_938] {strides = array<i32>} : memref<4096xi32, #tpu.memory_space<vmem>>, vector<16xi32>,
      tpu.vector_store %arg17[%swap3A_938], %broadcast_in_dim3A_934 {strides = array<i32>} : memref<4096xi32, #tpu.memory_space<vmem>>, vector<16xi32>,
    }
    %scan3A_430 = arith.constant 4 : i32
    %add3A_431 = arith.constant 64 : i32
    %add3A_432 = arith.addi %scan3A_423, %add3A_431 : i32
    %sub3A = arith.constant 1 : i32
    %sub3A_433 = arith.subi %add3A_432, %sub3A : i32
    %shift_right_logical3A = arith.constant 6 : i32
    %shift_right_logical3A_434 = arith.shrui %sub3A_433, %shift_right_logical3A : i32
    %mul3A_435 = arith.constant 4 : i32
    %mul3A_436 = arith.muli %shift_right_logical3A_434, %mul3A_435 : i32
    %while3A = arith.constant 0 : i32
    %while3A_437 = arith.constant 0 : i32
    %while3A_438 = arith.subi %mul3A_436, %while3A_437 : i32
    %while3A_439 = arith.addi %while3A_437, %while3A_438 : i32
    %while3A_440 = arith.constant 1 : i32
    %while3A_441 = arith.divsi %while3A_438, %while3A_440 : i32
    %while3A_442 = arith.muli %while3A_441, %while3A_440 : i32
    %while3A_443 = arith.addi %while3A_437, %while3A_442 : i32
    %while3A_444 = arith.constant 1 : i32
    scf.for %while3A_927 = %while3A_437 to %while3A_443 step %while3A_444  : i32 {
      %mul3A_928 = arith.constant 16 : i32
      %mul3A_929 = arith.muli %while3A_927, %mul3A_928 : i32
      %get3A = arith.index_cast %mul3A_929 : i32 to index
      %get3A_930 = tpu.vector_load %arg17[%get3A] {strides = array<i32>} : memref<4096xi32, #tpu.memory_space<vmem>>, vector<16xi32>,
      %shift_right_logical3A_931 = arith.constant 2 : i32
      %shift_right_logical3A_932 = arith.shrui %while3A_927, %shift_right_logical3A_931 : i32
      %and3A = arith.constant 3 : i32
      %and3A_933 = arith.andi %while3A_927, %and3A : i32
      %mul3A_934 = arith.constant 16 : i32
      %mul3A_935 = arith.muli %and3A_933, %mul3A_934 : i32
      %swap3A = arith.index_cast %shift_right_logical3A_932 : i32 to index
      %swap3A_936 = arith.index_cast %mul3A_935 : i32 to index
      %swap3A_937 = tpu.vector_load %arg18[%swap3A, %swap3A_936] {strides = array<i32>} : memref<64x64xi32, #tpu.memory_space<vmem>>, vector<16xi32>,
      tpu.vector_store %arg18[%swap3A, %swap3A_936], %get3A_930 {strides = array<i32>} : memref<64x64xi32, #tpu.memory_space<vmem>>, vector<16xi32>,
    }
    %while3A_445 = arith.constant 1 : i32
    scf.for %while3A_927 = %while3A_443 to %while3A_439 step %while3A_445  : i32 {
      %mul3A_928 = arith.constant 16 : i32
      %mul3A_929 = arith.muli %while3A_927, %mul3A_928 : i32
      %get3A = arith.index_cast %mul3A_929 : i32 to index
      %get3A_930 = tpu.vector_load %arg17[%get3A] {strides = array<i32>} : memref<4096xi32, #tpu.memory_space<vmem>>, vector<16xi32>,
      %shift_right_logical3A_931 = arith.constant 2 : i32
      %shift_right_logical3A_932 = arith.shrui %while3A_927, %shift_right_logical3A_931 : i32
      %and3A = arith.constant 3 : i32
      %and3A_933 = arith.andi %while3A_927, %and3A : i32
      %mul3A_934 = arith.constant 16 : i32
      %mul3A_935 = arith.muli %and3A_933, %mul3A_934 : i32
      %swap3A = arith.index_cast %shift_right_logical3A_932 : i32 to index
      %swap3A_936 = arith.index_cast %mul3A_935 : i32 to index
      %swap3A_937 = tpu.vector_load %arg18[%swap3A, %swap3A_936] {strides = array<i32>} : memref<64x64xi32, #tpu.memory_space<vmem>>, vector<16xi32>,
      tpu.vector_store %arg18[%swap3A, %swap3A_936], %get3A_930 {strides = array<i32>} : memref<64x64xi32, #tpu.memory_space<vmem>>, vector<16xi32>,
    }
    %gt3A = arith.constant 0 : i32
    %gt3A_446 = arith.cmpi sgt, %shift_right_logical3A_434, %gt3A : i32
    %convert_element_type3A = arith.extui %gt3A_446 : i1 to i32
    %cond3A = arith.constant 0 : i32
    %cond3A_447 = arith.cmpi ne, %convert_element_type3A, %cond3A : i32
    scf.if %cond3A_447 {
      %dma_start3A_927 = arith.constant 0 : i32
      %dma_start3A_928 = arith.constant 0 : i32
      %dma_start3A_929 = arith.constant 0 : i32
      %dma_start3A_930 = tpu.memref_slice %arg19[%dma_start3A_927, %dma_start3A_928, %dma_start3A_929] : memref<2x64x128xf32, #tpu.memory_space<vmem>> -> memref<1x64x128xf32, #tpu.memory_space<vmem>>
      %dma_start3A_931 = tpu.memref_squeeze %dma_start3A_930 : memref<1x64x128xf32, #tpu.memory_space<vmem>> -> memref<64x128xf32, #tpu.memory_space<vmem>>
      %dma_start3A_932 = arith.constant 0 : i32
      %dma_start3A_933 = tpu.memref_slice %arg16[%dma_start3A_932] : memref<4096xi32, #tpu.memory_space<vmem>> -> memref<64xi32, #tpu.memory_space<vmem>>
      %dma_start3A_934 = arith.constant 0 : i32
      %dma_start3A_935 = arith.constant 0 : i32
      %dma_start3A_936 = tpu.memref_slice %arg7[%dma_start3A_934, %dma_start3A_935] : memref<10000x128xf32, #tpu.memory_space<hbm>> -> memref<10000x128xf32, #tpu.memory_space<hbm>>
      tpu.enqueue_indirect_dma source(%dma_start3A_936 : memref<10000x128xf32, #tpu.memory_space<hbm>>) target(%dma_start3A_931 : memref<64x128xf32, #tpu.memory_space<vmem>>) offsets(%dma_start3A_933 : memref<64xi32, #tpu.memory_space<vmem>>) semaphore(%arg24 : memref<!tpu.dma_semaphore, #tpu.memory_space<semaphore_mem>>)
    } else {
    }
    %while3A_448 = arith.constant 0 : i32
    %while3A_449 = arith.constant 0 : i32
    %while3A_450 = arith.subi %shift_right_logical3A_434, %while3A_449 : i32
    %while3A_451 = arith.addi %while3A_449, %while3A_450 : i32
    %while3A_452 = arith.constant 1 : i32
    %while3A_453 = arith.divsi %while3A_450, %while3A_452 : i32
    %while3A_454 = arith.muli %while3A_453, %while3A_452 : i32
    %while3A_455 = arith.addi %while3A_449, %while3A_454 : i32
    %while3A_456 = arith.constant 1 : i32
    scf.for %while3A_927 = %while3A_449 to %while3A_455 step %while3A_456  : i32 {
      %and3A = arith.constant 1 : i32
      %and3A_928 = arith.andi %while3A_927, %and3A : i32
      %mul3A_929 = arith.constant 64 : i32
      %mul3A_930 = arith.muli %while3A_927, %mul3A_929 : i32
      %dma_wait3A_931 = arith.constant 0 : i32
      %dma_wait3A_932 = arith.constant 0 : i32
      %dma_wait3A_933 = tpu.memref_slice %arg19[%and3A_928, %dma_wait3A_931, %dma_wait3A_932] : memref<2x64x128xf32, #tpu.memory_space<vmem>> -> memref<1x64x128xf32, #tpu.memory_space<vmem>>
      %dma_wait3A_934 = tpu.memref_squeeze %dma_wait3A_933 : memref<1x64x128xf32, #tpu.memory_space<vmem>> -> memref<64x128xf32, #tpu.memory_space<vmem>>
      %dma_wait3A_935 = tpu.memref_slice %arg16[%mul3A_930] : memref<4096xi32, #tpu.memory_space<vmem>> -> memref<64xi32, #tpu.memory_space<vmem>>
      %dma_wait3A_936 = arith.constant 0 : i32
      %dma_wait3A_937 = arith.constant 0 : i32
      %dma_wait3A_938 = tpu.memref_slice %arg7[%dma_wait3A_936, %dma_wait3A_937] : memref<10000x128xf32, #tpu.memory_space<hbm>> -> memref<10000x128xf32, #tpu.memory_space<hbm>>
      tpu.wait_indirect_dma semaphore(%arg24 : memref<!tpu.dma_semaphore, #tpu.memory_space<semaphore_mem>>) src(%dma_wait3A_938 : memref<10000x128xf32, #tpu.memory_space<hbm>>) dst(%dma_wait3A_934 : memref<64x128xf32, #tpu.memory_space<vmem>>)
      %ge3A = arith.constant 1 : i32
      %ge3A_939 = arith.cmpi sge, %while3A_927, %ge3A : i32
      %convert_element_type3A_940 = arith.extui %ge3A_939 : i1 to i32
      %cond3A_941 = arith.constant 0 : i32
      %cond3A_942 = arith.cmpi ne, %convert_element_type3A_940, %cond3A_941 : i32
      scf.if %cond3A_942 {
        %sub3A_964 = arith.constant 1 : i32
        %sub3A_965 = arith.subi %sub3A_964, %and3A_928 : i32
        %sub3A_966 = arith.constant 1 : i32
        %sub3A_967 = arith.subi %while3A_927, %sub3A_966 : i32
        %dma_wait3A_968 = arith.constant 0 : i32
        %dma_wait3A_969 = arith.constant 0 : i32
        %dma_wait3A_970 = tpu.memref_slice %arg19[%sub3A_965, %dma_wait3A_968, %dma_wait3A_969] : memref<2x64x128xf32, #tpu.memory_space<vmem>> -> memref<1x64x128xf32, #tpu.memory_space<vmem>>
        %dma_wait3A_971 = tpu.memref_squeeze %dma_wait3A_970 : memref<1x64x128xf32, #tpu.memory_space<vmem>> -> memref<64x128xf32, #tpu.memory_space<vmem>>
        %dma_wait3A_972 = arith.constant 0 : i32
        %dma_wait3A_973 = tpu.memref_slice %arg18[%sub3A_967, %dma_wait3A_972] : memref<64x64xi32, #tpu.memory_space<vmem>> -> memref<1x64xi32, #tpu.memory_space<vmem>>
        %dma_wait3A_974 = tpu.memref_squeeze %dma_wait3A_973 : memref<1x64xi32, #tpu.memory_space<vmem>> -> memref<64xi32, #tpu.memory_space<vmem>>
        %dma_wait3A_975 = arith.constant 0 : i32
        %dma_wait3A_976 = arith.constant 0 : i32
        %dma_wait3A_977 = tpu.memref_slice %arg22[%dma_wait3A_975, %dma_wait3A_976] : memref<4224x128xf32, #tpu.memory_space<vmem_shared>> -> memref<4224x128xf32, #tpu.memory_space<vmem_shared>>
        tpu.wait_indirect_dma semaphore(%arg25 : memref<!tpu.dma_semaphore, #tpu.memory_space<semaphore_mem>>) src(%dma_wait3A_971 : memref<64x128xf32, #tpu.memory_space<vmem>>) dst(%dma_wait3A_977 : memref<4224x128xf32, #tpu.memory_space<vmem_shared>>)
        %sub3A_978 = arith.constant 1 : i32
        %sub3A_979 = arith.subi %while3A_927, %sub3A_978 : i32
        %dma_wait3A_980 = arith.constant 0 : i32
        %dma_wait3A_981 = tpu.memref_slice %arg18[%sub3A_979, %dma_wait3A_980] : memref<64x64xi32, #tpu.memory_space<vmem>> -> memref<1x64xi32, #tpu.memory_space<vmem>>
        %dma_wait3A_982 = tpu.memref_squeeze %dma_wait3A_981 : memref<1x64xi32, #tpu.memory_space<vmem>> -> memref<64xi32, #tpu.memory_space<vmem>>
        %dma_wait3A_983 = arith.constant 0 : i32
        %dma_wait3A_984 = arith.constant 0 : i32
        %dma_wait3A_985 = tpu.memref_slice %arg23[%dma_wait3A_983, %dma_wait3A_984] : memref<4224x128xf32, #tpu.memory_space<vmem_shared>> -> memref<4224x128xf32, #tpu.memory_space<vmem_shared>>
        tpu.wait_indirect_dma semaphore(%arg26 : memref<!tpu.dma_semaphore, #tpu.memory_space<semaphore_mem>>) src(%arg20 : memref<64x128xf32, #tpu.memory_space<vmem>>) dst(%dma_wait3A_985 : memref<4224x128xf32, #tpu.memory_space<vmem_shared>>)
      } else {
      }
      %add3A_943 = arith.constant 1 : i32
      %add3A_944 = arith.addi %while3A_927, %add3A_943 : i32
      %lt3A = arith.cmpi slt, %add3A_944, %shift_right_logical3A_434 : i32
      %convert_element_type3A_945 = arith.extui %lt3A : i1 to i32
      %cond3A_946 = arith.constant 0 : i32
      %cond3A_947 = arith.cmpi ne, %convert_element_type3A_945, %cond3A_946 : i32
      scf.if %cond3A_947 {
        %add3A_964 = arith.constant 1 : i32
        %add3A_965 = arith.addi %while3A_927, %add3A_964 : i32
        %mul3A_966 = arith.constant 64 : i32
        %mul3A_967 = arith.muli %add3A_965, %mul3A_966 : i32
        %sub3A_968 = arith.constant 1 : i32
        %sub3A_969 = arith.subi %sub3A_968, %and3A_928 : i32
        %dma_start3A_970 = arith.constant 0 : i32
        %dma_start3A_971 = arith.constant 0 : i32
        %dma_start3A_972 = tpu.memref_slice %arg19[%sub3A_969, %dma_start3A_970, %dma_start3A_971] : memref<2x64x128xf32, #tpu.memory_space<vmem>> -> memref<1x64x128xf32, #tpu.memory_space<vmem>>
        %dma_start3A_973 = tpu.memref_squeeze %dma_start3A_972 : memref<1x64x128xf32, #tpu.memory_space<vmem>> -> memref<64x128xf32, #tpu.memory_space<vmem>>
        %dma_start3A_974 = tpu.memref_slice %arg16[%mul3A_967] : memref<4096xi32, #tpu.memory_space<vmem>> -> memref<64xi32, #tpu.memory_space<vmem>>
        %dma_start3A_975 = arith.constant 0 : i32
        %dma_start3A_976 = arith.constant 0 : i32
        %dma_start3A_977 = tpu.memref_slice %arg7[%dma_start3A_975, %dma_start3A_976] : memref<10000x128xf32, #tpu.memory_space<hbm>> -> memref<10000x128xf32, #tpu.memory_space<hbm>>
        tpu.enqueue_indirect_dma source(%dma_start3A_977 : memref<10000x128xf32, #tpu.memory_space<hbm>>) target(%dma_start3A_973 : memref<64x128xf32, #tpu.memory_space<vmem>>) offsets(%dma_start3A_974 : memref<64xi32, #tpu.memory_space<vmem>>) semaphore(%arg24 : memref<!tpu.dma_semaphore, #tpu.memory_space<semaphore_mem>>)
      } else {
      }
      %dma_start3A_948 = arith.constant 0 : i32
      %dma_start3A_949 = arith.constant 0 : i32
      %dma_start3A_950 = tpu.memref_slice %arg19[%and3A_928, %dma_start3A_948, %dma_start3A_949] : memref<2x64x128xf32, #tpu.memory_space<vmem>> -> memref<1x64x128xf32, #tpu.memory_space<vmem>>
      %dma_start3A_951 = tpu.memref_squeeze %dma_start3A_950 : memref<1x64x128xf32, #tpu.memory_space<vmem>> -> memref<64x128xf32, #tpu.memory_space<vmem>>
      %dma_start3A_952 = arith.constant 0 : i32
      %dma_start3A_953 = tpu.memref_slice %arg18[%while3A_927, %dma_start3A_952] : memref<64x64xi32, #tpu.memory_space<vmem>> -> memref<1x64xi32, #tpu.memory_space<vmem>>
      %dma_start3A_954 = tpu.memref_squeeze %dma_start3A_953 : memref<1x64xi32, #tpu.memory_space<vmem>> -> memref<64xi32, #tpu.memory_space<vmem>>
      %dma_start3A_955 = arith.constant 0 : i32
      %dma_start3A_956 = arith.constant 0 : i32
      %dma_start3A_957 = tpu.memref_slice %arg22[%dma_start3A_955, %dma_start3A_956] : memref<4224x128xf32, #tpu.memory_space<vmem_shared>> -> memref<4224x128xf32, #tpu.memory_space<vmem_shared>>
      tpu.enqueue_indirect_dma source(%dma_start3A_951 : memref<64x128xf32, #tpu.memory_space<vmem>>) target(%dma_start3A_957 : memref<4224x128xf32, #tpu.memory_space<vmem_shared>>) offsets(%dma_start3A_954 : memref<64xi32, #tpu.memory_space<vmem>>) semaphore(%arg25 : memref<!tpu.dma_semaphore, #tpu.memory_space<semaphore_mem>>) {add = true}
      %dma_start3A_958 = arith.constant 0 : i32
      %dma_start3A_959 = tpu.memref_slice %arg18[%while3A_927, %dma_start3A_958] : memref<64x64xi32, #tpu.memory_space<vmem>> -> memref<1x64xi32, #tpu.memory_space<vmem>>
      %dma_start3A_960 = tpu.memref_squeeze %dma_start3A_959 : memref<1x64xi32, #tpu.memory_space<vmem>> -> memref<64xi32, #tpu.memory_space<vmem>>
      %dma_start3A_961 = arith.constant 0 : i32
      %dma_start3A_962 = arith.constant 0 : i32
      %dma_start3A_963 = tpu.memref_slice %arg23[%dma_start3A_961, %dma_start3A_962] : memref<4224x128xf32, #tpu.memory_space<vmem_shared>> -> memref<4224x128xf32, #tpu.memory_space<vmem_shared>>
      tpu.enqueue_indirect_dma source(%arg20 : memref<64x128xf32, #tpu.memory_space<vmem>>) target(%dma_start3A_963 : memref<4224x128xf32, #tpu.memory_space<vmem_shared>>) offsets(%dma_start3A_960 : memref<64xi32, #tpu.memory_space<vmem>>) semaphore(%arg26 : memref<!tpu.dma_semaphore, #tpu.memory_space<semaphore_mem>>) {add = true}
    }
    %while3A_457 = arith.constant 1 : i32
    scf.for %while3A_927 = %while3A_455 to %while3A_451 step %while3A_457  : i32 {
      %and3A = arith.constant 1 : i32
      %and3A_928 = arith.andi %while3A_927, %and3A : i32
      %mul3A_929 = arith.constant 64 : i32
      %mul3A_930 = arith.muli %while3A_927, %mul3A_929 : i32
      %dma_wait3A_931 = arith.constant 0 : i32
      %dma_wait3A_932 = arith.constant 0 : i32
      %dma_wait3A_933 = tpu.memref_slice %arg19[%and3A_928, %dma_wait3A_931, %dma_wait3A_932] : memref<2x64x128xf32, #tpu.memory_space<vmem>> -> memref<1x64x128xf32, #tpu.memory_space<vmem>>
      %dma_wait3A_934 = tpu.memref_squeeze %dma_wait3A_933 : memref<1x64x128xf32, #tpu.memory_space<vmem>> -> memref<64x128xf32, #tpu.memory_space<vmem>>
      %dma_wait3A_935 = tpu.memref_slice %arg16[%mul3A_930] : memref<4096xi32, #tpu.memory_space<vmem>> -> memref<64xi32, #tpu.memory_space<vmem>>
      %dma_wait3A_936 = arith.constant 0 : i32
      %dma_wait3A_937 = arith.constant 0 : i32
      %dma_wait3A_938 = tpu.memref_slice %arg7[%dma_wait3A_936, %dma_wait3A_937] : memref<10000x128xf32, #tpu.memory_space<hbm>> -> memref<10000x128xf32, #tpu.memory_space<hbm>>
      tpu.wait_indirect_dma semaphore(%arg24 : memref<!tpu.dma_semaphore, #tpu.memory_space<semaphore_mem>>) src(%dma_wait3A_938 : memref<10000x128xf32, #tpu.memory_space<hbm>>) dst(%dma_wait3A_934 : memref<64x128xf32, #tpu.memory_space<vmem>>)
      %ge3A = arith.constant 1 : i32
      %ge3A_939 = arith.cmpi sge, %while3A_927, %ge3A : i32
      %convert_element_type3A_940 = arith.extui %ge3A_939 : i1 to i32
      %cond3A_941 = arith.constant 0 : i32
      %cond3A_942 = arith.cmpi ne, %convert_element_type3A_940, %cond3A_941 : i32
      scf.if %cond3A_942 {
        %sub3A_964 = arith.constant 1 : i32
        %sub3A_965 = arith.subi %sub3A_964, %and3A_928 : i32
        %sub3A_966 = arith.constant 1 : i32
        %sub3A_967 = arith.subi %while3A_927, %sub3A_966 : i32
        %dma_wait3A_968 = arith.constant 0 : i32
        %dma_wait3A_969 = arith.constant 0 : i32
        %dma_wait3A_970 = tpu.memref_slice %arg19[%sub3A_965, %dma_wait3A_968, %dma_wait3A_969] : memref<2x64x128xf32, #tpu.memory_space<vmem>> -> memref<1x64x128xf32, #tpu.memory_space<vmem>>
        %dma_wait3A_971 = tpu.memref_squeeze %dma_wait3A_970 : memref<1x64x128xf32, #tpu.memory_space<vmem>> -> memref<64x128xf32, #tpu.memory_space<vmem>>
        %dma_wait3A_972 = arith.constant 0 : i32
        %dma_wait3A_973 = tpu.memref_slice %arg18[%sub3A_967, %dma_wait3A_972] : memref<64x64xi32, #tpu.memory_space<vmem>> -> memref<1x64xi32, #tpu.memory_space<vmem>>
        %dma_wait3A_974 = tpu.memref_squeeze %dma_wait3A_973 : memref<1x64xi32, #tpu.memory_space<vmem>> -> memref<64xi32, #tpu.memory_space<vmem>>
        %dma_wait3A_975 = arith.constant 0 : i32
        %dma_wait3A_976 = arith.constant 0 : i32
        %dma_wait3A_977 = tpu.memref_slice %arg22[%dma_wait3A_975, %dma_wait3A_976] : memref<4224x128xf32, #tpu.memory_space<vmem_shared>> -> memref<4224x128xf32, #tpu.memory_space<vmem_shared>>
        tpu.wait_indirect_dma semaphore(%arg25 : memref<!tpu.dma_semaphore, #tpu.memory_space<semaphore_mem>>) src(%dma_wait3A_971 : memref<64x128xf32, #tpu.memory_space<vmem>>) dst(%dma_wait3A_977 : memref<4224x128xf32, #tpu.memory_space<vmem_shared>>)
        %sub3A_978 = arith.constant 1 : i32
        %sub3A_979 = arith.subi %while3A_927, %sub3A_978 : i32
        %dma_wait3A_980 = arith.constant 0 : i32
        %dma_wait3A_981 = tpu.memref_slice %arg18[%sub3A_979, %dma_wait3A_980] : memref<64x64xi32, #tpu.memory_space<vmem>> -> memref<1x64xi32, #tpu.memory_space<vmem>>
        %dma_wait3A_982 = tpu.memref_squeeze %dma_wait3A_981 : memref<1x64xi32, #tpu.memory_space<vmem>> -> memref<64xi32, #tpu.memory_space<vmem>>
        %dma_wait3A_983 = arith.constant 0 : i32
        %dma_wait3A_984 = arith.constant 0 : i32
        %dma_wait3A_985 = tpu.memref_slice %arg23[%dma_wait3A_983, %dma_wait3A_984] : memref<4224x128xf32, #tpu.memory_space<vmem_shared>> -> memref<4224x128xf32, #tpu.memory_space<vmem_shared>>
        tpu.wait_indirect_dma semaphore(%arg26 : memref<!tpu.dma_semaphore, #tpu.memory_space<semaphore_mem>>) src(%arg20 : memref<64x128xf32, #tpu.memory_space<vmem>>) dst(%dma_wait3A_985 : memref<4224x128xf32, #tpu.memory_space<vmem_shared>>)
      } else {
      }
      %add3A_943 = arith.constant 1 : i32
      %add3A_944 = arith.addi %while3A_927, %add3A_943 : i32
      %lt3A = arith.cmpi slt, %add3A_944, %shift_right_logical3A_434 : i32
      %convert_element_type3A_945 = arith.extui %lt3A : i1 to i32
      %cond3A_946 = arith.constant 0 : i32
      %cond3A_947 = arith.cmpi ne, %convert_element_type3A_945, %cond3A_946 : i32
      scf.if %cond3A_947 {
        %add3A_964 = arith.constant 1 : i32
        %add3A_965 = arith.addi %while3A_927, %add3A_964 : i32
        %mul3A_966 = arith.constant 64 : i32
        %mul3A_967 = arith.muli %add3A_965, %mul3A_966 : i32
        %sub3A_968 = arith.constant 1 : i32
        %sub3A_969 = arith.subi %sub3A_968, %and3A_928 : i32
        %dma_start3A_970 = arith.constant 0 : i32
        %dma_start3A_971 = arith.constant 0 : i32
        %dma_start3A_972 = tpu.memref_slice %arg19[%sub3A_969, %dma_start3A_970, %dma_start3A_971] : memref<2x64x128xf32, #tpu.memory_space<vmem>> -> memref<1x64x128xf32, #tpu.memory_space<vmem>>
        %dma_start3A_973 = tpu.memref_squeeze %dma_start3A_972 : memref<1x64x128xf32, #tpu.memory_space<vmem>> -> memref<64x128xf32, #tpu.memory_space<vmem>>
        %dma_start3A_974 = tpu.memref_slice %arg16[%mul3A_967] : memref<4096xi32, #tpu.memory_space<vmem>> -> memref<64xi32, #tpu.memory_space<vmem>>
        %dma_start3A_975 = arith.constant 0 : i32
        %dma_start3A_976 = arith.constant 0 : i32
        %dma_start3A_977 = tpu.memref_slice %arg7[%dma_start3A_975, %dma_start3A_976] : memref<10000x128xf32, #tpu.memory_space<hbm>> -> memref<10000x128xf32, #tpu.memory_space<hbm>>
        tpu.enqueue_indirect_dma source(%dma_start3A_977 : memref<10000x128xf32, #tpu.memory_space<hbm>>) target(%dma_start3A_973 : memref<64x128xf32, #tpu.memory_space<vmem>>) offsets(%dma_start3A_974 : memref<64xi32, #tpu.memory_space<vmem>>) semaphore(%arg24 : memref<!tpu.dma_semaphore, #tpu.memory_space<semaphore_mem>>)
      } else {
      }
      %dma_start3A_948 = arith.constant 0 : i32
      %dma_start3A_949 = arith.constant 0 : i32
      %dma_start3A_950 = tpu.memref_slice %arg19[%and3A_928, %dma_start3A_948, %dma_start3A_949] : memref<2x64x128xf32, #tpu.memory_space<vmem>> -> memref<1x64x128xf32, #tpu.memory_space<vmem>>
      %dma_start3A_951 = tpu.memref_squeeze %dma_start3A_950 : memref<1x64x128xf32, #tpu.memory_space<vmem>> -> memref<64x128xf32, #tpu.memory_space<vmem>>
      %dma_start3A_952 = arith.constant 0 : i32
      %dma_start3A_953 = tpu.memref_slice %arg18[%while3A_927, %dma_start3A_952] : memref<64x64xi32, #tpu.memory_space<vmem>> -> memref<1x64xi32, #tpu.memory_space<vmem>>
      %dma_start3A_954 = tpu.memref_squeeze %dma_start3A_953 : memref<1x64xi32, #tpu.memory_space<vmem>> -> memref<64xi32, #tpu.memory_space<vmem>>
      %dma_start3A_955 = arith.constant 0 : i32
      %dma_start3A_956 = arith.constant 0 : i32
      %dma_start3A_957 = tpu.memref_slice %arg22[%dma_start3A_955, %dma_start3A_956] : memref<4224x128xf32, #tpu.memory_space<vmem_shared>> -> memref<4224x128xf32, #tpu.memory_space<vmem_shared>>
      tpu.enqueue_indirect_dma source(%dma_start3A_951 : memref<64x128xf32, #tpu.memory_space<vmem>>) target(%dma_start3A_957 : memref<4224x128xf32, #tpu.memory_space<vmem_shared>>) offsets(%dma_start3A_954 : memref<64xi32, #tpu.memory_space<vmem>>) semaphore(%arg25 : memref<!tpu.dma_semaphore, #tpu.memory_space<semaphore_mem>>) {add = true}
      %dma_start3A_958 = arith.constant 0 : i32
      %dma_start3A_959 = tpu.memref_slice %arg18[%while3A_927, %dma_start3A_958] : memref<64x64xi32, #tpu.memory_space<vmem>> -> memref<1x64xi32, #tpu.memory_space<vmem>>
      %dma_start3A_960 = tpu.memref_squeeze %dma_start3A_959 : memref<1x64xi32, #tpu.memory_space<vmem>> -> memref<64xi32, #tpu.memory_space<vmem>>
      %dma_start3A_961 = arith.constant 0 : i32
      %dma_start3A_962 = arith.constant 0 : i32
      %dma_start3A_963 = tpu.memref_slice %arg23[%dma_start3A_961, %dma_start3A_962] : memref<4224x128xf32, #tpu.memory_space<vmem_shared>> -> memref<4224x128xf32, #tpu.memory_space<vmem_shared>>
      tpu.enqueue_indirect_dma source(%arg20 : memref<64x128xf32, #tpu.memory_space<vmem>>) target(%dma_start3A_963 : memref<4224x128xf32, #tpu.memory_space<vmem_shared>>) offsets(%dma_start3A_960 : memref<64xi32, #tpu.memory_space<vmem>>) semaphore(%arg26 : memref<!tpu.dma_semaphore, #tpu.memory_space<semaphore_mem>>) {add = true}
    }
    %gt3A_458 = arith.constant 0 : i32
    %gt3A_459 = arith.cmpi sgt, %shift_right_logical3A_434, %gt3A_458 : i32
    %convert_element_type3A_460 = arith.extui %gt3A_459 : i1 to i32
    %cond3A_461 = arith.constant 0 : i32
    %cond3A_462 = arith.cmpi ne, %convert_element_type3A_460, %cond3A_461 : i32
    scf.if %cond3A_462 {
      %sub3A_927 = arith.constant 1 : i32
      %sub3A_928 = arith.subi %shift_right_logical3A_434, %sub3A_927 : i32
      %and3A = arith.constant 1 : i32
      %and3A_929 = arith.andi %sub3A_928, %and3A : i32
      %dma_wait3A_930 = arith.constant 0 : i32
      %dma_wait3A_931 = arith.constant 0 : i32
      %dma_wait3A_932 = tpu.memref_slice %arg19[%and3A_929, %dma_wait3A_930, %dma_wait3A_931] : memref<2x64x128xf32, #tpu.memory_space<vmem>> -> memref<1x64x128xf32, #tpu.memory_space<vmem>>
      %dma_wait3A_933 = tpu.memref_squeeze %dma_wait3A_932 : memref<1x64x128xf32, #tpu.memory_space<vmem>> -> memref<64x128xf32, #tpu.memory_space<vmem>>
      %dma_wait3A_934 = arith.constant 0 : i32
      %dma_wait3A_935 = tpu.memref_slice %arg18[%sub3A_928, %dma_wait3A_934] : memref<64x64xi32, #tpu.memory_space<vmem>> -> memref<1x64xi32, #tpu.memory_space<vmem>>
      %dma_wait3A_936 = tpu.memref_squeeze %dma_wait3A_935 : memref<1x64xi32, #tpu.memory_space<vmem>> -> memref<64xi32, #tpu.memory_space<vmem>>
      %dma_wait3A_937 = arith.constant 0 : i32
      %dma_wait3A_938 = arith.constant 0 : i32
      %dma_wait3A_939 = tpu.memref_slice %arg22[%dma_wait3A_937, %dma_wait3A_938] : memref<4224x128xf32, #tpu.memory_space<vmem_shared>> -> memref<4224x128xf32, #tpu.memory_space<vmem_shared>>
      tpu.wait_indirect_dma semaphore(%arg25 : memref<!tpu.dma_semaphore, #tpu.memory_space<semaphore_mem>>) src(%dma_wait3A_933 : memref<64x128xf32, #tpu.memory_space<vmem>>) dst(%dma_wait3A_939 : memref<4224x128xf32, #tpu.memory_space<vmem_shared>>)
      %dma_wait3A_940 = arith.constant 0 : i32
      %dma_wait3A_941 = tpu.memref_slice %arg18[%sub3A_928, %dma_wait3A_940] : memref<64x64xi32, #tpu.memory_space<vmem>> -> memref<1x64xi32, #tpu.memory_space<vmem>>
      %dma_wait3A_942 = tpu.memref_squeeze %dma_wait3A_941 : memref<1x64xi32, #tpu.memory_space<vmem>> -> memref<64xi32, #tpu.memory_space<vmem>>
      %dma_wait3A_943 = arith.constant 0 : i32
      %dma_wait3A_944 = arith.constant 0 : i32
      %dma_wait3A_945 = tpu.memref_slice %arg23[%dma_wait3A_943, %dma_wait3A_944] : memref<4224x128xf32, #tpu.memory_space<vmem_shared>> -> memref<4224x128xf32, #tpu.memory_space<vmem_shared>>
      tpu.wait_indirect_dma semaphore(%arg26 : memref<!tpu.dma_semaphore, #tpu.memory_space<semaphore_mem>>) src(%arg20 : memref<64x128xf32, #tpu.memory_space<vmem>>) dst(%dma_wait3A_945 : memref<4224x128xf32, #tpu.memory_space<vmem_shared>>)
    } else {
    }
    %scan3A_463 = arith.constant 0 : i32
    %scan3A_464 = arith.constant 0 : i32
    %scan3A_465 = arith.constant 2 : i32
    %scan3A_466 = arith.addi %scan3A_464, %scan3A_465 : i32
    %scan3A_467 = arith.constant 1 : i32
    %scan3A_468 = scf.for %scan3A_927 = %scan3A_464 to %scan3A_466 step %scan3A_467 iter_args(%scan3A_928 = %scan3A_463) -> (i32)  : i32 {
      %mul3A_929 = arith.constant 20000 : i32
      %mul3A_930 = arith.muli %arg1, %mul3A_929 : i32
      %add3A_931 = arith.constant 2 : i32
      %add3A_932 = arith.addi %add3A_931, %scan3A_927 : i32
      %mul3A_933 = arith.constant 2000 : i32
      %mul3A_934 = arith.muli %add3A_932, %mul3A_933 : i32
      %add3A_935 = arith.addi %mul3A_930, %mul3A_934 : i32
      %dma_start3A_936 = tpu.memref_slice %arg2[%add3A_935] : memref<320000xi32, #tpu.memory_space<hbm>> -> memref<2000xi32, #tpu.memory_space<hbm>>
      %dma_start3A_937 = tpu.memref_slice %arg2[%add3A_935] : memref<320000xi32, #tpu.memory_space<hbm>> -> memref<2000xi32, #tpu.memory_space<hbm>>
      tpu.enqueue_dma source(%dma_start3A_937 : memref<2000xi32, #tpu.memory_space<hbm>>) target(%arg11 : memref<2000xi32, #tpu.memory_space<vmem>>) target_semaphore(%arg24 : memref<!tpu.dma_semaphore, #tpu.memory_space<semaphore_mem>>)
      %dma_start3A_938 = tpu.memref_slice %arg3[%add3A_935] : memref<320000xi32, #tpu.memory_space<hbm>> -> memref<2000xi32, #tpu.memory_space<hbm>>
      %dma_start3A_939 = tpu.memref_slice %arg3[%add3A_935] : memref<320000xi32, #tpu.memory_space<hbm>> -> memref<2000xi32, #tpu.memory_space<hbm>>
      tpu.enqueue_dma source(%dma_start3A_939 : memref<2000xi32, #tpu.memory_space<hbm>>) target(%arg12 : memref<2000xi32, #tpu.memory_space<vmem>>) target_semaphore(%arg24 : memref<!tpu.dma_semaphore, #tpu.memory_space<semaphore_mem>>)
      %dma_start3A_940 = tpu.memref_slice %arg4[%add3A_935] : memref<320000xi32, #tpu.memory_space<hbm>> -> memref<2000xi32, #tpu.memory_space<hbm>>
      %dma_start3A_941 = tpu.memref_slice %arg4[%add3A_935] : memref<320000xi32, #tpu.memory_space<hbm>> -> memref<2000xi32, #tpu.memory_space<hbm>>
      tpu.enqueue_dma source(%dma_start3A_941 : memref<2000xi32, #tpu.memory_space<hbm>>) target(%arg13 : memref<2000xi32, #tpu.memory_space<vmem>>) target_semaphore(%arg24 : memref<!tpu.dma_semaphore, #tpu.memory_space<semaphore_mem>>)
      %dma_wait3A_942 = tpu.memref_slice %arg2[%add3A_935] : memref<320000xi32, #tpu.memory_space<hbm>> -> memref<2000xi32, #tpu.memory_space<hbm>>
      %dma_wait3A_943 = tpu.memref_slice %arg2[%add3A_935] : memref<320000xi32, #tpu.memory_space<hbm>> -> memref<2000xi32, #tpu.memory_space<hbm>>
      tpu.wait_dma2 semaphore(%arg24 : memref<!tpu.dma_semaphore, #tpu.memory_space<semaphore_mem>>) src(%dma_wait3A_943 : memref<2000xi32, #tpu.memory_space<hbm>>) dst(%arg11 : memref<2000xi32, #tpu.memory_space<vmem>>)
      %dma_wait3A_944 = tpu.memref_slice %arg3[%add3A_935] : memref<320000xi32, #tpu.memory_space<hbm>> -> memref<2000xi32, #tpu.memory_space<hbm>>
      %dma_wait3A_945 = tpu.memref_slice %arg3[%add3A_935] : memref<320000xi32, #tpu.memory_space<hbm>> -> memref<2000xi32, #tpu.memory_space<hbm>>
      tpu.wait_dma2 semaphore(%arg24 : memref<!tpu.dma_semaphore, #tpu.memory_space<semaphore_mem>>) src(%dma_wait3A_945 : memref<2000xi32, #tpu.memory_space<hbm>>) dst(%arg12 : memref<2000xi32, #tpu.memory_space<vmem>>)
      %dma_wait3A_946 = tpu.memref_slice %arg4[%add3A_935] : memref<320000xi32, #tpu.memory_space<hbm>> -> memref<2000xi32, #tpu.memory_space<hbm>>
      %dma_wait3A_947 = tpu.memref_slice %arg4[%add3A_935] : memref<320000xi32, #tpu.memory_space<hbm>> -> memref<2000xi32, #tpu.memory_space<hbm>>
      tpu.wait_dma2 semaphore(%arg24 : memref<!tpu.dma_semaphore, #tpu.memory_space<semaphore_mem>>) src(%dma_wait3A_947 : memref<2000xi32, #tpu.memory_space<hbm>>) dst(%arg13 : memref<2000xi32, #tpu.memory_space<vmem>>)
      %scan3A_948 = arith.constant 0 : i32
      %scan3A_949 = arith.constant 125 : i32
      %scan3A_950 = arith.addi %scan3A_948, %scan3A_949 : i32
      %scan3A_951 = arith.constant 1 : i32
      %scan3A_952 = scf.for %scan3A_954 = %scan3A_948 to %scan3A_950 step %scan3A_951 iter_args(%scan3A_955 = %scan3A_928) -> (i32)  : i32 {
        %mul3A_956 = arith.constant 16 : i32
        %mul3A_957 = arith.muli %scan3A_954, %mul3A_956 : i32
        %get3A = arith.index_cast %mul3A_957 : i32 to index
        %get3A_958 = tpu.vector_load %arg12[%get3A] {strides = array<i32>} : memref<2000xi32, #tpu.memory_space<vmem>>, vector<16xi32>,
        %mul3A_959 = arith.constant 16 : i32
        %mul3A_960 = arith.muli %scan3A_954, %mul3A_959 : i32
        %get3A_961 = arith.index_cast %mul3A_960 : i32 to index
        %get3A_962 = tpu.vector_load %arg13[%get3A_961] {strides = array<i32>} : memref<2000xi32, #tpu.memory_space<vmem>>, vector<16xi32>,
        %mul3A_963 = arith.constant 16 : i32
        %mul3A_964 = arith.muli %scan3A_954, %mul3A_963 : i32
        %get3A_965 = arith.index_cast %mul3A_964 : i32 to index
        %get3A_966 = tpu.vector_load %arg11[%get3A_965] {strides = array<i32>} : memref<2000xi32, #tpu.memory_space<vmem>>, vector<16xi32>,
        %gather3A = tpu.vector_load_idx %arg14[%get3A_958] : memref<10240xi32, #tpu.memory_space<vmem>>[vector<16xi32>], vector<16xi32>,
        %ge3A = arith.constant 0 : i32
        %ge3A_967 = vector.broadcast %ge3A : i32 to vector<16xi32>
        %ge3A_968 = arith.cmpi sge, %gather3A, %ge3A_967 : vector<16xi32>
        %shift_right_logical3A_969 = arith.constant 1 : i32
        %shift_right_logical3A_970 = vector.broadcast %shift_right_logical3A_969 : i32 to vector<16xi32>
        %shift_right_logical3A_971 = arith.shrui %get3A_962, %shift_right_logical3A_970 : vector<16xi32>
        %eq3A = vector.broadcast %arg0 : i32 to vector<16xi32>
        %eq3A_972 = arith.cmpi eq, %shift_right_logical3A_971, %eq3A : vector<16xi32>
        %and3A = arith.andi %ge3A_968, %eq3A_972 : vector<16xi1>
        %mul3A_973 = arith.constant 2 : i32
        %mul3A_974 = vector.broadcast %mul3A_973 : i32 to vector<16xi32>
        %mul3A_975 = arith.muli %gather3A, %mul3A_974 : vector<16xi32>
        %and3A_976 = arith.constant 1 : i32
        %and3A_977 = vector.broadcast %and3A_976 : i32 to vector<16xi32>
        %and3A_978 = arith.andi %get3A_962, %and3A_977 : vector<16xi32>
        %add3A_979 = arith.addi %mul3A_975, %and3A_978 : vector<16xi32>
        %swap3A = arith.index_cast %scan3A_955 : i32 to index
        %swap3A_980 = tpu.vector_load %arg16[%swap3A] masked %and3A {strides = array<i32>} : memref<4096xi32, #tpu.memory_space<vmem>>, vector<16xi32>, vector<16xi1>
        tpu.vector_store %arg16[%swap3A], %get3A_966 masked %and3A {strides = array<i32>} : memref<4096xi32, #tpu.memory_space<vmem>>, vector<16xi32>, vector<16xi1>
        %swap3A_981 = arith.index_cast %scan3A_955 : i32 to index
        %swap3A_982 = tpu.vector_load %arg17[%swap3A_981] masked %and3A {strides = array<i32>} : memref<4096xi32, #tpu.memory_space<vmem>>, vector<16xi32>, vector<16xi1>
        tpu.vector_store %arg17[%swap3A_981], %add3A_979 masked %and3A {strides = array<i32>} : memref<4096xi32, #tpu.memory_space<vmem>>, vector<16xi32>, vector<16xi1>
        %all_reduce_population_count3A = tpu.all_reduce %and3A {dim = 0 : i64, kind = #tpu.reduction_kind<sum>} : vector<16xi1> -> vector<16xi32>
        %reduce_max3A = arith.constant true
        %reduce_max3A_983 = vector.broadcast %reduce_max3A : i1 to vector<16xi1>
        %reduce_max3A_984 = arith.constant -2147483648 : i32
        %reduce_max3A_985 = vector.broadcast %reduce_max3A_984 : i32 to vector<16xi32>
        %reduce_max3A_986 = arith.xori %all_reduce_population_count3A, %reduce_max3A_985 : vector<16xi32>
        %reduce_max3A_987 = tpu.scan <max>, %reduce_max3A_986 masked %reduce_max3A_983 : vector<16xi32>, vector<16xi1> -> vector<16xi32>
        %reduce_max3A_988 = arith.xori %reduce_max3A_987, %reduce_max3A_985 : vector<16xi32>
        %reduce_max3A_989 = vector.extract %reduce_max3A_988[15] : i32 from vector<16xi32>
        %add3A_990 = arith.addi %scan3A_955, %reduce_max3A_989 : i32
        scf.yield %add3A_990 : i32
      }
      %scan3A_953 = arith.constant 125 : i32
      scf.yield %scan3A_952 : i32
    }
    %scan3A_469 = arith.constant 2 : i32
    %scan3A_470 = arith.constant 0 : i32
    %scan3A_471 = arith.constant 0 : i32
    %scan3A_472 = arith.constant 4 : i32
    %scan3A_473 = arith.addi %scan3A_471, %scan3A_472 : i32
    %scan3A_474 = arith.constant 1 : i32
    scf.for %scan3A_927 = %scan3A_471 to %scan3A_473 step %scan3A_474  : i32 {
      %broadcast_in_dim3A = arith.constant 0 : i32
      %broadcast_in_dim3A_928 = vector.broadcast %broadcast_in_dim3A : i32 to vector<16xi32>
      %mul3A_929 = arith.constant 16 : i32
      %mul3A_930 = arith.muli %scan3A_927, %mul3A_929 : i32
      %add3A_931 = arith.addi %scan3A_468, %mul3A_930 : i32
      %swap3A = arith.index_cast %add3A_931 : i32 to index
      %swap3A_932 = tpu.vector_load %arg16[%swap3A] {strides = array<i32>} : memref<4096xi32, #tpu.memory_space<vmem>>, vector<16xi32>,
      tpu.vector_store %arg16[%swap3A], %broadcast_in_dim3A_928 {strides = array<i32>} : memref<4096xi32, #tpu.memory_space<vmem>>, vector<16xi32>,
      %broadcast_in_dim3A_933 = arith.constant 4096 : i32
      %broadcast_in_dim3A_934 = vector.broadcast %broadcast_in_dim3A_933 : i32 to vector<16xi32>
      %mul3A_935 = arith.constant 16 : i32
      %mul3A_936 = arith.muli %scan3A_927, %mul3A_935 : i32
      %add3A_937 = arith.addi %scan3A_468, %mul3A_936 : i32
      %swap3A_938 = arith.index_cast %add3A_937 : i32 to index
      %swap3A_939 = tpu.vector_load %arg17[%swap3A_938] {strides = array<i32>} : memref<4096xi32, #tpu.memory_space<vmem>>, vector<16xi32>,
      tpu.vector_store %arg17[%swap3A_938], %broadcast_in_dim3A_934 {strides = array<i32>} : memref<4096xi32, #tpu.memory_space<vmem>>, vector<16xi32>,
    }
    %scan3A_475 = arith.constant 4 : i32
    %add3A_476 = arith.constant 64 : i32
    %add3A_477 = arith.addi %scan3A_468, %add3A_476 : i32
    %sub3A_478 = arith.constant 1 : i32
    %sub3A_479 = arith.subi %add3A_477, %sub3A_478 : i32
    %shift_right_logical3A_480 = arith.constant 6 : i32
    %shift_right_logical3A_481 = arith.shrui %sub3A_479, %shift_right_logical3A_480 : i32
    %mul3A_482 = arith.constant 4 : i32
    %mul3A_483 = arith.muli %shift_right_logical3A_481, %mul3A_482 : i32
    %while3A_484 = arith.constant 0 : i32
    %while3A_485 = arith.constant 0 : i32
    %while3A_486 = arith.subi %mul3A_483, %while3A_485 : i32
    %while3A_487 = arith.addi %while3A_485, %while3A_486 : i32
    %while3A_488 = arith.constant 1 : i32
    %while3A_489 = arith.divsi %while3A_486, %while3A_488 : i32
    %while3A_490 = arith.muli %while3A_489, %while3A_488 : i32
    %while3A_491 = arith.addi %while3A_485, %while3A_490 : i32
    %while3A_492 = arith.constant 1 : i32
    scf.for %while3A_927 = %while3A_485 to %while3A_491 step %while3A_492  : i32 {
      %mul3A_928 = arith.constant 16 : i32
      %mul3A_929 = arith.muli %while3A_927, %mul3A_928 : i32
      %get3A = arith.index_cast %mul3A_929 : i32 to index
      %get3A_930 = tpu.vector_load %arg17[%get3A] {strides = array<i32>} : memref<4096xi32, #tpu.memory_space<vmem>>, vector<16xi32>,
      %shift_right_logical3A_931 = arith.constant 2 : i32
      %shift_right_logical3A_932 = arith.shrui %while3A_927, %shift_right_logical3A_931 : i32
      %and3A = arith.constant 3 : i32
      %and3A_933 = arith.andi %while3A_927, %and3A : i32
      %mul3A_934 = arith.constant 16 : i32
      %mul3A_935 = arith.muli %and3A_933, %mul3A_934 : i32
      %swap3A = arith.index_cast %shift_right_logical3A_932 : i32 to index
      %swap3A_936 = arith.index_cast %mul3A_935 : i32 to index
      %swap3A_937 = tpu.vector_load %arg18[%swap3A, %swap3A_936] {strides = array<i32>} : memref<64x64xi32, #tpu.memory_space<vmem>>, vector<16xi32>,
      tpu.vector_store %arg18[%swap3A, %swap3A_936], %get3A_930 {strides = array<i32>} : memref<64x64xi32, #tpu.memory_space<vmem>>, vector<16xi32>,
    }
    %while3A_493 = arith.constant 1 : i32
    scf.for %while3A_927 = %while3A_491 to %while3A_487 step %while3A_493  : i32 {
      %mul3A_928 = arith.constant 16 : i32
      %mul3A_929 = arith.muli %while3A_927, %mul3A_928 : i32
      %get3A = arith.index_cast %mul3A_929 : i32 to index
      %get3A_930 = tpu.vector_load %arg17[%get3A] {strides = array<i32>} : memref<4096xi32, #tpu.memory_space<vmem>>, vector<16xi32>,
      %shift_right_logical3A_931 = arith.constant 2 : i32
      %shift_right_logical3A_932 = arith.shrui %while3A_927, %shift_right_logical3A_931 : i32
      %and3A = arith.constant 3 : i32
      %and3A_933 = arith.andi %while3A_927, %and3A : i32
      %mul3A_934 = arith.constant 16 : i32
      %mul3A_935 = arith.muli %and3A_933, %mul3A_934 : i32
      %swap3A = arith.index_cast %shift_right_logical3A_932 : i32 to index
      %swap3A_936 = arith.index_cast %mul3A_935 : i32 to index
      %swap3A_937 = tpu.vector_load %arg18[%swap3A, %swap3A_936] {strides = array<i32>} : memref<64x64xi32, #tpu.memory_space<vmem>>, vector<16xi32>,
      tpu.vector_store %arg18[%swap3A, %swap3A_936], %get3A_930 {strides = array<i32>} : memref<64x64xi32, #tpu.memory_space<vmem>>, vector<16xi32>,
    }
    %gt3A_494 = arith.constant 0 : i32
    %gt3A_495 = arith.cmpi sgt, %shift_right_logical3A_481, %gt3A_494 : i32
    %convert_element_type3A_496 = arith.extui %gt3A_495 : i1 to i32
    %cond3A_497 = arith.constant 0 : i32
    %cond3A_498 = arith.cmpi ne, %convert_element_type3A_496, %cond3A_497 : i32
    scf.if %cond3A_498 {
      %dma_start3A_927 = arith.constant 0 : i32
      %dma_start3A_928 = arith.constant 0 : i32
      %dma_start3A_929 = arith.constant 0 : i32
      %dma_start3A_930 = tpu.memref_slice %arg19[%dma_start3A_927, %dma_start3A_928, %dma_start3A_929] : memref<2x64x128xf32, #tpu.memory_space<vmem>> -> memref<1x64x128xf32, #tpu.memory_space<vmem>>
      %dma_start3A_931 = tpu.memref_squeeze %dma_start3A_930 : memref<1x64x128xf32, #tpu.memory_space<vmem>> -> memref<64x128xf32, #tpu.memory_space<vmem>>
      %dma_start3A_932 = arith.constant 0 : i32
      %dma_start3A_933 = tpu.memref_slice %arg16[%dma_start3A_932] : memref<4096xi32, #tpu.memory_space<vmem>> -> memref<64xi32, #tpu.memory_space<vmem>>
      %dma_start3A_934 = arith.constant 0 : i32
      %dma_start3A_935 = arith.constant 0 : i32
      %dma_start3A_936 = tpu.memref_slice %arg7[%dma_start3A_934, %dma_start3A_935] : memref<10000x128xf32, #tpu.memory_space<hbm>> -> memref<10000x128xf32, #tpu.memory_space<hbm>>
      tpu.enqueue_indirect_dma source(%dma_start3A_936 : memref<10000x128xf32, #tpu.memory_space<hbm>>) target(%dma_start3A_931 : memref<64x128xf32, #tpu.memory_space<vmem>>) offsets(%dma_start3A_933 : memref<64xi32, #tpu.memory_space<vmem>>) semaphore(%arg24 : memref<!tpu.dma_semaphore, #tpu.memory_space<semaphore_mem>>)
    } else {
    }
    %while3A_499 = arith.constant 0 : i32
    %while3A_500 = arith.constant 0 : i32
    %while3A_501 = arith.subi %shift_right_logical3A_481, %while3A_500 : i32
    %while3A_502 = arith.addi %while3A_500, %while3A_501 : i32
    %while3A_503 = arith.constant 1 : i32
    %while3A_504 = arith.divsi %while3A_501, %while3A_503 : i32
    %while3A_505 = arith.muli %while3A_504, %while3A_503 : i32
    %while3A_506 = arith.addi %while3A_500, %while3A_505 : i32
    %while3A_507 = arith.constant 1 : i32
    scf.for %while3A_927 = %while3A_500 to %while3A_506 step %while3A_507  : i32 {
      %and3A = arith.constant 1 : i32
      %and3A_928 = arith.andi %while3A_927, %and3A : i32
      %mul3A_929 = arith.constant 64 : i32
      %mul3A_930 = arith.muli %while3A_927, %mul3A_929 : i32
      %dma_wait3A_931 = arith.constant 0 : i32
      %dma_wait3A_932 = arith.constant 0 : i32
      %dma_wait3A_933 = tpu.memref_slice %arg19[%and3A_928, %dma_wait3A_931, %dma_wait3A_932] : memref<2x64x128xf32, #tpu.memory_space<vmem>> -> memref<1x64x128xf32, #tpu.memory_space<vmem>>
      %dma_wait3A_934 = tpu.memref_squeeze %dma_wait3A_933 : memref<1x64x128xf32, #tpu.memory_space<vmem>> -> memref<64x128xf32, #tpu.memory_space<vmem>>
      %dma_wait3A_935 = tpu.memref_slice %arg16[%mul3A_930] : memref<4096xi32, #tpu.memory_space<vmem>> -> memref<64xi32, #tpu.memory_space<vmem>>
      %dma_wait3A_936 = arith.constant 0 : i32
      %dma_wait3A_937 = arith.constant 0 : i32
      %dma_wait3A_938 = tpu.memref_slice %arg7[%dma_wait3A_936, %dma_wait3A_937] : memref<10000x128xf32, #tpu.memory_space<hbm>> -> memref<10000x128xf32, #tpu.memory_space<hbm>>
      tpu.wait_indirect_dma semaphore(%arg24 : memref<!tpu.dma_semaphore, #tpu.memory_space<semaphore_mem>>) src(%dma_wait3A_938 : memref<10000x128xf32, #tpu.memory_space<hbm>>) dst(%dma_wait3A_934 : memref<64x128xf32, #tpu.memory_space<vmem>>)
      %ge3A = arith.constant 1 : i32
      %ge3A_939 = arith.cmpi sge, %while3A_927, %ge3A : i32
      %convert_element_type3A_940 = arith.extui %ge3A_939 : i1 to i32
      %cond3A_941 = arith.constant 0 : i32
      %cond3A_942 = arith.cmpi ne, %convert_element_type3A_940, %cond3A_941 : i32
      scf.if %cond3A_942 {
        %sub3A_964 = arith.constant 1 : i32
        %sub3A_965 = arith.subi %sub3A_964, %and3A_928 : i32
        %sub3A_966 = arith.constant 1 : i32
        %sub3A_967 = arith.subi %while3A_927, %sub3A_966 : i32
        %dma_wait3A_968 = arith.constant 0 : i32
        %dma_wait3A_969 = arith.constant 0 : i32
        %dma_wait3A_970 = tpu.memref_slice %arg19[%sub3A_965, %dma_wait3A_968, %dma_wait3A_969] : memref<2x64x128xf32, #tpu.memory_space<vmem>> -> memref<1x64x128xf32, #tpu.memory_space<vmem>>
        %dma_wait3A_971 = tpu.memref_squeeze %dma_wait3A_970 : memref<1x64x128xf32, #tpu.memory_space<vmem>> -> memref<64x128xf32, #tpu.memory_space<vmem>>
        %dma_wait3A_972 = arith.constant 0 : i32
        %dma_wait3A_973 = tpu.memref_slice %arg18[%sub3A_967, %dma_wait3A_972] : memref<64x64xi32, #tpu.memory_space<vmem>> -> memref<1x64xi32, #tpu.memory_space<vmem>>
        %dma_wait3A_974 = tpu.memref_squeeze %dma_wait3A_973 : memref<1x64xi32, #tpu.memory_space<vmem>> -> memref<64xi32, #tpu.memory_space<vmem>>
        %dma_wait3A_975 = arith.constant 0 : i32
        %dma_wait3A_976 = arith.constant 0 : i32
        %dma_wait3A_977 = tpu.memref_slice %arg22[%dma_wait3A_975, %dma_wait3A_976] : memref<4224x128xf32, #tpu.memory_space<vmem_shared>> -> memref<4224x128xf32, #tpu.memory_space<vmem_shared>>
        tpu.wait_indirect_dma semaphore(%arg25 : memref<!tpu.dma_semaphore, #tpu.memory_space<semaphore_mem>>) src(%dma_wait3A_971 : memref<64x128xf32, #tpu.memory_space<vmem>>) dst(%dma_wait3A_977 : memref<4224x128xf32, #tpu.memory_space<vmem_shared>>)
        %sub3A_978 = arith.constant 1 : i32
        %sub3A_979 = arith.subi %while3A_927, %sub3A_978 : i32
        %dma_wait3A_980 = arith.constant 0 : i32
        %dma_wait3A_981 = tpu.memref_slice %arg18[%sub3A_979, %dma_wait3A_980] : memref<64x64xi32, #tpu.memory_space<vmem>> -> memref<1x64xi32, #tpu.memory_space<vmem>>
        %dma_wait3A_982 = tpu.memref_squeeze %dma_wait3A_981 : memref<1x64xi32, #tpu.memory_space<vmem>> -> memref<64xi32, #tpu.memory_space<vmem>>
        %dma_wait3A_983 = arith.constant 0 : i32
        %dma_wait3A_984 = arith.constant 0 : i32
        %dma_wait3A_985 = tpu.memref_slice %arg23[%dma_wait3A_983, %dma_wait3A_984] : memref<4224x128xf32, #tpu.memory_space<vmem_shared>> -> memref<4224x128xf32, #tpu.memory_space<vmem_shared>>
        tpu.wait_indirect_dma semaphore(%arg26 : memref<!tpu.dma_semaphore, #tpu.memory_space<semaphore_mem>>) src(%arg20 : memref<64x128xf32, #tpu.memory_space<vmem>>) dst(%dma_wait3A_985 : memref<4224x128xf32, #tpu.memory_space<vmem_shared>>)
      } else {
      }
      %add3A_943 = arith.constant 1 : i32
      %add3A_944 = arith.addi %while3A_927, %add3A_943 : i32
      %lt3A = arith.cmpi slt, %add3A_944, %shift_right_logical3A_481 : i32
      %convert_element_type3A_945 = arith.extui %lt3A : i1 to i32
      %cond3A_946 = arith.constant 0 : i32
      %cond3A_947 = arith.cmpi ne, %convert_element_type3A_945, %cond3A_946 : i32
      scf.if %cond3A_947 {
        %add3A_964 = arith.constant 1 : i32
        %add3A_965 = arith.addi %while3A_927, %add3A_964 : i32
        %mul3A_966 = arith.constant 64 : i32
        %mul3A_967 = arith.muli %add3A_965, %mul3A_966 : i32
        %sub3A_968 = arith.constant 1 : i32
        %sub3A_969 = arith.subi %sub3A_968, %and3A_928 : i32
        %dma_start3A_970 = arith.constant 0 : i32
        %dma_start3A_971 = arith.constant 0 : i32
        %dma_start3A_972 = tpu.memref_slice %arg19[%sub3A_969, %dma_start3A_970, %dma_start3A_971] : memref<2x64x128xf32, #tpu.memory_space<vmem>> -> memref<1x64x128xf32, #tpu.memory_space<vmem>>
        %dma_start3A_973 = tpu.memref_squeeze %dma_start3A_972 : memref<1x64x128xf32, #tpu.memory_space<vmem>> -> memref<64x128xf32, #tpu.memory_space<vmem>>
        %dma_start3A_974 = tpu.memref_slice %arg16[%mul3A_967] : memref<4096xi32, #tpu.memory_space<vmem>> -> memref<64xi32, #tpu.memory_space<vmem>>
        %dma_start3A_975 = arith.constant 0 : i32
        %dma_start3A_976 = arith.constant 0 : i32
        %dma_start3A_977 = tpu.memref_slice %arg7[%dma_start3A_975, %dma_start3A_976] : memref<10000x128xf32, #tpu.memory_space<hbm>> -> memref<10000x128xf32, #tpu.memory_space<hbm>>
        tpu.enqueue_indirect_dma source(%dma_start3A_977 : memref<10000x128xf32, #tpu.memory_space<hbm>>) target(%dma_start3A_973 : memref<64x128xf32, #tpu.memory_space<vmem>>) offsets(%dma_start3A_974 : memref<64xi32, #tpu.memory_space<vmem>>) semaphore(%arg24 : memref<!tpu.dma_semaphore, #tpu.memory_space<semaphore_mem>>)
      } else {
      }
      %dma_start3A_948 = arith.constant 0 : i32
      %dma_start3A_949 = arith.constant 0 : i32
      %dma_start3A_950 = tpu.memref_slice %arg19[%and3A_928, %dma_start3A_948, %dma_start3A_949] : memref<2x64x128xf32, #tpu.memory_space<vmem>> -> memref<1x64x128xf32, #tpu.memory_space<vmem>>
      %dma_start3A_951 = tpu.memref_squeeze %dma_start3A_950 : memref<1x64x128xf32, #tpu.memory_space<vmem>> -> memref<64x128xf32, #tpu.memory_space<vmem>>
      %dma_start3A_952 = arith.constant 0 : i32
      %dma_start3A_953 = tpu.memref_slice %arg18[%while3A_927, %dma_start3A_952] : memref<64x64xi32, #tpu.memory_space<vmem>> -> memref<1x64xi32, #tpu.memory_space<vmem>>
      %dma_start3A_954 = tpu.memref_squeeze %dma_start3A_953 : memref<1x64xi32, #tpu.memory_space<vmem>> -> memref<64xi32, #tpu.memory_space<vmem>>
      %dma_start3A_955 = arith.constant 0 : i32
      %dma_start3A_956 = arith.constant 0 : i32
      %dma_start3A_957 = tpu.memref_slice %arg22[%dma_start3A_955, %dma_start3A_956] : memref<4224x128xf32, #tpu.memory_space<vmem_shared>> -> memref<4224x128xf32, #tpu.memory_space<vmem_shared>>
      tpu.enqueue_indirect_dma source(%dma_start3A_951 : memref<64x128xf32, #tpu.memory_space<vmem>>) target(%dma_start3A_957 : memref<4224x128xf32, #tpu.memory_space<vmem_shared>>) offsets(%dma_start3A_954 : memref<64xi32, #tpu.memory_space<vmem>>) semaphore(%arg25 : memref<!tpu.dma_semaphore, #tpu.memory_space<semaphore_mem>>) {add = true}
      %dma_start3A_958 = arith.constant 0 : i32
      %dma_start3A_959 = tpu.memref_slice %arg18[%while3A_927, %dma_start3A_958] : memref<64x64xi32, #tpu.memory_space<vmem>> -> memref<1x64xi32, #tpu.memory_space<vmem>>
      %dma_start3A_960 = tpu.memref_squeeze %dma_start3A_959 : memref<1x64xi32, #tpu.memory_space<vmem>> -> memref<64xi32, #tpu.memory_space<vmem>>
      %dma_start3A_961 = arith.constant 0 : i32
      %dma_start3A_962 = arith.constant 0 : i32
      %dma_start3A_963 = tpu.memref_slice %arg23[%dma_start3A_961, %dma_start3A_962] : memref<4224x128xf32, #tpu.memory_space<vmem_shared>> -> memref<4224x128xf32, #tpu.memory_space<vmem_shared>>
      tpu.enqueue_indirect_dma source(%arg20 : memref<64x128xf32, #tpu.memory_space<vmem>>) target(%dma_start3A_963 : memref<4224x128xf32, #tpu.memory_space<vmem_shared>>) offsets(%dma_start3A_960 : memref<64xi32, #tpu.memory_space<vmem>>) semaphore(%arg26 : memref<!tpu.dma_semaphore, #tpu.memory_space<semaphore_mem>>) {add = true}
    }
    %while3A_508 = arith.constant 1 : i32
    scf.for %while3A_927 = %while3A_506 to %while3A_502 step %while3A_508  : i32 {
      %and3A = arith.constant 1 : i32
      %and3A_928 = arith.andi %while3A_927, %and3A : i32
      %mul3A_929 = arith.constant 64 : i32
      %mul3A_930 = arith.muli %while3A_927, %mul3A_929 : i32
      %dma_wait3A_931 = arith.constant 0 : i32
      %dma_wait3A_932 = arith.constant 0 : i32
      %dma_wait3A_933 = tpu.memref_slice %arg19[%and3A_928, %dma_wait3A_931, %dma_wait3A_932] : memref<2x64x128xf32, #tpu.memory_space<vmem>> -> memref<1x64x128xf32, #tpu.memory_space<vmem>>
      %dma_wait3A_934 = tpu.memref_squeeze %dma_wait3A_933 : memref<1x64x128xf32, #tpu.memory_space<vmem>> -> memref<64x128xf32, #tpu.memory_space<vmem>>
      %dma_wait3A_935 = tpu.memref_slice %arg16[%mul3A_930] : memref<4096xi32, #tpu.memory_space<vmem>> -> memref<64xi32, #tpu.memory_space<vmem>>
      %dma_wait3A_936 = arith.constant 0 : i32
      %dma_wait3A_937 = arith.constant 0 : i32
      %dma_wait3A_938 = tpu.memref_slice %arg7[%dma_wait3A_936, %dma_wait3A_937] : memref<10000x128xf32, #tpu.memory_space<hbm>> -> memref<10000x128xf32, #tpu.memory_space<hbm>>
      tpu.wait_indirect_dma semaphore(%arg24 : memref<!tpu.dma_semaphore, #tpu.memory_space<semaphore_mem>>) src(%dma_wait3A_938 : memref<10000x128xf32, #tpu.memory_space<hbm>>) dst(%dma_wait3A_934 : memref<64x128xf32, #tpu.memory_space<vmem>>)
      %ge3A = arith.constant 1 : i32
      %ge3A_939 = arith.cmpi sge, %while3A_927, %ge3A : i32
      %convert_element_type3A_940 = arith.extui %ge3A_939 : i1 to i32
      %cond3A_941 = arith.constant 0 : i32
      %cond3A_942 = arith.cmpi ne, %convert_element_type3A_940, %cond3A_941 : i32
      scf.if %cond3A_942 {
        %sub3A_964 = arith.constant 1 : i32
        %sub3A_965 = arith.subi %sub3A_964, %and3A_928 : i32
        %sub3A_966 = arith.constant 1 : i32
        %sub3A_967 = arith.subi %while3A_927, %sub3A_966 : i32
        %dma_wait3A_968 = arith.constant 0 : i32
        %dma_wait3A_969 = arith.constant 0 : i32
        %dma_wait3A_970 = tpu.memref_slice %arg19[%sub3A_965, %dma_wait3A_968, %dma_wait3A_969] : memref<2x64x128xf32, #tpu.memory_space<vmem>> -> memref<1x64x128xf32, #tpu.memory_space<vmem>>
        %dma_wait3A_971 = tpu.memref_squeeze %dma_wait3A_970 : memref<1x64x128xf32, #tpu.memory_space<vmem>> -> memref<64x128xf32, #tpu.memory_space<vmem>>
        %dma_wait3A_972 = arith.constant 0 : i32
        %dma_wait3A_973 = tpu.memref_slice %arg18[%sub3A_967, %dma_wait3A_972] : memref<64x64xi32, #tpu.memory_space<vmem>> -> memref<1x64xi32, #tpu.memory_space<vmem>>
        %dma_wait3A_974 = tpu.memref_squeeze %dma_wait3A_973 : memref<1x64xi32, #tpu.memory_space<vmem>> -> memref<64xi32, #tpu.memory_space<vmem>>
        %dma_wait3A_975 = arith.constant 0 : i32
        %dma_wait3A_976 = arith.constant 0 : i32
        %dma_wait3A_977 = tpu.memref_slice %arg22[%dma_wait3A_975, %dma_wait3A_976] : memref<4224x128xf32, #tpu.memory_space<vmem_shared>> -> memref<4224x128xf32, #tpu.memory_space<vmem_shared>>
        tpu.wait_indirect_dma semaphore(%arg25 : memref<!tpu.dma_semaphore, #tpu.memory_space<semaphore_mem>>) src(%dma_wait3A_971 : memref<64x128xf32, #tpu.memory_space<vmem>>) dst(%dma_wait3A_977 : memref<4224x128xf32, #tpu.memory_space<vmem_shared>>)
        %sub3A_978 = arith.constant 1 : i32
        %sub3A_979 = arith.subi %while3A_927, %sub3A_978 : i32
        %dma_wait3A_980 = arith.constant 0 : i32
        %dma_wait3A_981 = tpu.memref_slice %arg18[%sub3A_979, %dma_wait3A_980] : memref<64x64xi32, #tpu.memory_space<vmem>> -> memref<1x64xi32, #tpu.memory_space<vmem>>
        %dma_wait3A_982 = tpu.memref_squeeze %dma_wait3A_981 : memref<1x64xi32, #tpu.memory_space<vmem>> -> memref<64xi32, #tpu.memory_space<vmem>>
        %dma_wait3A_983 = arith.constant 0 : i32
        %dma_wait3A_984 = arith.constant 0 : i32
        %dma_wait3A_985 = tpu.memref_slice %arg23[%dma_wait3A_983, %dma_wait3A_984] : memref<4224x128xf32, #tpu.memory_space<vmem_shared>> -> memref<4224x128xf32, #tpu.memory_space<vmem_shared>>
        tpu.wait_indirect_dma semaphore(%arg26 : memref<!tpu.dma_semaphore, #tpu.memory_space<semaphore_mem>>) src(%arg20 : memref<64x128xf32, #tpu.memory_space<vmem>>) dst(%dma_wait3A_985 : memref<4224x128xf32, #tpu.memory_space<vmem_shared>>)
      } else {
      }
      %add3A_943 = arith.constant 1 : i32
      %add3A_944 = arith.addi %while3A_927, %add3A_943 : i32
      %lt3A = arith.cmpi slt, %add3A_944, %shift_right_logical3A_481 : i32
      %convert_element_type3A_945 = arith.extui %lt3A : i1 to i32
      %cond3A_946 = arith.constant 0 : i32
      %cond3A_947 = arith.cmpi ne, %convert_element_type3A_945, %cond3A_946 : i32
      scf.if %cond3A_947 {
        %add3A_964 = arith.constant 1 : i32
        %add3A_965 = arith.addi %while3A_927, %add3A_964 : i32
        %mul3A_966 = arith.constant 64 : i32
        %mul3A_967 = arith.muli %add3A_965, %mul3A_966 : i32
        %sub3A_968 = arith.constant 1 : i32
        %sub3A_969 = arith.subi %sub3A_968, %and3A_928 : i32
        %dma_start3A_970 = arith.constant 0 : i32
        %dma_start3A_971 = arith.constant 0 : i32
        %dma_start3A_972 = tpu.memref_slice %arg19[%sub3A_969, %dma_start3A_970, %dma_start3A_971] : memref<2x64x128xf32, #tpu.memory_space<vmem>> -> memref<1x64x128xf32, #tpu.memory_space<vmem>>
        %dma_start3A_973 = tpu.memref_squeeze %dma_start3A_972 : memref<1x64x128xf32, #tpu.memory_space<vmem>> -> memref<64x128xf32, #tpu.memory_space<vmem>>
        %dma_start3A_974 = tpu.memref_slice %arg16[%mul3A_967] : memref<4096xi32, #tpu.memory_space<vmem>> -> memref<64xi32, #tpu.memory_space<vmem>>
        %dma_start3A_975 = arith.constant 0 : i32
        %dma_start3A_976 = arith.constant 0 : i32
        %dma_start3A_977 = tpu.memref_slice %arg7[%dma_start3A_975, %dma_start3A_976] : memref<10000x128xf32, #tpu.memory_space<hbm>> -> memref<10000x128xf32, #tpu.memory_space<hbm>>
        tpu.enqueue_indirect_dma source(%dma_start3A_977 : memref<10000x128xf32, #tpu.memory_space<hbm>>) target(%dma_start3A_973 : memref<64x128xf32, #tpu.memory_space<vmem>>) offsets(%dma_start3A_974 : memref<64xi32, #tpu.memory_space<vmem>>) semaphore(%arg24 : memref<!tpu.dma_semaphore, #tpu.memory_space<semaphore_mem>>)
      } else {
      }
      %dma_start3A_948 = arith.constant 0 : i32
      %dma_start3A_949 = arith.constant 0 : i32
      %dma_start3A_950 = tpu.memref_slice %arg19[%and3A_928, %dma_start3A_948, %dma_start3A_949] : memref<2x64x128xf32, #tpu.memory_space<vmem>> -> memref<1x64x128xf32, #tpu.memory_space<vmem>>
      %dma_start3A_951 = tpu.memref_squeeze %dma_start3A_950 : memref<1x64x128xf32, #tpu.memory_space<vmem>> -> memref<64x128xf32, #tpu.memory_space<vmem>>
      %dma_start3A_952 = arith.constant 0 : i32
      %dma_start3A_953 = tpu.memref_slice %arg18[%while3A_927, %dma_start3A_952] : memref<64x64xi32, #tpu.memory_space<vmem>> -> memref<1x64xi32, #tpu.memory_space<vmem>>
      %dma_start3A_954 = tpu.memref_squeeze %dma_start3A_953 : memref<1x64xi32, #tpu.memory_space<vmem>> -> memref<64xi32, #tpu.memory_space<vmem>>
      %dma_start3A_955 = arith.constant 0 : i32
      %dma_start3A_956 = arith.constant 0 : i32
      %dma_start3A_957 = tpu.memref_slice %arg22[%dma_start3A_955, %dma_start3A_956] : memref<4224x128xf32, #tpu.memory_space<vmem_shared>> -> memref<4224x128xf32, #tpu.memory_space<vmem_shared>>
      tpu.enqueue_indirect_dma source(%dma_start3A_951 : memref<64x128xf32, #tpu.memory_space<vmem>>) target(%dma_start3A_957 : memref<4224x128xf32, #tpu.memory_space<vmem_shared>>) offsets(%dma_start3A_954 : memref<64xi32, #tpu.memory_space<vmem>>) semaphore(%arg25 : memref<!tpu.dma_semaphore, #tpu.memory_space<semaphore_mem>>) {add = true}
      %dma_start3A_958 = arith.constant 0 : i32
      %dma_start3A_959 = tpu.memref_slice %arg18[%while3A_927, %dma_start3A_958] : memref<64x64xi32, #tpu.memory_space<vmem>> -> memref<1x64xi32, #tpu.memory_space<vmem>>
      %dma_start3A_960 = tpu.memref_squeeze %dma_start3A_959 : memref<1x64xi32, #tpu.memory_space<vmem>> -> memref<64xi32, #tpu.memory_space<vmem>>
      %dma_start3A_961 = arith.constant 0 : i32
      %dma_start3A_962 = arith.constant 0 : i32
      %dma_start3A_963 = tpu.memref_slice %arg23[%dma_start3A_961, %dma_start3A_962] : memref<4224x128xf32, #tpu.memory_space<vmem_shared>> -> memref<4224x128xf32, #tpu.memory_space<vmem_shared>>
      tpu.enqueue_indirect_dma source(%arg20 : memref<64x128xf32, #tpu.memory_space<vmem>>) target(%dma_start3A_963 : memref<4224x128xf32, #tpu.memory_space<vmem_shared>>) offsets(%dma_start3A_960 : memref<64xi32, #tpu.memory_space<vmem>>) semaphore(%arg26 : memref<!tpu.dma_semaphore, #tpu.memory_space<semaphore_mem>>) {add = true}
    }
    %gt3A_509 = arith.constant 0 : i32
    %gt3A_510 = arith.cmpi sgt, %shift_right_logical3A_481, %gt3A_509 : i32
    %convert_element_type3A_511 = arith.extui %gt3A_510 : i1 to i32
    %cond3A_512 = arith.constant 0 : i32
    %cond3A_513 = arith.cmpi ne, %convert_element_type3A_511, %cond3A_512 : i32
    scf.if %cond3A_513 {
      %sub3A_927 = arith.constant 1 : i32
      %sub3A_928 = arith.subi %shift_right_logical3A_481, %sub3A_927 : i32
      %and3A = arith.constant 1 : i32
      %and3A_929 = arith.andi %sub3A_928, %and3A : i32
      %dma_wait3A_930 = arith.constant 0 : i32
      %dma_wait3A_931 = arith.constant 0 : i32
      %dma_wait3A_932 = tpu.memref_slice %arg19[%and3A_929, %dma_wait3A_930, %dma_wait3A_931] : memref<2x64x128xf32, #tpu.memory_space<vmem>> -> memref<1x64x128xf32, #tpu.memory_space<vmem>>
      %dma_wait3A_933 = tpu.memref_squeeze %dma_wait3A_932 : memref<1x64x128xf32, #tpu.memory_space<vmem>> -> memref<64x128xf32, #tpu.memory_space<vmem>>
      %dma_wait3A_934 = arith.constant 0 : i32
      %dma_wait3A_935 = tpu.memref_slice %arg18[%sub3A_928, %dma_wait3A_934] : memref<64x64xi32, #tpu.memory_space<vmem>> -> memref<1x64xi32, #tpu.memory_space<vmem>>
      %dma_wait3A_936 = tpu.memref_squeeze %dma_wait3A_935 : memref<1x64xi32, #tpu.memory_space<vmem>> -> memref<64xi32, #tpu.memory_space<vmem>>
      %dma_wait3A_937 = arith.constant 0 : i32
      %dma_wait3A_938 = arith.constant 0 : i32
      %dma_wait3A_939 = tpu.memref_slice %arg22[%dma_wait3A_937, %dma_wait3A_938] : memref<4224x128xf32, #tpu.memory_space<vmem_shared>> -> memref<4224x128xf32, #tpu.memory_space<vmem_shared>>
      tpu.wait_indirect_dma semaphore(%arg25 : memref<!tpu.dma_semaphore, #tpu.memory_space<semaphore_mem>>) src(%dma_wait3A_933 : memref<64x128xf32, #tpu.memory_space<vmem>>) dst(%dma_wait3A_939 : memref<4224x128xf32, #tpu.memory_space<vmem_shared>>)
      %dma_wait3A_940 = arith.constant 0 : i32
      %dma_wait3A_941 = tpu.memref_slice %arg18[%sub3A_928, %dma_wait3A_940] : memref<64x64xi32, #tpu.memory_space<vmem>> -> memref<1x64xi32, #tpu.memory_space<vmem>>
      %dma_wait3A_942 = tpu.memref_squeeze %dma_wait3A_941 : memref<1x64xi32, #tpu.memory_space<vmem>> -> memref<64xi32, #tpu.memory_space<vmem>>
      %dma_wait3A_943 = arith.constant 0 : i32
      %dma_wait3A_944 = arith.constant 0 : i32
      %dma_wait3A_945 = tpu.memref_slice %arg23[%dma_wait3A_943, %dma_wait3A_944] : memref<4224x128xf32, #tpu.memory_space<vmem_shared>> -> memref<4224x128xf32, #tpu.memory_space<vmem_shared>>
      tpu.wait_indirect_dma semaphore(%arg26 : memref<!tpu.dma_semaphore, #tpu.memory_space<semaphore_mem>>) src(%arg20 : memref<64x128xf32, #tpu.memory_space<vmem>>) dst(%dma_wait3A_945 : memref<4224x128xf32, #tpu.memory_space<vmem_shared>>)
    } else {
    }
    %scan3A_514 = arith.constant 0 : i32
    %scan3A_515 = arith.constant 0 : i32
    %scan3A_516 = arith.constant 2 : i32
    %scan3A_517 = arith.addi %scan3A_515, %scan3A_516 : i32
    %scan3A_518 = arith.constant 1 : i32
    %scan3A_519 = scf.for %scan3A_927 = %scan3A_515 to %scan3A_517 step %scan3A_518 iter_args(%scan3A_928 = %scan3A_514) -> (i32)  : i32 {
      %mul3A_929 = arith.constant 20000 : i32
      %mul3A_930 = arith.muli %arg1, %mul3A_929 : i32
      %add3A_931 = arith.constant 4 : i32
      %add3A_932 = arith.addi %add3A_931, %scan3A_927 : i32
      %mul3A_933 = arith.constant 2000 : i32
      %mul3A_934 = arith.muli %add3A_932, %mul3A_933 : i32
      %add3A_935 = arith.addi %mul3A_930, %mul3A_934 : i32
      %dma_start3A_936 = tpu.memref_slice %arg2[%add3A_935] : memref<320000xi32, #tpu.memory_space<hbm>> -> memref<2000xi32, #tpu.memory_space<hbm>>
      %dma_start3A_937 = tpu.memref_slice %arg2[%add3A_935] : memref<320000xi32, #tpu.memory_space<hbm>> -> memref<2000xi32, #tpu.memory_space<hbm>>
      tpu.enqueue_dma source(%dma_start3A_937 : memref<2000xi32, #tpu.memory_space<hbm>>) target(%arg11 : memref<2000xi32, #tpu.memory_space<vmem>>) target_semaphore(%arg24 : memref<!tpu.dma_semaphore, #tpu.memory_space<semaphore_mem>>)
      %dma_start3A_938 = tpu.memref_slice %arg3[%add3A_935] : memref<320000xi32, #tpu.memory_space<hbm>> -> memref<2000xi32, #tpu.memory_space<hbm>>
      %dma_start3A_939 = tpu.memref_slice %arg3[%add3A_935] : memref<320000xi32, #tpu.memory_space<hbm>> -> memref<2000xi32, #tpu.memory_space<hbm>>
      tpu.enqueue_dma source(%dma_start3A_939 : memref<2000xi32, #tpu.memory_space<hbm>>) target(%arg12 : memref<2000xi32, #tpu.memory_space<vmem>>) target_semaphore(%arg24 : memref<!tpu.dma_semaphore, #tpu.memory_space<semaphore_mem>>)
      %dma_start3A_940 = tpu.memref_slice %arg4[%add3A_935] : memref<320000xi32, #tpu.memory_space<hbm>> -> memref<2000xi32, #tpu.memory_space<hbm>>
      %dma_start3A_941 = tpu.memref_slice %arg4[%add3A_935] : memref<320000xi32, #tpu.memory_space<hbm>> -> memref<2000xi32, #tpu.memory_space<hbm>>
      tpu.enqueue_dma source(%dma_start3A_941 : memref<2000xi32, #tpu.memory_space<hbm>>) target(%arg13 : memref<2000xi32, #tpu.memory_space<vmem>>) target_semaphore(%arg24 : memref<!tpu.dma_semaphore, #tpu.memory_space<semaphore_mem>>)
      %dma_wait3A_942 = tpu.memref_slice %arg2[%add3A_935] : memref<320000xi32, #tpu.memory_space<hbm>> -> memref<2000xi32, #tpu.memory_space<hbm>>
      %dma_wait3A_943 = tpu.memref_slice %arg2[%add3A_935] : memref<320000xi32, #tpu.memory_space<hbm>> -> memref<2000xi32, #tpu.memory_space<hbm>>
      tpu.wait_dma2 semaphore(%arg24 : memref<!tpu.dma_semaphore, #tpu.memory_space<semaphore_mem>>) src(%dma_wait3A_943 : memref<2000xi32, #tpu.memory_space<hbm>>) dst(%arg11 : memref<2000xi32, #tpu.memory_space<vmem>>)
      %dma_wait3A_944 = tpu.memref_slice %arg3[%add3A_935] : memref<320000xi32, #tpu.memory_space<hbm>> -> memref<2000xi32, #tpu.memory_space<hbm>>
      %dma_wait3A_945 = tpu.memref_slice %arg3[%add3A_935] : memref<320000xi32, #tpu.memory_space<hbm>> -> memref<2000xi32, #tpu.memory_space<hbm>>
      tpu.wait_dma2 semaphore(%arg24 : memref<!tpu.dma_semaphore, #tpu.memory_space<semaphore_mem>>) src(%dma_wait3A_945 : memref<2000xi32, #tpu.memory_space<hbm>>) dst(%arg12 : memref<2000xi32, #tpu.memory_space<vmem>>)
      %dma_wait3A_946 = tpu.memref_slice %arg4[%add3A_935] : memref<320000xi32, #tpu.memory_space<hbm>> -> memref<2000xi32, #tpu.memory_space<hbm>>
      %dma_wait3A_947 = tpu.memref_slice %arg4[%add3A_935] : memref<320000xi32, #tpu.memory_space<hbm>> -> memref<2000xi32, #tpu.memory_space<hbm>>
      tpu.wait_dma2 semaphore(%arg24 : memref<!tpu.dma_semaphore, #tpu.memory_space<semaphore_mem>>) src(%dma_wait3A_947 : memref<2000xi32, #tpu.memory_space<hbm>>) dst(%arg13 : memref<2000xi32, #tpu.memory_space<vmem>>)
      %scan3A_948 = arith.constant 0 : i32
      %scan3A_949 = arith.constant 125 : i32
      %scan3A_950 = arith.addi %scan3A_948, %scan3A_949 : i32
      %scan3A_951 = arith.constant 1 : i32
      %scan3A_952 = scf.for %scan3A_954 = %scan3A_948 to %scan3A_950 step %scan3A_951 iter_args(%scan3A_955 = %scan3A_928) -> (i32)  : i32 {
        %mul3A_956 = arith.constant 16 : i32
        %mul3A_957 = arith.muli %scan3A_954, %mul3A_956 : i32
        %get3A = arith.index_cast %mul3A_957 : i32 to index
        %get3A_958 = tpu.vector_load %arg12[%get3A] {strides = array<i32>} : memref<2000xi32, #tpu.memory_space<vmem>>, vector<16xi32>,
        %mul3A_959 = arith.constant 16 : i32
        %mul3A_960 = arith.muli %scan3A_954, %mul3A_959 : i32
        %get3A_961 = arith.index_cast %mul3A_960 : i32 to index
        %get3A_962 = tpu.vector_load %arg13[%get3A_961] {strides = array<i32>} : memref<2000xi32, #tpu.memory_space<vmem>>, vector<16xi32>,
        %mul3A_963 = arith.constant 16 : i32
        %mul3A_964 = arith.muli %scan3A_954, %mul3A_963 : i32
        %get3A_965 = arith.index_cast %mul3A_964 : i32 to index
        %get3A_966 = tpu.vector_load %arg11[%get3A_965] {strides = array<i32>} : memref<2000xi32, #tpu.memory_space<vmem>>, vector<16xi32>,
        %gather3A = tpu.vector_load_idx %arg14[%get3A_958] : memref<10240xi32, #tpu.memory_space<vmem>>[vector<16xi32>], vector<16xi32>,
        %ge3A = arith.constant 0 : i32
        %ge3A_967 = vector.broadcast %ge3A : i32 to vector<16xi32>
        %ge3A_968 = arith.cmpi sge, %gather3A, %ge3A_967 : vector<16xi32>
        %shift_right_logical3A_969 = arith.constant 1 : i32
        %shift_right_logical3A_970 = vector.broadcast %shift_right_logical3A_969 : i32 to vector<16xi32>
        %shift_right_logical3A_971 = arith.shrui %get3A_962, %shift_right_logical3A_970 : vector<16xi32>
        %eq3A = vector.broadcast %arg0 : i32 to vector<16xi32>
        %eq3A_972 = arith.cmpi eq, %shift_right_logical3A_971, %eq3A : vector<16xi32>
        %and3A = arith.andi %ge3A_968, %eq3A_972 : vector<16xi1>
        %mul3A_973 = arith.constant 2 : i32
        %mul3A_974 = vector.broadcast %mul3A_973 : i32 to vector<16xi32>
        %mul3A_975 = arith.muli %gather3A, %mul3A_974 : vector<16xi32>
        %and3A_976 = arith.constant 1 : i32
        %and3A_977 = vector.broadcast %and3A_976 : i32 to vector<16xi32>
        %and3A_978 = arith.andi %get3A_962, %and3A_977 : vector<16xi32>
        %add3A_979 = arith.addi %mul3A_975, %and3A_978 : vector<16xi32>
        %swap3A = arith.index_cast %scan3A_955 : i32 to index
        %swap3A_980 = tpu.vector_load %arg16[%swap3A] masked %and3A {strides = array<i32>} : memref<4096xi32, #tpu.memory_space<vmem>>, vector<16xi32>, vector<16xi1>
        tpu.vector_store %arg16[%swap3A], %get3A_966 masked %and3A {strides = array<i32>} : memref<4096xi32, #tpu.memory_space<vmem>>, vector<16xi32>, vector<16xi1>
        %swap3A_981 = arith.index_cast %scan3A_955 : i32 to index
        %swap3A_982 = tpu.vector_load %arg17[%swap3A_981] masked %and3A {strides = array<i32>} : memref<4096xi32, #tpu.memory_space<vmem>>, vector<16xi32>, vector<16xi1>
        tpu.vector_store %arg17[%swap3A_981], %add3A_979 masked %and3A {strides = array<i32>} : memref<4096xi32, #tpu.memory_space<vmem>>, vector<16xi32>, vector<16xi1>
        %all_reduce_population_count3A = tpu.all_reduce %and3A {dim = 0 : i64, kind = #tpu.reduction_kind<sum>} : vector<16xi1> -> vector<16xi32>
        %reduce_max3A = arith.constant true
        %reduce_max3A_983 = vector.broadcast %reduce_max3A : i1 to vector<16xi1>
        %reduce_max3A_984 = arith.constant -2147483648 : i32
        %reduce_max3A_985 = vector.broadcast %reduce_max3A_984 : i32 to vector<16xi32>
        %reduce_max3A_986 = arith.xori %all_reduce_population_count3A, %reduce_max3A_985 : vector<16xi32>
        %reduce_max3A_987 = tpu.scan <max>, %reduce_max3A_986 masked %reduce_max3A_983 : vector<16xi32>, vector<16xi1> -> vector<16xi32>
        %reduce_max3A_988 = arith.xori %reduce_max3A_987, %reduce_max3A_985 : vector<16xi32>
        %reduce_max3A_989 = vector.extract %reduce_max3A_988[15] : i32 from vector<16xi32>
        %add3A_990 = arith.addi %scan3A_955, %reduce_max3A_989 : i32
        scf.yield %add3A_990 : i32
      }
      %scan3A_953 = arith.constant 125 : i32
      scf.yield %scan3A_952 : i32
    }
    %scan3A_520 = arith.constant 2 : i32
    %scan3A_521 = arith.constant 0 : i32
    %scan3A_522 = arith.constant 0 : i32
    %scan3A_523 = arith.constant 4 : i32
    %scan3A_524 = arith.addi %scan3A_522, %scan3A_523 : i32
    %scan3A_525 = arith.constant 1 : i32
    scf.for %scan3A_927 = %scan3A_522 to %scan3A_524 step %scan3A_525  : i32 {
      %broadcast_in_dim3A = arith.constant 0 : i32
      %broadcast_in_dim3A_928 = vector.broadcast %broadcast_in_dim3A : i32 to vector<16xi32>
      %mul3A_929 = arith.constant 16 : i32
      %mul3A_930 = arith.muli %scan3A_927, %mul3A_929 : i32
      %add3A_931 = arith.addi %scan3A_519, %mul3A_930 : i32
      %swap3A = arith.index_cast %add3A_931 : i32 to index
      %swap3A_932 = tpu.vector_load %arg16[%swap3A] {strides = array<i32>} : memref<4096xi32, #tpu.memory_space<vmem>>, vector<16xi32>,
      tpu.vector_store %arg16[%swap3A], %broadcast_in_dim3A_928 {strides = array<i32>} : memref<4096xi32, #tpu.memory_space<vmem>>, vector<16xi32>,
      %broadcast_in_dim3A_933 = arith.constant 4096 : i32
      %broadcast_in_dim3A_934 = vector.broadcast %broadcast_in_dim3A_933 : i32 to vector<16xi32>
      %mul3A_935 = arith.constant 16 : i32
      %mul3A_936 = arith.muli %scan3A_927, %mul3A_935 : i32
      %add3A_937 = arith.addi %scan3A_519, %mul3A_936 : i32
      %swap3A_938 = arith.index_cast %add3A_937 : i32 to index
      %swap3A_939 = tpu.vector_load %arg17[%swap3A_938] {strides = array<i32>} : memref<4096xi32, #tpu.memory_space<vmem>>, vector<16xi32>,
      tpu.vector_store %arg17[%swap3A_938], %broadcast_in_dim3A_934 {strides = array<i32>} : memref<4096xi32, #tpu.memory_space<vmem>>, vector<16xi32>,
    }
    %scan3A_526 = arith.constant 4 : i32
    %add3A_527 = arith.constant 64 : i32
    %add3A_528 = arith.addi %scan3A_519, %add3A_527 : i32
    %sub3A_529 = arith.constant 1 : i32
    %sub3A_530 = arith.subi %add3A_528, %sub3A_529 : i32
    %shift_right_logical3A_531 = arith.constant 6 : i32
    %shift_right_logical3A_532 = arith.shrui %sub3A_530, %shift_right_logical3A_531 : i32
    %mul3A_533 = arith.constant 4 : i32
    %mul3A_534 = arith.muli %shift_right_logical3A_532, %mul3A_533 : i32
    %while3A_535 = arith.constant 0 : i32
    %while3A_536 = arith.constant 0 : i32
    %while3A_537 = arith.subi %mul3A_534, %while3A_536 : i32
    %while3A_538 = arith.addi %while3A_536, %while3A_537 : i32
    %while3A_539 = arith.constant 1 : i32
    %while3A_540 = arith.divsi %while3A_537, %while3A_539 : i32
    %while3A_541 = arith.muli %while3A_540, %while3A_539 : i32
    %while3A_542 = arith.addi %while3A_536, %while3A_541 : i32
    %while3A_543 = arith.constant 1 : i32
    scf.for %while3A_927 = %while3A_536 to %while3A_542 step %while3A_543  : i32 {
      %mul3A_928 = arith.constant 16 : i32
      %mul3A_929 = arith.muli %while3A_927, %mul3A_928 : i32
      %get3A = arith.index_cast %mul3A_929 : i32 to index
      %get3A_930 = tpu.vector_load %arg17[%get3A] {strides = array<i32>} : memref<4096xi32, #tpu.memory_space<vmem>>, vector<16xi32>,
      %shift_right_logical3A_931 = arith.constant 2 : i32
      %shift_right_logical3A_932 = arith.shrui %while3A_927, %shift_right_logical3A_931 : i32
      %and3A = arith.constant 3 : i32
      %and3A_933 = arith.andi %while3A_927, %and3A : i32
      %mul3A_934 = arith.constant 16 : i32
      %mul3A_935 = arith.muli %and3A_933, %mul3A_934 : i32
      %swap3A = arith.index_cast %shift_right_logical3A_932 : i32 to index
      %swap3A_936 = arith.index_cast %mul3A_935 : i32 to index
      %swap3A_937 = tpu.vector_load %arg18[%swap3A, %swap3A_936] {strides = array<i32>} : memref<64x64xi32, #tpu.memory_space<vmem>>, vector<16xi32>,
      tpu.vector_store %arg18[%swap3A, %swap3A_936], %get3A_930 {strides = array<i32>} : memref<64x64xi32, #tpu.memory_space<vmem>>, vector<16xi32>,
    }
    %while3A_544 = arith.constant 1 : i32
    scf.for %while3A_927 = %while3A_542 to %while3A_538 step %while3A_544  : i32 {
      %mul3A_928 = arith.constant 16 : i32
      %mul3A_929 = arith.muli %while3A_927, %mul3A_928 : i32
      %get3A = arith.index_cast %mul3A_929 : i32 to index
      %get3A_930 = tpu.vector_load %arg17[%get3A] {strides = array<i32>} : memref<4096xi32, #tpu.memory_space<vmem>>, vector<16xi32>,
      %shift_right_logical3A_931 = arith.constant 2 : i32
      %shift_right_logical3A_932 = arith.shrui %while3A_927, %shift_right_logical3A_931 : i32
      %and3A = arith.constant 3 : i32
      %and3A_933 = arith.andi %while3A_927, %and3A : i32
      %mul3A_934 = arith.constant 16 : i32
      %mul3A_935 = arith.muli %and3A_933, %mul3A_934 : i32
      %swap3A = arith.index_cast %shift_right_logical3A_932 : i32 to index
      %swap3A_936 = arith.index_cast %mul3A_935 : i32 to index
      %swap3A_937 = tpu.vector_load %arg18[%swap3A, %swap3A_936] {strides = array<i32>} : memref<64x64xi32, #tpu.memory_space<vmem>>, vector<16xi32>,
      tpu.vector_store %arg18[%swap3A, %swap3A_936], %get3A_930 {strides = array<i32>} : memref<64x64xi32, #tpu.memory_space<vmem>>, vector<16xi32>,
    }
    %gt3A_545 = arith.constant 0 : i32
    %gt3A_546 = arith.cmpi sgt, %shift_right_logical3A_532, %gt3A_545 : i32
    %convert_element_type3A_547 = arith.extui %gt3A_546 : i1 to i32
    %cond3A_548 = arith.constant 0 : i32
    %cond3A_549 = arith.cmpi ne, %convert_element_type3A_547, %cond3A_548 : i32
    scf.if %cond3A_549 {
      %dma_start3A_927 = arith.constant 0 : i32
      %dma_start3A_928 = arith.constant 0 : i32
      %dma_start3A_929 = arith.constant 0 : i32
      %dma_start3A_930 = tpu.memref_slice %arg19[%dma_start3A_927, %dma_start3A_928, %dma_start3A_929] : memref<2x64x128xf32, #tpu.memory_space<vmem>> -> memref<1x64x128xf32, #tpu.memory_space<vmem>>
      %dma_start3A_931 = tpu.memref_squeeze %dma_start3A_930 : memref<1x64x128xf32, #tpu.memory_space<vmem>> -> memref<64x128xf32, #tpu.memory_space<vmem>>
      %dma_start3A_932 = arith.constant 0 : i32
      %dma_start3A_933 = tpu.memref_slice %arg16[%dma_start3A_932] : memref<4096xi32, #tpu.memory_space<vmem>> -> memref<64xi32, #tpu.memory_space<vmem>>
      %dma_start3A_934 = arith.constant 0 : i32
      %dma_start3A_935 = arith.constant 0 : i32
      %dma_start3A_936 = tpu.memref_slice %arg7[%dma_start3A_934, %dma_start3A_935] : memref<10000x128xf32, #tpu.memory_space<hbm>> -> memref<10000x128xf32, #tpu.memory_space<hbm>>
      tpu.enqueue_indirect_dma source(%dma_start3A_936 : memref<10000x128xf32, #tpu.memory_space<hbm>>) target(%dma_start3A_931 : memref<64x128xf32, #tpu.memory_space<vmem>>) offsets(%dma_start3A_933 : memref<64xi32, #tpu.memory_space<vmem>>) semaphore(%arg24 : memref<!tpu.dma_semaphore, #tpu.memory_space<semaphore_mem>>)
    } else {
    }
    %while3A_550 = arith.constant 0 : i32
    %while3A_551 = arith.constant 0 : i32
    %while3A_552 = arith.subi %shift_right_logical3A_532, %while3A_551 : i32
    %while3A_553 = arith.addi %while3A_551, %while3A_552 : i32
    %while3A_554 = arith.constant 1 : i32
    %while3A_555 = arith.divsi %while3A_552, %while3A_554 : i32
    %while3A_556 = arith.muli %while3A_555, %while3A_554 : i32
    %while3A_557 = arith.addi %while3A_551, %while3A_556 : i32
    %while3A_558 = arith.constant 1 : i32
    scf.for %while3A_927 = %while3A_551 to %while3A_557 step %while3A_558  : i32 {
      %and3A = arith.constant 1 : i32
      %and3A_928 = arith.andi %while3A_927, %and3A : i32
      %mul3A_929 = arith.constant 64 : i32
      %mul3A_930 = arith.muli %while3A_927, %mul3A_929 : i32
      %dma_wait3A_931 = arith.constant 0 : i32
      %dma_wait3A_932 = arith.constant 0 : i32
      %dma_wait3A_933 = tpu.memref_slice %arg19[%and3A_928, %dma_wait3A_931, %dma_wait3A_932] : memref<2x64x128xf32, #tpu.memory_space<vmem>> -> memref<1x64x128xf32, #tpu.memory_space<vmem>>
      %dma_wait3A_934 = tpu.memref_squeeze %dma_wait3A_933 : memref<1x64x128xf32, #tpu.memory_space<vmem>> -> memref<64x128xf32, #tpu.memory_space<vmem>>
      %dma_wait3A_935 = tpu.memref_slice %arg16[%mul3A_930] : memref<4096xi32, #tpu.memory_space<vmem>> -> memref<64xi32, #tpu.memory_space<vmem>>
      %dma_wait3A_936 = arith.constant 0 : i32
      %dma_wait3A_937 = arith.constant 0 : i32
      %dma_wait3A_938 = tpu.memref_slice %arg7[%dma_wait3A_936, %dma_wait3A_937] : memref<10000x128xf32, #tpu.memory_space<hbm>> -> memref<10000x128xf32, #tpu.memory_space<hbm>>
      tpu.wait_indirect_dma semaphore(%arg24 : memref<!tpu.dma_semaphore, #tpu.memory_space<semaphore_mem>>) src(%dma_wait3A_938 : memref<10000x128xf32, #tpu.memory_space<hbm>>) dst(%dma_wait3A_934 : memref<64x128xf32, #tpu.memory_space<vmem>>)
      %ge3A = arith.constant 1 : i32
      %ge3A_939 = arith.cmpi sge, %while3A_927, %ge3A : i32
      %convert_element_type3A_940 = arith.extui %ge3A_939 : i1 to i32
      %cond3A_941 = arith.constant 0 : i32
      %cond3A_942 = arith.cmpi ne, %convert_element_type3A_940, %cond3A_941 : i32
      scf.if %cond3A_942 {
        %sub3A_964 = arith.constant 1 : i32
        %sub3A_965 = arith.subi %sub3A_964, %and3A_928 : i32
        %sub3A_966 = arith.constant 1 : i32
        %sub3A_967 = arith.subi %while3A_927, %sub3A_966 : i32
        %dma_wait3A_968 = arith.constant 0 : i32
        %dma_wait3A_969 = arith.constant 0 : i32
        %dma_wait3A_970 = tpu.memref_slice %arg19[%sub3A_965, %dma_wait3A_968, %dma_wait3A_969] : memref<2x64x128xf32, #tpu.memory_space<vmem>> -> memref<1x64x128xf32, #tpu.memory_space<vmem>>
        %dma_wait3A_971 = tpu.memref_squeeze %dma_wait3A_970 : memref<1x64x128xf32, #tpu.memory_space<vmem>> -> memref<64x128xf32, #tpu.memory_space<vmem>>
        %dma_wait3A_972 = arith.constant 0 : i32
        %dma_wait3A_973 = tpu.memref_slice %arg18[%sub3A_967, %dma_wait3A_972] : memref<64x64xi32, #tpu.memory_space<vmem>> -> memref<1x64xi32, #tpu.memory_space<vmem>>
        %dma_wait3A_974 = tpu.memref_squeeze %dma_wait3A_973 : memref<1x64xi32, #tpu.memory_space<vmem>> -> memref<64xi32, #tpu.memory_space<vmem>>
        %dma_wait3A_975 = arith.constant 0 : i32
        %dma_wait3A_976 = arith.constant 0 : i32
        %dma_wait3A_977 = tpu.memref_slice %arg22[%dma_wait3A_975, %dma_wait3A_976] : memref<4224x128xf32, #tpu.memory_space<vmem_shared>> -> memref<4224x128xf32, #tpu.memory_space<vmem_shared>>
        tpu.wait_indirect_dma semaphore(%arg25 : memref<!tpu.dma_semaphore, #tpu.memory_space<semaphore_mem>>) src(%dma_wait3A_971 : memref<64x128xf32, #tpu.memory_space<vmem>>) dst(%dma_wait3A_977 : memref<4224x128xf32, #tpu.memory_space<vmem_shared>>)
        %sub3A_978 = arith.constant 1 : i32
        %sub3A_979 = arith.subi %while3A_927, %sub3A_978 : i32
        %dma_wait3A_980 = arith.constant 0 : i32
        %dma_wait3A_981 = tpu.memref_slice %arg18[%sub3A_979, %dma_wait3A_980] : memref<64x64xi32, #tpu.memory_space<vmem>> -> memref<1x64xi32, #tpu.memory_space<vmem>>
        %dma_wait3A_982 = tpu.memref_squeeze %dma_wait3A_981 : memref<1x64xi32, #tpu.memory_space<vmem>> -> memref<64xi32, #tpu.memory_space<vmem>>
        %dma_wait3A_983 = arith.constant 0 : i32
        %dma_wait3A_984 = arith.constant 0 : i32
        %dma_wait3A_985 = tpu.memref_slice %arg23[%dma_wait3A_983, %dma_wait3A_984] : memref<4224x128xf32, #tpu.memory_space<vmem_shared>> -> memref<4224x128xf32, #tpu.memory_space<vmem_shared>>
        tpu.wait_indirect_dma semaphore(%arg26 : memref<!tpu.dma_semaphore, #tpu.memory_space<semaphore_mem>>) src(%arg20 : memref<64x128xf32, #tpu.memory_space<vmem>>) dst(%dma_wait3A_985 : memref<4224x128xf32, #tpu.memory_space<vmem_shared>>)
      } else {
      }
      %add3A_943 = arith.constant 1 : i32
      %add3A_944 = arith.addi %while3A_927, %add3A_943 : i32
      %lt3A = arith.cmpi slt, %add3A_944, %shift_right_logical3A_532 : i32
      %convert_element_type3A_945 = arith.extui %lt3A : i1 to i32
      %cond3A_946 = arith.constant 0 : i32
      %cond3A_947 = arith.cmpi ne, %convert_element_type3A_945, %cond3A_946 : i32
      scf.if %cond3A_947 {
        %add3A_964 = arith.constant 1 : i32
        %add3A_965 = arith.addi %while3A_927, %add3A_964 : i32
        %mul3A_966 = arith.constant 64 : i32
        %mul3A_967 = arith.muli %add3A_965, %mul3A_966 : i32
        %sub3A_968 = arith.constant 1 : i32
        %sub3A_969 = arith.subi %sub3A_968, %and3A_928 : i32
        %dma_start3A_970 = arith.constant 0 : i32
        %dma_start3A_971 = arith.constant 0 : i32
        %dma_start3A_972 = tpu.memref_slice %arg19[%sub3A_969, %dma_start3A_970, %dma_start3A_971] : memref<2x64x128xf32, #tpu.memory_space<vmem>> -> memref<1x64x128xf32, #tpu.memory_space<vmem>>
        %dma_start3A_973 = tpu.memref_squeeze %dma_start3A_972 : memref<1x64x128xf32, #tpu.memory_space<vmem>> -> memref<64x128xf32, #tpu.memory_space<vmem>>
        %dma_start3A_974 = tpu.memref_slice %arg16[%mul3A_967] : memref<4096xi32, #tpu.memory_space<vmem>> -> memref<64xi32, #tpu.memory_space<vmem>>
        %dma_start3A_975 = arith.constant 0 : i32
        %dma_start3A_976 = arith.constant 0 : i32
        %dma_start3A_977 = tpu.memref_slice %arg7[%dma_start3A_975, %dma_start3A_976] : memref<10000x128xf32, #tpu.memory_space<hbm>> -> memref<10000x128xf32, #tpu.memory_space<hbm>>
        tpu.enqueue_indirect_dma source(%dma_start3A_977 : memref<10000x128xf32, #tpu.memory_space<hbm>>) target(%dma_start3A_973 : memref<64x128xf32, #tpu.memory_space<vmem>>) offsets(%dma_start3A_974 : memref<64xi32, #tpu.memory_space<vmem>>) semaphore(%arg24 : memref<!tpu.dma_semaphore, #tpu.memory_space<semaphore_mem>>)
      } else {
      }
      %dma_start3A_948 = arith.constant 0 : i32
      %dma_start3A_949 = arith.constant 0 : i32
      %dma_start3A_950 = tpu.memref_slice %arg19[%and3A_928, %dma_start3A_948, %dma_start3A_949] : memref<2x64x128xf32, #tpu.memory_space<vmem>> -> memref<1x64x128xf32, #tpu.memory_space<vmem>>
      %dma_start3A_951 = tpu.memref_squeeze %dma_start3A_950 : memref<1x64x128xf32, #tpu.memory_space<vmem>> -> memref<64x128xf32, #tpu.memory_space<vmem>>
      %dma_start3A_952 = arith.constant 0 : i32
      %dma_start3A_953 = tpu.memref_slice %arg18[%while3A_927, %dma_start3A_952] : memref<64x64xi32, #tpu.memory_space<vmem>> -> memref<1x64xi32, #tpu.memory_space<vmem>>
      %dma_start3A_954 = tpu.memref_squeeze %dma_start3A_953 : memref<1x64xi32, #tpu.memory_space<vmem>> -> memref<64xi32, #tpu.memory_space<vmem>>
      %dma_start3A_955 = arith.constant 0 : i32
      %dma_start3A_956 = arith.constant 0 : i32
      %dma_start3A_957 = tpu.memref_slice %arg22[%dma_start3A_955, %dma_start3A_956] : memref<4224x128xf32, #tpu.memory_space<vmem_shared>> -> memref<4224x128xf32, #tpu.memory_space<vmem_shared>>
      tpu.enqueue_indirect_dma source(%dma_start3A_951 : memref<64x128xf32, #tpu.memory_space<vmem>>) target(%dma_start3A_957 : memref<4224x128xf32, #tpu.memory_space<vmem_shared>>) offsets(%dma_start3A_954 : memref<64xi32, #tpu.memory_space<vmem>>) semaphore(%arg25 : memref<!tpu.dma_semaphore, #tpu.memory_space<semaphore_mem>>) {add = true}
      %dma_start3A_958 = arith.constant 0 : i32
      %dma_start3A_959 = tpu.memref_slice %arg18[%while3A_927, %dma_start3A_958] : memref<64x64xi32, #tpu.memory_space<vmem>> -> memref<1x64xi32, #tpu.memory_space<vmem>>
      %dma_start3A_960 = tpu.memref_squeeze %dma_start3A_959 : memref<1x64xi32, #tpu.memory_space<vmem>> -> memref<64xi32, #tpu.memory_space<vmem>>
      %dma_start3A_961 = arith.constant 0 : i32
      %dma_start3A_962 = arith.constant 0 : i32
      %dma_start3A_963 = tpu.memref_slice %arg23[%dma_start3A_961, %dma_start3A_962] : memref<4224x128xf32, #tpu.memory_space<vmem_shared>> -> memref<4224x128xf32, #tpu.memory_space<vmem_shared>>
      tpu.enqueue_indirect_dma source(%arg20 : memref<64x128xf32, #tpu.memory_space<vmem>>) target(%dma_start3A_963 : memref<4224x128xf32, #tpu.memory_space<vmem_shared>>) offsets(%dma_start3A_960 : memref<64xi32, #tpu.memory_space<vmem>>) semaphore(%arg26 : memref<!tpu.dma_semaphore, #tpu.memory_space<semaphore_mem>>) {add = true}
    }
    %while3A_559 = arith.constant 1 : i32
    scf.for %while3A_927 = %while3A_557 to %while3A_553 step %while3A_559  : i32 {
      %and3A = arith.constant 1 : i32
      %and3A_928 = arith.andi %while3A_927, %and3A : i32
      %mul3A_929 = arith.constant 64 : i32
      %mul3A_930 = arith.muli %while3A_927, %mul3A_929 : i32
      %dma_wait3A_931 = arith.constant 0 : i32
      %dma_wait3A_932 = arith.constant 0 : i32
      %dma_wait3A_933 = tpu.memref_slice %arg19[%and3A_928, %dma_wait3A_931, %dma_wait3A_932] : memref<2x64x128xf32, #tpu.memory_space<vmem>> -> memref<1x64x128xf32, #tpu.memory_space<vmem>>
      %dma_wait3A_934 = tpu.memref_squeeze %dma_wait3A_933 : memref<1x64x128xf32, #tpu.memory_space<vmem>> -> memref<64x128xf32, #tpu.memory_space<vmem>>
      %dma_wait3A_935 = tpu.memref_slice %arg16[%mul3A_930] : memref<4096xi32, #tpu.memory_space<vmem>> -> memref<64xi32, #tpu.memory_space<vmem>>
      %dma_wait3A_936 = arith.constant 0 : i32
      %dma_wait3A_937 = arith.constant 0 : i32
      %dma_wait3A_938 = tpu.memref_slice %arg7[%dma_wait3A_936, %dma_wait3A_937] : memref<10000x128xf32, #tpu.memory_space<hbm>> -> memref<10000x128xf32, #tpu.memory_space<hbm>>
      tpu.wait_indirect_dma semaphore(%arg24 : memref<!tpu.dma_semaphore, #tpu.memory_space<semaphore_mem>>) src(%dma_wait3A_938 : memref<10000x128xf32, #tpu.memory_space<hbm>>) dst(%dma_wait3A_934 : memref<64x128xf32, #tpu.memory_space<vmem>>)
      %ge3A = arith.constant 1 : i32
      %ge3A_939 = arith.cmpi sge, %while3A_927, %ge3A : i32
      %convert_element_type3A_940 = arith.extui %ge3A_939 : i1 to i32
      %cond3A_941 = arith.constant 0 : i32
      %cond3A_942 = arith.cmpi ne, %convert_element_type3A_940, %cond3A_941 : i32
      scf.if %cond3A_942 {
        %sub3A_964 = arith.constant 1 : i32
        %sub3A_965 = arith.subi %sub3A_964, %and3A_928 : i32
        %sub3A_966 = arith.constant 1 : i32
        %sub3A_967 = arith.subi %while3A_927, %sub3A_966 : i32
        %dma_wait3A_968 = arith.constant 0 : i32
        %dma_wait3A_969 = arith.constant 0 : i32
        %dma_wait3A_970 = tpu.memref_slice %arg19[%sub3A_965, %dma_wait3A_968, %dma_wait3A_969] : memref<2x64x128xf32, #tpu.memory_space<vmem>> -> memref<1x64x128xf32, #tpu.memory_space<vmem>>
        %dma_wait3A_971 = tpu.memref_squeeze %dma_wait3A_970 : memref<1x64x128xf32, #tpu.memory_space<vmem>> -> memref<64x128xf32, #tpu.memory_space<vmem>>
        %dma_wait3A_972 = arith.constant 0 : i32
        %dma_wait3A_973 = tpu.memref_slice %arg18[%sub3A_967, %dma_wait3A_972] : memref<64x64xi32, #tpu.memory_space<vmem>> -> memref<1x64xi32, #tpu.memory_space<vmem>>
        %dma_wait3A_974 = tpu.memref_squeeze %dma_wait3A_973 : memref<1x64xi32, #tpu.memory_space<vmem>> -> memref<64xi32, #tpu.memory_space<vmem>>
        %dma_wait3A_975 = arith.constant 0 : i32
        %dma_wait3A_976 = arith.constant 0 : i32
        %dma_wait3A_977 = tpu.memref_slice %arg22[%dma_wait3A_975, %dma_wait3A_976] : memref<4224x128xf32, #tpu.memory_space<vmem_shared>> -> memref<4224x128xf32, #tpu.memory_space<vmem_shared>>
        tpu.wait_indirect_dma semaphore(%arg25 : memref<!tpu.dma_semaphore, #tpu.memory_space<semaphore_mem>>) src(%dma_wait3A_971 : memref<64x128xf32, #tpu.memory_space<vmem>>) dst(%dma_wait3A_977 : memref<4224x128xf32, #tpu.memory_space<vmem_shared>>)
        %sub3A_978 = arith.constant 1 : i32
        %sub3A_979 = arith.subi %while3A_927, %sub3A_978 : i32
        %dma_wait3A_980 = arith.constant 0 : i32
        %dma_wait3A_981 = tpu.memref_slice %arg18[%sub3A_979, %dma_wait3A_980] : memref<64x64xi32, #tpu.memory_space<vmem>> -> memref<1x64xi32, #tpu.memory_space<vmem>>
        %dma_wait3A_982 = tpu.memref_squeeze %dma_wait3A_981 : memref<1x64xi32, #tpu.memory_space<vmem>> -> memref<64xi32, #tpu.memory_space<vmem>>
        %dma_wait3A_983 = arith.constant 0 : i32
        %dma_wait3A_984 = arith.constant 0 : i32
        %dma_wait3A_985 = tpu.memref_slice %arg23[%dma_wait3A_983, %dma_wait3A_984] : memref<4224x128xf32, #tpu.memory_space<vmem_shared>> -> memref<4224x128xf32, #tpu.memory_space<vmem_shared>>
        tpu.wait_indirect_dma semaphore(%arg26 : memref<!tpu.dma_semaphore, #tpu.memory_space<semaphore_mem>>) src(%arg20 : memref<64x128xf32, #tpu.memory_space<vmem>>) dst(%dma_wait3A_985 : memref<4224x128xf32, #tpu.memory_space<vmem_shared>>)
      } else {
      }
      %add3A_943 = arith.constant 1 : i32
      %add3A_944 = arith.addi %while3A_927, %add3A_943 : i32
      %lt3A = arith.cmpi slt, %add3A_944, %shift_right_logical3A_532 : i32
      %convert_element_type3A_945 = arith.extui %lt3A : i1 to i32
      %cond3A_946 = arith.constant 0 : i32
      %cond3A_947 = arith.cmpi ne, %convert_element_type3A_945, %cond3A_946 : i32
      scf.if %cond3A_947 {
        %add3A_964 = arith.constant 1 : i32
        %add3A_965 = arith.addi %while3A_927, %add3A_964 : i32
        %mul3A_966 = arith.constant 64 : i32
        %mul3A_967 = arith.muli %add3A_965, %mul3A_966 : i32
        %sub3A_968 = arith.constant 1 : i32
        %sub3A_969 = arith.subi %sub3A_968, %and3A_928 : i32
        %dma_start3A_970 = arith.constant 0 : i32
        %dma_start3A_971 = arith.constant 0 : i32
        %dma_start3A_972 = tpu.memref_slice %arg19[%sub3A_969, %dma_start3A_970, %dma_start3A_971] : memref<2x64x128xf32, #tpu.memory_space<vmem>> -> memref<1x64x128xf32, #tpu.memory_space<vmem>>
        %dma_start3A_973 = tpu.memref_squeeze %dma_start3A_972 : memref<1x64x128xf32, #tpu.memory_space<vmem>> -> memref<64x128xf32, #tpu.memory_space<vmem>>
        %dma_start3A_974 = tpu.memref_slice %arg16[%mul3A_967] : memref<4096xi32, #tpu.memory_space<vmem>> -> memref<64xi32, #tpu.memory_space<vmem>>
        %dma_start3A_975 = arith.constant 0 : i32
        %dma_start3A_976 = arith.constant 0 : i32
        %dma_start3A_977 = tpu.memref_slice %arg7[%dma_start3A_975, %dma_start3A_976] : memref<10000x128xf32, #tpu.memory_space<hbm>> -> memref<10000x128xf32, #tpu.memory_space<hbm>>
        tpu.enqueue_indirect_dma source(%dma_start3A_977 : memref<10000x128xf32, #tpu.memory_space<hbm>>) target(%dma_start3A_973 : memref<64x128xf32, #tpu.memory_space<vmem>>) offsets(%dma_start3A_974 : memref<64xi32, #tpu.memory_space<vmem>>) semaphore(%arg24 : memref<!tpu.dma_semaphore, #tpu.memory_space<semaphore_mem>>)
      } else {
      }
      %dma_start3A_948 = arith.constant 0 : i32
      %dma_start3A_949 = arith.constant 0 : i32
      %dma_start3A_950 = tpu.memref_slice %arg19[%and3A_928, %dma_start3A_948, %dma_start3A_949] : memref<2x64x128xf32, #tpu.memory_space<vmem>> -> memref<1x64x128xf32, #tpu.memory_space<vmem>>
      %dma_start3A_951 = tpu.memref_squeeze %dma_start3A_950 : memref<1x64x128xf32, #tpu.memory_space<vmem>> -> memref<64x128xf32, #tpu.memory_space<vmem>>
      %dma_start3A_952 = arith.constant 0 : i32
      %dma_start3A_953 = tpu.memref_slice %arg18[%while3A_927, %dma_start3A_952] : memref<64x64xi32, #tpu.memory_space<vmem>> -> memref<1x64xi32, #tpu.memory_space<vmem>>
      %dma_start3A_954 = tpu.memref_squeeze %dma_start3A_953 : memref<1x64xi32, #tpu.memory_space<vmem>> -> memref<64xi32, #tpu.memory_space<vmem>>
      %dma_start3A_955 = arith.constant 0 : i32
      %dma_start3A_956 = arith.constant 0 : i32
      %dma_start3A_957 = tpu.memref_slice %arg22[%dma_start3A_955, %dma_start3A_956] : memref<4224x128xf32, #tpu.memory_space<vmem_shared>> -> memref<4224x128xf32, #tpu.memory_space<vmem_shared>>
      tpu.enqueue_indirect_dma source(%dma_start3A_951 : memref<64x128xf32, #tpu.memory_space<vmem>>) target(%dma_start3A_957 : memref<4224x128xf32, #tpu.memory_space<vmem_shared>>) offsets(%dma_start3A_954 : memref<64xi32, #tpu.memory_space<vmem>>) semaphore(%arg25 : memref<!tpu.dma_semaphore, #tpu.memory_space<semaphore_mem>>) {add = true}
      %dma_start3A_958 = arith.constant 0 : i32
      %dma_start3A_959 = tpu.memref_slice %arg18[%while3A_927, %dma_start3A_958] : memref<64x64xi32, #tpu.memory_space<vmem>> -> memref<1x64xi32, #tpu.memory_space<vmem>>
      %dma_start3A_960 = tpu.memref_squeeze %dma_start3A_959 : memref<1x64xi32, #tpu.memory_space<vmem>> -> memref<64xi32, #tpu.memory_space<vmem>>
      %dma_start3A_961 = arith.constant 0 : i32
      %dma_start3A_962 = arith.constant 0 : i32
      %dma_start3A_963 = tpu.memref_slice %arg23[%dma_start3A_961, %dma_start3A_962] : memref<4224x128xf32, #tpu.memory_space<vmem_shared>> -> memref<4224x128xf32, #tpu.memory_space<vmem_shared>>
      tpu.enqueue_indirect_dma source(%arg20 : memref<64x128xf32, #tpu.memory_space<vmem>>) target(%dma_start3A_963 : memref<4224x128xf32, #tpu.memory_space<vmem_shared>>) offsets(%dma_start3A_960 : memref<64xi32, #tpu.memory_space<vmem>>) semaphore(%arg26 : memref<!tpu.dma_semaphore, #tpu.memory_space<semaphore_mem>>) {add = true}
    }
    %gt3A_560 = arith.constant 0 : i32
    %gt3A_561 = arith.cmpi sgt, %shift_right_logical3A_532, %gt3A_560 : i32
    %convert_element_type3A_562 = arith.extui %gt3A_561 : i1 to i32
    %cond3A_563 = arith.constant 0 : i32
    %cond3A_564 = arith.cmpi ne, %convert_element_type3A_562, %cond3A_563 : i32
    scf.if %cond3A_564 {
      %sub3A_927 = arith.constant 1 : i32
      %sub3A_928 = arith.subi %shift_right_logical3A_532, %sub3A_927 : i32
      %and3A = arith.constant 1 : i32
      %and3A_929 = arith.andi %sub3A_928, %and3A : i32
      %dma_wait3A_930 = arith.constant 0 : i32
      %dma_wait3A_931 = arith.constant 0 : i32
      %dma_wait3A_932 = tpu.memref_slice %arg19[%and3A_929, %dma_wait3A_930, %dma_wait3A_931] : memref<2x64x128xf32, #tpu.memory_space<vmem>> -> memref<1x64x128xf32, #tpu.memory_space<vmem>>
      %dma_wait3A_933 = tpu.memref_squeeze %dma_wait3A_932 : memref<1x64x128xf32, #tpu.memory_space<vmem>> -> memref<64x128xf32, #tpu.memory_space<vmem>>
      %dma_wait3A_934 = arith.constant 0 : i32
      %dma_wait3A_935 = tpu.memref_slice %arg18[%sub3A_928, %dma_wait3A_934] : memref<64x64xi32, #tpu.memory_space<vmem>> -> memref<1x64xi32, #tpu.memory_space<vmem>>
      %dma_wait3A_936 = tpu.memref_squeeze %dma_wait3A_935 : memref<1x64xi32, #tpu.memory_space<vmem>> -> memref<64xi32, #tpu.memory_space<vmem>>
      %dma_wait3A_937 = arith.constant 0 : i32
      %dma_wait3A_938 = arith.constant 0 : i32
      %dma_wait3A_939 = tpu.memref_slice %arg22[%dma_wait3A_937, %dma_wait3A_938] : memref<4224x128xf32, #tpu.memory_space<vmem_shared>> -> memref<4224x128xf32, #tpu.memory_space<vmem_shared>>
      tpu.wait_indirect_dma semaphore(%arg25 : memref<!tpu.dma_semaphore, #tpu.memory_space<semaphore_mem>>) src(%dma_wait3A_933 : memref<64x128xf32, #tpu.memory_space<vmem>>) dst(%dma_wait3A_939 : memref<4224x128xf32, #tpu.memory_space<vmem_shared>>)
      %dma_wait3A_940 = arith.constant 0 : i32
      %dma_wait3A_941 = tpu.memref_slice %arg18[%sub3A_928, %dma_wait3A_940] : memref<64x64xi32, #tpu.memory_space<vmem>> -> memref<1x64xi32, #tpu.memory_space<vmem>>
      %dma_wait3A_942 = tpu.memref_squeeze %dma_wait3A_941 : memref<1x64xi32, #tpu.memory_space<vmem>> -> memref<64xi32, #tpu.memory_space<vmem>>
      %dma_wait3A_943 = arith.constant 0 : i32
      %dma_wait3A_944 = arith.constant 0 : i32
      %dma_wait3A_945 = tpu.memref_slice %arg23[%dma_wait3A_943, %dma_wait3A_944] : memref<4224x128xf32, #tpu.memory_space<vmem_shared>> -> memref<4224x128xf32, #tpu.memory_space<vmem_shared>>
      tpu.wait_indirect_dma semaphore(%arg26 : memref<!tpu.dma_semaphore, #tpu.memory_space<semaphore_mem>>) src(%arg20 : memref<64x128xf32, #tpu.memory_space<vmem>>) dst(%dma_wait3A_945 : memref<4224x128xf32, #tpu.memory_space<vmem_shared>>)
    } else {
    }
    %scan3A_565 = arith.constant 0 : i32
    %scan3A_566 = arith.constant 0 : i32
    %scan3A_567 = arith.constant 2 : i32
    %scan3A_568 = arith.addi %scan3A_566, %scan3A_567 : i32
    %scan3A_569 = arith.constant 1 : i32
    %scan3A_570 = scf.for %scan3A_927 = %scan3A_566 to %scan3A_568 step %scan3A_569 iter_args(%scan3A_928 = %scan3A_565) -> (i32)  : i32 {
      %mul3A_929 = arith.constant 20000 : i32
      %mul3A_930 = arith.muli %arg1, %mul3A_929 : i32
      %add3A_931 = arith.constant 6 : i32
      %add3A_932 = arith.addi %add3A_931, %scan3A_927 : i32
      %mul3A_933 = arith.constant 2000 : i32
      %mul3A_934 = arith.muli %add3A_932, %mul3A_933 : i32
      %add3A_935 = arith.addi %mul3A_930, %mul3A_934 : i32
      %dma_start3A_936 = tpu.memref_slice %arg2[%add3A_935] : memref<320000xi32, #tpu.memory_space<hbm>> -> memref<2000xi32, #tpu.memory_space<hbm>>
      %dma_start3A_937 = tpu.memref_slice %arg2[%add3A_935] : memref<320000xi32, #tpu.memory_space<hbm>> -> memref<2000xi32, #tpu.memory_space<hbm>>
      tpu.enqueue_dma source(%dma_start3A_937 : memref<2000xi32, #tpu.memory_space<hbm>>) target(%arg11 : memref<2000xi32, #tpu.memory_space<vmem>>) target_semaphore(%arg24 : memref<!tpu.dma_semaphore, #tpu.memory_space<semaphore_mem>>)
      %dma_start3A_938 = tpu.memref_slice %arg3[%add3A_935] : memref<320000xi32, #tpu.memory_space<hbm>> -> memref<2000xi32, #tpu.memory_space<hbm>>
      %dma_start3A_939 = tpu.memref_slice %arg3[%add3A_935] : memref<320000xi32, #tpu.memory_space<hbm>> -> memref<2000xi32, #tpu.memory_space<hbm>>
      tpu.enqueue_dma source(%dma_start3A_939 : memref<2000xi32, #tpu.memory_space<hbm>>) target(%arg12 : memref<2000xi32, #tpu.memory_space<vmem>>) target_semaphore(%arg24 : memref<!tpu.dma_semaphore, #tpu.memory_space<semaphore_mem>>)
      %dma_start3A_940 = tpu.memref_slice %arg4[%add3A_935] : memref<320000xi32, #tpu.memory_space<hbm>> -> memref<2000xi32, #tpu.memory_space<hbm>>
      %dma_start3A_941 = tpu.memref_slice %arg4[%add3A_935] : memref<320000xi32, #tpu.memory_space<hbm>> -> memref<2000xi32, #tpu.memory_space<hbm>>
      tpu.enqueue_dma source(%dma_start3A_941 : memref<2000xi32, #tpu.memory_space<hbm>>) target(%arg13 : memref<2000xi32, #tpu.memory_space<vmem>>) target_semaphore(%arg24 : memref<!tpu.dma_semaphore, #tpu.memory_space<semaphore_mem>>)
      %dma_wait3A_942 = tpu.memref_slice %arg2[%add3A_935] : memref<320000xi32, #tpu.memory_space<hbm>> -> memref<2000xi32, #tpu.memory_space<hbm>>
      %dma_wait3A_943 = tpu.memref_slice %arg2[%add3A_935] : memref<320000xi32, #tpu.memory_space<hbm>> -> memref<2000xi32, #tpu.memory_space<hbm>>
      tpu.wait_dma2 semaphore(%arg24 : memref<!tpu.dma_semaphore, #tpu.memory_space<semaphore_mem>>) src(%dma_wait3A_943 : memref<2000xi32, #tpu.memory_space<hbm>>) dst(%arg11 : memref<2000xi32, #tpu.memory_space<vmem>>)
      %dma_wait3A_944 = tpu.memref_slice %arg3[%add3A_935] : memref<320000xi32, #tpu.memory_space<hbm>> -> memref<2000xi32, #tpu.memory_space<hbm>>
      %dma_wait3A_945 = tpu.memref_slice %arg3[%add3A_935] : memref<320000xi32, #tpu.memory_space<hbm>> -> memref<2000xi32, #tpu.memory_space<hbm>>
      tpu.wait_dma2 semaphore(%arg24 : memref<!tpu.dma_semaphore, #tpu.memory_space<semaphore_mem>>) src(%dma_wait3A_945 : memref<2000xi32, #tpu.memory_space<hbm>>) dst(%arg12 : memref<2000xi32, #tpu.memory_space<vmem>>)
      %dma_wait3A_946 = tpu.memref_slice %arg4[%add3A_935] : memref<320000xi32, #tpu.memory_space<hbm>> -> memref<2000xi32, #tpu.memory_space<hbm>>
      %dma_wait3A_947 = tpu.memref_slice %arg4[%add3A_935] : memref<320000xi32, #tpu.memory_space<hbm>> -> memref<2000xi32, #tpu.memory_space<hbm>>
      tpu.wait_dma2 semaphore(%arg24 : memref<!tpu.dma_semaphore, #tpu.memory_space<semaphore_mem>>) src(%dma_wait3A_947 : memref<2000xi32, #tpu.memory_space<hbm>>) dst(%arg13 : memref<2000xi32, #tpu.memory_space<vmem>>)
      %scan3A_948 = arith.constant 0 : i32
      %scan3A_949 = arith.constant 125 : i32
      %scan3A_950 = arith.addi %scan3A_948, %scan3A_949 : i32
      %scan3A_951 = arith.constant 1 : i32
      %scan3A_952 = scf.for %scan3A_954 = %scan3A_948 to %scan3A_950 step %scan3A_951 iter_args(%scan3A_955 = %scan3A_928) -> (i32)  : i32 {
        %mul3A_956 = arith.constant 16 : i32
        %mul3A_957 = arith.muli %scan3A_954, %mul3A_956 : i32
        %get3A = arith.index_cast %mul3A_957 : i32 to index
        %get3A_958 = tpu.vector_load %arg12[%get3A] {strides = array<i32>} : memref<2000xi32, #tpu.memory_space<vmem>>, vector<16xi32>,
        %mul3A_959 = arith.constant 16 : i32
        %mul3A_960 = arith.muli %scan3A_954, %mul3A_959 : i32
        %get3A_961 = arith.index_cast %mul3A_960 : i32 to index
        %get3A_962 = tpu.vector_load %arg13[%get3A_961] {strides = array<i32>} : memref<2000xi32, #tpu.memory_space<vmem>>, vector<16xi32>,
        %mul3A_963 = arith.constant 16 : i32
        %mul3A_964 = arith.muli %scan3A_954, %mul3A_963 : i32
        %get3A_965 = arith.index_cast %mul3A_964 : i32 to index
        %get3A_966 = tpu.vector_load %arg11[%get3A_965] {strides = array<i32>} : memref<2000xi32, #tpu.memory_space<vmem>>, vector<16xi32>,
        %gather3A = tpu.vector_load_idx %arg14[%get3A_958] : memref<10240xi32, #tpu.memory_space<vmem>>[vector<16xi32>], vector<16xi32>,
        %ge3A = arith.constant 0 : i32
        %ge3A_967 = vector.broadcast %ge3A : i32 to vector<16xi32>
        %ge3A_968 = arith.cmpi sge, %gather3A, %ge3A_967 : vector<16xi32>
        %shift_right_logical3A_969 = arith.constant 1 : i32
        %shift_right_logical3A_970 = vector.broadcast %shift_right_logical3A_969 : i32 to vector<16xi32>
        %shift_right_logical3A_971 = arith.shrui %get3A_962, %shift_right_logical3A_970 : vector<16xi32>
        %eq3A = vector.broadcast %arg0 : i32 to vector<16xi32>
        %eq3A_972 = arith.cmpi eq, %shift_right_logical3A_971, %eq3A : vector<16xi32>
        %and3A = arith.andi %ge3A_968, %eq3A_972 : vector<16xi1>
        %mul3A_973 = arith.constant 2 : i32
        %mul3A_974 = vector.broadcast %mul3A_973 : i32 to vector<16xi32>
        %mul3A_975 = arith.muli %gather3A, %mul3A_974 : vector<16xi32>
        %and3A_976 = arith.constant 1 : i32
        %and3A_977 = vector.broadcast %and3A_976 : i32 to vector<16xi32>
        %and3A_978 = arith.andi %get3A_962, %and3A_977 : vector<16xi32>
        %add3A_979 = arith.addi %mul3A_975, %and3A_978 : vector<16xi32>
        %swap3A = arith.index_cast %scan3A_955 : i32 to index
        %swap3A_980 = tpu.vector_load %arg16[%swap3A] masked %and3A {strides = array<i32>} : memref<4096xi32, #tpu.memory_space<vmem>>, vector<16xi32>, vector<16xi1>
        tpu.vector_store %arg16[%swap3A], %get3A_966 masked %and3A {strides = array<i32>} : memref<4096xi32, #tpu.memory_space<vmem>>, vector<16xi32>, vector<16xi1>
        %swap3A_981 = arith.index_cast %scan3A_955 : i32 to index
        %swap3A_982 = tpu.vector_load %arg17[%swap3A_981] masked %and3A {strides = array<i32>} : memref<4096xi32, #tpu.memory_space<vmem>>, vector<16xi32>, vector<16xi1>
        tpu.vector_store %arg17[%swap3A_981], %add3A_979 masked %and3A {strides = array<i32>} : memref<4096xi32, #tpu.memory_space<vmem>>, vector<16xi32>, vector<16xi1>
        %all_reduce_population_count3A = tpu.all_reduce %and3A {dim = 0 : i64, kind = #tpu.reduction_kind<sum>} : vector<16xi1> -> vector<16xi32>
        %reduce_max3A = arith.constant true
        %reduce_max3A_983 = vector.broadcast %reduce_max3A : i1 to vector<16xi1>
        %reduce_max3A_984 = arith.constant -2147483648 : i32
        %reduce_max3A_985 = vector.broadcast %reduce_max3A_984 : i32 to vector<16xi32>
        %reduce_max3A_986 = arith.xori %all_reduce_population_count3A, %reduce_max3A_985 : vector<16xi32>
        %reduce_max3A_987 = tpu.scan <max>, %reduce_max3A_986 masked %reduce_max3A_983 : vector<16xi32>, vector<16xi1> -> vector<16xi32>
        %reduce_max3A_988 = arith.xori %reduce_max3A_987, %reduce_max3A_985 : vector<16xi32>
        %reduce_max3A_989 = vector.extract %reduce_max3A_988[15] : i32 from vector<16xi32>
        %add3A_990 = arith.addi %scan3A_955, %reduce_max3A_989 : i32
        scf.yield %add3A_990 : i32
      }
      %scan3A_953 = arith.constant 125 : i32
      scf.yield %scan3A_952 : i32
    }
    %scan3A_571 = arith.constant 2 : i32
    %scan3A_572 = arith.constant 0 : i32
    %scan3A_573 = arith.constant 0 : i32
    %scan3A_574 = arith.constant 4 : i32
    %scan3A_575 = arith.addi %scan3A_573, %scan3A_574 : i32
    %scan3A_576 = arith.constant 1 : i32
    scf.for %scan3A_927 = %scan3A_573 to %scan3A_575 step %scan3A_576  : i32 {
      %broadcast_in_dim3A = arith.constant 0 : i32
      %broadcast_in_dim3A_928 = vector.broadcast %broadcast_in_dim3A : i32 to vector<16xi32>
      %mul3A_929 = arith.constant 16 : i32
      %mul3A_930 = arith.muli %scan3A_927, %mul3A_929 : i32
      %add3A_931 = arith.addi %scan3A_570, %mul3A_930 : i32
      %swap3A = arith.index_cast %add3A_931 : i32 to index
      %swap3A_932 = tpu.vector_load %arg16[%swap3A] {strides = array<i32>} : memref<4096xi32, #tpu.memory_space<vmem>>, vector<16xi32>,
      tpu.vector_store %arg16[%swap3A], %broadcast_in_dim3A_928 {strides = array<i32>} : memref<4096xi32, #tpu.memory_space<vmem>>, vector<16xi32>,
      %broadcast_in_dim3A_933 = arith.constant 4096 : i32
      %broadcast_in_dim3A_934 = vector.broadcast %broadcast_in_dim3A_933 : i32 to vector<16xi32>
      %mul3A_935 = arith.constant 16 : i32
      %mul3A_936 = arith.muli %scan3A_927, %mul3A_935 : i32
      %add3A_937 = arith.addi %scan3A_570, %mul3A_936 : i32
      %swap3A_938 = arith.index_cast %add3A_937 : i32 to index
      %swap3A_939 = tpu.vector_load %arg17[%swap3A_938] {strides = array<i32>} : memref<4096xi32, #tpu.memory_space<vmem>>, vector<16xi32>,
      tpu.vector_store %arg17[%swap3A_938], %broadcast_in_dim3A_934 {strides = array<i32>} : memref<4096xi32, #tpu.memory_space<vmem>>, vector<16xi32>,
    }
    %scan3A_577 = arith.constant 4 : i32
    %add3A_578 = arith.constant 64 : i32
    %add3A_579 = arith.addi %scan3A_570, %add3A_578 : i32
    %sub3A_580 = arith.constant 1 : i32
    %sub3A_581 = arith.subi %add3A_579, %sub3A_580 : i32
    %shift_right_logical3A_582 = arith.constant 6 : i32
    %shift_right_logical3A_583 = arith.shrui %sub3A_581, %shift_right_logical3A_582 : i32
    %mul3A_584 = arith.constant 4 : i32
    %mul3A_585 = arith.muli %shift_right_logical3A_583, %mul3A_584 : i32
    %while3A_586 = arith.constant 0 : i32
    %while3A_587 = arith.constant 0 : i32
    %while3A_588 = arith.subi %mul3A_585, %while3A_587 : i32
    %while3A_589 = arith.addi %while3A_587, %while3A_588 : i32
    %while3A_590 = arith.constant 1 : i32
    %while3A_591 = arith.divsi %while3A_588, %while3A_590 : i32
    %while3A_592 = arith.muli %while3A_591, %while3A_590 : i32
    %while3A_593 = arith.addi %while3A_587, %while3A_592 : i32
    %while3A_594 = arith.constant 1 : i32
    scf.for %while3A_927 = %while3A_587 to %while3A_593 step %while3A_594  : i32 {
      %mul3A_928 = arith.constant 16 : i32
      %mul3A_929 = arith.muli %while3A_927, %mul3A_928 : i32
      %get3A = arith.index_cast %mul3A_929 : i32 to index
      %get3A_930 = tpu.vector_load %arg17[%get3A] {strides = array<i32>} : memref<4096xi32, #tpu.memory_space<vmem>>, vector<16xi32>,
      %shift_right_logical3A_931 = arith.constant 2 : i32
      %shift_right_logical3A_932 = arith.shrui %while3A_927, %shift_right_logical3A_931 : i32
      %and3A = arith.constant 3 : i32
      %and3A_933 = arith.andi %while3A_927, %and3A : i32
      %mul3A_934 = arith.constant 16 : i32
      %mul3A_935 = arith.muli %and3A_933, %mul3A_934 : i32
      %swap3A = arith.index_cast %shift_right_logical3A_932 : i32 to index
      %swap3A_936 = arith.index_cast %mul3A_935 : i32 to index
      %swap3A_937 = tpu.vector_load %arg18[%swap3A, %swap3A_936] {strides = array<i32>} : memref<64x64xi32, #tpu.memory_space<vmem>>, vector<16xi32>,
      tpu.vector_store %arg18[%swap3A, %swap3A_936], %get3A_930 {strides = array<i32>} : memref<64x64xi32, #tpu.memory_space<vmem>>, vector<16xi32>,
    }
    %while3A_595 = arith.constant 1 : i32
    scf.for %while3A_927 = %while3A_593 to %while3A_589 step %while3A_595  : i32 {
      %mul3A_928 = arith.constant 16 : i32
      %mul3A_929 = arith.muli %while3A_927, %mul3A_928 : i32
      %get3A = arith.index_cast %mul3A_929 : i32 to index
      %get3A_930 = tpu.vector_load %arg17[%get3A] {strides = array<i32>} : memref<4096xi32, #tpu.memory_space<vmem>>, vector<16xi32>,
      %shift_right_logical3A_931 = arith.constant 2 : i32
      %shift_right_logical3A_932 = arith.shrui %while3A_927, %shift_right_logical3A_931 : i32
      %and3A = arith.constant 3 : i32
      %and3A_933 = arith.andi %while3A_927, %and3A : i32
      %mul3A_934 = arith.constant 16 : i32
      %mul3A_935 = arith.muli %and3A_933, %mul3A_934 : i32
      %swap3A = arith.index_cast %shift_right_logical3A_932 : i32 to index
      %swap3A_936 = arith.index_cast %mul3A_935 : i32 to index
      %swap3A_937 = tpu.vector_load %arg18[%swap3A, %swap3A_936] {strides = array<i32>} : memref<64x64xi32, #tpu.memory_space<vmem>>, vector<16xi32>,
      tpu.vector_store %arg18[%swap3A, %swap3A_936], %get3A_930 {strides = array<i32>} : memref<64x64xi32, #tpu.memory_space<vmem>>, vector<16xi32>,
    }
    %gt3A_596 = arith.constant 0 : i32
    %gt3A_597 = arith.cmpi sgt, %shift_right_logical3A_583, %gt3A_596 : i32
    %convert_element_type3A_598 = arith.extui %gt3A_597 : i1 to i32
    %cond3A_599 = arith.constant 0 : i32
    %cond3A_600 = arith.cmpi ne, %convert_element_type3A_598, %cond3A_599 : i32
    scf.if %cond3A_600 {
      %dma_start3A_927 = arith.constant 0 : i32
      %dma_start3A_928 = arith.constant 0 : i32
      %dma_start3A_929 = arith.constant 0 : i32
      %dma_start3A_930 = tpu.memref_slice %arg19[%dma_start3A_927, %dma_start3A_928, %dma_start3A_929] : memref<2x64x128xf32, #tpu.memory_space<vmem>> -> memref<1x64x128xf32, #tpu.memory_space<vmem>>
      %dma_start3A_931 = tpu.memref_squeeze %dma_start3A_930 : memref<1x64x128xf32, #tpu.memory_space<vmem>> -> memref<64x128xf32, #tpu.memory_space<vmem>>
      %dma_start3A_932 = arith.constant 0 : i32
      %dma_start3A_933 = tpu.memref_slice %arg16[%dma_start3A_932] : memref<4096xi32, #tpu.memory_space<vmem>> -> memref<64xi32, #tpu.memory_space<vmem>>
      %dma_start3A_934 = arith.constant 0 : i32
      %dma_start3A_935 = arith.constant 0 : i32
      %dma_start3A_936 = tpu.memref_slice %arg7[%dma_start3A_934, %dma_start3A_935] : memref<10000x128xf32, #tpu.memory_space<hbm>> -> memref<10000x128xf32, #tpu.memory_space<hbm>>
      tpu.enqueue_indirect_dma source(%dma_start3A_936 : memref<10000x128xf32, #tpu.memory_space<hbm>>) target(%dma_start3A_931 : memref<64x128xf32, #tpu.memory_space<vmem>>) offsets(%dma_start3A_933 : memref<64xi32, #tpu.memory_space<vmem>>) semaphore(%arg24 : memref<!tpu.dma_semaphore, #tpu.memory_space<semaphore_mem>>)
    } else {
    }
    %while3A_601 = arith.constant 0 : i32
    %while3A_602 = arith.constant 0 : i32
    %while3A_603 = arith.subi %shift_right_logical3A_583, %while3A_602 : i32
    %while3A_604 = arith.addi %while3A_602, %while3A_603 : i32
    %while3A_605 = arith.constant 1 : i32
    %while3A_606 = arith.divsi %while3A_603, %while3A_605 : i32
    %while3A_607 = arith.muli %while3A_606, %while3A_605 : i32
    %while3A_608 = arith.addi %while3A_602, %while3A_607 : i32
    %while3A_609 = arith.constant 1 : i32
    scf.for %while3A_927 = %while3A_602 to %while3A_608 step %while3A_609  : i32 {
      %and3A = arith.constant 1 : i32
      %and3A_928 = arith.andi %while3A_927, %and3A : i32
      %mul3A_929 = arith.constant 64 : i32
      %mul3A_930 = arith.muli %while3A_927, %mul3A_929 : i32
      %dma_wait3A_931 = arith.constant 0 : i32
      %dma_wait3A_932 = arith.constant 0 : i32
      %dma_wait3A_933 = tpu.memref_slice %arg19[%and3A_928, %dma_wait3A_931, %dma_wait3A_932] : memref<2x64x128xf32, #tpu.memory_space<vmem>> -> memref<1x64x128xf32, #tpu.memory_space<vmem>>
      %dma_wait3A_934 = tpu.memref_squeeze %dma_wait3A_933 : memref<1x64x128xf32, #tpu.memory_space<vmem>> -> memref<64x128xf32, #tpu.memory_space<vmem>>
      %dma_wait3A_935 = tpu.memref_slice %arg16[%mul3A_930] : memref<4096xi32, #tpu.memory_space<vmem>> -> memref<64xi32, #tpu.memory_space<vmem>>
      %dma_wait3A_936 = arith.constant 0 : i32
      %dma_wait3A_937 = arith.constant 0 : i32
      %dma_wait3A_938 = tpu.memref_slice %arg7[%dma_wait3A_936, %dma_wait3A_937] : memref<10000x128xf32, #tpu.memory_space<hbm>> -> memref<10000x128xf32, #tpu.memory_space<hbm>>
      tpu.wait_indirect_dma semaphore(%arg24 : memref<!tpu.dma_semaphore, #tpu.memory_space<semaphore_mem>>) src(%dma_wait3A_938 : memref<10000x128xf32, #tpu.memory_space<hbm>>) dst(%dma_wait3A_934 : memref<64x128xf32, #tpu.memory_space<vmem>>)
      %ge3A = arith.constant 1 : i32
      %ge3A_939 = arith.cmpi sge, %while3A_927, %ge3A : i32
      %convert_element_type3A_940 = arith.extui %ge3A_939 : i1 to i32
      %cond3A_941 = arith.constant 0 : i32
      %cond3A_942 = arith.cmpi ne, %convert_element_type3A_940, %cond3A_941 : i32
      scf.if %cond3A_942 {
        %sub3A_964 = arith.constant 1 : i32
        %sub3A_965 = arith.subi %sub3A_964, %and3A_928 : i32
        %sub3A_966 = arith.constant 1 : i32
        %sub3A_967 = arith.subi %while3A_927, %sub3A_966 : i32
        %dma_wait3A_968 = arith.constant 0 : i32
        %dma_wait3A_969 = arith.constant 0 : i32
        %dma_wait3A_970 = tpu.memref_slice %arg19[%sub3A_965, %dma_wait3A_968, %dma_wait3A_969] : memref<2x64x128xf32, #tpu.memory_space<vmem>> -> memref<1x64x128xf32, #tpu.memory_space<vmem>>
        %dma_wait3A_971 = tpu.memref_squeeze %dma_wait3A_970 : memref<1x64x128xf32, #tpu.memory_space<vmem>> -> memref<64x128xf32, #tpu.memory_space<vmem>>
        %dma_wait3A_972 = arith.constant 0 : i32
        %dma_wait3A_973 = tpu.memref_slice %arg18[%sub3A_967, %dma_wait3A_972] : memref<64x64xi32, #tpu.memory_space<vmem>> -> memref<1x64xi32, #tpu.memory_space<vmem>>
        %dma_wait3A_974 = tpu.memref_squeeze %dma_wait3A_973 : memref<1x64xi32, #tpu.memory_space<vmem>> -> memref<64xi32, #tpu.memory_space<vmem>>
        %dma_wait3A_975 = arith.constant 0 : i32
        %dma_wait3A_976 = arith.constant 0 : i32
        %dma_wait3A_977 = tpu.memref_slice %arg22[%dma_wait3A_975, %dma_wait3A_976] : memref<4224x128xf32, #tpu.memory_space<vmem_shared>> -> memref<4224x128xf32, #tpu.memory_space<vmem_shared>>
        tpu.wait_indirect_dma semaphore(%arg25 : memref<!tpu.dma_semaphore, #tpu.memory_space<semaphore_mem>>) src(%dma_wait3A_971 : memref<64x128xf32, #tpu.memory_space<vmem>>) dst(%dma_wait3A_977 : memref<4224x128xf32, #tpu.memory_space<vmem_shared>>)
        %sub3A_978 = arith.constant 1 : i32
        %sub3A_979 = arith.subi %while3A_927, %sub3A_978 : i32
        %dma_wait3A_980 = arith.constant 0 : i32
        %dma_wait3A_981 = tpu.memref_slice %arg18[%sub3A_979, %dma_wait3A_980] : memref<64x64xi32, #tpu.memory_space<vmem>> -> memref<1x64xi32, #tpu.memory_space<vmem>>
        %dma_wait3A_982 = tpu.memref_squeeze %dma_wait3A_981 : memref<1x64xi32, #tpu.memory_space<vmem>> -> memref<64xi32, #tpu.memory_space<vmem>>
        %dma_wait3A_983 = arith.constant 0 : i32
        %dma_wait3A_984 = arith.constant 0 : i32
        %dma_wait3A_985 = tpu.memref_slice %arg23[%dma_wait3A_983, %dma_wait3A_984] : memref<4224x128xf32, #tpu.memory_space<vmem_shared>> -> memref<4224x128xf32, #tpu.memory_space<vmem_shared>>
        tpu.wait_indirect_dma semaphore(%arg26 : memref<!tpu.dma_semaphore, #tpu.memory_space<semaphore_mem>>) src(%arg20 : memref<64x128xf32, #tpu.memory_space<vmem>>) dst(%dma_wait3A_985 : memref<4224x128xf32, #tpu.memory_space<vmem_shared>>)
      } else {
      }
      %add3A_943 = arith.constant 1 : i32
      %add3A_944 = arith.addi %while3A_927, %add3A_943 : i32
      %lt3A = arith.cmpi slt, %add3A_944, %shift_right_logical3A_583 : i32
      %convert_element_type3A_945 = arith.extui %lt3A : i1 to i32
      %cond3A_946 = arith.constant 0 : i32
      %cond3A_947 = arith.cmpi ne, %convert_element_type3A_945, %cond3A_946 : i32
      scf.if %cond3A_947 {
        %add3A_964 = arith.constant 1 : i32
        %add3A_965 = arith.addi %while3A_927, %add3A_964 : i32
        %mul3A_966 = arith.constant 64 : i32
        %mul3A_967 = arith.muli %add3A_965, %mul3A_966 : i32
        %sub3A_968 = arith.constant 1 : i32
        %sub3A_969 = arith.subi %sub3A_968, %and3A_928 : i32
        %dma_start3A_970 = arith.constant 0 : i32
        %dma_start3A_971 = arith.constant 0 : i32
        %dma_start3A_972 = tpu.memref_slice %arg19[%sub3A_969, %dma_start3A_970, %dma_start3A_971] : memref<2x64x128xf32, #tpu.memory_space<vmem>> -> memref<1x64x128xf32, #tpu.memory_space<vmem>>
        %dma_start3A_973 = tpu.memref_squeeze %dma_start3A_972 : memref<1x64x128xf32, #tpu.memory_space<vmem>> -> memref<64x128xf32, #tpu.memory_space<vmem>>
        %dma_start3A_974 = tpu.memref_slice %arg16[%mul3A_967] : memref<4096xi32, #tpu.memory_space<vmem>> -> memref<64xi32, #tpu.memory_space<vmem>>
        %dma_start3A_975 = arith.constant 0 : i32
        %dma_start3A_976 = arith.constant 0 : i32
        %dma_start3A_977 = tpu.memref_slice %arg7[%dma_start3A_975, %dma_start3A_976] : memref<10000x128xf32, #tpu.memory_space<hbm>> -> memref<10000x128xf32, #tpu.memory_space<hbm>>
        tpu.enqueue_indirect_dma source(%dma_start3A_977 : memref<10000x128xf32, #tpu.memory_space<hbm>>) target(%dma_start3A_973 : memref<64x128xf32, #tpu.memory_space<vmem>>) offsets(%dma_start3A_974 : memref<64xi32, #tpu.memory_space<vmem>>) semaphore(%arg24 : memref<!tpu.dma_semaphore, #tpu.memory_space<semaphore_mem>>)
      } else {
      }
      %dma_start3A_948 = arith.constant 0 : i32
      %dma_start3A_949 = arith.constant 0 : i32
      %dma_start3A_950 = tpu.memref_slice %arg19[%and3A_928, %dma_start3A_948, %dma_start3A_949] : memref<2x64x128xf32, #tpu.memory_space<vmem>> -> memref<1x64x128xf32, #tpu.memory_space<vmem>>
      %dma_start3A_951 = tpu.memref_squeeze %dma_start3A_950 : memref<1x64x128xf32, #tpu.memory_space<vmem>> -> memref<64x128xf32, #tpu.memory_space<vmem>>
      %dma_start3A_952 = arith.constant 0 : i32
      %dma_start3A_953 = tpu.memref_slice %arg18[%while3A_927, %dma_start3A_952] : memref<64x64xi32, #tpu.memory_space<vmem>> -> memref<1x64xi32, #tpu.memory_space<vmem>>
      %dma_start3A_954 = tpu.memref_squeeze %dma_start3A_953 : memref<1x64xi32, #tpu.memory_space<vmem>> -> memref<64xi32, #tpu.memory_space<vmem>>
      %dma_start3A_955 = arith.constant 0 : i32
      %dma_start3A_956 = arith.constant 0 : i32
      %dma_start3A_957 = tpu.memref_slice %arg22[%dma_start3A_955, %dma_start3A_956] : memref<4224x128xf32, #tpu.memory_space<vmem_shared>> -> memref<4224x128xf32, #tpu.memory_space<vmem_shared>>
      tpu.enqueue_indirect_dma source(%dma_start3A_951 : memref<64x128xf32, #tpu.memory_space<vmem>>) target(%dma_start3A_957 : memref<4224x128xf32, #tpu.memory_space<vmem_shared>>) offsets(%dma_start3A_954 : memref<64xi32, #tpu.memory_space<vmem>>) semaphore(%arg25 : memref<!tpu.dma_semaphore, #tpu.memory_space<semaphore_mem>>) {add = true}
      %dma_start3A_958 = arith.constant 0 : i32
      %dma_start3A_959 = tpu.memref_slice %arg18[%while3A_927, %dma_start3A_958] : memref<64x64xi32, #tpu.memory_space<vmem>> -> memref<1x64xi32, #tpu.memory_space<vmem>>
      %dma_start3A_960 = tpu.memref_squeeze %dma_start3A_959 : memref<1x64xi32, #tpu.memory_space<vmem>> -> memref<64xi32, #tpu.memory_space<vmem>>
      %dma_start3A_961 = arith.constant 0 : i32
      %dma_start3A_962 = arith.constant 0 : i32
      %dma_start3A_963 = tpu.memref_slice %arg23[%dma_start3A_961, %dma_start3A_962] : memref<4224x128xf32, #tpu.memory_space<vmem_shared>> -> memref<4224x128xf32, #tpu.memory_space<vmem_shared>>
      tpu.enqueue_indirect_dma source(%arg20 : memref<64x128xf32, #tpu.memory_space<vmem>>) target(%dma_start3A_963 : memref<4224x128xf32, #tpu.memory_space<vmem_shared>>) offsets(%dma_start3A_960 : memref<64xi32, #tpu.memory_space<vmem>>) semaphore(%arg26 : memref<!tpu.dma_semaphore, #tpu.memory_space<semaphore_mem>>) {add = true}
    }
    %while3A_610 = arith.constant 1 : i32
    scf.for %while3A_927 = %while3A_608 to %while3A_604 step %while3A_610  : i32 {
      %and3A = arith.constant 1 : i32
      %and3A_928 = arith.andi %while3A_927, %and3A : i32
      %mul3A_929 = arith.constant 64 : i32
      %mul3A_930 = arith.muli %while3A_927, %mul3A_929 : i32
      %dma_wait3A_931 = arith.constant 0 : i32
      %dma_wait3A_932 = arith.constant 0 : i32
      %dma_wait3A_933 = tpu.memref_slice %arg19[%and3A_928, %dma_wait3A_931, %dma_wait3A_932] : memref<2x64x128xf32, #tpu.memory_space<vmem>> -> memref<1x64x128xf32, #tpu.memory_space<vmem>>
      %dma_wait3A_934 = tpu.memref_squeeze %dma_wait3A_933 : memref<1x64x128xf32, #tpu.memory_space<vmem>> -> memref<64x128xf32, #tpu.memory_space<vmem>>
      %dma_wait3A_935 = tpu.memref_slice %arg16[%mul3A_930] : memref<4096xi32, #tpu.memory_space<vmem>> -> memref<64xi32, #tpu.memory_space<vmem>>
      %dma_wait3A_936 = arith.constant 0 : i32
      %dma_wait3A_937 = arith.constant 0 : i32
      %dma_wait3A_938 = tpu.memref_slice %arg7[%dma_wait3A_936, %dma_wait3A_937] : memref<10000x128xf32, #tpu.memory_space<hbm>> -> memref<10000x128xf32, #tpu.memory_space<hbm>>
      tpu.wait_indirect_dma semaphore(%arg24 : memref<!tpu.dma_semaphore, #tpu.memory_space<semaphore_mem>>) src(%dma_wait3A_938 : memref<10000x128xf32, #tpu.memory_space<hbm>>) dst(%dma_wait3A_934 : memref<64x128xf32, #tpu.memory_space<vmem>>)
      %ge3A = arith.constant 1 : i32
      %ge3A_939 = arith.cmpi sge, %while3A_927, %ge3A : i32
      %convert_element_type3A_940 = arith.extui %ge3A_939 : i1 to i32
      %cond3A_941 = arith.constant 0 : i32
      %cond3A_942 = arith.cmpi ne, %convert_element_type3A_940, %cond3A_941 : i32
      scf.if %cond3A_942 {
        %sub3A_964 = arith.constant 1 : i32
        %sub3A_965 = arith.subi %sub3A_964, %and3A_928 : i32
        %sub3A_966 = arith.constant 1 : i32
        %sub3A_967 = arith.subi %while3A_927, %sub3A_966 : i32
        %dma_wait3A_968 = arith.constant 0 : i32
        %dma_wait3A_969 = arith.constant 0 : i32
        %dma_wait3A_970 = tpu.memref_slice %arg19[%sub3A_965, %dma_wait3A_968, %dma_wait3A_969] : memref<2x64x128xf32, #tpu.memory_space<vmem>> -> memref<1x64x128xf32, #tpu.memory_space<vmem>>
        %dma_wait3A_971 = tpu.memref_squeeze %dma_wait3A_970 : memref<1x64x128xf32, #tpu.memory_space<vmem>> -> memref<64x128xf32, #tpu.memory_space<vmem>>
        %dma_wait3A_972 = arith.constant 0 : i32
        %dma_wait3A_973 = tpu.memref_slice %arg18[%sub3A_967, %dma_wait3A_972] : memref<64x64xi32, #tpu.memory_space<vmem>> -> memref<1x64xi32, #tpu.memory_space<vmem>>
        %dma_wait3A_974 = tpu.memref_squeeze %dma_wait3A_973 : memref<1x64xi32, #tpu.memory_space<vmem>> -> memref<64xi32, #tpu.memory_space<vmem>>
        %dma_wait3A_975 = arith.constant 0 : i32
        %dma_wait3A_976 = arith.constant 0 : i32
        %dma_wait3A_977 = tpu.memref_slice %arg22[%dma_wait3A_975, %dma_wait3A_976] : memref<4224x128xf32, #tpu.memory_space<vmem_shared>> -> memref<4224x128xf32, #tpu.memory_space<vmem_shared>>
        tpu.wait_indirect_dma semaphore(%arg25 : memref<!tpu.dma_semaphore, #tpu.memory_space<semaphore_mem>>) src(%dma_wait3A_971 : memref<64x128xf32, #tpu.memory_space<vmem>>) dst(%dma_wait3A_977 : memref<4224x128xf32, #tpu.memory_space<vmem_shared>>)
        %sub3A_978 = arith.constant 1 : i32
        %sub3A_979 = arith.subi %while3A_927, %sub3A_978 : i32
        %dma_wait3A_980 = arith.constant 0 : i32
        %dma_wait3A_981 = tpu.memref_slice %arg18[%sub3A_979, %dma_wait3A_980] : memref<64x64xi32, #tpu.memory_space<vmem>> -> memref<1x64xi32, #tpu.memory_space<vmem>>
        %dma_wait3A_982 = tpu.memref_squeeze %dma_wait3A_981 : memref<1x64xi32, #tpu.memory_space<vmem>> -> memref<64xi32, #tpu.memory_space<vmem>>
        %dma_wait3A_983 = arith.constant 0 : i32
        %dma_wait3A_984 = arith.constant 0 : i32
        %dma_wait3A_985 = tpu.memref_slice %arg23[%dma_wait3A_983, %dma_wait3A_984] : memref<4224x128xf32, #tpu.memory_space<vmem_shared>> -> memref<4224x128xf32, #tpu.memory_space<vmem_shared>>
        tpu.wait_indirect_dma semaphore(%arg26 : memref<!tpu.dma_semaphore, #tpu.memory_space<semaphore_mem>>) src(%arg20 : memref<64x128xf32, #tpu.memory_space<vmem>>) dst(%dma_wait3A_985 : memref<4224x128xf32, #tpu.memory_space<vmem_shared>>)
      } else {
      }
      %add3A_943 = arith.constant 1 : i32
      %add3A_944 = arith.addi %while3A_927, %add3A_943 : i32
      %lt3A = arith.cmpi slt, %add3A_944, %shift_right_logical3A_583 : i32
      %convert_element_type3A_945 = arith.extui %lt3A : i1 to i32
      %cond3A_946 = arith.constant 0 : i32
      %cond3A_947 = arith.cmpi ne, %convert_element_type3A_945, %cond3A_946 : i32
      scf.if %cond3A_947 {
        %add3A_964 = arith.constant 1 : i32
        %add3A_965 = arith.addi %while3A_927, %add3A_964 : i32
        %mul3A_966 = arith.constant 64 : i32
        %mul3A_967 = arith.muli %add3A_965, %mul3A_966 : i32
        %sub3A_968 = arith.constant 1 : i32
        %sub3A_969 = arith.subi %sub3A_968, %and3A_928 : i32
        %dma_start3A_970 = arith.constant 0 : i32
        %dma_start3A_971 = arith.constant 0 : i32
        %dma_start3A_972 = tpu.memref_slice %arg19[%sub3A_969, %dma_start3A_970, %dma_start3A_971] : memref<2x64x128xf32, #tpu.memory_space<vmem>> -> memref<1x64x128xf32, #tpu.memory_space<vmem>>
        %dma_start3A_973 = tpu.memref_squeeze %dma_start3A_972 : memref<1x64x128xf32, #tpu.memory_space<vmem>> -> memref<64x128xf32, #tpu.memory_space<vmem>>
        %dma_start3A_974 = tpu.memref_slice %arg16[%mul3A_967] : memref<4096xi32, #tpu.memory_space<vmem>> -> memref<64xi32, #tpu.memory_space<vmem>>
        %dma_start3A_975 = arith.constant 0 : i32
        %dma_start3A_976 = arith.constant 0 : i32
        %dma_start3A_977 = tpu.memref_slice %arg7[%dma_start3A_975, %dma_start3A_976] : memref<10000x128xf32, #tpu.memory_space<hbm>> -> memref<10000x128xf32, #tpu.memory_space<hbm>>
        tpu.enqueue_indirect_dma source(%dma_start3A_977 : memref<10000x128xf32, #tpu.memory_space<hbm>>) target(%dma_start3A_973 : memref<64x128xf32, #tpu.memory_space<vmem>>) offsets(%dma_start3A_974 : memref<64xi32, #tpu.memory_space<vmem>>) semaphore(%arg24 : memref<!tpu.dma_semaphore, #tpu.memory_space<semaphore_mem>>)
      } else {
      }
      %dma_start3A_948 = arith.constant 0 : i32
      %dma_start3A_949 = arith.constant 0 : i32
      %dma_start3A_950 = tpu.memref_slice %arg19[%and3A_928, %dma_start3A_948, %dma_start3A_949] : memref<2x64x128xf32, #tpu.memory_space<vmem>> -> memref<1x64x128xf32, #tpu.memory_space<vmem>>
      %dma_start3A_951 = tpu.memref_squeeze %dma_start3A_950 : memref<1x64x128xf32, #tpu.memory_space<vmem>> -> memref<64x128xf32, #tpu.memory_space<vmem>>
      %dma_start3A_952 = arith.constant 0 : i32
      %dma_start3A_953 = tpu.memref_slice %arg18[%while3A_927, %dma_start3A_952] : memref<64x64xi32, #tpu.memory_space<vmem>> -> memref<1x64xi32, #tpu.memory_space<vmem>>
      %dma_start3A_954 = tpu.memref_squeeze %dma_start3A_953 : memref<1x64xi32, #tpu.memory_space<vmem>> -> memref<64xi32, #tpu.memory_space<vmem>>
      %dma_start3A_955 = arith.constant 0 : i32
      %dma_start3A_956 = arith.constant 0 : i32
      %dma_start3A_957 = tpu.memref_slice %arg22[%dma_start3A_955, %dma_start3A_956] : memref<4224x128xf32, #tpu.memory_space<vmem_shared>> -> memref<4224x128xf32, #tpu.memory_space<vmem_shared>>
      tpu.enqueue_indirect_dma source(%dma_start3A_951 : memref<64x128xf32, #tpu.memory_space<vmem>>) target(%dma_start3A_957 : memref<4224x128xf32, #tpu.memory_space<vmem_shared>>) offsets(%dma_start3A_954 : memref<64xi32, #tpu.memory_space<vmem>>) semaphore(%arg25 : memref<!tpu.dma_semaphore, #tpu.memory_space<semaphore_mem>>) {add = true}
      %dma_start3A_958 = arith.constant 0 : i32
      %dma_start3A_959 = tpu.memref_slice %arg18[%while3A_927, %dma_start3A_958] : memref<64x64xi32, #tpu.memory_space<vmem>> -> memref<1x64xi32, #tpu.memory_space<vmem>>
      %dma_start3A_960 = tpu.memref_squeeze %dma_start3A_959 : memref<1x64xi32, #tpu.memory_space<vmem>> -> memref<64xi32, #tpu.memory_space<vmem>>
      %dma_start3A_961 = arith.constant 0 : i32
      %dma_start3A_962 = arith.constant 0 : i32
      %dma_start3A_963 = tpu.memref_slice %arg23[%dma_start3A_961, %dma_start3A_962] : memref<4224x128xf32, #tpu.memory_space<vmem_shared>> -> memref<4224x128xf32, #tpu.memory_space<vmem_shared>>
      tpu.enqueue_indirect_dma source(%arg20 : memref<64x128xf32, #tpu.memory_space<vmem>>) target(%dma_start3A_963 : memref<4224x128xf32, #tpu.memory_space<vmem_shared>>) offsets(%dma_start3A_960 : memref<64xi32, #tpu.memory_space<vmem>>) semaphore(%arg26 : memref<!tpu.dma_semaphore, #tpu.memory_space<semaphore_mem>>) {add = true}
    }
    %gt3A_611 = arith.constant 0 : i32
    %gt3A_612 = arith.cmpi sgt, %shift_right_logical3A_583, %gt3A_611 : i32
    %convert_element_type3A_613 = arith.extui %gt3A_612 : i1 to i32
    %cond3A_614 = arith.constant 0 : i32
    %cond3A_615 = arith.cmpi ne, %convert_element_type3A_613, %cond3A_614 : i32
    scf.if %cond3A_615 {
      %sub3A_927 = arith.constant 1 : i32
      %sub3A_928 = arith.subi %shift_right_logical3A_583, %sub3A_927 : i32
      %and3A = arith.constant 1 : i32
      %and3A_929 = arith.andi %sub3A_928, %and3A : i32
      %dma_wait3A_930 = arith.constant 0 : i32
      %dma_wait3A_931 = arith.constant 0 : i32
      %dma_wait3A_932 = tpu.memref_slice %arg19[%and3A_929, %dma_wait3A_930, %dma_wait3A_931] : memref<2x64x128xf32, #tpu.memory_space<vmem>> -> memref<1x64x128xf32, #tpu.memory_space<vmem>>
      %dma_wait3A_933 = tpu.memref_squeeze %dma_wait3A_932 : memref<1x64x128xf32, #tpu.memory_space<vmem>> -> memref<64x128xf32, #tpu.memory_space<vmem>>
      %dma_wait3A_934 = arith.constant 0 : i32
      %dma_wait3A_935 = tpu.memref_slice %arg18[%sub3A_928, %dma_wait3A_934] : memref<64x64xi32, #tpu.memory_space<vmem>> -> memref<1x64xi32, #tpu.memory_space<vmem>>
      %dma_wait3A_936 = tpu.memref_squeeze %dma_wait3A_935 : memref<1x64xi32, #tpu.memory_space<vmem>> -> memref<64xi32, #tpu.memory_space<vmem>>
      %dma_wait3A_937 = arith.constant 0 : i32
      %dma_wait3A_938 = arith.constant 0 : i32
      %dma_wait3A_939 = tpu.memref_slice %arg22[%dma_wait3A_937, %dma_wait3A_938] : memref<4224x128xf32, #tpu.memory_space<vmem_shared>> -> memref<4224x128xf32, #tpu.memory_space<vmem_shared>>
      tpu.wait_indirect_dma semaphore(%arg25 : memref<!tpu.dma_semaphore, #tpu.memory_space<semaphore_mem>>) src(%dma_wait3A_933 : memref<64x128xf32, #tpu.memory_space<vmem>>) dst(%dma_wait3A_939 : memref<4224x128xf32, #tpu.memory_space<vmem_shared>>)
      %dma_wait3A_940 = arith.constant 0 : i32
      %dma_wait3A_941 = tpu.memref_slice %arg18[%sub3A_928, %dma_wait3A_940] : memref<64x64xi32, #tpu.memory_space<vmem>> -> memref<1x64xi32, #tpu.memory_space<vmem>>
      %dma_wait3A_942 = tpu.memref_squeeze %dma_wait3A_941 : memref<1x64xi32, #tpu.memory_space<vmem>> -> memref<64xi32, #tpu.memory_space<vmem>>
      %dma_wait3A_943 = arith.constant 0 : i32
      %dma_wait3A_944 = arith.constant 0 : i32
      %dma_wait3A_945 = tpu.memref_slice %arg23[%dma_wait3A_943, %dma_wait3A_944] : memref<4224x128xf32, #tpu.memory_space<vmem_shared>> -> memref<4224x128xf32, #tpu.memory_space<vmem_shared>>
      tpu.wait_indirect_dma semaphore(%arg26 : memref<!tpu.dma_semaphore, #tpu.memory_space<semaphore_mem>>) src(%arg20 : memref<64x128xf32, #tpu.memory_space<vmem>>) dst(%dma_wait3A_945 : memref<4224x128xf32, #tpu.memory_space<vmem_shared>>)
    } else {
    }
    %scan3A_616 = arith.constant 0 : i32
    %scan3A_617 = arith.constant 0 : i32
    %scan3A_618 = arith.constant 2 : i32
    %scan3A_619 = arith.addi %scan3A_617, %scan3A_618 : i32
    %scan3A_620 = arith.constant 1 : i32
    %scan3A_621 = scf.for %scan3A_927 = %scan3A_617 to %scan3A_619 step %scan3A_620 iter_args(%scan3A_928 = %scan3A_616) -> (i32)  : i32 {
      %mul3A_929 = arith.constant 20000 : i32
      %mul3A_930 = arith.muli %arg1, %mul3A_929 : i32
      %add3A_931 = arith.constant 8 : i32
      %add3A_932 = arith.addi %add3A_931, %scan3A_927 : i32
      %mul3A_933 = arith.constant 2000 : i32
      %mul3A_934 = arith.muli %add3A_932, %mul3A_933 : i32
      %add3A_935 = arith.addi %mul3A_930, %mul3A_934 : i32
      %dma_start3A_936 = tpu.memref_slice %arg2[%add3A_935] : memref<320000xi32, #tpu.memory_space<hbm>> -> memref<2000xi32, #tpu.memory_space<hbm>>
      %dma_start3A_937 = tpu.memref_slice %arg2[%add3A_935] : memref<320000xi32, #tpu.memory_space<hbm>> -> memref<2000xi32, #tpu.memory_space<hbm>>
      tpu.enqueue_dma source(%dma_start3A_937 : memref<2000xi32, #tpu.memory_space<hbm>>) target(%arg11 : memref<2000xi32, #tpu.memory_space<vmem>>) target_semaphore(%arg24 : memref<!tpu.dma_semaphore, #tpu.memory_space<semaphore_mem>>)
      %dma_start3A_938 = tpu.memref_slice %arg3[%add3A_935] : memref<320000xi32, #tpu.memory_space<hbm>> -> memref<2000xi32, #tpu.memory_space<hbm>>
      %dma_start3A_939 = tpu.memref_slice %arg3[%add3A_935] : memref<320000xi32, #tpu.memory_space<hbm>> -> memref<2000xi32, #tpu.memory_space<hbm>>
      tpu.enqueue_dma source(%dma_start3A_939 : memref<2000xi32, #tpu.memory_space<hbm>>) target(%arg12 : memref<2000xi32, #tpu.memory_space<vmem>>) target_semaphore(%arg24 : memref<!tpu.dma_semaphore, #tpu.memory_space<semaphore_mem>>)
      %dma_start3A_940 = tpu.memref_slice %arg4[%add3A_935] : memref<320000xi32, #tpu.memory_space<hbm>> -> memref<2000xi32, #tpu.memory_space<hbm>>
      %dma_start3A_941 = tpu.memref_slice %arg4[%add3A_935] : memref<320000xi32, #tpu.memory_space<hbm>> -> memref<2000xi32, #tpu.memory_space<hbm>>
      tpu.enqueue_dma source(%dma_start3A_941 : memref<2000xi32, #tpu.memory_space<hbm>>) target(%arg13 : memref<2000xi32, #tpu.memory_space<vmem>>) target_semaphore(%arg24 : memref<!tpu.dma_semaphore, #tpu.memory_space<semaphore_mem>>)
      %dma_wait3A_942 = tpu.memref_slice %arg2[%add3A_935] : memref<320000xi32, #tpu.memory_space<hbm>> -> memref<2000xi32, #tpu.memory_space<hbm>>
      %dma_wait3A_943 = tpu.memref_slice %arg2[%add3A_935] : memref<320000xi32, #tpu.memory_space<hbm>> -> memref<2000xi32, #tpu.memory_space<hbm>>
      tpu.wait_dma2 semaphore(%arg24 : memref<!tpu.dma_semaphore, #tpu.memory_space<semaphore_mem>>) src(%dma_wait3A_943 : memref<2000xi32, #tpu.memory_space<hbm>>) dst(%arg11 : memref<2000xi32, #tpu.memory_space<vmem>>)
      %dma_wait3A_944 = tpu.memref_slice %arg3[%add3A_935] : memref<320000xi32, #tpu.memory_space<hbm>> -> memref<2000xi32, #tpu.memory_space<hbm>>
      %dma_wait3A_945 = tpu.memref_slice %arg3[%add3A_935] : memref<320000xi32, #tpu.memory_space<hbm>> -> memref<2000xi32, #tpu.memory_space<hbm>>
      tpu.wait_dma2 semaphore(%arg24 : memref<!tpu.dma_semaphore, #tpu.memory_space<semaphore_mem>>) src(%dma_wait3A_945 : memref<2000xi32, #tpu.memory_space<hbm>>) dst(%arg12 : memref<2000xi32, #tpu.memory_space<vmem>>)
      %dma_wait3A_946 = tpu.memref_slice %arg4[%add3A_935] : memref<320000xi32, #tpu.memory_space<hbm>> -> memref<2000xi32, #tpu.memory_space<hbm>>
      %dma_wait3A_947 = tpu.memref_slice %arg4[%add3A_935] : memref<320000xi32, #tpu.memory_space<hbm>> -> memref<2000xi32, #tpu.memory_space<hbm>>
      tpu.wait_dma2 semaphore(%arg24 : memref<!tpu.dma_semaphore, #tpu.memory_space<semaphore_mem>>) src(%dma_wait3A_947 : memref<2000xi32, #tpu.memory_space<hbm>>) dst(%arg13 : memref<2000xi32, #tpu.memory_space<vmem>>)
      %scan3A_948 = arith.constant 0 : i32
      %scan3A_949 = arith.constant 125 : i32
      %scan3A_950 = arith.addi %scan3A_948, %scan3A_949 : i32
      %scan3A_951 = arith.constant 1 : i32
      %scan3A_952 = scf.for %scan3A_954 = %scan3A_948 to %scan3A_950 step %scan3A_951 iter_args(%scan3A_955 = %scan3A_928) -> (i32)  : i32 {
        %mul3A_956 = arith.constant 16 : i32
        %mul3A_957 = arith.muli %scan3A_954, %mul3A_956 : i32
        %get3A = arith.index_cast %mul3A_957 : i32 to index
        %get3A_958 = tpu.vector_load %arg12[%get3A] {strides = array<i32>} : memref<2000xi32, #tpu.memory_space<vmem>>, vector<16xi32>,
        %mul3A_959 = arith.constant 16 : i32
        %mul3A_960 = arith.muli %scan3A_954, %mul3A_959 : i32
        %get3A_961 = arith.index_cast %mul3A_960 : i32 to index
        %get3A_962 = tpu.vector_load %arg13[%get3A_961] {strides = array<i32>} : memref<2000xi32, #tpu.memory_space<vmem>>, vector<16xi32>,
        %mul3A_963 = arith.constant 16 : i32
        %mul3A_964 = arith.muli %scan3A_954, %mul3A_963 : i32
        %get3A_965 = arith.index_cast %mul3A_964 : i32 to index
        %get3A_966 = tpu.vector_load %arg11[%get3A_965] {strides = array<i32>} : memref<2000xi32, #tpu.memory_space<vmem>>, vector<16xi32>,
        %gather3A = tpu.vector_load_idx %arg14[%get3A_958] : memref<10240xi32, #tpu.memory_space<vmem>>[vector<16xi32>], vector<16xi32>,
        %ge3A = arith.constant 0 : i32
        %ge3A_967 = vector.broadcast %ge3A : i32 to vector<16xi32>
        %ge3A_968 = arith.cmpi sge, %gather3A, %ge3A_967 : vector<16xi32>
        %shift_right_logical3A_969 = arith.constant 1 : i32
        %shift_right_logical3A_970 = vector.broadcast %shift_right_logical3A_969 : i32 to vector<16xi32>
        %shift_right_logical3A_971 = arith.shrui %get3A_962, %shift_right_logical3A_970 : vector<16xi32>
        %eq3A = vector.broadcast %arg0 : i32 to vector<16xi32>
        %eq3A_972 = arith.cmpi eq, %shift_right_logical3A_971, %eq3A : vector<16xi32>
        %and3A = arith.andi %ge3A_968, %eq3A_972 : vector<16xi1>
        %mul3A_973 = arith.constant 2 : i32
        %mul3A_974 = vector.broadcast %mul3A_973 : i32 to vector<16xi32>
        %mul3A_975 = arith.muli %gather3A, %mul3A_974 : vector<16xi32>
        %and3A_976 = arith.constant 1 : i32
        %and3A_977 = vector.broadcast %and3A_976 : i32 to vector<16xi32>
        %and3A_978 = arith.andi %get3A_962, %and3A_977 : vector<16xi32>
        %add3A_979 = arith.addi %mul3A_975, %and3A_978 : vector<16xi32>
        %swap3A = arith.index_cast %scan3A_955 : i32 to index
        %swap3A_980 = tpu.vector_load %arg16[%swap3A] masked %and3A {strides = array<i32>} : memref<4096xi32, #tpu.memory_space<vmem>>, vector<16xi32>, vector<16xi1>
        tpu.vector_store %arg16[%swap3A], %get3A_966 masked %and3A {strides = array<i32>} : memref<4096xi32, #tpu.memory_space<vmem>>, vector<16xi32>, vector<16xi1>
        %swap3A_981 = arith.index_cast %scan3A_955 : i32 to index
        %swap3A_982 = tpu.vector_load %arg17[%swap3A_981] masked %and3A {strides = array<i32>} : memref<4096xi32, #tpu.memory_space<vmem>>, vector<16xi32>, vector<16xi1>
        tpu.vector_store %arg17[%swap3A_981], %add3A_979 masked %and3A {strides = array<i32>} : memref<4096xi32, #tpu.memory_space<vmem>>, vector<16xi32>, vector<16xi1>
        %all_reduce_population_count3A = tpu.all_reduce %and3A {dim = 0 : i64, kind = #tpu.reduction_kind<sum>} : vector<16xi1> -> vector<16xi32>
        %reduce_max3A = arith.constant true
        %reduce_max3A_983 = vector.broadcast %reduce_max3A : i1 to vector<16xi1>
        %reduce_max3A_984 = arith.constant -2147483648 : i32
        %reduce_max3A_985 = vector.broadcast %reduce_max3A_984 : i32 to vector<16xi32>
        %reduce_max3A_986 = arith.xori %all_reduce_population_count3A, %reduce_max3A_985 : vector<16xi32>
        %reduce_max3A_987 = tpu.scan <max>, %reduce_max3A_986 masked %reduce_max3A_983 : vector<16xi32>, vector<16xi1> -> vector<16xi32>
        %reduce_max3A_988 = arith.xori %reduce_max3A_987, %reduce_max3A_985 : vector<16xi32>
        %reduce_max3A_989 = vector.extract %reduce_max3A_988[15] : i32 from vector<16xi32>
        %add3A_990 = arith.addi %scan3A_955, %reduce_max3A_989 : i32
        scf.yield %add3A_990 : i32
      }
      %scan3A_953 = arith.constant 125 : i32
      scf.yield %scan3A_952 : i32
    }
    %scan3A_622 = arith.constant 2 : i32
    %scan3A_623 = arith.constant 0 : i32
    %scan3A_624 = arith.constant 0 : i32
    %scan3A_625 = arith.constant 4 : i32
    %scan3A_626 = arith.addi %scan3A_624, %scan3A_625 : i32
    %scan3A_627 = arith.constant 1 : i32
    scf.for %scan3A_927 = %scan3A_624 to %scan3A_626 step %scan3A_627  : i32 {
      %broadcast_in_dim3A = arith.constant 0 : i32
      %broadcast_in_dim3A_928 = vector.broadcast %broadcast_in_dim3A : i32 to vector<16xi32>
      %mul3A_929 = arith.constant 16 : i32
      %mul3A_930 = arith.muli %scan3A_927, %mul3A_929 : i32
      %add3A_931 = arith.addi %scan3A_621, %mul3A_930 : i32
      %swap3A = arith.index_cast %add3A_931 : i32 to index
      %swap3A_932 = tpu.vector_load %arg16[%swap3A] {strides = array<i32>} : memref<4096xi32, #tpu.memory_space<vmem>>, vector<16xi32>,
      tpu.vector_store %arg16[%swap3A], %broadcast_in_dim3A_928 {strides = array<i32>} : memref<4096xi32, #tpu.memory_space<vmem>>, vector<16xi32>,
      %broadcast_in_dim3A_933 = arith.constant 4096 : i32
      %broadcast_in_dim3A_934 = vector.broadcast %broadcast_in_dim3A_933 : i32 to vector<16xi32>
      %mul3A_935 = arith.constant 16 : i32
      %mul3A_936 = arith.muli %scan3A_927, %mul3A_935 : i32
      %add3A_937 = arith.addi %scan3A_621, %mul3A_936 : i32
      %swap3A_938 = arith.index_cast %add3A_937 : i32 to index
      %swap3A_939 = tpu.vector_load %arg17[%swap3A_938] {strides = array<i32>} : memref<4096xi32, #tpu.memory_space<vmem>>, vector<16xi32>,
      tpu.vector_store %arg17[%swap3A_938], %broadcast_in_dim3A_934 {strides = array<i32>} : memref<4096xi32, #tpu.memory_space<vmem>>, vector<16xi32>,
    }
    %scan3A_628 = arith.constant 4 : i32
    %add3A_629 = arith.constant 64 : i32
    %add3A_630 = arith.addi %scan3A_621, %add3A_629 : i32
    %sub3A_631 = arith.constant 1 : i32
    %sub3A_632 = arith.subi %add3A_630, %sub3A_631 : i32
    %shift_right_logical3A_633 = arith.constant 6 : i32
    %shift_right_logical3A_634 = arith.shrui %sub3A_632, %shift_right_logical3A_633 : i32
    %mul3A_635 = arith.constant 4 : i32
    %mul3A_636 = arith.muli %shift_right_logical3A_634, %mul3A_635 : i32
    %while3A_637 = arith.constant 0 : i32
    %while3A_638 = arith.constant 0 : i32
    %while3A_639 = arith.subi %mul3A_636, %while3A_638 : i32
    %while3A_640 = arith.addi %while3A_638, %while3A_639 : i32
    %while3A_641 = arith.constant 1 : i32
    %while3A_642 = arith.divsi %while3A_639, %while3A_641 : i32
    %while3A_643 = arith.muli %while3A_642, %while3A_641 : i32
    %while3A_644 = arith.addi %while3A_638, %while3A_643 : i32
    %while3A_645 = arith.constant 1 : i32
    scf.for %while3A_927 = %while3A_638 to %while3A_644 step %while3A_645  : i32 {
      %mul3A_928 = arith.constant 16 : i32
      %mul3A_929 = arith.muli %while3A_927, %mul3A_928 : i32
      %get3A = arith.index_cast %mul3A_929 : i32 to index
      %get3A_930 = tpu.vector_load %arg17[%get3A] {strides = array<i32>} : memref<4096xi32, #tpu.memory_space<vmem>>, vector<16xi32>,
      %shift_right_logical3A_931 = arith.constant 2 : i32
      %shift_right_logical3A_932 = arith.shrui %while3A_927, %shift_right_logical3A_931 : i32
      %and3A = arith.constant 3 : i32
      %and3A_933 = arith.andi %while3A_927, %and3A : i32
      %mul3A_934 = arith.constant 16 : i32
      %mul3A_935 = arith.muli %and3A_933, %mul3A_934 : i32
      %swap3A = arith.index_cast %shift_right_logical3A_932 : i32 to index
      %swap3A_936 = arith.index_cast %mul3A_935 : i32 to index
      %swap3A_937 = tpu.vector_load %arg18[%swap3A, %swap3A_936] {strides = array<i32>} : memref<64x64xi32, #tpu.memory_space<vmem>>, vector<16xi32>,
      tpu.vector_store %arg18[%swap3A, %swap3A_936], %get3A_930 {strides = array<i32>} : memref<64x64xi32, #tpu.memory_space<vmem>>, vector<16xi32>,
    }
    %while3A_646 = arith.constant 1 : i32
    scf.for %while3A_927 = %while3A_644 to %while3A_640 step %while3A_646  : i32 {
      %mul3A_928 = arith.constant 16 : i32
      %mul3A_929 = arith.muli %while3A_927, %mul3A_928 : i32
      %get3A = arith.index_cast %mul3A_929 : i32 to index
      %get3A_930 = tpu.vector_load %arg17[%get3A] {strides = array<i32>} : memref<4096xi32, #tpu.memory_space<vmem>>, vector<16xi32>,
      %shift_right_logical3A_931 = arith.constant 2 : i32
      %shift_right_logical3A_932 = arith.shrui %while3A_927, %shift_right_logical3A_931 : i32
      %and3A = arith.constant 3 : i32
      %and3A_933 = arith.andi %while3A_927, %and3A : i32
      %mul3A_934 = arith.constant 16 : i32
      %mul3A_935 = arith.muli %and3A_933, %mul3A_934 : i32
      %swap3A = arith.index_cast %shift_right_logical3A_932 : i32 to index
      %swap3A_936 = arith.index_cast %mul3A_935 : i32 to index
      %swap3A_937 = tpu.vector_load %arg18[%swap3A, %swap3A_936] {strides = array<i32>} : memref<64x64xi32, #tpu.memory_space<vmem>>, vector<16xi32>,
      tpu.vector_store %arg18[%swap3A, %swap3A_936], %get3A_930 {strides = array<i32>} : memref<64x64xi32, #tpu.memory_space<vmem>>, vector<16xi32>,
    }
    %gt3A_647 = arith.constant 0 : i32
    %gt3A_648 = arith.cmpi sgt, %shift_right_logical3A_634, %gt3A_647 : i32
    %convert_element_type3A_649 = arith.extui %gt3A_648 : i1 to i32
    %cond3A_650 = arith.constant 0 : i32
    %cond3A_651 = arith.cmpi ne, %convert_element_type3A_649, %cond3A_650 : i32
    scf.if %cond3A_651 {
      %dma_start3A_927 = arith.constant 0 : i32
      %dma_start3A_928 = arith.constant 0 : i32
      %dma_start3A_929 = arith.constant 0 : i32
      %dma_start3A_930 = tpu.memref_slice %arg19[%dma_start3A_927, %dma_start3A_928, %dma_start3A_929] : memref<2x64x128xf32, #tpu.memory_space<vmem>> -> memref<1x64x128xf32, #tpu.memory_space<vmem>>
      %dma_start3A_931 = tpu.memref_squeeze %dma_start3A_930 : memref<1x64x128xf32, #tpu.memory_space<vmem>> -> memref<64x128xf32, #tpu.memory_space<vmem>>
      %dma_start3A_932 = arith.constant 0 : i32
      %dma_start3A_933 = tpu.memref_slice %arg16[%dma_start3A_932] : memref<4096xi32, #tpu.memory_space<vmem>> -> memref<64xi32, #tpu.memory_space<vmem>>
      %dma_start3A_934 = arith.constant 0 : i32
      %dma_start3A_935 = arith.constant 0 : i32
      %dma_start3A_936 = tpu.memref_slice %arg7[%dma_start3A_934, %dma_start3A_935] : memref<10000x128xf32, #tpu.memory_space<hbm>> -> memref<10000x128xf32, #tpu.memory_space<hbm>>
      tpu.enqueue_indirect_dma source(%dma_start3A_936 : memref<10000x128xf32, #tpu.memory_space<hbm>>) target(%dma_start3A_931 : memref<64x128xf32, #tpu.memory_space<vmem>>) offsets(%dma_start3A_933 : memref<64xi32, #tpu.memory_space<vmem>>) semaphore(%arg24 : memref<!tpu.dma_semaphore, #tpu.memory_space<semaphore_mem>>)
    } else {
    }
    %while3A_652 = arith.constant 0 : i32
    %while3A_653 = arith.constant 0 : i32
    %while3A_654 = arith.subi %shift_right_logical3A_634, %while3A_653 : i32
    %while3A_655 = arith.addi %while3A_653, %while3A_654 : i32
    %while3A_656 = arith.constant 1 : i32
    %while3A_657 = arith.divsi %while3A_654, %while3A_656 : i32
    %while3A_658 = arith.muli %while3A_657, %while3A_656 : i32
    %while3A_659 = arith.addi %while3A_653, %while3A_658 : i32
    %while3A_660 = arith.constant 1 : i32
    scf.for %while3A_927 = %while3A_653 to %while3A_659 step %while3A_660  : i32 {
      %and3A = arith.constant 1 : i32
      %and3A_928 = arith.andi %while3A_927, %and3A : i32
      %mul3A_929 = arith.constant 64 : i32
      %mul3A_930 = arith.muli %while3A_927, %mul3A_929 : i32
      %dma_wait3A_931 = arith.constant 0 : i32
      %dma_wait3A_932 = arith.constant 0 : i32
      %dma_wait3A_933 = tpu.memref_slice %arg19[%and3A_928, %dma_wait3A_931, %dma_wait3A_932] : memref<2x64x128xf32, #tpu.memory_space<vmem>> -> memref<1x64x128xf32, #tpu.memory_space<vmem>>
      %dma_wait3A_934 = tpu.memref_squeeze %dma_wait3A_933 : memref<1x64x128xf32, #tpu.memory_space<vmem>> -> memref<64x128xf32, #tpu.memory_space<vmem>>
      %dma_wait3A_935 = tpu.memref_slice %arg16[%mul3A_930] : memref<4096xi32, #tpu.memory_space<vmem>> -> memref<64xi32, #tpu.memory_space<vmem>>
      %dma_wait3A_936 = arith.constant 0 : i32
      %dma_wait3A_937 = arith.constant 0 : i32
      %dma_wait3A_938 = tpu.memref_slice %arg7[%dma_wait3A_936, %dma_wait3A_937] : memref<10000x128xf32, #tpu.memory_space<hbm>> -> memref<10000x128xf32, #tpu.memory_space<hbm>>
      tpu.wait_indirect_dma semaphore(%arg24 : memref<!tpu.dma_semaphore, #tpu.memory_space<semaphore_mem>>) src(%dma_wait3A_938 : memref<10000x128xf32, #tpu.memory_space<hbm>>) dst(%dma_wait3A_934 : memref<64x128xf32, #tpu.memory_space<vmem>>)
      %ge3A = arith.constant 1 : i32
      %ge3A_939 = arith.cmpi sge, %while3A_927, %ge3A : i32
      %convert_element_type3A_940 = arith.extui %ge3A_939 : i1 to i32
      %cond3A_941 = arith.constant 0 : i32
      %cond3A_942 = arith.cmpi ne, %convert_element_type3A_940, %cond3A_941 : i32
      scf.if %cond3A_942 {
        %sub3A_964 = arith.constant 1 : i32
        %sub3A_965 = arith.subi %sub3A_964, %and3A_928 : i32
        %sub3A_966 = arith.constant 1 : i32
        %sub3A_967 = arith.subi %while3A_927, %sub3A_966 : i32
        %dma_wait3A_968 = arith.constant 0 : i32
        %dma_wait3A_969 = arith.constant 0 : i32
        %dma_wait3A_970 = tpu.memref_slice %arg19[%sub3A_965, %dma_wait3A_968, %dma_wait3A_969] : memref<2x64x128xf32, #tpu.memory_space<vmem>> -> memref<1x64x128xf32, #tpu.memory_space<vmem>>
        %dma_wait3A_971 = tpu.memref_squeeze %dma_wait3A_970 : memref<1x64x128xf32, #tpu.memory_space<vmem>> -> memref<64x128xf32, #tpu.memory_space<vmem>>
        %dma_wait3A_972 = arith.constant 0 : i32
        %dma_wait3A_973 = tpu.memref_slice %arg18[%sub3A_967, %dma_wait3A_972] : memref<64x64xi32, #tpu.memory_space<vmem>> -> memref<1x64xi32, #tpu.memory_space<vmem>>
        %dma_wait3A_974 = tpu.memref_squeeze %dma_wait3A_973 : memref<1x64xi32, #tpu.memory_space<vmem>> -> memref<64xi32, #tpu.memory_space<vmem>>
        %dma_wait3A_975 = arith.constant 0 : i32
        %dma_wait3A_976 = arith.constant 0 : i32
        %dma_wait3A_977 = tpu.memref_slice %arg22[%dma_wait3A_975, %dma_wait3A_976] : memref<4224x128xf32, #tpu.memory_space<vmem_shared>> -> memref<4224x128xf32, #tpu.memory_space<vmem_shared>>
        tpu.wait_indirect_dma semaphore(%arg25 : memref<!tpu.dma_semaphore, #tpu.memory_space<semaphore_mem>>) src(%dma_wait3A_971 : memref<64x128xf32, #tpu.memory_space<vmem>>) dst(%dma_wait3A_977 : memref<4224x128xf32, #tpu.memory_space<vmem_shared>>)
        %sub3A_978 = arith.constant 1 : i32
        %sub3A_979 = arith.subi %while3A_927, %sub3A_978 : i32
        %dma_wait3A_980 = arith.constant 0 : i32
        %dma_wait3A_981 = tpu.memref_slice %arg18[%sub3A_979, %dma_wait3A_980] : memref<64x64xi32, #tpu.memory_space<vmem>> -> memref<1x64xi32, #tpu.memory_space<vmem>>
        %dma_wait3A_982 = tpu.memref_squeeze %dma_wait3A_981 : memref<1x64xi32, #tpu.memory_space<vmem>> -> memref<64xi32, #tpu.memory_space<vmem>>
        %dma_wait3A_983 = arith.constant 0 : i32
        %dma_wait3A_984 = arith.constant 0 : i32
        %dma_wait3A_985 = tpu.memref_slice %arg23[%dma_wait3A_983, %dma_wait3A_984] : memref<4224x128xf32, #tpu.memory_space<vmem_shared>> -> memref<4224x128xf32, #tpu.memory_space<vmem_shared>>
        tpu.wait_indirect_dma semaphore(%arg26 : memref<!tpu.dma_semaphore, #tpu.memory_space<semaphore_mem>>) src(%arg20 : memref<64x128xf32, #tpu.memory_space<vmem>>) dst(%dma_wait3A_985 : memref<4224x128xf32, #tpu.memory_space<vmem_shared>>)
      } else {
      }
      %add3A_943 = arith.constant 1 : i32
      %add3A_944 = arith.addi %while3A_927, %add3A_943 : i32
      %lt3A = arith.cmpi slt, %add3A_944, %shift_right_logical3A_634 : i32
      %convert_element_type3A_945 = arith.extui %lt3A : i1 to i32
      %cond3A_946 = arith.constant 0 : i32
      %cond3A_947 = arith.cmpi ne, %convert_element_type3A_945, %cond3A_946 : i32
      scf.if %cond3A_947 {
        %add3A_964 = arith.constant 1 : i32
        %add3A_965 = arith.addi %while3A_927, %add3A_964 : i32
        %mul3A_966 = arith.constant 64 : i32
        %mul3A_967 = arith.muli %add3A_965, %mul3A_966 : i32
        %sub3A_968 = arith.constant 1 : i32
        %sub3A_969 = arith.subi %sub3A_968, %and3A_928 : i32
        %dma_start3A_970 = arith.constant 0 : i32
        %dma_start3A_971 = arith.constant 0 : i32
        %dma_start3A_972 = tpu.memref_slice %arg19[%sub3A_969, %dma_start3A_970, %dma_start3A_971] : memref<2x64x128xf32, #tpu.memory_space<vmem>> -> memref<1x64x128xf32, #tpu.memory_space<vmem>>
        %dma_start3A_973 = tpu.memref_squeeze %dma_start3A_972 : memref<1x64x128xf32, #tpu.memory_space<vmem>> -> memref<64x128xf32, #tpu.memory_space<vmem>>
        %dma_start3A_974 = tpu.memref_slice %arg16[%mul3A_967] : memref<4096xi32, #tpu.memory_space<vmem>> -> memref<64xi32, #tpu.memory_space<vmem>>
        %dma_start3A_975 = arith.constant 0 : i32
        %dma_start3A_976 = arith.constant 0 : i32
        %dma_start3A_977 = tpu.memref_slice %arg7[%dma_start3A_975, %dma_start3A_976] : memref<10000x128xf32, #tpu.memory_space<hbm>> -> memref<10000x128xf32, #tpu.memory_space<hbm>>
        tpu.enqueue_indirect_dma source(%dma_start3A_977 : memref<10000x128xf32, #tpu.memory_space<hbm>>) target(%dma_start3A_973 : memref<64x128xf32, #tpu.memory_space<vmem>>) offsets(%dma_start3A_974 : memref<64xi32, #tpu.memory_space<vmem>>) semaphore(%arg24 : memref<!tpu.dma_semaphore, #tpu.memory_space<semaphore_mem>>)
      } else {
      }
      %dma_start3A_948 = arith.constant 0 : i32
      %dma_start3A_949 = arith.constant 0 : i32
      %dma_start3A_950 = tpu.memref_slice %arg19[%and3A_928, %dma_start3A_948, %dma_start3A_949] : memref<2x64x128xf32, #tpu.memory_space<vmem>> -> memref<1x64x128xf32, #tpu.memory_space<vmem>>
      %dma_start3A_951 = tpu.memref_squeeze %dma_start3A_950 : memref<1x64x128xf32, #tpu.memory_space<vmem>> -> memref<64x128xf32, #tpu.memory_space<vmem>>
      %dma_start3A_952 = arith.constant 0 : i32
      %dma_start3A_953 = tpu.memref_slice %arg18[%while3A_927, %dma_start3A_952] : memref<64x64xi32, #tpu.memory_space<vmem>> -> memref<1x64xi32, #tpu.memory_space<vmem>>
      %dma_start3A_954 = tpu.memref_squeeze %dma_start3A_953 : memref<1x64xi32, #tpu.memory_space<vmem>> -> memref<64xi32, #tpu.memory_space<vmem>>
      %dma_start3A_955 = arith.constant 0 : i32
      %dma_start3A_956 = arith.constant 0 : i32
      %dma_start3A_957 = tpu.memref_slice %arg22[%dma_start3A_955, %dma_start3A_956] : memref<4224x128xf32, #tpu.memory_space<vmem_shared>> -> memref<4224x128xf32, #tpu.memory_space<vmem_shared>>
      tpu.enqueue_indirect_dma source(%dma_start3A_951 : memref<64x128xf32, #tpu.memory_space<vmem>>) target(%dma_start3A_957 : memref<4224x128xf32, #tpu.memory_space<vmem_shared>>) offsets(%dma_start3A_954 : memref<64xi32, #tpu.memory_space<vmem>>) semaphore(%arg25 : memref<!tpu.dma_semaphore, #tpu.memory_space<semaphore_mem>>) {add = true}
      %dma_start3A_958 = arith.constant 0 : i32
      %dma_start3A_959 = tpu.memref_slice %arg18[%while3A_927, %dma_start3A_958] : memref<64x64xi32, #tpu.memory_space<vmem>> -> memref<1x64xi32, #tpu.memory_space<vmem>>
      %dma_start3A_960 = tpu.memref_squeeze %dma_start3A_959 : memref<1x64xi32, #tpu.memory_space<vmem>> -> memref<64xi32, #tpu.memory_space<vmem>>
      %dma_start3A_961 = arith.constant 0 : i32
      %dma_start3A_962 = arith.constant 0 : i32
      %dma_start3A_963 = tpu.memref_slice %arg23[%dma_start3A_961, %dma_start3A_962] : memref<4224x128xf32, #tpu.memory_space<vmem_shared>> -> memref<4224x128xf32, #tpu.memory_space<vmem_shared>>
      tpu.enqueue_indirect_dma source(%arg20 : memref<64x128xf32, #tpu.memory_space<vmem>>) target(%dma_start3A_963 : memref<4224x128xf32, #tpu.memory_space<vmem_shared>>) offsets(%dma_start3A_960 : memref<64xi32, #tpu.memory_space<vmem>>) semaphore(%arg26 : memref<!tpu.dma_semaphore, #tpu.memory_space<semaphore_mem>>) {add = true}
    }
    %while3A_661 = arith.constant 1 : i32
    scf.for %while3A_927 = %while3A_659 to %while3A_655 step %while3A_661  : i32 {
      %and3A = arith.constant 1 : i32
      %and3A_928 = arith.andi %while3A_927, %and3A : i32
      %mul3A_929 = arith.constant 64 : i32
      %mul3A_930 = arith.muli %while3A_927, %mul3A_929 : i32
      %dma_wait3A_931 = arith.constant 0 : i32
      %dma_wait3A_932 = arith.constant 0 : i32
      %dma_wait3A_933 = tpu.memref_slice %arg19[%and3A_928, %dma_wait3A_931, %dma_wait3A_932] : memref<2x64x128xf32, #tpu.memory_space<vmem>> -> memref<1x64x128xf32, #tpu.memory_space<vmem>>
      %dma_wait3A_934 = tpu.memref_squeeze %dma_wait3A_933 : memref<1x64x128xf32, #tpu.memory_space<vmem>> -> memref<64x128xf32, #tpu.memory_space<vmem>>
      %dma_wait3A_935 = tpu.memref_slice %arg16[%mul3A_930] : memref<4096xi32, #tpu.memory_space<vmem>> -> memref<64xi32, #tpu.memory_space<vmem>>
      %dma_wait3A_936 = arith.constant 0 : i32
      %dma_wait3A_937 = arith.constant 0 : i32
      %dma_wait3A_938 = tpu.memref_slice %arg7[%dma_wait3A_936, %dma_wait3A_937] : memref<10000x128xf32, #tpu.memory_space<hbm>> -> memref<10000x128xf32, #tpu.memory_space<hbm>>
      tpu.wait_indirect_dma semaphore(%arg24 : memref<!tpu.dma_semaphore, #tpu.memory_space<semaphore_mem>>) src(%dma_wait3A_938 : memref<10000x128xf32, #tpu.memory_space<hbm>>) dst(%dma_wait3A_934 : memref<64x128xf32, #tpu.memory_space<vmem>>)
      %ge3A = arith.constant 1 : i32
      %ge3A_939 = arith.cmpi sge, %while3A_927, %ge3A : i32
      %convert_element_type3A_940 = arith.extui %ge3A_939 : i1 to i32
      %cond3A_941 = arith.constant 0 : i32
      %cond3A_942 = arith.cmpi ne, %convert_element_type3A_940, %cond3A_941 : i32
      scf.if %cond3A_942 {
        %sub3A_964 = arith.constant 1 : i32
        %sub3A_965 = arith.subi %sub3A_964, %and3A_928 : i32
        %sub3A_966 = arith.constant 1 : i32
        %sub3A_967 = arith.subi %while3A_927, %sub3A_966 : i32
        %dma_wait3A_968 = arith.constant 0 : i32
        %dma_wait3A_969 = arith.constant 0 : i32
        %dma_wait3A_970 = tpu.memref_slice %arg19[%sub3A_965, %dma_wait3A_968, %dma_wait3A_969] : memref<2x64x128xf32, #tpu.memory_space<vmem>> -> memref<1x64x128xf32, #tpu.memory_space<vmem>>
        %dma_wait3A_971 = tpu.memref_squeeze %dma_wait3A_970 : memref<1x64x128xf32, #tpu.memory_space<vmem>> -> memref<64x128xf32, #tpu.memory_space<vmem>>
        %dma_wait3A_972 = arith.constant 0 : i32
        %dma_wait3A_973 = tpu.memref_slice %arg18[%sub3A_967, %dma_wait3A_972] : memref<64x64xi32, #tpu.memory_space<vmem>> -> memref<1x64xi32, #tpu.memory_space<vmem>>
        %dma_wait3A_974 = tpu.memref_squeeze %dma_wait3A_973 : memref<1x64xi32, #tpu.memory_space<vmem>> -> memref<64xi32, #tpu.memory_space<vmem>>
        %dma_wait3A_975 = arith.constant 0 : i32
        %dma_wait3A_976 = arith.constant 0 : i32
        %dma_wait3A_977 = tpu.memref_slice %arg22[%dma_wait3A_975, %dma_wait3A_976] : memref<4224x128xf32, #tpu.memory_space<vmem_shared>> -> memref<4224x128xf32, #tpu.memory_space<vmem_shared>>
        tpu.wait_indirect_dma semaphore(%arg25 : memref<!tpu.dma_semaphore, #tpu.memory_space<semaphore_mem>>) src(%dma_wait3A_971 : memref<64x128xf32, #tpu.memory_space<vmem>>) dst(%dma_wait3A_977 : memref<4224x128xf32, #tpu.memory_space<vmem_shared>>)
        %sub3A_978 = arith.constant 1 : i32
        %sub3A_979 = arith.subi %while3A_927, %sub3A_978 : i32
        %dma_wait3A_980 = arith.constant 0 : i32
        %dma_wait3A_981 = tpu.memref_slice %arg18[%sub3A_979, %dma_wait3A_980] : memref<64x64xi32, #tpu.memory_space<vmem>> -> memref<1x64xi32, #tpu.memory_space<vmem>>
        %dma_wait3A_982 = tpu.memref_squeeze %dma_wait3A_981 : memref<1x64xi32, #tpu.memory_space<vmem>> -> memref<64xi32, #tpu.memory_space<vmem>>
        %dma_wait3A_983 = arith.constant 0 : i32
        %dma_wait3A_984 = arith.constant 0 : i32
        %dma_wait3A_985 = tpu.memref_slice %arg23[%dma_wait3A_983, %dma_wait3A_984] : memref<4224x128xf32, #tpu.memory_space<vmem_shared>> -> memref<4224x128xf32, #tpu.memory_space<vmem_shared>>
        tpu.wait_indirect_dma semaphore(%arg26 : memref<!tpu.dma_semaphore, #tpu.memory_space<semaphore_mem>>) src(%arg20 : memref<64x128xf32, #tpu.memory_space<vmem>>) dst(%dma_wait3A_985 : memref<4224x128xf32, #tpu.memory_space<vmem_shared>>)
      } else {
      }
      %add3A_943 = arith.constant 1 : i32
      %add3A_944 = arith.addi %while3A_927, %add3A_943 : i32
      %lt3A = arith.cmpi slt, %add3A_944, %shift_right_logical3A_634 : i32
      %convert_element_type3A_945 = arith.extui %lt3A : i1 to i32
      %cond3A_946 = arith.constant 0 : i32
      %cond3A_947 = arith.cmpi ne, %convert_element_type3A_945, %cond3A_946 : i32
      scf.if %cond3A_947 {
        %add3A_964 = arith.constant 1 : i32
        %add3A_965 = arith.addi %while3A_927, %add3A_964 : i32
        %mul3A_966 = arith.constant 64 : i32
        %mul3A_967 = arith.muli %add3A_965, %mul3A_966 : i32
        %sub3A_968 = arith.constant 1 : i32
        %sub3A_969 = arith.subi %sub3A_968, %and3A_928 : i32
        %dma_start3A_970 = arith.constant 0 : i32
        %dma_start3A_971 = arith.constant 0 : i32
        %dma_start3A_972 = tpu.memref_slice %arg19[%sub3A_969, %dma_start3A_970, %dma_start3A_971] : memref<2x64x128xf32, #tpu.memory_space<vmem>> -> memref<1x64x128xf32, #tpu.memory_space<vmem>>
        %dma_start3A_973 = tpu.memref_squeeze %dma_start3A_972 : memref<1x64x128xf32, #tpu.memory_space<vmem>> -> memref<64x128xf32, #tpu.memory_space<vmem>>
        %dma_start3A_974 = tpu.memref_slice %arg16[%mul3A_967] : memref<4096xi32, #tpu.memory_space<vmem>> -> memref<64xi32, #tpu.memory_space<vmem>>
        %dma_start3A_975 = arith.constant 0 : i32
        %dma_start3A_976 = arith.constant 0 : i32
        %dma_start3A_977 = tpu.memref_slice %arg7[%dma_start3A_975, %dma_start3A_976] : memref<10000x128xf32, #tpu.memory_space<hbm>> -> memref<10000x128xf32, #tpu.memory_space<hbm>>
        tpu.enqueue_indirect_dma source(%dma_start3A_977 : memref<10000x128xf32, #tpu.memory_space<hbm>>) target(%dma_start3A_973 : memref<64x128xf32, #tpu.memory_space<vmem>>) offsets(%dma_start3A_974 : memref<64xi32, #tpu.memory_space<vmem>>) semaphore(%arg24 : memref<!tpu.dma_semaphore, #tpu.memory_space<semaphore_mem>>)
      } else {
      }
      %dma_start3A_948 = arith.constant 0 : i32
      %dma_start3A_949 = arith.constant 0 : i32
      %dma_start3A_950 = tpu.memref_slice %arg19[%and3A_928, %dma_start3A_948, %dma_start3A_949] : memref<2x64x128xf32, #tpu.memory_space<vmem>> -> memref<1x64x128xf32, #tpu.memory_space<vmem>>
      %dma_start3A_951 = tpu.memref_squeeze %dma_start3A_950 : memref<1x64x128xf32, #tpu.memory_space<vmem>> -> memref<64x128xf32, #tpu.memory_space<vmem>>
      %dma_start3A_952 = arith.constant 0 : i32
      %dma_start3A_953 = tpu.memref_slice %arg18[%while3A_927, %dma_start3A_952] : memref<64x64xi32, #tpu.memory_space<vmem>> -> memref<1x64xi32, #tpu.memory_space<vmem>>
      %dma_start3A_954 = tpu.memref_squeeze %dma_start3A_953 : memref<1x64xi32, #tpu.memory_space<vmem>> -> memref<64xi32, #tpu.memory_space<vmem>>
      %dma_start3A_955 = arith.constant 0 : i32
      %dma_start3A_956 = arith.constant 0 : i32
      %dma_start3A_957 = tpu.memref_slice %arg22[%dma_start3A_955, %dma_start3A_956] : memref<4224x128xf32, #tpu.memory_space<vmem_shared>> -> memref<4224x128xf32, #tpu.memory_space<vmem_shared>>
      tpu.enqueue_indirect_dma source(%dma_start3A_951 : memref<64x128xf32, #tpu.memory_space<vmem>>) target(%dma_start3A_957 : memref<4224x128xf32, #tpu.memory_space<vmem_shared>>) offsets(%dma_start3A_954 : memref<64xi32, #tpu.memory_space<vmem>>) semaphore(%arg25 : memref<!tpu.dma_semaphore, #tpu.memory_space<semaphore_mem>>) {add = true}
      %dma_start3A_958 = arith.constant 0 : i32
      %dma_start3A_959 = tpu.memref_slice %arg18[%while3A_927, %dma_start3A_958] : memref<64x64xi32, #tpu.memory_space<vmem>> -> memref<1x64xi32, #tpu.memory_space<vmem>>
      %dma_start3A_960 = tpu.memref_squeeze %dma_start3A_959 : memref<1x64xi32, #tpu.memory_space<vmem>> -> memref<64xi32, #tpu.memory_space<vmem>>
      %dma_start3A_961 = arith.constant 0 : i32
      %dma_start3A_962 = arith.constant 0 : i32
      %dma_start3A_963 = tpu.memref_slice %arg23[%dma_start3A_961, %dma_start3A_962] : memref<4224x128xf32, #tpu.memory_space<vmem_shared>> -> memref<4224x128xf32, #tpu.memory_space<vmem_shared>>
      tpu.enqueue_indirect_dma source(%arg20 : memref<64x128xf32, #tpu.memory_space<vmem>>) target(%dma_start3A_963 : memref<4224x128xf32, #tpu.memory_space<vmem_shared>>) offsets(%dma_start3A_960 : memref<64xi32, #tpu.memory_space<vmem>>) semaphore(%arg26 : memref<!tpu.dma_semaphore, #tpu.memory_space<semaphore_mem>>) {add = true}
    }
    %gt3A_662 = arith.constant 0 : i32
    %gt3A_663 = arith.cmpi sgt, %shift_right_logical3A_634, %gt3A_662 : i32
    %convert_element_type3A_664 = arith.extui %gt3A_663 : i1 to i32
    %cond3A_665 = arith.constant 0 : i32
    %cond3A_666 = arith.cmpi ne, %convert_element_type3A_664, %cond3A_665 : i32
    scf.if %cond3A_666 {
      %sub3A_927 = arith.constant 1 : i32
      %sub3A_928 = arith.subi %shift_right_logical3A_634, %sub3A_927 : i32
      %and3A = arith.constant 1 : i32
      %and3A_929 = arith.andi %sub3A_928, %and3A : i32
      %dma_wait3A_930 = arith.constant 0 : i32
      %dma_wait3A_931 = arith.constant 0 : i32
      %dma_wait3A_932 = tpu.memref_slice %arg19[%and3A_929, %dma_wait3A_930, %dma_wait3A_931] : memref<2x64x128xf32, #tpu.memory_space<vmem>> -> memref<1x64x128xf32, #tpu.memory_space<vmem>>
      %dma_wait3A_933 = tpu.memref_squeeze %dma_wait3A_932 : memref<1x64x128xf32, #tpu.memory_space<vmem>> -> memref<64x128xf32, #tpu.memory_space<vmem>>
      %dma_wait3A_934 = arith.constant 0 : i32
      %dma_wait3A_935 = tpu.memref_slice %arg18[%sub3A_928, %dma_wait3A_934] : memref<64x64xi32, #tpu.memory_space<vmem>> -> memref<1x64xi32, #tpu.memory_space<vmem>>
      %dma_wait3A_936 = tpu.memref_squeeze %dma_wait3A_935 : memref<1x64xi32, #tpu.memory_space<vmem>> -> memref<64xi32, #tpu.memory_space<vmem>>
      %dma_wait3A_937 = arith.constant 0 : i32
      %dma_wait3A_938 = arith.constant 0 : i32
      %dma_wait3A_939 = tpu.memref_slice %arg22[%dma_wait3A_937, %dma_wait3A_938] : memref<4224x128xf32, #tpu.memory_space<vmem_shared>> -> memref<4224x128xf32, #tpu.memory_space<vmem_shared>>
      tpu.wait_indirect_dma semaphore(%arg25 : memref<!tpu.dma_semaphore, #tpu.memory_space<semaphore_mem>>) src(%dma_wait3A_933 : memref<64x128xf32, #tpu.memory_space<vmem>>) dst(%dma_wait3A_939 : memref<4224x128xf32, #tpu.memory_space<vmem_shared>>)
      %dma_wait3A_940 = arith.constant 0 : i32
      %dma_wait3A_941 = tpu.memref_slice %arg18[%sub3A_928, %dma_wait3A_940] : memref<64x64xi32, #tpu.memory_space<vmem>> -> memref<1x64xi32, #tpu.memory_space<vmem>>
      %dma_wait3A_942 = tpu.memref_squeeze %dma_wait3A_941 : memref<1x64xi32, #tpu.memory_space<vmem>> -> memref<64xi32, #tpu.memory_space<vmem>>
      %dma_wait3A_943 = arith.constant 0 : i32
      %dma_wait3A_944 = arith.constant 0 : i32
      %dma_wait3A_945 = tpu.memref_slice %arg23[%dma_wait3A_943, %dma_wait3A_944] : memref<4224x128xf32, #tpu.memory_space<vmem_shared>> -> memref<4224x128xf32, #tpu.memory_space<vmem_shared>>
      tpu.wait_indirect_dma semaphore(%arg26 : memref<!tpu.dma_semaphore, #tpu.memory_space<semaphore_mem>>) src(%arg20 : memref<64x128xf32, #tpu.memory_space<vmem>>) dst(%dma_wait3A_945 : memref<4224x128xf32, #tpu.memory_space<vmem_shared>>)
    } else {
    }
    %barrier3A_667 = arith.constant 0 : index
    tpu.barrier barrier_id(%barrier3A_667)
    %mul3A_668 = arith.constant 256 : i32
    %mul3A_669 = arith.muli %arg1, %mul3A_668 : i32
    %scan3A_670 = arith.constant 0 : i32
    %scan3A_671 = arith.constant 0 : i32
    %scan3A_672 = arith.constant 16 : i32
    %scan3A_673 = arith.addi %scan3A_671, %scan3A_672 : i32
    %scan3A_674 = arith.constant 1 : i32
    scf.for %scan3A_927 = %scan3A_671 to %scan3A_673 step %scan3A_674  : i32 {
      %mul3A_928 = arith.constant 16 : i32
      %mul3A_929 = arith.muli %scan3A_927, %mul3A_928 : i32
      %add3A_930 = arith.addi %mul3A_669, %mul3A_929 : i32
      %add3A_931 = vector.broadcast %add3A_930 : i32 to vector<16xi32>
      %add3A_932 = arith.addi %add3A_931, %iota3A : vector<16xi32>
      %shift_right_logical3A_933 = arith.constant 11 : i32
      %shift_right_logical3A_934 = vector.broadcast %shift_right_logical3A_933 : i32 to vector<16xi32>
      %shift_right_logical3A_935 = arith.shrui %add3A_932, %shift_right_logical3A_934 : vector<16xi32>
      %and3A = arith.constant 2047 : i32
      %and3A_936 = vector.broadcast %and3A : i32 to vector<16xi32>
      %and3A_937 = arith.andi %add3A_932, %and3A_936 : vector<16xi32>
      %gather3A = tpu.vector_load_idx %arg15[%and3A_937] : memref<2048xi32, #tpu.memory_space<vmem>>[vector<16xi32>], vector<16xi32>,
      %gather3A_938 = tpu.vector_load_idx %arg14[%gather3A] : memref<10240xi32, #tpu.memory_space<vmem>>[vector<16xi32>], vector<16xi32>,
      %mul3A_939 = arith.constant 2 : i32
      %mul3A_940 = vector.broadcast %mul3A_939 : i32 to vector<16xi32>
      %mul3A_941 = arith.muli %gather3A_938, %mul3A_940 : vector<16xi32>
      %add3A_942 = arith.addi %mul3A_941, %shift_right_logical3A_935 : vector<16xi32>
      %mul3A_943 = arith.constant 16 : i32
      %mul3A_944 = arith.muli %scan3A_927, %mul3A_943 : i32
      %swap3A = arith.index_cast %mul3A_944 : i32 to index
      %swap3A_945 = tpu.vector_load %arg21[%swap3A] {strides = array<i32>} : memref<256xi32, #tpu.memory_space<vmem>>, vector<16xi32>,
      tpu.vector_store %arg21[%swap3A], %add3A_942 {strides = array<i32>} : memref<256xi32, #tpu.memory_space<vmem>>, vector<16xi32>,
    }
    %scan3A_675 = arith.constant 16 : i32
    %dma_start3A_676 = arith.constant 0 : i32
    %dma_start3A_677 = arith.constant 0 : i32
    %dma_start3A_678 = arith.constant 0 : i32
    %dma_start3A_679 = tpu.memref_slice %arg19[%dma_start3A_676, %dma_start3A_677, %dma_start3A_678] : memref<2x64x128xf32, #tpu.memory_space<vmem>> -> memref<1x64x128xf32, #tpu.memory_space<vmem>>
    %dma_start3A_680 = tpu.memref_squeeze %dma_start3A_679 : memref<1x64x128xf32, #tpu.memory_space<vmem>> -> memref<64x128xf32, #tpu.memory_space<vmem>>
    %dma_start3A_681 = arith.constant 0 : i32
    %dma_start3A_682 = tpu.memref_slice %arg21[%dma_start3A_681] : memref<256xi32, #tpu.memory_space<vmem>> -> memref<64xi32, #tpu.memory_space<vmem>>
    %dma_start3A_683 = arith.constant 0 : i32
    %dma_start3A_684 = arith.constant 0 : i32
    %dma_start3A_685 = tpu.memref_slice %arg22[%dma_start3A_683, %dma_start3A_684] : memref<4224x128xf32, #tpu.memory_space<vmem_shared>> -> memref<4224x128xf32, #tpu.memory_space<vmem_shared>>
    tpu.enqueue_indirect_dma source(%dma_start3A_685 : memref<4224x128xf32, #tpu.memory_space<vmem_shared>>) target(%dma_start3A_680 : memref<64x128xf32, #tpu.memory_space<vmem>>) offsets(%dma_start3A_682 : memref<64xi32, #tpu.memory_space<vmem>>) semaphore(%arg24 : memref<!tpu.dma_semaphore, #tpu.memory_space<semaphore_mem>>)
    %dma_start3A_686 = arith.constant 1 : i32
    %dma_start3A_687 = arith.constant 0 : i32
    %dma_start3A_688 = arith.constant 0 : i32
    %dma_start3A_689 = tpu.memref_slice %arg19[%dma_start3A_686, %dma_start3A_687, %dma_start3A_688] : memref<2x64x128xf32, #tpu.memory_space<vmem>> -> memref<1x64x128xf32, #tpu.memory_space<vmem>>
    %dma_start3A_690 = tpu.memref_squeeze %dma_start3A_689 : memref<1x64x128xf32, #tpu.memory_space<vmem>> -> memref<64x128xf32, #tpu.memory_space<vmem>>
    %dma_start3A_691 = arith.constant 0 : i32
    %dma_start3A_692 = tpu.memref_slice %arg21[%dma_start3A_691] : memref<256xi32, #tpu.memory_space<vmem>> -> memref<64xi32, #tpu.memory_space<vmem>>
    %dma_start3A_693 = arith.constant 0 : i32
    %dma_start3A_694 = arith.constant 0 : i32
    %dma_start3A_695 = tpu.memref_slice %arg23[%dma_start3A_693, %dma_start3A_694] : memref<4224x128xf32, #tpu.memory_space<vmem_shared>> -> memref<4224x128xf32, #tpu.memory_space<vmem_shared>>
    tpu.enqueue_indirect_dma source(%dma_start3A_695 : memref<4224x128xf32, #tpu.memory_space<vmem_shared>>) target(%dma_start3A_690 : memref<64x128xf32, #tpu.memory_space<vmem>>) offsets(%dma_start3A_692 : memref<64xi32, #tpu.memory_space<vmem>>) semaphore(%arg26 : memref<!tpu.dma_semaphore, #tpu.memory_space<semaphore_mem>>)
    %dma_wait3A_696 = arith.constant 0 : i32
    %dma_wait3A_697 = arith.constant 0 : i32
    %dma_wait3A_698 = arith.constant 0 : i32
    %dma_wait3A_699 = tpu.memref_slice %arg19[%dma_wait3A_696, %dma_wait3A_697, %dma_wait3A_698] : memref<2x64x128xf32, #tpu.memory_space<vmem>> -> memref<1x64x128xf32, #tpu.memory_space<vmem>>
    %dma_wait3A_700 = tpu.memref_squeeze %dma_wait3A_699 : memref<1x64x128xf32, #tpu.memory_space<vmem>> -> memref<64x128xf32, #tpu.memory_space<vmem>>
    %dma_wait3A_701 = arith.constant 0 : i32
    %dma_wait3A_702 = tpu.memref_slice %arg21[%dma_wait3A_701] : memref<256xi32, #tpu.memory_space<vmem>> -> memref<64xi32, #tpu.memory_space<vmem>>
    %dma_wait3A_703 = arith.constant 0 : i32
    %dma_wait3A_704 = arith.constant 0 : i32
    %dma_wait3A_705 = tpu.memref_slice %arg22[%dma_wait3A_703, %dma_wait3A_704] : memref<4224x128xf32, #tpu.memory_space<vmem_shared>> -> memref<4224x128xf32, #tpu.memory_space<vmem_shared>>
    tpu.wait_indirect_dma semaphore(%arg24 : memref<!tpu.dma_semaphore, #tpu.memory_space<semaphore_mem>>) src(%dma_wait3A_705 : memref<4224x128xf32, #tpu.memory_space<vmem_shared>>) dst(%dma_wait3A_700 : memref<64x128xf32, #tpu.memory_space<vmem>>)
    %mul3A_706 = arith.constant 4096 : i32
    %mul3A_707 = arith.muli %arg0, %mul3A_706 : i32
    %add3A_708 = arith.addi %mul3A_707, %mul3A_669 : i32
    %add3A_709 = arith.constant 0 : i32
    %add3A_710 = arith.addi %add3A_708, %add3A_709 : i32
    %run_scoped3A = arith.constant 0 : i32
    "tpu.region"() ({
      %run_scoped3A_927 = tpu.sem_alloc : memref<!tpu.dma_semaphore, #tpu.memory_space<semaphore_mem>>
      %dma_start3A_928 = arith.constant 0 : i32
      %dma_start3A_929 = arith.constant 0 : i32
      %dma_start3A_930 = tpu.memref_slice %arg19[%run_scoped3A, %dma_start3A_928, %dma_start3A_929] : memref<2x64x128xf32, #tpu.memory_space<vmem>> -> memref<1x64x128xf32, #tpu.memory_space<vmem>>
      %dma_start3A_931 = tpu.memref_squeeze %dma_start3A_930 : memref<1x64x128xf32, #tpu.memory_space<vmem>> -> memref<64x128xf32, #tpu.memory_space<vmem>>
      %dma_start3A_932 = arith.constant 0 : i32
      %dma_start3A_933 = tpu.memref_slice %arg8[%add3A_710, %dma_start3A_932] : memref<8192x128xf32, #tpu.memory_space<hbm>> -> memref<64x128xf32, #tpu.memory_space<hbm>>
      %dma_start3A_934 = arith.constant 0 : i32
      %dma_start3A_935 = tpu.memref_slice %arg8[%add3A_710, %dma_start3A_934] : memref<8192x128xf32, #tpu.memory_space<hbm>> -> memref<64x128xf32, #tpu.memory_space<hbm>>
      %dma_start3A_936 = arith.constant 0 : i32
      %dma_start3A_937 = arith.constant 0 : i32
      %dma_start3A_938 = tpu.memref_slice %arg19[%run_scoped3A, %dma_start3A_936, %dma_start3A_937] : memref<2x64x128xf32, #tpu.memory_space<vmem>> -> memref<1x64x128xf32, #tpu.memory_space<vmem>>
      %dma_start3A_939 = tpu.memref_squeeze %dma_start3A_938 : memref<1x64x128xf32, #tpu.memory_space<vmem>> -> memref<64x128xf32, #tpu.memory_space<vmem>>
      tpu.enqueue_dma source(%dma_start3A_939 : memref<64x128xf32, #tpu.memory_space<vmem>>) target(%dma_start3A_935 : memref<64x128xf32, #tpu.memory_space<hbm>>) target_semaphore(%run_scoped3A_927 : memref<!tpu.dma_semaphore, #tpu.memory_space<semaphore_mem>>)
      %dma_wait3A_940 = arith.constant 0 : i32
      %dma_wait3A_941 = arith.constant 0 : i32
      %dma_wait3A_942 = tpu.memref_slice %arg19[%run_scoped3A, %dma_wait3A_940, %dma_wait3A_941] : memref<2x64x128xf32, #tpu.memory_space<vmem>> -> memref<1x64x128xf32, #tpu.memory_space<vmem>>
      %dma_wait3A_943 = tpu.memref_squeeze %dma_wait3A_942 : memref<1x64x128xf32, #tpu.memory_space<vmem>> -> memref<64x128xf32, #tpu.memory_space<vmem>>
      %dma_wait3A_944 = arith.constant 0 : i32
      %dma_wait3A_945 = tpu.memref_slice %arg8[%add3A_710, %dma_wait3A_944] : memref<8192x128xf32, #tpu.memory_space<hbm>> -> memref<64x128xf32, #tpu.memory_space<hbm>>
      %dma_wait3A_946 = arith.constant 0 : i32
      %dma_wait3A_947 = tpu.memref_slice %arg8[%add3A_710, %dma_wait3A_946] : memref<8192x128xf32, #tpu.memory_space<hbm>> -> memref<64x128xf32, #tpu.memory_space<hbm>>
      %dma_wait3A_948 = arith.constant 0 : i32
      %dma_wait3A_949 = arith.constant 0 : i32
      %dma_wait3A_950 = tpu.memref_slice %arg19[%run_scoped3A, %dma_wait3A_948, %dma_wait3A_949] : memref<2x64x128xf32, #tpu.memory_space<vmem>> -> memref<1x64x128xf32, #tpu.memory_space<vmem>>
      %dma_wait3A_951 = tpu.memref_squeeze %dma_wait3A_950 : memref<1x64x128xf32, #tpu.memory_space<vmem>> -> memref<64x128xf32, #tpu.memory_space<vmem>>
      tpu.wait_dma2 semaphore(%run_scoped3A_927 : memref<!tpu.dma_semaphore, #tpu.memory_space<semaphore_mem>>) src(%dma_wait3A_951 : memref<64x128xf32, #tpu.memory_space<vmem>>) dst(%dma_wait3A_947 : memref<64x128xf32, #tpu.memory_space<hbm>>)
      tpu.yield
    }) : () -> ()
    %dma_wait3A_711 = arith.constant 1 : i32
    %dma_wait3A_712 = arith.constant 0 : i32
    %dma_wait3A_713 = arith.constant 0 : i32
    %dma_wait3A_714 = tpu.memref_slice %arg19[%dma_wait3A_711, %dma_wait3A_712, %dma_wait3A_713] : memref<2x64x128xf32, #tpu.memory_space<vmem>> -> memref<1x64x128xf32, #tpu.memory_space<vmem>>
    %dma_wait3A_715 = tpu.memref_squeeze %dma_wait3A_714 : memref<1x64x128xf32, #tpu.memory_space<vmem>> -> memref<64x128xf32, #tpu.memory_space<vmem>>
    %dma_wait3A_716 = arith.constant 0 : i32
    %dma_wait3A_717 = tpu.memref_slice %arg21[%dma_wait3A_716] : memref<256xi32, #tpu.memory_space<vmem>> -> memref<64xi32, #tpu.memory_space<vmem>>
    %dma_wait3A_718 = arith.constant 0 : i32
    %dma_wait3A_719 = arith.constant 0 : i32
    %dma_wait3A_720 = tpu.memref_slice %arg23[%dma_wait3A_718, %dma_wait3A_719] : memref<4224x128xf32, #tpu.memory_space<vmem_shared>> -> memref<4224x128xf32, #tpu.memory_space<vmem_shared>>
    tpu.wait_indirect_dma semaphore(%arg26 : memref<!tpu.dma_semaphore, #tpu.memory_space<semaphore_mem>>) src(%dma_wait3A_720 : memref<4224x128xf32, #tpu.memory_space<vmem_shared>>) dst(%dma_wait3A_715 : memref<64x128xf32, #tpu.memory_space<vmem>>)
    %mul3A_721 = arith.constant 4096 : i32
    %mul3A_722 = arith.muli %arg0, %mul3A_721 : i32
    %add3A_723 = arith.addi %mul3A_722, %mul3A_669 : i32
    %add3A_724 = arith.constant 0 : i32
    %add3A_725 = arith.addi %add3A_723, %add3A_724 : i32
    %run_scoped3A_726 = arith.constant 1 : i32
    "tpu.region"() ({
      %run_scoped3A_927 = tpu.sem_alloc : memref<!tpu.dma_semaphore, #tpu.memory_space<semaphore_mem>>
      %dma_start3A_928 = arith.constant 0 : i32
      %dma_start3A_929 = arith.constant 0 : i32
      %dma_start3A_930 = tpu.memref_slice %arg19[%run_scoped3A_726, %dma_start3A_928, %dma_start3A_929] : memref<2x64x128xf32, #tpu.memory_space<vmem>> -> memref<1x64x128xf32, #tpu.memory_space<vmem>>
      %dma_start3A_931 = tpu.memref_squeeze %dma_start3A_930 : memref<1x64x128xf32, #tpu.memory_space<vmem>> -> memref<64x128xf32, #tpu.memory_space<vmem>>
      %dma_start3A_932 = arith.constant 0 : i32
      %dma_start3A_933 = tpu.memref_slice %arg9[%add3A_725, %dma_start3A_932] : memref<8192x128xf32, #tpu.memory_space<hbm>> -> memref<64x128xf32, #tpu.memory_space<hbm>>
      %dma_start3A_934 = arith.constant 0 : i32
      %dma_start3A_935 = tpu.memref_slice %arg9[%add3A_725, %dma_start3A_934] : memref<8192x128xf32, #tpu.memory_space<hbm>> -> memref<64x128xf32, #tpu.memory_space<hbm>>
      %dma_start3A_936 = arith.constant 0 : i32
      %dma_start3A_937 = arith.constant 0 : i32
      %dma_start3A_938 = tpu.memref_slice %arg19[%run_scoped3A_726, %dma_start3A_936, %dma_start3A_937] : memref<2x64x128xf32, #tpu.memory_space<vmem>> -> memref<1x64x128xf32, #tpu.memory_space<vmem>>
      %dma_start3A_939 = tpu.memref_squeeze %dma_start3A_938 : memref<1x64x128xf32, #tpu.memory_space<vmem>> -> memref<64x128xf32, #tpu.memory_space<vmem>>
      tpu.enqueue_dma source(%dma_start3A_939 : memref<64x128xf32, #tpu.memory_space<vmem>>) target(%dma_start3A_935 : memref<64x128xf32, #tpu.memory_space<hbm>>) target_semaphore(%run_scoped3A_927 : memref<!tpu.dma_semaphore, #tpu.memory_space<semaphore_mem>>)
      %dma_wait3A_940 = arith.constant 0 : i32
      %dma_wait3A_941 = arith.constant 0 : i32
      %dma_wait3A_942 = tpu.memref_slice %arg19[%run_scoped3A_726, %dma_wait3A_940, %dma_wait3A_941] : memref<2x64x128xf32, #tpu.memory_space<vmem>> -> memref<1x64x128xf32, #tpu.memory_space<vmem>>
      %dma_wait3A_943 = tpu.memref_squeeze %dma_wait3A_942 : memref<1x64x128xf32, #tpu.memory_space<vmem>> -> memref<64x128xf32, #tpu.memory_space<vmem>>
      %dma_wait3A_944 = arith.constant 0 : i32
      %dma_wait3A_945 = tpu.memref_slice %arg9[%add3A_725, %dma_wait3A_944] : memref<8192x128xf32, #tpu.memory_space<hbm>> -> memref<64x128xf32, #tpu.memory_space<hbm>>
      %dma_wait3A_946 = arith.constant 0 : i32
      %dma_wait3A_947 = tpu.memref_slice %arg9[%add3A_725, %dma_wait3A_946] : memref<8192x128xf32, #tpu.memory_space<hbm>> -> memref<64x128xf32, #tpu.memory_space<hbm>>
      %dma_wait3A_948 = arith.constant 0 : i32
      %dma_wait3A_949 = arith.constant 0 : i32
      %dma_wait3A_950 = tpu.memref_slice %arg19[%run_scoped3A_726, %dma_wait3A_948, %dma_wait3A_949] : memref<2x64x128xf32, #tpu.memory_space<vmem>> -> memref<1x64x128xf32, #tpu.memory_space<vmem>>
      %dma_wait3A_951 = tpu.memref_squeeze %dma_wait3A_950 : memref<1x64x128xf32, #tpu.memory_space<vmem>> -> memref<64x128xf32, #tpu.memory_space<vmem>>
      tpu.wait_dma2 semaphore(%run_scoped3A_927 : memref<!tpu.dma_semaphore, #tpu.memory_space<semaphore_mem>>) src(%dma_wait3A_951 : memref<64x128xf32, #tpu.memory_space<vmem>>) dst(%dma_wait3A_947 : memref<64x128xf32, #tpu.memory_space<hbm>>)
      tpu.yield
    }) : () -> ()
    %dma_start3A_727 = arith.constant 0 : i32
    %dma_start3A_728 = arith.constant 0 : i32
    %dma_start3A_729 = arith.constant 0 : i32
    %dma_start3A_730 = tpu.memref_slice %arg19[%dma_start3A_727, %dma_start3A_728, %dma_start3A_729] : memref<2x64x128xf32, #tpu.memory_space<vmem>> -> memref<1x64x128xf32, #tpu.memory_space<vmem>>
    %dma_start3A_731 = tpu.memref_squeeze %dma_start3A_730 : memref<1x64x128xf32, #tpu.memory_space<vmem>> -> memref<64x128xf32, #tpu.memory_space<vmem>>
    %dma_start3A_732 = arith.constant 64 : i32
    %dma_start3A_733 = tpu.memref_slice %arg21[%dma_start3A_732] : memref<256xi32, #tpu.memory_space<vmem>> -> memref<64xi32, #tpu.memory_space<vmem>>
    %dma_start3A_734 = arith.constant 0 : i32
    %dma_start3A_735 = arith.constant 0 : i32
    %dma_start3A_736 = tpu.memref_slice %arg22[%dma_start3A_734, %dma_start3A_735] : memref<4224x128xf32, #tpu.memory_space<vmem_shared>> -> memref<4224x128xf32, #tpu.memory_space<vmem_shared>>
    tpu.enqueue_indirect_dma source(%dma_start3A_736 : memref<4224x128xf32, #tpu.memory_space<vmem_shared>>) target(%dma_start3A_731 : memref<64x128xf32, #tpu.memory_space<vmem>>) offsets(%dma_start3A_733 : memref<64xi32, #tpu.memory_space<vmem>>) semaphore(%arg24 : memref<!tpu.dma_semaphore, #tpu.memory_space<semaphore_mem>>)
    %dma_start3A_737 = arith.constant 1 : i32
    %dma_start3A_738 = arith.constant 0 : i32
    %dma_start3A_739 = arith.constant 0 : i32
    %dma_start3A_740 = tpu.memref_slice %arg19[%dma_start3A_737, %dma_start3A_738, %dma_start3A_739] : memref<2x64x128xf32, #tpu.memory_space<vmem>> -> memref<1x64x128xf32, #tpu.memory_space<vmem>>
    %dma_start3A_741 = tpu.memref_squeeze %dma_start3A_740 : memref<1x64x128xf32, #tpu.memory_space<vmem>> -> memref<64x128xf32, #tpu.memory_space<vmem>>
    %dma_start3A_742 = arith.constant 64 : i32
    %dma_start3A_743 = tpu.memref_slice %arg21[%dma_start3A_742] : memref<256xi32, #tpu.memory_space<vmem>> -> memref<64xi32, #tpu.memory_space<vmem>>
    %dma_start3A_744 = arith.constant 0 : i32
    %dma_start3A_745 = arith.constant 0 : i32
    %dma_start3A_746 = tpu.memref_slice %arg23[%dma_start3A_744, %dma_start3A_745] : memref<4224x128xf32, #tpu.memory_space<vmem_shared>> -> memref<4224x128xf32, #tpu.memory_space<vmem_shared>>
    tpu.enqueue_indirect_dma source(%dma_start3A_746 : memref<4224x128xf32, #tpu.memory_space<vmem_shared>>) target(%dma_start3A_741 : memref<64x128xf32, #tpu.memory_space<vmem>>) offsets(%dma_start3A_743 : memref<64xi32, #tpu.memory_space<vmem>>) semaphore(%arg26 : memref<!tpu.dma_semaphore, #tpu.memory_space<semaphore_mem>>)
    %dma_wait3A_747 = arith.constant 0 : i32
    %dma_wait3A_748 = arith.constant 0 : i32
    %dma_wait3A_749 = arith.constant 0 : i32
    %dma_wait3A_750 = tpu.memref_slice %arg19[%dma_wait3A_747, %dma_wait3A_748, %dma_wait3A_749] : memref<2x64x128xf32, #tpu.memory_space<vmem>> -> memref<1x64x128xf32, #tpu.memory_space<vmem>>
    %dma_wait3A_751 = tpu.memref_squeeze %dma_wait3A_750 : memref<1x64x128xf32, #tpu.memory_space<vmem>> -> memref<64x128xf32, #tpu.memory_space<vmem>>
    %dma_wait3A_752 = arith.constant 64 : i32
    %dma_wait3A_753 = tpu.memref_slice %arg21[%dma_wait3A_752] : memref<256xi32, #tpu.memory_space<vmem>> -> memref<64xi32, #tpu.memory_space<vmem>>
    %dma_wait3A_754 = arith.constant 0 : i32
    %dma_wait3A_755 = arith.constant 0 : i32
    %dma_wait3A_756 = tpu.memref_slice %arg22[%dma_wait3A_754, %dma_wait3A_755] : memref<4224x128xf32, #tpu.memory_space<vmem_shared>> -> memref<4224x128xf32, #tpu.memory_space<vmem_shared>>
    tpu.wait_indirect_dma semaphore(%arg24 : memref<!tpu.dma_semaphore, #tpu.memory_space<semaphore_mem>>) src(%dma_wait3A_756 : memref<4224x128xf32, #tpu.memory_space<vmem_shared>>) dst(%dma_wait3A_751 : memref<64x128xf32, #tpu.memory_space<vmem>>)
    %mul3A_757 = arith.constant 4096 : i32
    %mul3A_758 = arith.muli %arg0, %mul3A_757 : i32
    %add3A_759 = arith.addi %mul3A_758, %mul3A_669 : i32
    %add3A_760 = arith.constant 64 : i32
    %add3A_761 = arith.addi %add3A_759, %add3A_760 : i32
    %run_scoped3A_762 = arith.constant 0 : i32
    "tpu.region"() ({
      %run_scoped3A_927 = tpu.sem_alloc : memref<!tpu.dma_semaphore, #tpu.memory_space<semaphore_mem>>
      %dma_start3A_928 = arith.constant 0 : i32
      %dma_start3A_929 = arith.constant 0 : i32
      %dma_start3A_930 = tpu.memref_slice %arg19[%run_scoped3A_762, %dma_start3A_928, %dma_start3A_929] : memref<2x64x128xf32, #tpu.memory_space<vmem>> -> memref<1x64x128xf32, #tpu.memory_space<vmem>>
      %dma_start3A_931 = tpu.memref_squeeze %dma_start3A_930 : memref<1x64x128xf32, #tpu.memory_space<vmem>> -> memref<64x128xf32, #tpu.memory_space<vmem>>
      %dma_start3A_932 = arith.constant 0 : i32
      %dma_start3A_933 = tpu.memref_slice %arg8[%add3A_761, %dma_start3A_932] : memref<8192x128xf32, #tpu.memory_space<hbm>> -> memref<64x128xf32, #tpu.memory_space<hbm>>
      %dma_start3A_934 = arith.constant 0 : i32
      %dma_start3A_935 = tpu.memref_slice %arg8[%add3A_761, %dma_start3A_934] : memref<8192x128xf32, #tpu.memory_space<hbm>> -> memref<64x128xf32, #tpu.memory_space<hbm>>
      %dma_start3A_936 = arith.constant 0 : i32
      %dma_start3A_937 = arith.constant 0 : i32
      %dma_start3A_938 = tpu.memref_slice %arg19[%run_scoped3A_762, %dma_start3A_936, %dma_start3A_937] : memref<2x64x128xf32, #tpu.memory_space<vmem>> -> memref<1x64x128xf32, #tpu.memory_space<vmem>>
      %dma_start3A_939 = tpu.memref_squeeze %dma_start3A_938 : memref<1x64x128xf32, #tpu.memory_space<vmem>> -> memref<64x128xf32, #tpu.memory_space<vmem>>
      tpu.enqueue_dma source(%dma_start3A_939 : memref<64x128xf32, #tpu.memory_space<vmem>>) target(%dma_start3A_935 : memref<64x128xf32, #tpu.memory_space<hbm>>) target_semaphore(%run_scoped3A_927 : memref<!tpu.dma_semaphore, #tpu.memory_space<semaphore_mem>>)
      %dma_wait3A_940 = arith.constant 0 : i32
      %dma_wait3A_941 = arith.constant 0 : i32
      %dma_wait3A_942 = tpu.memref_slice %arg19[%run_scoped3A_762, %dma_wait3A_940, %dma_wait3A_941] : memref<2x64x128xf32, #tpu.memory_space<vmem>> -> memref<1x64x128xf32, #tpu.memory_space<vmem>>
      %dma_wait3A_943 = tpu.memref_squeeze %dma_wait3A_942 : memref<1x64x128xf32, #tpu.memory_space<vmem>> -> memref<64x128xf32, #tpu.memory_space<vmem>>
      %dma_wait3A_944 = arith.constant 0 : i32
      %dma_wait3A_945 = tpu.memref_slice %arg8[%add3A_761, %dma_wait3A_944] : memref<8192x128xf32, #tpu.memory_space<hbm>> -> memref<64x128xf32, #tpu.memory_space<hbm>>
      %dma_wait3A_946 = arith.constant 0 : i32
      %dma_wait3A_947 = tpu.memref_slice %arg8[%add3A_761, %dma_wait3A_946] : memref<8192x128xf32, #tpu.memory_space<hbm>> -> memref<64x128xf32, #tpu.memory_space<hbm>>
      %dma_wait3A_948 = arith.constant 0 : i32
      %dma_wait3A_949 = arith.constant 0 : i32
      %dma_wait3A_950 = tpu.memref_slice %arg19[%run_scoped3A_762, %dma_wait3A_948, %dma_wait3A_949] : memref<2x64x128xf32, #tpu.memory_space<vmem>> -> memref<1x64x128xf32, #tpu.memory_space<vmem>>
      %dma_wait3A_951 = tpu.memref_squeeze %dma_wait3A_950 : memref<1x64x128xf32, #tpu.memory_space<vmem>> -> memref<64x128xf32, #tpu.memory_space<vmem>>
      tpu.wait_dma2 semaphore(%run_scoped3A_927 : memref<!tpu.dma_semaphore, #tpu.memory_space<semaphore_mem>>) src(%dma_wait3A_951 : memref<64x128xf32, #tpu.memory_space<vmem>>) dst(%dma_wait3A_947 : memref<64x128xf32, #tpu.memory_space<hbm>>)
      tpu.yield
    }) : () -> ()
    %dma_wait3A_763 = arith.constant 1 : i32
    %dma_wait3A_764 = arith.constant 0 : i32
    %dma_wait3A_765 = arith.constant 0 : i32
    %dma_wait3A_766 = tpu.memref_slice %arg19[%dma_wait3A_763, %dma_wait3A_764, %dma_wait3A_765] : memref<2x64x128xf32, #tpu.memory_space<vmem>> -> memref<1x64x128xf32, #tpu.memory_space<vmem>>
    %dma_wait3A_767 = tpu.memref_squeeze %dma_wait3A_766 : memref<1x64x128xf32, #tpu.memory_space<vmem>> -> memref<64x128xf32, #tpu.memory_space<vmem>>
    %dma_wait3A_768 = arith.constant 64 : i32
    %dma_wait3A_769 = tpu.memref_slice %arg21[%dma_wait3A_768] : memref<256xi32, #tpu.memory_space<vmem>> -> memref<64xi32, #tpu.memory_space<vmem>>
    %dma_wait3A_770 = arith.constant 0 : i32
    %dma_wait3A_771 = arith.constant 0 : i32
    %dma_wait3A_772 = tpu.memref_slice %arg23[%dma_wait3A_770, %dma_wait3A_771] : memref<4224x128xf32, #tpu.memory_space<vmem_shared>> -> memref<4224x128xf32, #tpu.memory_space<vmem_shared>>
    tpu.wait_indirect_dma semaphore(%arg26 : memref<!tpu.dma_semaphore, #tpu.memory_space<semaphore_mem>>) src(%dma_wait3A_772 : memref<4224x128xf32, #tpu.memory_space<vmem_shared>>) dst(%dma_wait3A_767 : memref<64x128xf32, #tpu.memory_space<vmem>>)
    %mul3A_773 = arith.constant 4096 : i32
    %mul3A_774 = arith.muli %arg0, %mul3A_773 : i32
    %add3A_775 = arith.addi %mul3A_774, %mul3A_669 : i32
    %add3A_776 = arith.constant 64 : i32
    %add3A_777 = arith.addi %add3A_775, %add3A_776 : i32
    %run_scoped3A_778 = arith.constant 1 : i32
    "tpu.region"() ({
      %run_scoped3A_927 = tpu.sem_alloc : memref<!tpu.dma_semaphore, #tpu.memory_space<semaphore_mem>>
      %dma_start3A_928 = arith.constant 0 : i32
      %dma_start3A_929 = arith.constant 0 : i32
      %dma_start3A_930 = tpu.memref_slice %arg19[%run_scoped3A_778, %dma_start3A_928, %dma_start3A_929] : memref<2x64x128xf32, #tpu.memory_space<vmem>> -> memref<1x64x128xf32, #tpu.memory_space<vmem>>
      %dma_start3A_931 = tpu.memref_squeeze %dma_start3A_930 : memref<1x64x128xf32, #tpu.memory_space<vmem>> -> memref<64x128xf32, #tpu.memory_space<vmem>>
      %dma_start3A_932 = arith.constant 0 : i32
      %dma_start3A_933 = tpu.memref_slice %arg9[%add3A_777, %dma_start3A_932] : memref<8192x128xf32, #tpu.memory_space<hbm>> -> memref<64x128xf32, #tpu.memory_space<hbm>>
      %dma_start3A_934 = arith.constant 0 : i32
      %dma_start3A_935 = tpu.memref_slice %arg9[%add3A_777, %dma_start3A_934] : memref<8192x128xf32, #tpu.memory_space<hbm>> -> memref<64x128xf32, #tpu.memory_space<hbm>>
      %dma_start3A_936 = arith.constant 0 : i32
      %dma_start3A_937 = arith.constant 0 : i32
      %dma_start3A_938 = tpu.memref_slice %arg19[%run_scoped3A_778, %dma_start3A_936, %dma_start3A_937] : memref<2x64x128xf32, #tpu.memory_space<vmem>> -> memref<1x64x128xf32, #tpu.memory_space<vmem>>
      %dma_start3A_939 = tpu.memref_squeeze %dma_start3A_938 : memref<1x64x128xf32, #tpu.memory_space<vmem>> -> memref<64x128xf32, #tpu.memory_space<vmem>>
      tpu.enqueue_dma source(%dma_start3A_939 : memref<64x128xf32, #tpu.memory_space<vmem>>) target(%dma_start3A_935 : memref<64x128xf32, #tpu.memory_space<hbm>>) target_semaphore(%run_scoped3A_927 : memref<!tpu.dma_semaphore, #tpu.memory_space<semaphore_mem>>)
      %dma_wait3A_940 = arith.constant 0 : i32
      %dma_wait3A_941 = arith.constant 0 : i32
      %dma_wait3A_942 = tpu.memref_slice %arg19[%run_scoped3A_778, %dma_wait3A_940, %dma_wait3A_941] : memref<2x64x128xf32, #tpu.memory_space<vmem>> -> memref<1x64x128xf32, #tpu.memory_space<vmem>>
      %dma_wait3A_943 = tpu.memref_squeeze %dma_wait3A_942 : memref<1x64x128xf32, #tpu.memory_space<vmem>> -> memref<64x128xf32, #tpu.memory_space<vmem>>
      %dma_wait3A_944 = arith.constant 0 : i32
      %dma_wait3A_945 = tpu.memref_slice %arg9[%add3A_777, %dma_wait3A_944] : memref<8192x128xf32, #tpu.memory_space<hbm>> -> memref<64x128xf32, #tpu.memory_space<hbm>>
      %dma_wait3A_946 = arith.constant 0 : i32
      %dma_wait3A_947 = tpu.memref_slice %arg9[%add3A_777, %dma_wait3A_946] : memref<8192x128xf32, #tpu.memory_space<hbm>> -> memref<64x128xf32, #tpu.memory_space<hbm>>
      %dma_wait3A_948 = arith.constant 0 : i32
      %dma_wait3A_949 = arith.constant 0 : i32
      %dma_wait3A_950 = tpu.memref_slice %arg19[%run_scoped3A_778, %dma_wait3A_948, %dma_wait3A_949] : memref<2x64x128xf32, #tpu.memory_space<vmem>> -> memref<1x64x128xf32, #tpu.memory_space<vmem>>
      %dma_wait3A_951 = tpu.memref_squeeze %dma_wait3A_950 : memref<1x64x128xf32, #tpu.memory_space<vmem>> -> memref<64x128xf32, #tpu.memory_space<vmem>>
      tpu.wait_dma2 semaphore(%run_scoped3A_927 : memref<!tpu.dma_semaphore, #tpu.memory_space<semaphore_mem>>) src(%dma_wait3A_951 : memref<64x128xf32, #tpu.memory_space<vmem>>) dst(%dma_wait3A_947 : memref<64x128xf32, #tpu.memory_space<hbm>>)
      tpu.yield
    }) : () -> ()
    %dma_start3A_779 = arith.constant 0 : i32
    %dma_start3A_780 = arith.constant 0 : i32
    %dma_start3A_781 = arith.constant 0 : i32
    %dma_start3A_782 = tpu.memref_slice %arg19[%dma_start3A_779, %dma_start3A_780, %dma_start3A_781] : memref<2x64x128xf32, #tpu.memory_space<vmem>> -> memref<1x64x128xf32, #tpu.memory_space<vmem>>
    %dma_start3A_783 = tpu.memref_squeeze %dma_start3A_782 : memref<1x64x128xf32, #tpu.memory_space<vmem>> -> memref<64x128xf32, #tpu.memory_space<vmem>>
    %dma_start3A_784 = arith.constant 128 : i32
    %dma_start3A_785 = tpu.memref_slice %arg21[%dma_start3A_784] : memref<256xi32, #tpu.memory_space<vmem>> -> memref<64xi32, #tpu.memory_space<vmem>>
    %dma_start3A_786 = arith.constant 0 : i32
    %dma_start3A_787 = arith.constant 0 : i32
    %dma_start3A_788 = tpu.memref_slice %arg22[%dma_start3A_786, %dma_start3A_787] : memref<4224x128xf32, #tpu.memory_space<vmem_shared>> -> memref<4224x128xf32, #tpu.memory_space<vmem_shared>>
    tpu.enqueue_indirect_dma source(%dma_start3A_788 : memref<4224x128xf32, #tpu.memory_space<vmem_shared>>) target(%dma_start3A_783 : memref<64x128xf32, #tpu.memory_space<vmem>>) offsets(%dma_start3A_785 : memref<64xi32, #tpu.memory_space<vmem>>) semaphore(%arg24 : memref<!tpu.dma_semaphore, #tpu.memory_space<semaphore_mem>>)
    %dma_start3A_789 = arith.constant 1 : i32
    %dma_start3A_790 = arith.constant 0 : i32
    %dma_start3A_791 = arith.constant 0 : i32
    %dma_start3A_792 = tpu.memref_slice %arg19[%dma_start3A_789, %dma_start3A_790, %dma_start3A_791] : memref<2x64x128xf32, #tpu.memory_space<vmem>> -> memref<1x64x128xf32, #tpu.memory_space<vmem>>
    %dma_start3A_793 = tpu.memref_squeeze %dma_start3A_792 : memref<1x64x128xf32, #tpu.memory_space<vmem>> -> memref<64x128xf32, #tpu.memory_space<vmem>>
    %dma_start3A_794 = arith.constant 128 : i32
    %dma_start3A_795 = tpu.memref_slice %arg21[%dma_start3A_794] : memref<256xi32, #tpu.memory_space<vmem>> -> memref<64xi32, #tpu.memory_space<vmem>>
    %dma_start3A_796 = arith.constant 0 : i32
    %dma_start3A_797 = arith.constant 0 : i32
    %dma_start3A_798 = tpu.memref_slice %arg23[%dma_start3A_796, %dma_start3A_797] : memref<4224x128xf32, #tpu.memory_space<vmem_shared>> -> memref<4224x128xf32, #tpu.memory_space<vmem_shared>>
    tpu.enqueue_indirect_dma source(%dma_start3A_798 : memref<4224x128xf32, #tpu.memory_space<vmem_shared>>) target(%dma_start3A_793 : memref<64x128xf32, #tpu.memory_space<vmem>>) offsets(%dma_start3A_795 : memref<64xi32, #tpu.memory_space<vmem>>) semaphore(%arg26 : memref<!tpu.dma_semaphore, #tpu.memory_space<semaphore_mem>>)
    %dma_wait3A_799 = arith.constant 0 : i32
    %dma_wait3A_800 = arith.constant 0 : i32
    %dma_wait3A_801 = arith.constant 0 : i32
    %dma_wait3A_802 = tpu.memref_slice %arg19[%dma_wait3A_799, %dma_wait3A_800, %dma_wait3A_801] : memref<2x64x128xf32, #tpu.memory_space<vmem>> -> memref<1x64x128xf32, #tpu.memory_space<vmem>>
    %dma_wait3A_803 = tpu.memref_squeeze %dma_wait3A_802 : memref<1x64x128xf32, #tpu.memory_space<vmem>> -> memref<64x128xf32, #tpu.memory_space<vmem>>
    %dma_wait3A_804 = arith.constant 128 : i32
    %dma_wait3A_805 = tpu.memref_slice %arg21[%dma_wait3A_804] : memref<256xi32, #tpu.memory_space<vmem>> -> memref<64xi32, #tpu.memory_space<vmem>>
    %dma_wait3A_806 = arith.constant 0 : i32
    %dma_wait3A_807 = arith.constant 0 : i32
    %dma_wait3A_808 = tpu.memref_slice %arg22[%dma_wait3A_806, %dma_wait3A_807] : memref<4224x128xf32, #tpu.memory_space<vmem_shared>> -> memref<4224x128xf32, #tpu.memory_space<vmem_shared>>
    tpu.wait_indirect_dma semaphore(%arg24 : memref<!tpu.dma_semaphore, #tpu.memory_space<semaphore_mem>>) src(%dma_wait3A_808 : memref<4224x128xf32, #tpu.memory_space<vmem_shared>>) dst(%dma_wait3A_803 : memref<64x128xf32, #tpu.memory_space<vmem>>)
    %mul3A_809 = arith.constant 4096 : i32
    %mul3A_810 = arith.muli %arg0, %mul3A_809 : i32
    %add3A_811 = arith.addi %mul3A_810, %mul3A_669 : i32
    %add3A_812 = arith.constant 128 : i32
    %add3A_813 = arith.addi %add3A_811, %add3A_812 : i32
    %run_scoped3A_814 = arith.constant 0 : i32
    "tpu.region"() ({
      %run_scoped3A_927 = tpu.sem_alloc : memref<!tpu.dma_semaphore, #tpu.memory_space<semaphore_mem>>
      %dma_start3A_928 = arith.constant 0 : i32
      %dma_start3A_929 = arith.constant 0 : i32
      %dma_start3A_930 = tpu.memref_slice %arg19[%run_scoped3A_814, %dma_start3A_928, %dma_start3A_929] : memref<2x64x128xf32, #tpu.memory_space<vmem>> -> memref<1x64x128xf32, #tpu.memory_space<vmem>>
      %dma_start3A_931 = tpu.memref_squeeze %dma_start3A_930 : memref<1x64x128xf32, #tpu.memory_space<vmem>> -> memref<64x128xf32, #tpu.memory_space<vmem>>
      %dma_start3A_932 = arith.constant 0 : i32
      %dma_start3A_933 = tpu.memref_slice %arg8[%add3A_813, %dma_start3A_932] : memref<8192x128xf32, #tpu.memory_space<hbm>> -> memref<64x128xf32, #tpu.memory_space<hbm>>
      %dma_start3A_934 = arith.constant 0 : i32
      %dma_start3A_935 = tpu.memref_slice %arg8[%add3A_813, %dma_start3A_934] : memref<8192x128xf32, #tpu.memory_space<hbm>> -> memref<64x128xf32, #tpu.memory_space<hbm>>
      %dma_start3A_936 = arith.constant 0 : i32
      %dma_start3A_937 = arith.constant 0 : i32
      %dma_start3A_938 = tpu.memref_slice %arg19[%run_scoped3A_814, %dma_start3A_936, %dma_start3A_937] : memref<2x64x128xf32, #tpu.memory_space<vmem>> -> memref<1x64x128xf32, #tpu.memory_space<vmem>>
      %dma_start3A_939 = tpu.memref_squeeze %dma_start3A_938 : memref<1x64x128xf32, #tpu.memory_space<vmem>> -> memref<64x128xf32, #tpu.memory_space<vmem>>
      tpu.enqueue_dma source(%dma_start3A_939 : memref<64x128xf32, #tpu.memory_space<vmem>>) target(%dma_start3A_935 : memref<64x128xf32, #tpu.memory_space<hbm>>) target_semaphore(%run_scoped3A_927 : memref<!tpu.dma_semaphore, #tpu.memory_space<semaphore_mem>>)
      %dma_wait3A_940 = arith.constant 0 : i32
      %dma_wait3A_941 = arith.constant 0 : i32
      %dma_wait3A_942 = tpu.memref_slice %arg19[%run_scoped3A_814, %dma_wait3A_940, %dma_wait3A_941] : memref<2x64x128xf32, #tpu.memory_space<vmem>> -> memref<1x64x128xf32, #tpu.memory_space<vmem>>
      %dma_wait3A_943 = tpu.memref_squeeze %dma_wait3A_942 : memref<1x64x128xf32, #tpu.memory_space<vmem>> -> memref<64x128xf32, #tpu.memory_space<vmem>>
      %dma_wait3A_944 = arith.constant 0 : i32
      %dma_wait3A_945 = tpu.memref_slice %arg8[%add3A_813, %dma_wait3A_944] : memref<8192x128xf32, #tpu.memory_space<hbm>> -> memref<64x128xf32, #tpu.memory_space<hbm>>
      %dma_wait3A_946 = arith.constant 0 : i32
      %dma_wait3A_947 = tpu.memref_slice %arg8[%add3A_813, %dma_wait3A_946] : memref<8192x128xf32, #tpu.memory_space<hbm>> -> memref<64x128xf32, #tpu.memory_space<hbm>>
      %dma_wait3A_948 = arith.constant 0 : i32
      %dma_wait3A_949 = arith.constant 0 : i32
      %dma_wait3A_950 = tpu.memref_slice %arg19[%run_scoped3A_814, %dma_wait3A_948, %dma_wait3A_949] : memref<2x64x128xf32, #tpu.memory_space<vmem>> -> memref<1x64x128xf32, #tpu.memory_space<vmem>>
      %dma_wait3A_951 = tpu.memref_squeeze %dma_wait3A_950 : memref<1x64x128xf32, #tpu.memory_space<vmem>> -> memref<64x128xf32, #tpu.memory_space<vmem>>
      tpu.wait_dma2 semaphore(%run_scoped3A_927 : memref<!tpu.dma_semaphore, #tpu.memory_space<semaphore_mem>>) src(%dma_wait3A_951 : memref<64x128xf32, #tpu.memory_space<vmem>>) dst(%dma_wait3A_947 : memref<64x128xf32, #tpu.memory_space<hbm>>)
      tpu.yield
    }) : () -> ()
    %dma_wait3A_815 = arith.constant 1 : i32
    %dma_wait3A_816 = arith.constant 0 : i32
    %dma_wait3A_817 = arith.constant 0 : i32
    %dma_wait3A_818 = tpu.memref_slice %arg19[%dma_wait3A_815, %dma_wait3A_816, %dma_wait3A_817] : memref<2x64x128xf32, #tpu.memory_space<vmem>> -> memref<1x64x128xf32, #tpu.memory_space<vmem>>
    %dma_wait3A_819 = tpu.memref_squeeze %dma_wait3A_818 : memref<1x64x128xf32, #tpu.memory_space<vmem>> -> memref<64x128xf32, #tpu.memory_space<vmem>>
    %dma_wait3A_820 = arith.constant 128 : i32
    %dma_wait3A_821 = tpu.memref_slice %arg21[%dma_wait3A_820] : memref<256xi32, #tpu.memory_space<vmem>> -> memref<64xi32, #tpu.memory_space<vmem>>
    %dma_wait3A_822 = arith.constant 0 : i32
    %dma_wait3A_823 = arith.constant 0 : i32
    %dma_wait3A_824 = tpu.memref_slice %arg23[%dma_wait3A_822, %dma_wait3A_823] : memref<4224x128xf32, #tpu.memory_space<vmem_shared>> -> memref<4224x128xf32, #tpu.memory_space<vmem_shared>>
    tpu.wait_indirect_dma semaphore(%arg26 : memref<!tpu.dma_semaphore, #tpu.memory_space<semaphore_mem>>) src(%dma_wait3A_824 : memref<4224x128xf32, #tpu.memory_space<vmem_shared>>) dst(%dma_wait3A_819 : memref<64x128xf32, #tpu.memory_space<vmem>>)
    %mul3A_825 = arith.constant 4096 : i32
    %mul3A_826 = arith.muli %arg0, %mul3A_825 : i32
    %add3A_827 = arith.addi %mul3A_826, %mul3A_669 : i32
    %add3A_828 = arith.constant 128 : i32
    %add3A_829 = arith.addi %add3A_827, %add3A_828 : i32
    %run_scoped3A_830 = arith.constant 1 : i32
    "tpu.region"() ({
      %run_scoped3A_927 = tpu.sem_alloc : memref<!tpu.dma_semaphore, #tpu.memory_space<semaphore_mem>>
      %dma_start3A_928 = arith.constant 0 : i32
      %dma_start3A_929 = arith.constant 0 : i32
      %dma_start3A_930 = tpu.memref_slice %arg19[%run_scoped3A_830, %dma_start3A_928, %dma_start3A_929] : memref<2x64x128xf32, #tpu.memory_space<vmem>> -> memref<1x64x128xf32, #tpu.memory_space<vmem>>
      %dma_start3A_931 = tpu.memref_squeeze %dma_start3A_930 : memref<1x64x128xf32, #tpu.memory_space<vmem>> -> memref<64x128xf32, #tpu.memory_space<vmem>>
      %dma_start3A_932 = arith.constant 0 : i32
      %dma_start3A_933 = tpu.memref_slice %arg9[%add3A_829, %dma_start3A_932] : memref<8192x128xf32, #tpu.memory_space<hbm>> -> memref<64x128xf32, #tpu.memory_space<hbm>>
      %dma_start3A_934 = arith.constant 0 : i32
      %dma_start3A_935 = tpu.memref_slice %arg9[%add3A_829, %dma_start3A_934] : memref<8192x128xf32, #tpu.memory_space<hbm>> -> memref<64x128xf32, #tpu.memory_space<hbm>>
      %dma_start3A_936 = arith.constant 0 : i32
      %dma_start3A_937 = arith.constant 0 : i32
      %dma_start3A_938 = tpu.memref_slice %arg19[%run_scoped3A_830, %dma_start3A_936, %dma_start3A_937] : memref<2x64x128xf32, #tpu.memory_space<vmem>> -> memref<1x64x128xf32, #tpu.memory_space<vmem>>
      %dma_start3A_939 = tpu.memref_squeeze %dma_start3A_938 : memref<1x64x128xf32, #tpu.memory_space<vmem>> -> memref<64x128xf32, #tpu.memory_space<vmem>>
      tpu.enqueue_dma source(%dma_start3A_939 : memref<64x128xf32, #tpu.memory_space<vmem>>) target(%dma_start3A_935 : memref<64x128xf32, #tpu.memory_space<hbm>>) target_semaphore(%run_scoped3A_927 : memref<!tpu.dma_semaphore, #tpu.memory_space<semaphore_mem>>)
      %dma_wait3A_940 = arith.constant 0 : i32
      %dma_wait3A_941 = arith.constant 0 : i32
      %dma_wait3A_942 = tpu.memref_slice %arg19[%run_scoped3A_830, %dma_wait3A_940, %dma_wait3A_941] : memref<2x64x128xf32, #tpu.memory_space<vmem>> -> memref<1x64x128xf32, #tpu.memory_space<vmem>>
      %dma_wait3A_943 = tpu.memref_squeeze %dma_wait3A_942 : memref<1x64x128xf32, #tpu.memory_space<vmem>> -> memref<64x128xf32, #tpu.memory_space<vmem>>
      %dma_wait3A_944 = arith.constant 0 : i32
      %dma_wait3A_945 = tpu.memref_slice %arg9[%add3A_829, %dma_wait3A_944] : memref<8192x128xf32, #tpu.memory_space<hbm>> -> memref<64x128xf32, #tpu.memory_space<hbm>>
      %dma_wait3A_946 = arith.constant 0 : i32
      %dma_wait3A_947 = tpu.memref_slice %arg9[%add3A_829, %dma_wait3A_946] : memref<8192x128xf32, #tpu.memory_space<hbm>> -> memref<64x128xf32, #tpu.memory_space<hbm>>
      %dma_wait3A_948 = arith.constant 0 : i32
      %dma_wait3A_949 = arith.constant 0 : i32
      %dma_wait3A_950 = tpu.memref_slice %arg19[%run_scoped3A_830, %dma_wait3A_948, %dma_wait3A_949] : memref<2x64x128xf32, #tpu.memory_space<vmem>> -> memref<1x64x128xf32, #tpu.memory_space<vmem>>
      %dma_wait3A_951 = tpu.memref_squeeze %dma_wait3A_950 : memref<1x64x128xf32, #tpu.memory_space<vmem>> -> memref<64x128xf32, #tpu.memory_space<vmem>>
      tpu.wait_dma2 semaphore(%run_scoped3A_927 : memref<!tpu.dma_semaphore, #tpu.memory_space<semaphore_mem>>) src(%dma_wait3A_951 : memref<64x128xf32, #tpu.memory_space<vmem>>) dst(%dma_wait3A_947 : memref<64x128xf32, #tpu.memory_space<hbm>>)
      tpu.yield
    }) : () -> ()
    %dma_start3A_831 = arith.constant 0 : i32
    %dma_start3A_832 = arith.constant 0 : i32
    %dma_start3A_833 = arith.constant 0 : i32
    %dma_start3A_834 = tpu.memref_slice %arg19[%dma_start3A_831, %dma_start3A_832, %dma_start3A_833] : memref<2x64x128xf32, #tpu.memory_space<vmem>> -> memref<1x64x128xf32, #tpu.memory_space<vmem>>
    %dma_start3A_835 = tpu.memref_squeeze %dma_start3A_834 : memref<1x64x128xf32, #tpu.memory_space<vmem>> -> memref<64x128xf32, #tpu.memory_space<vmem>>
    %dma_start3A_836 = arith.constant 192 : i32
    %dma_start3A_837 = tpu.memref_slice %arg21[%dma_start3A_836] : memref<256xi32, #tpu.memory_space<vmem>> -> memref<64xi32, #tpu.memory_space<vmem>>
    %dma_start3A_838 = arith.constant 0 : i32
    %dma_start3A_839 = arith.constant 0 : i32
    %dma_start3A_840 = tpu.memref_slice %arg22[%dma_start3A_838, %dma_start3A_839] : memref<4224x128xf32, #tpu.memory_space<vmem_shared>> -> memref<4224x128xf32, #tpu.memory_space<vmem_shared>>
    tpu.enqueue_indirect_dma source(%dma_start3A_840 : memref<4224x128xf32, #tpu.memory_space<vmem_shared>>) target(%dma_start3A_835 : memref<64x128xf32, #tpu.memory_space<vmem>>) offsets(%dma_start3A_837 : memref<64xi32, #tpu.memory_space<vmem>>) semaphore(%arg24 : memref<!tpu.dma_semaphore, #tpu.memory_space<semaphore_mem>>)
    %dma_start3A_841 = arith.constant 1 : i32
    %dma_start3A_842 = arith.constant 0 : i32
    %dma_start3A_843 = arith.constant 0 : i32
    %dma_start3A_844 = tpu.memref_slice %arg19[%dma_start3A_841, %dma_start3A_842, %dma_start3A_843] : memref<2x64x128xf32, #tpu.memory_space<vmem>> -> memref<1x64x128xf32, #tpu.memory_space<vmem>>
    %dma_start3A_845 = tpu.memref_squeeze %dma_start3A_844 : memref<1x64x128xf32, #tpu.memory_space<vmem>> -> memref<64x128xf32, #tpu.memory_space<vmem>>
    %dma_start3A_846 = arith.constant 192 : i32
    %dma_start3A_847 = tpu.memref_slice %arg21[%dma_start3A_846] : memref<256xi32, #tpu.memory_space<vmem>> -> memref<64xi32, #tpu.memory_space<vmem>>
    %dma_start3A_848 = arith.constant 0 : i32
    %dma_start3A_849 = arith.constant 0 : i32
    %dma_start3A_850 = tpu.memref_slice %arg23[%dma_start3A_848, %dma_start3A_849] : memref<4224x128xf32, #tpu.memory_space<vmem_shared>> -> memref<4224x128xf32, #tpu.memory_space<vmem_shared>>
    tpu.enqueue_indirect_dma source(%dma_start3A_850 : memref<4224x128xf32, #tpu.memory_space<vmem_shared>>) target(%dma_start3A_845 : memref<64x128xf32, #tpu.memory_space<vmem>>) offsets(%dma_start3A_847 : memref<64xi32, #tpu.memory_space<vmem>>) semaphore(%arg26 : memref<!tpu.dma_semaphore, #tpu.memory_space<semaphore_mem>>)
    %dma_wait3A_851 = arith.constant 0 : i32
    %dma_wait3A_852 = arith.constant 0 : i32
    %dma_wait3A_853 = arith.constant 0 : i32
    %dma_wait3A_854 = tpu.memref_slice %arg19[%dma_wait3A_851, %dma_wait3A_852, %dma_wait3A_853] : memref<2x64x128xf32, #tpu.memory_space<vmem>> -> memref<1x64x128xf32, #tpu.memory_space<vmem>>
    %dma_wait3A_855 = tpu.memref_squeeze %dma_wait3A_854 : memref<1x64x128xf32, #tpu.memory_space<vmem>> -> memref<64x128xf32, #tpu.memory_space<vmem>>
    %dma_wait3A_856 = arith.constant 192 : i32
    %dma_wait3A_857 = tpu.memref_slice %arg21[%dma_wait3A_856] : memref<256xi32, #tpu.memory_space<vmem>> -> memref<64xi32, #tpu.memory_space<vmem>>
    %dma_wait3A_858 = arith.constant 0 : i32
    %dma_wait3A_859 = arith.constant 0 : i32
    %dma_wait3A_860 = tpu.memref_slice %arg22[%dma_wait3A_858, %dma_wait3A_859] : memref<4224x128xf32, #tpu.memory_space<vmem_shared>> -> memref<4224x128xf32, #tpu.memory_space<vmem_shared>>
    tpu.wait_indirect_dma semaphore(%arg24 : memref<!tpu.dma_semaphore, #tpu.memory_space<semaphore_mem>>) src(%dma_wait3A_860 : memref<4224x128xf32, #tpu.memory_space<vmem_shared>>) dst(%dma_wait3A_855 : memref<64x128xf32, #tpu.memory_space<vmem>>)
    %mul3A_861 = arith.constant 4096 : i32
    %mul3A_862 = arith.muli %arg0, %mul3A_861 : i32
    %add3A_863 = arith.addi %mul3A_862, %mul3A_669 : i32
    %add3A_864 = arith.constant 192 : i32
    %add3A_865 = arith.addi %add3A_863, %add3A_864 : i32
    %run_scoped3A_866 = arith.constant 0 : i32
    "tpu.region"() ({
      %run_scoped3A_927 = tpu.sem_alloc : memref<!tpu.dma_semaphore, #tpu.memory_space<semaphore_mem>>
      %dma_start3A_928 = arith.constant 0 : i32
      %dma_start3A_929 = arith.constant 0 : i32
      %dma_start3A_930 = tpu.memref_slice %arg19[%run_scoped3A_866, %dma_start3A_928, %dma_start3A_929] : memref<2x64x128xf32, #tpu.memory_space<vmem>> -> memref<1x64x128xf32, #tpu.memory_space<vmem>>
      %dma_start3A_931 = tpu.memref_squeeze %dma_start3A_930 : memref<1x64x128xf32, #tpu.memory_space<vmem>> -> memref<64x128xf32, #tpu.memory_space<vmem>>
      %dma_start3A_932 = arith.constant 0 : i32
      %dma_start3A_933 = tpu.memref_slice %arg8[%add3A_865, %dma_start3A_932] : memref<8192x128xf32, #tpu.memory_space<hbm>> -> memref<64x128xf32, #tpu.memory_space<hbm>>
      %dma_start3A_934 = arith.constant 0 : i32
      %dma_start3A_935 = tpu.memref_slice %arg8[%add3A_865, %dma_start3A_934] : memref<8192x128xf32, #tpu.memory_space<hbm>> -> memref<64x128xf32, #tpu.memory_space<hbm>>
      %dma_start3A_936 = arith.constant 0 : i32
      %dma_start3A_937 = arith.constant 0 : i32
      %dma_start3A_938 = tpu.memref_slice %arg19[%run_scoped3A_866, %dma_start3A_936, %dma_start3A_937] : memref<2x64x128xf32, #tpu.memory_space<vmem>> -> memref<1x64x128xf32, #tpu.memory_space<vmem>>
      %dma_start3A_939 = tpu.memref_squeeze %dma_start3A_938 : memref<1x64x128xf32, #tpu.memory_space<vmem>> -> memref<64x128xf32, #tpu.memory_space<vmem>>
      tpu.enqueue_dma source(%dma_start3A_939 : memref<64x128xf32, #tpu.memory_space<vmem>>) target(%dma_start3A_935 : memref<64x128xf32, #tpu.memory_space<hbm>>) target_semaphore(%run_scoped3A_927 : memref<!tpu.dma_semaphore, #tpu.memory_space<semaphore_mem>>)
      %dma_wait3A_940 = arith.constant 0 : i32
      %dma_wait3A_941 = arith.constant 0 : i32
      %dma_wait3A_942 = tpu.memref_slice %arg19[%run_scoped3A_866, %dma_wait3A_940, %dma_wait3A_941] : memref<2x64x128xf32, #tpu.memory_space<vmem>> -> memref<1x64x128xf32, #tpu.memory_space<vmem>>
      %dma_wait3A_943 = tpu.memref_squeeze %dma_wait3A_942 : memref<1x64x128xf32, #tpu.memory_space<vmem>> -> memref<64x128xf32, #tpu.memory_space<vmem>>
      %dma_wait3A_944 = arith.constant 0 : i32
      %dma_wait3A_945 = tpu.memref_slice %arg8[%add3A_865, %dma_wait3A_944] : memref<8192x128xf32, #tpu.memory_space<hbm>> -> memref<64x128xf32, #tpu.memory_space<hbm>>
      %dma_wait3A_946 = arith.constant 0 : i32
      %dma_wait3A_947 = tpu.memref_slice %arg8[%add3A_865, %dma_wait3A_946] : memref<8192x128xf32, #tpu.memory_space<hbm>> -> memref<64x128xf32, #tpu.memory_space<hbm>>
      %dma_wait3A_948 = arith.constant 0 : i32
      %dma_wait3A_949 = arith.constant 0 : i32
      %dma_wait3A_950 = tpu.memref_slice %arg19[%run_scoped3A_866, %dma_wait3A_948, %dma_wait3A_949] : memref<2x64x128xf32, #tpu.memory_space<vmem>> -> memref<1x64x128xf32, #tpu.memory_space<vmem>>
      %dma_wait3A_951 = tpu.memref_squeeze %dma_wait3A_950 : memref<1x64x128xf32, #tpu.memory_space<vmem>> -> memref<64x128xf32, #tpu.memory_space<vmem>>
      tpu.wait_dma2 semaphore(%run_scoped3A_927 : memref<!tpu.dma_semaphore, #tpu.memory_space<semaphore_mem>>) src(%dma_wait3A_951 : memref<64x128xf32, #tpu.memory_space<vmem>>) dst(%dma_wait3A_947 : memref<64x128xf32, #tpu.memory_space<hbm>>)
      tpu.yield
    }) : () -> ()
    %dma_wait3A_867 = arith.constant 1 : i32
    %dma_wait3A_868 = arith.constant 0 : i32
    %dma_wait3A_869 = arith.constant 0 : i32
    %dma_wait3A_870 = tpu.memref_slice %arg19[%dma_wait3A_867, %dma_wait3A_868, %dma_wait3A_869] : memref<2x64x128xf32, #tpu.memory_space<vmem>> -> memref<1x64x128xf32, #tpu.memory_space<vmem>>
    %dma_wait3A_871 = tpu.memref_squeeze %dma_wait3A_870 : memref<1x64x128xf32, #tpu.memory_space<vmem>> -> memref<64x128xf32, #tpu.memory_space<vmem>>
    %dma_wait3A_872 = arith.constant 192 : i32
    %dma_wait3A_873 = tpu.memref_slice %arg21[%dma_wait3A_872] : memref<256xi32, #tpu.memory_space<vmem>> -> memref<64xi32, #tpu.memory_space<vmem>>
    %dma_wait3A_874 = arith.constant 0 : i32
    %dma_wait3A_875 = arith.constant 0 : i32
    %dma_wait3A_876 = tpu.memref_slice %arg23[%dma_wait3A_874, %dma_wait3A_875] : memref<4224x128xf32, #tpu.memory_space<vmem_shared>> -> memref<4224x128xf32, #tpu.memory_space<vmem_shared>>
    tpu.wait_indirect_dma semaphore(%arg26 : memref<!tpu.dma_semaphore, #tpu.memory_space<semaphore_mem>>) src(%dma_wait3A_876 : memref<4224x128xf32, #tpu.memory_space<vmem_shared>>) dst(%dma_wait3A_871 : memref<64x128xf32, #tpu.memory_space<vmem>>)
    %mul3A_877 = arith.constant 4096 : i32
    %mul3A_878 = arith.muli %arg0, %mul3A_877 : i32
    %add3A_879 = arith.addi %mul3A_878, %mul3A_669 : i32
    %add3A_880 = arith.constant 192 : i32
    %add3A_881 = arith.addi %add3A_879, %add3A_880 : i32
    %run_scoped3A_882 = arith.constant 1 : i32
    "tpu.region"() ({
      %run_scoped3A_927 = tpu.sem_alloc : memref<!tpu.dma_semaphore, #tpu.memory_space<semaphore_mem>>
      %dma_start3A_928 = arith.constant 0 : i32
      %dma_start3A_929 = arith.constant 0 : i32
      %dma_start3A_930 = tpu.memref_slice %arg19[%run_scoped3A_882, %dma_start3A_928, %dma_start3A_929] : memref<2x64x128xf32, #tpu.memory_space<vmem>> -> memref<1x64x128xf32, #tpu.memory_space<vmem>>
      %dma_start3A_931 = tpu.memref_squeeze %dma_start3A_930 : memref<1x64x128xf32, #tpu.memory_space<vmem>> -> memref<64x128xf32, #tpu.memory_space<vmem>>
      %dma_start3A_932 = arith.constant 0 : i32
      %dma_start3A_933 = tpu.memref_slice %arg9[%add3A_881, %dma_start3A_932] : memref<8192x128xf32, #tpu.memory_space<hbm>> -> memref<64x128xf32, #tpu.memory_space<hbm>>
      %dma_start3A_934 = arith.constant 0 : i32
      %dma_start3A_935 = tpu.memref_slice %arg9[%add3A_881, %dma_start3A_934] : memref<8192x128xf32, #tpu.memory_space<hbm>> -> memref<64x128xf32, #tpu.memory_space<hbm>>
      %dma_start3A_936 = arith.constant 0 : i32
      %dma_start3A_937 = arith.constant 0 : i32
      %dma_start3A_938 = tpu.memref_slice %arg19[%run_scoped3A_882, %dma_start3A_936, %dma_start3A_937] : memref<2x64x128xf32, #tpu.memory_space<vmem>> -> memref<1x64x128xf32, #tpu.memory_space<vmem>>
      %dma_start3A_939 = tpu.memref_squeeze %dma_start3A_938 : memref<1x64x128xf32, #tpu.memory_space<vmem>> -> memref<64x128xf32, #tpu.memory_space<vmem>>
      tpu.enqueue_dma source(%dma_start3A_939 : memref<64x128xf32, #tpu.memory_space<vmem>>) target(%dma_start3A_935 : memref<64x128xf32, #tpu.memory_space<hbm>>) target_semaphore(%run_scoped3A_927 : memref<!tpu.dma_semaphore, #tpu.memory_space<semaphore_mem>>)
      %dma_wait3A_940 = arith.constant 0 : i32
      %dma_wait3A_941 = arith.constant 0 : i32
      %dma_wait3A_942 = tpu.memref_slice %arg19[%run_scoped3A_882, %dma_wait3A_940, %dma_wait3A_941] : memref<2x64x128xf32, #tpu.memory_space<vmem>> -> memref<1x64x128xf32, #tpu.memory_space<vmem>>
      %dma_wait3A_943 = tpu.memref_squeeze %dma_wait3A_942 : memref<1x64x128xf32, #tpu.memory_space<vmem>> -> memref<64x128xf32, #tpu.memory_space<vmem>>
      %dma_wait3A_944 = arith.constant 0 : i32
      %dma_wait3A_945 = tpu.memref_slice %arg9[%add3A_881, %dma_wait3A_944] : memref<8192x128xf32, #tpu.memory_space<hbm>> -> memref<64x128xf32, #tpu.memory_space<hbm>>
      %dma_wait3A_946 = arith.constant 0 : i32
      %dma_wait3A_947 = tpu.memref_slice %arg9[%add3A_881, %dma_wait3A_946] : memref<8192x128xf32, #tpu.memory_space<hbm>> -> memref<64x128xf32, #tpu.memory_space<hbm>>
      %dma_wait3A_948 = arith.constant 0 : i32
      %dma_wait3A_949 = arith.constant 0 : i32
      %dma_wait3A_950 = tpu.memref_slice %arg19[%run_scoped3A_882, %dma_wait3A_948, %dma_wait3A_949] : memref<2x64x128xf32, #tpu.memory_space<vmem>> -> memref<1x64x128xf32, #tpu.memory_space<vmem>>
      %dma_wait3A_951 = tpu.memref_squeeze %dma_wait3A_950 : memref<1x64x128xf32, #tpu.memory_space<vmem>> -> memref<64x128xf32, #tpu.memory_space<vmem>>
      tpu.wait_dma2 semaphore(%run_scoped3A_927 : memref<!tpu.dma_semaphore, #tpu.memory_space<semaphore_mem>>) src(%dma_wait3A_951 : memref<64x128xf32, #tpu.memory_space<vmem>>) dst(%dma_wait3A_947 : memref<64x128xf32, #tpu.memory_space<hbm>>)
      tpu.yield
    }) : () -> ()
    %mul3A_883 = arith.constant 64 : i32
    %mul3A_884 = arith.muli %add3A, %mul3A_883 : i32
    %dma_start3A_885 = arith.constant 0 : i32
    %dma_start3A_886 = arith.constant 0 : i32
    %dma_start3A_887 = arith.constant 0 : i32
    %dma_start3A_888 = tpu.memref_slice %arg19[%dma_start3A_885, %dma_start3A_886, %dma_start3A_887] : memref<2x64x128xf32, #tpu.memory_space<vmem>> -> memref<1x32x128xf32, #tpu.memory_space<vmem>>
    %dma_start3A_889 = tpu.memref_squeeze %dma_start3A_888 : memref<1x32x128xf32, #tpu.memory_space<vmem>> -> memref<32x128xf32, #tpu.memory_space<vmem>>
    %dma_start3A_890 = tpu.memref_slice %arg15[%mul3A_884] : memref<2048xi32, #tpu.memory_space<vmem>> -> memref<32xi32, #tpu.memory_space<vmem>>
    %dma_start3A_891 = arith.constant 0 : i32
    %dma_start3A_892 = arith.constant 0 : i32
    %dma_start3A_893 = tpu.memref_slice %arg7[%dma_start3A_891, %dma_start3A_892] : memref<10000x128xf32, #tpu.memory_space<hbm>> -> memref<10000x128xf32, #tpu.memory_space<hbm>>
    tpu.enqueue_indirect_dma source(%dma_start3A_893 : memref<10000x128xf32, #tpu.memory_space<hbm>>) target(%dma_start3A_889 : memref<32x128xf32, #tpu.memory_space<vmem>>) offsets(%dma_start3A_890 : memref<32xi32, #tpu.memory_space<vmem>>) semaphore(%arg24 : memref<!tpu.dma_semaphore, #tpu.memory_space<semaphore_mem>>)
    %add3A_894 = arith.constant 32 : i32
    %add3A_895 = arith.addi %mul3A_884, %add3A_894 : i32
    %dma_start3A_896 = arith.constant 1 : i32
    %dma_start3A_897 = arith.constant 0 : i32
    %dma_start3A_898 = arith.constant 0 : i32
    %dma_start3A_899 = tpu.memref_slice %arg19[%dma_start3A_896, %dma_start3A_897, %dma_start3A_898] : memref<2x64x128xf32, #tpu.memory_space<vmem>> -> memref<1x32x128xf32, #tpu.memory_space<vmem>>
    %dma_start3A_900 = tpu.memref_squeeze %dma_start3A_899 : memref<1x32x128xf32, #tpu.memory_space<vmem>> -> memref<32x128xf32, #tpu.memory_space<vmem>>
    %dma_start3A_901 = tpu.memref_slice %arg15[%add3A_895] : memref<2048xi32, #tpu.memory_space<vmem>> -> memref<32xi32, #tpu.memory_space<vmem>>
    %dma_start3A_902 = arith.constant 0 : i32
    %dma_start3A_903 = arith.constant 0 : i32
    %dma_start3A_904 = tpu.memref_slice %arg7[%dma_start3A_902, %dma_start3A_903] : memref<10000x128xf32, #tpu.memory_space<hbm>> -> memref<10000x128xf32, #tpu.memory_space<hbm>>
    tpu.enqueue_indirect_dma source(%dma_start3A_904 : memref<10000x128xf32, #tpu.memory_space<hbm>>) target(%dma_start3A_900 : memref<32x128xf32, #tpu.memory_space<vmem>>) offsets(%dma_start3A_901 : memref<32xi32, #tpu.memory_space<vmem>>) semaphore(%arg26 : memref<!tpu.dma_semaphore, #tpu.memory_space<semaphore_mem>>)
    %dma_wait3A_905 = arith.constant 0 : i32
    %dma_wait3A_906 = arith.constant 0 : i32
    %dma_wait3A_907 = arith.constant 0 : i32
    %dma_wait3A_908 = tpu.memref_slice %arg19[%dma_wait3A_905, %dma_wait3A_906, %dma_wait3A_907] : memref<2x64x128xf32, #tpu.memory_space<vmem>> -> memref<1x32x128xf32, #tpu.memory_space<vmem>>
    %dma_wait3A_909 = tpu.memref_squeeze %dma_wait3A_908 : memref<1x32x128xf32, #tpu.memory_space<vmem>> -> memref<32x128xf32, #tpu.memory_space<vmem>>
    %dma_wait3A_910 = tpu.memref_slice %arg15[%mul3A_884] : memref<2048xi32, #tpu.memory_space<vmem>> -> memref<32xi32, #tpu.memory_space<vmem>>
    %dma_wait3A_911 = arith.constant 0 : i32
    %dma_wait3A_912 = arith.constant 0 : i32
    %dma_wait3A_913 = tpu.memref_slice %arg7[%dma_wait3A_911, %dma_wait3A_912] : memref<10000x128xf32, #tpu.memory_space<hbm>> -> memref<10000x128xf32, #tpu.memory_space<hbm>>
    tpu.wait_indirect_dma semaphore(%arg24 : memref<!tpu.dma_semaphore, #tpu.memory_space<semaphore_mem>>) src(%dma_wait3A_913 : memref<10000x128xf32, #tpu.memory_space<hbm>>) dst(%dma_wait3A_909 : memref<32x128xf32, #tpu.memory_space<vmem>>)
    %run_scoped3A_914 = arith.constant 0 : i32
    "tpu.region"() ({
      %run_scoped3A_927 = tpu.sem_alloc : memref<!tpu.dma_semaphore, #tpu.memory_space<semaphore_mem>>
      %dma_start3A_928 = arith.constant 0 : i32
      %dma_start3A_929 = arith.constant 0 : i32
      %dma_start3A_930 = tpu.memref_slice %arg19[%run_scoped3A_914, %dma_start3A_928, %dma_start3A_929] : memref<2x64x128xf32, #tpu.memory_space<vmem>> -> memref<1x32x128xf32, #tpu.memory_space<vmem>>
      %dma_start3A_931 = tpu.memref_squeeze %dma_start3A_930 : memref<1x32x128xf32, #tpu.memory_space<vmem>> -> memref<32x128xf32, #tpu.memory_space<vmem>>
      %dma_start3A_932 = arith.constant 0 : i32
      %dma_start3A_933 = tpu.memref_slice %arg10[%mul3A_884, %dma_start3A_932] : memref<2048x128xf32, #tpu.memory_space<hbm>> -> memref<32x128xf32, #tpu.memory_space<hbm>>
      %dma_start3A_934 = arith.constant 0 : i32
      %dma_start3A_935 = tpu.memref_slice %arg10[%mul3A_884, %dma_start3A_934] : memref<2048x128xf32, #tpu.memory_space<hbm>> -> memref<32x128xf32, #tpu.memory_space<hbm>>
      %dma_start3A_936 = arith.constant 0 : i32
      %dma_start3A_937 = arith.constant 0 : i32
      %dma_start3A_938 = tpu.memref_slice %arg19[%run_scoped3A_914, %dma_start3A_936, %dma_start3A_937] : memref<2x64x128xf32, #tpu.memory_space<vmem>> -> memref<1x32x128xf32, #tpu.memory_space<vmem>>
      %dma_start3A_939 = tpu.memref_squeeze %dma_start3A_938 : memref<1x32x128xf32, #tpu.memory_space<vmem>> -> memref<32x128xf32, #tpu.memory_space<vmem>>
      tpu.enqueue_dma source(%dma_start3A_939 : memref<32x128xf32, #tpu.memory_space<vmem>>) target(%dma_start3A_935 : memref<32x128xf32, #tpu.memory_space<hbm>>) target_semaphore(%run_scoped3A_927 : memref<!tpu.dma_semaphore, #tpu.memory_space<semaphore_mem>>)
      %dma_wait3A_940 = arith.constant 0 : i32
      %dma_wait3A_941 = arith.constant 0 : i32
      %dma_wait3A_942 = tpu.memref_slice %arg19[%run_scoped3A_914, %dma_wait3A_940, %dma_wait3A_941] : memref<2x64x128xf32, #tpu.memory_space<vmem>> -> memref<1x32x128xf32, #tpu.memory_space<vmem>>
      %dma_wait3A_943 = tpu.memref_squeeze %dma_wait3A_942 : memref<1x32x128xf32, #tpu.memory_space<vmem>> -> memref<32x128xf32, #tpu.memory_space<vmem>>
      %dma_wait3A_944 = arith.constant 0 : i32
      %dma_wait3A_945 = tpu.memref_slice %arg10[%mul3A_884, %dma_wait3A_944] : memref<2048x128xf32, #tpu.memory_space<hbm>> -> memref<32x128xf32, #tpu.memory_space<hbm>>
      %dma_wait3A_946 = arith.constant 0 : i32
      %dma_wait3A_947 = tpu.memref_slice %arg10[%mul3A_884, %dma_wait3A_946] : memref<2048x128xf32, #tpu.memory_space<hbm>> -> memref<32x128xf32, #tpu.memory_space<hbm>>
      %dma_wait3A_948 = arith.constant 0 : i32
      %dma_wait3A_949 = arith.constant 0 : i32
      %dma_wait3A_950 = tpu.memref_slice %arg19[%run_scoped3A_914, %dma_wait3A_948, %dma_wait3A_949] : memref<2x64x128xf32, #tpu.memory_space<vmem>> -> memref<1x32x128xf32, #tpu.memory_space<vmem>>
      %dma_wait3A_951 = tpu.memref_squeeze %dma_wait3A_950 : memref<1x32x128xf32, #tpu.memory_space<vmem>> -> memref<32x128xf32, #tpu.memory_space<vmem>>
      tpu.wait_dma2 semaphore(%run_scoped3A_927 : memref<!tpu.dma_semaphore, #tpu.memory_space<semaphore_mem>>) src(%dma_wait3A_951 : memref<32x128xf32, #tpu.memory_space<vmem>>) dst(%dma_wait3A_947 : memref<32x128xf32, #tpu.memory_space<hbm>>)
      tpu.yield
    }) : () -> ()
    %dma_wait3A_915 = arith.constant 1 : i32
    %dma_wait3A_916 = arith.constant 0 : i32
    %dma_wait3A_917 = arith.constant 0 : i32
    %dma_wait3A_918 = tpu.memref_slice %arg19[%dma_wait3A_915, %dma_wait3A_916, %dma_wait3A_917] : memref<2x64x128xf32, #tpu.memory_space<vmem>> -> memref<1x32x128xf32, #tpu.memory_space<vmem>>
    %dma_wait3A_919 = tpu.memref_squeeze %dma_wait3A_918 : memref<1x32x128xf32, #tpu.memory_space<vmem>> -> memref<32x128xf32, #tpu.memory_space<vmem>>
    %dma_wait3A_920 = tpu.memref_slice %arg15[%add3A_895] : memref<2048xi32, #tpu.memory_space<vmem>> -> memref<32xi32, #tpu.memory_space<vmem>>
    %dma_wait3A_921 = arith.constant 0 : i32
    %dma_wait3A_922 = arith.constant 0 : i32
    %dma_wait3A_923 = tpu.memref_slice %arg7[%dma_wait3A_921, %dma_wait3A_922] : memref<10000x128xf32, #tpu.memory_space<hbm>> -> memref<10000x128xf32, #tpu.memory_space<hbm>>
    tpu.wait_indirect_dma semaphore(%arg26 : memref<!tpu.dma_semaphore, #tpu.memory_space<semaphore_mem>>) src(%dma_wait3A_923 : memref<10000x128xf32, #tpu.memory_space<hbm>>) dst(%dma_wait3A_919 : memref<32x128xf32, #tpu.memory_space<vmem>>)
    %add3A_924 = arith.constant 32 : i32
    %add3A_925 = arith.addi %mul3A_884, %add3A_924 : i32
    %run_scoped3A_926 = arith.constant 1 : i32
    "tpu.region"() ({
      %run_scoped3A_927 = tpu.sem_alloc : memref<!tpu.dma_semaphore, #tpu.memory_space<semaphore_mem>>
      %dma_start3A_928 = arith.constant 0 : i32
      %dma_start3A_929 = arith.constant 0 : i32
      %dma_start3A_930 = tpu.memref_slice %arg19[%run_scoped3A_926, %dma_start3A_928, %dma_start3A_929] : memref<2x64x128xf32, #tpu.memory_space<vmem>> -> memref<1x32x128xf32, #tpu.memory_space<vmem>>
      %dma_start3A_931 = tpu.memref_squeeze %dma_start3A_930 : memref<1x32x128xf32, #tpu.memory_space<vmem>> -> memref<32x128xf32, #tpu.memory_space<vmem>>
      %dma_start3A_932 = arith.constant 0 : i32
      %dma_start3A_933 = tpu.memref_slice %arg10[%add3A_925, %dma_start3A_932] : memref<2048x128xf32, #tpu.memory_space<hbm>> -> memref<32x128xf32, #tpu.memory_space<hbm>>
      %dma_start3A_934 = arith.constant 0 : i32
      %dma_start3A_935 = tpu.memref_slice %arg10[%add3A_925, %dma_start3A_934] : memref<2048x128xf32, #tpu.memory_space<hbm>> -> memref<32x128xf32, #tpu.memory_space<hbm>>
      %dma_start3A_936 = arith.constant 0 : i32
      %dma_start3A_937 = arith.constant 0 : i32
      %dma_start3A_938 = tpu.memref_slice %arg19[%run_scoped3A_926, %dma_start3A_936, %dma_start3A_937] : memref<2x64x128xf32, #tpu.memory_space<vmem>> -> memref<1x32x128xf32, #tpu.memory_space<vmem>>
      %dma_start3A_939 = tpu.memref_squeeze %dma_start3A_938 : memref<1x32x128xf32, #tpu.memory_space<vmem>> -> memref<32x128xf32, #tpu.memory_space<vmem>>
      tpu.enqueue_dma source(%dma_start3A_939 : memref<32x128xf32, #tpu.memory_space<vmem>>) target(%dma_start3A_935 : memref<32x128xf32, #tpu.memory_space<hbm>>) target_semaphore(%run_scoped3A_927 : memref<!tpu.dma_semaphore, #tpu.memory_space<semaphore_mem>>)
      %dma_wait3A_940 = arith.constant 0 : i32
      %dma_wait3A_941 = arith.constant 0 : i32
      %dma_wait3A_942 = tpu.memref_slice %arg19[%run_scoped3A_926, %dma_wait3A_940, %dma_wait3A_941] : memref<2x64x128xf32, #tpu.memory_space<vmem>> -> memref<1x32x128xf32, #tpu.memory_space<vmem>>
      %dma_wait3A_943 = tpu.memref_squeeze %dma_wait3A_942 : memref<1x32x128xf32, #tpu.memory_space<vmem>> -> memref<32x128xf32, #tpu.memory_space<vmem>>
      %dma_wait3A_944 = arith.constant 0 : i32
      %dma_wait3A_945 = tpu.memref_slice %arg10[%add3A_925, %dma_wait3A_944] : memref<2048x128xf32, #tpu.memory_space<hbm>> -> memref<32x128xf32, #tpu.memory_space<hbm>>
      %dma_wait3A_946 = arith.constant 0 : i32
      %dma_wait3A_947 = tpu.memref_slice %arg10[%add3A_925, %dma_wait3A_946] : memref<2048x128xf32, #tpu.memory_space<hbm>> -> memref<32x128xf32, #tpu.memory_space<hbm>>
      %dma_wait3A_948 = arith.constant 0 : i32
      %dma_wait3A_949 = arith.constant 0 : i32
      %dma_wait3A_950 = tpu.memref_slice %arg19[%run_scoped3A_926, %dma_wait3A_948, %dma_wait3A_949] : memref<2x64x128xf32, #tpu.memory_space<vmem>> -> memref<1x32x128xf32, #tpu.memory_space<vmem>>
      %dma_wait3A_951 = tpu.memref_squeeze %dma_wait3A_950 : memref<1x32x128xf32, #tpu.memory_space<vmem>> -> memref<32x128xf32, #tpu.memory_space<vmem>>
      tpu.wait_dma2 semaphore(%run_scoped3A_927 : memref<!tpu.dma_semaphore, #tpu.memory_space<semaphore_mem>>) src(%dma_wait3A_951 : memref<32x128xf32, #tpu.memory_space<vmem>>) dst(%dma_wait3A_947 : memref<32x128xf32, #tpu.memory_space<hbm>>)
      tpu.yield
    }) : () -> ()
    return
  }
}

module attributes {stable_mosaic.version = 14 : i64} {
  func.func @_head_body(%arg0: memref<8192x128xf32, #tpu.memory_space<vmem>>, %arg1: memref<8192x128xf32, #tpu.memory_space<vmem>>, %arg2: memref<2048x128xf32, #tpu.memory_space<vmem>>, %arg3: memref<4x128x128xf32, #tpu.memory_space<vmem>>, %arg4: memref<128x128xf32, #tpu.memory_space<vmem>>, %arg5: memref<1x128xf32, #tpu.memory_space<vmem>>, %arg6: memref<256x256xf32, #tpu.memory_space<vmem>>, %arg7: memref<1x256xf32, #tpu.memory_space<vmem>>, %arg8: memref<256x4xf32, #tpu.memory_space<vmem>>, %arg9: memref<1x4xf32, #tpu.memory_space<vmem>>, %arg10: memref<256x2xf32, #tpu.memory_space<vmem>>, %arg11: memref<1x2xf32, #tpu.memory_space<vmem>>, %arg12: memref<1024x4xf32, #tpu.memory_space<vmem>>, %arg13: memref<1024x1xf32, #tpu.memory_space<vmem>>, %arg14: memref<1024x1xf32, #tpu.memory_space<vmem>>) attributes {dimension_semantics = [], scalar_prefetch = 0 : i64, scratch_operands = 0 : i64, tpu.core_type = #tpu.core_type<tc>} {
    %get3A = arith.constant 0 : index
    %get3A_0 = arith.constant 0 : index
    %get3A_1 = vector.load %arg1[%get3A, %get3A_0] : memref<8192x128xf32, #tpu.memory_space<vmem>>, vector<8192x1xf32>
    %max3A = arith.constant 1.000000e+00 : f32
    %max3A_2 = vector.broadcast %max3A : f32 to vector<8192x1xf32>
    %max3A_3 = arith.maximumf %get3A_1, %max3A_2 : vector<8192x1xf32>
    %div3A = arith.constant 1.000000e+00 : f32
    %div3A_4 = vector.broadcast %div3A : f32 to vector<8192x1xf32>
    %div3A_5 = arith.divf %div3A_4, %max3A_3 : vector<8192x1xf32>
    %get3A_6 = arith.constant 0 : index
    %get3A_7 = arith.constant 0 : index
    %get3A_8 = vector.load %arg0[%get3A_6, %get3A_7] : memref<8192x128xf32, #tpu.memory_space<vmem>>, vector<8192x128xf32>
    %mul3A = vector.broadcast %div3A_5 : vector<8192x1xf32> to vector<8192x128xf32>
    %mul3A_9 = arith.mulf %get3A_8, %mul3A : vector<8192x128xf32>
    %broadcast_in_dim3A = arith.constant 0.000000e+00 : f32
    %broadcast_in_dim3A_10 = vector.broadcast %broadcast_in_dim3A : f32 to vector<2048x128xf32>
    %slice3A = vector.extract_strided_slice %mul3A_9 {offsets = [0, 0], sizes = [2048, 128], strides = [1, 1]} : vector<8192x128xf32> to vector<2048x128xf32>
    %get3A_11 = arith.constant 0 : index
    %get3A_12 = arith.constant 0 : index
    %get3A_13 = arith.constant 0 : index
    %get3A_14 = vector.load %arg3[%get3A_11, %get3A_12, %get3A_13] : memref<4x128x128xf32, #tpu.memory_space<vmem>>, vector<1x128x128xf32>
    %get3A_15 = vector.shape_cast %get3A_14 : vector<1x128x128xf32> to vector<128x128xf32>
    %dot_general3A = arith.constant dense<0.000000e+00> : vector<2048x128xf32>
    %dot_general3A_16 = tpu.matmul %slice3A, %get3A_15, %dot_general3A {dimension_numbers = #tpu.dot_dimension_numbers<[1], [0], [0], [1], [0, 0, 1, 1], [], []>, precision = #tpu.contract_precision<fp32>, transpose_lhs_hint = false} : vector<2048x128xf32>, vector<128x128xf32>, vector<2048x128xf32> -> vector<2048x128xf32>
    %add3A = arith.addf %broadcast_in_dim3A_10, %dot_general3A_16 : vector<2048x128xf32>
    %slice3A_17 = vector.extract_strided_slice %mul3A_9 {offsets = [2048, 0], sizes = [2048, 128], strides = [1, 1]} : vector<8192x128xf32> to vector<2048x128xf32>
    %get3A_18 = arith.constant 1 : index
    %get3A_19 = arith.constant 0 : index
    %get3A_20 = arith.constant 0 : index
    %get3A_21 = vector.load %arg3[%get3A_18, %get3A_19, %get3A_20] : memref<4x128x128xf32, #tpu.memory_space<vmem>>, vector<1x128x128xf32>
    %get3A_22 = vector.shape_cast %get3A_21 : vector<1x128x128xf32> to vector<128x128xf32>
    %dot_general3A_23 = arith.constant dense<0.000000e+00> : vector<2048x128xf32>
    %dot_general3A_24 = tpu.matmul %slice3A_17, %get3A_22, %dot_general3A_23 {dimension_numbers = #tpu.dot_dimension_numbers<[1], [0], [0], [1], [0, 0, 1, 1], [], []>, precision = #tpu.contract_precision<fp32>, transpose_lhs_hint = false} : vector<2048x128xf32>, vector<128x128xf32>, vector<2048x128xf32> -> vector<2048x128xf32>
    %add3A_25 = arith.addf %add3A, %dot_general3A_24 : vector<2048x128xf32>
    %slice3A_26 = vector.extract_strided_slice %mul3A_9 {offsets = [4096, 0], sizes = [2048, 128], strides = [1, 1]} : vector<8192x128xf32> to vector<2048x128xf32>
    %get3A_27 = arith.constant 2 : index
    %get3A_28 = arith.constant 0 : index
    %get3A_29 = arith.constant 0 : index
    %get3A_30 = vector.load %arg3[%get3A_27, %get3A_28, %get3A_29] : memref<4x128x128xf32, #tpu.memory_space<vmem>>, vector<1x128x128xf32>
    %get3A_31 = vector.shape_cast %get3A_30 : vector<1x128x128xf32> to vector<128x128xf32>
    %dot_general3A_32 = arith.constant dense<0.000000e+00> : vector<2048x128xf32>
    %dot_general3A_33 = tpu.matmul %slice3A_26, %get3A_31, %dot_general3A_32 {dimension_numbers = #tpu.dot_dimension_numbers<[1], [0], [0], [1], [0, 0, 1, 1], [], []>, precision = #tpu.contract_precision<fp32>, transpose_lhs_hint = false} : vector<2048x128xf32>, vector<128x128xf32>, vector<2048x128xf32> -> vector<2048x128xf32>
    %add3A_34 = arith.addf %add3A_25, %dot_general3A_33 : vector<2048x128xf32>
    %slice3A_35 = vector.extract_strided_slice %mul3A_9 {offsets = [6144, 0], sizes = [2048, 128], strides = [1, 1]} : vector<8192x128xf32> to vector<2048x128xf32>
    %get3A_36 = arith.constant 3 : index
    %get3A_37 = arith.constant 0 : index
    %get3A_38 = arith.constant 0 : index
    %get3A_39 = vector.load %arg3[%get3A_36, %get3A_37, %get3A_38] : memref<4x128x128xf32, #tpu.memory_space<vmem>>, vector<1x128x128xf32>
    %get3A_40 = vector.shape_cast %get3A_39 : vector<1x128x128xf32> to vector<128x128xf32>
    %dot_general3A_41 = arith.constant dense<0.000000e+00> : vector<2048x128xf32>
    %dot_general3A_42 = tpu.matmul %slice3A_35, %get3A_40, %dot_general3A_41 {dimension_numbers = #tpu.dot_dimension_numbers<[1], [0], [0], [1], [0, 0, 1, 1], [], []>, precision = #tpu.contract_precision<fp32>, transpose_lhs_hint = false} : vector<2048x128xf32>, vector<128x128xf32>, vector<2048x128xf32> -> vector<2048x128xf32>
    %add3A_43 = arith.addf %add3A_34, %dot_general3A_42 : vector<2048x128xf32>
    %get3A_44 = arith.constant 0 : index
    %get3A_45 = arith.constant 0 : index
    %get3A_46 = vector.load %arg2[%get3A_44, %get3A_45] : memref<2048x128xf32, #tpu.memory_space<vmem>>, vector<2048x128xf32>
    %get3A_47 = arith.constant 0 : index
    %get3A_48 = arith.constant 0 : index
    %get3A_49 = vector.load %arg4[%get3A_47, %get3A_48] : memref<128x128xf32, #tpu.memory_space<vmem>>, vector<128x128xf32>
    %dot_general3A_50 = arith.constant dense<0.000000e+00> : vector<2048x128xf32>
    %dot_general3A_51 = tpu.matmul %get3A_46, %get3A_49, %dot_general3A_50 {dimension_numbers = #tpu.dot_dimension_numbers<[1], [0], [0], [1], [0, 0, 1, 1], [], []>, precision = #tpu.contract_precision<fp32>, transpose_lhs_hint = false} : vector<2048x128xf32>, vector<128x128xf32>, vector<2048x128xf32> -> vector<2048x128xf32>
    %add3A_52 = arith.addf %add3A_43, %dot_general3A_51 : vector<2048x128xf32>
    %get3A_53 = arith.constant 0 : index
    %get3A_54 = arith.constant 0 : index
    %get3A_55 = vector.load %arg5[%get3A_53, %get3A_54] : memref<1x128xf32, #tpu.memory_space<vmem>>, vector<1x128xf32>
    %add3A_56 = vector.broadcast %get3A_55 : vector<1x128xf32> to vector<2048x128xf32>
    %add3A_57 = arith.addf %add3A_52, %add3A_56 : vector<2048x128xf32>
    %max3A_58 = arith.constant 0.000000e+00 : f32
    %max3A_59 = vector.broadcast %max3A_58 : f32 to vector<2048x128xf32>
    %max3A_60 = arith.maximumf %add3A_57, %max3A_59 : vector<2048x128xf32>
    %slice3A_61 = vector.extract_strided_slice %max3A_60 {offsets = [0, 0], sizes = [1024, 128], strides = [1, 1]} : vector<2048x128xf32> to vector<1024x128xf32>
    %slice3A_62 = vector.extract_strided_slice %max3A_60 {offsets = [1024, 0], sizes = [1024, 128], strides = [1, 1]} : vector<2048x128xf32> to vector<1024x128xf32>
    %concatenate3A = tpu.concatenate %slice3A_61, %slice3A_62 in 1 : vector<1024x128xf32>, vector<1024x128xf32> -> vector<1024x256xf32>
    %get3A_63 = arith.constant 0 : index
    %get3A_64 = arith.constant 0 : index
    %get3A_65 = vector.load %arg6[%get3A_63, %get3A_64] : memref<256x256xf32, #tpu.memory_space<vmem>>, vector<256x256xf32>
    %dot_general3A_66 = arith.constant dense<0.000000e+00> : vector<1024x256xf32>
    %dot_general3A_67 = tpu.matmul %concatenate3A, %get3A_65, %dot_general3A_66 {dimension_numbers = #tpu.dot_dimension_numbers<[1], [0], [0], [1], [0, 0, 1, 1], [], []>, precision = #tpu.contract_precision<fp32>, transpose_lhs_hint = false} : vector<1024x256xf32>, vector<256x256xf32>, vector<1024x256xf32> -> vector<1024x256xf32>
    %get3A_68 = arith.constant 0 : index
    %get3A_69 = arith.constant 0 : index
    %get3A_70 = vector.load %arg7[%get3A_68, %get3A_69] : memref<1x256xf32, #tpu.memory_space<vmem>>, vector<1x256xf32>
    %add3A_71 = vector.broadcast %get3A_70 : vector<1x256xf32> to vector<1024x256xf32>
    %add3A_72 = arith.addf %dot_general3A_67, %add3A_71 : vector<1024x256xf32>
    %tanh3A = math.tanh %add3A_72 : vector<1024x256xf32>
    %get3A_73 = arith.constant 0 : index
    %get3A_74 = arith.constant 0 : index
    %get3A_75 = vector.load %arg8[%get3A_73, %get3A_74] : memref<256x4xf32, #tpu.memory_space<vmem>>, vector<256x4xf32>
    %dot_general3A_76 = arith.constant dense<0.000000e+00> : vector<1024x4xf32>
    %dot_general3A_77 = tpu.matmul %tanh3A, %get3A_75, %dot_general3A_76 {dimension_numbers = #tpu.dot_dimension_numbers<[1], [0], [0], [1], [0, 0, 1, 1], [], []>, precision = #tpu.contract_precision<fp32>, transpose_lhs_hint = false} : vector<1024x256xf32>, vector<256x4xf32>, vector<1024x4xf32> -> vector<1024x4xf32>
    %get3A_78 = arith.constant 0 : index
    %get3A_79 = arith.constant 0 : index
    %get3A_80 = vector.load %arg9[%get3A_78, %get3A_79] : memref<1x4xf32, #tpu.memory_space<vmem>>, vector<1x4xf32>
    %add3A_81 = vector.broadcast %get3A_80 : vector<1x4xf32> to vector<1024x4xf32>
    %add3A_82 = arith.addf %dot_general3A_77, %add3A_81 : vector<1024x4xf32>
    %swap3A = arith.constant 0 : index
    %swap3A_83 = arith.constant 0 : index
    %swap3A_84 = vector.load %arg12[%swap3A, %swap3A_83] : memref<1024x4xf32, #tpu.memory_space<vmem>>, vector<1024x4xf32>
    tpu.vector_store %arg12[%swap3A, %swap3A_83], %add3A_82 {strides = array<i32>} : memref<1024x4xf32, #tpu.memory_space<vmem>>, vector<1024x4xf32>,
    %get3A_85 = arith.constant 0 : index
    %get3A_86 = arith.constant 0 : index
    %get3A_87 = vector.load %arg10[%get3A_85, %get3A_86] : memref<256x2xf32, #tpu.memory_space<vmem>>, vector<256x2xf32>
    %dot_general3A_88 = arith.constant dense<0.000000e+00> : vector<1024x2xf32>
    %dot_general3A_89 = tpu.matmul %tanh3A, %get3A_87, %dot_general3A_88 {dimension_numbers = #tpu.dot_dimension_numbers<[1], [0], [0], [1], [0, 0, 1, 1], [], []>, precision = #tpu.contract_precision<fp32>, transpose_lhs_hint = false} : vector<1024x256xf32>, vector<256x2xf32>, vector<1024x2xf32> -> vector<1024x2xf32>
    %get3A_90 = arith.constant 0 : index
    %get3A_91 = arith.constant 0 : index
    %get3A_92 = vector.load %arg11[%get3A_90, %get3A_91] : memref<1x2xf32, #tpu.memory_space<vmem>>, vector<1x2xf32>
    %add3A_93 = vector.broadcast %get3A_92 : vector<1x2xf32> to vector<1024x2xf32>
    %add3A_94 = arith.addf %dot_general3A_89, %add3A_93 : vector<1024x2xf32>
    %slice3A_95 = vector.extract_strided_slice %add3A_94 {offsets = [0, 0], sizes = [1024, 1], strides = [1, 1]} : vector<1024x2xf32> to vector<1024x1xf32>
    %swap3A_96 = arith.constant 0 : index
    %swap3A_97 = arith.constant 0 : index
    %swap3A_98 = vector.load %arg13[%swap3A_96, %swap3A_97] : memref<1024x1xf32, #tpu.memory_space<vmem>>, vector<1024x1xf32>
    tpu.vector_store %arg13[%swap3A_96, %swap3A_97], %slice3A_95 {strides = array<i32>} : memref<1024x1xf32, #tpu.memory_space<vmem>>, vector<1024x1xf32>,
    %slice3A_99 = vector.extract_strided_slice %add3A_94 {offsets = [0, 1], sizes = [1024, 1], strides = [1, 1]} : vector<1024x2xf32> to vector<1024x1xf32>
    %swap3A_100 = arith.constant 0 : index
    %swap3A_101 = arith.constant 0 : index
    %swap3A_102 = vector.load %arg14[%swap3A_100, %swap3A_101] : memref<1024x1xf32, #tpu.memory_space<vmem>>, vector<1024x1xf32>
    tpu.vector_store %arg14[%swap3A_100, %swap3A_101], %slice3A_99 {strides = array<i32>} : memref<1024x1xf32, #tpu.memory_space<vmem>>, vector<1024x1xf32>,
    return
  }
}

</mosaic_0001>

<sc_bundles>
// kernel: kernel.4.cloned.1.call-start
scs
__scs_entry_jumppad:
0x0: {  	(pc) =	sbr.rel $0x88, $3  }
0x1: {  	(tag) =	ssettag $0x0;
	lr =	simm.s32 $0x1  }
0x2: {  	[smem:$0x3F93] =	sst lr;
	_ =	strace $0xD0000000  }
0x3: {  	_ = 	snop  }
0x4: {  	_ = 	snop  }
0x5: {  	_ = 	snop  }
0x6: {  	_ = 	snop  }
0x7: {  	_ = 	snop  }
__scs_overlays_trampoline_lowered:
0x8: {  	[smem:$0x3FA2] =	sst s0  }
0x9: {  	[smem:$0x3FA3] =	sst s1  }
0xa: {  	[smem:$0x3FA4] =	sst s2  }
0xb: {  	[smem:$0x3FA5] =	sst s3  }
0xc: {  	[smem:$0x3FA6] =	sst s4  }
0xd: {  	[smem:$0x3FA7] =	sst s5  }
0xe: {  	[smem:$0x3FA8] =	sst s6  }
0xf: {  	[smem:$0x3FA9] =	sst s7  }
0x10: {  	[smem:$0x3FAA] =	sst s8  }
0x11: {  	[smem:$0x3FAB] =	sst s9;
	s0 =	simm.s32 @!p0 $0x0  }
0x12: {  	s1 =	sld [smem:$0x3F91];
	s0 =	simm.s32 @p0 $0x1  }
0x13: {  	[smem:$0x3FAC] =	sst s0;
	s0 =	simm.s32 @!p1 $0x0  }
0x14: {  	s2 =	sld [smem:$0x3F90];
	s0 =	simm.s32 @p1 $0x1  }
0x15: {  	[smem:$0x3FAD] =	sst s0;
	s0 =	simm.s32 @!p2 $0x0  }
0x16: {  	s3 =	sld [smem:$0x3FDB];
	s0 =	simm.s32 @p2 $0x1  }
0x17: {  	s4 =	simm.s32 $0x1BF5;
	[smem:$0x3FAF] =	sst s0  }
0x18: {  	s0 =	sld [smem:$0x3F92];
	_ =	swait.ge [sflag:s4], $0x0  }
0x19: {  	s7 =	sld [smem:$0x3F93]  }
0x1a: {  	s8 =	sadd.s32 $0xFFFFE003, lr  }
0x1b: {  	s9 =	sadd.s32 $0xFFFFFEF7, lr;
	s5 =	simm.s32 $0xFFFFFFFF;
	p2 =	slt.u32 s8, $0xFFFFF086  }
0x1c: {  	p1 =	slt.u32 s9, $0xF7A;
	s5 =	simm.s32 @!p2 $0x0  }
0x1d: {  	s5 =	simm.s32 @p1 $0x1;
	p0 =	seq.s32 s7, s2  }
0x1e: {  	s7 =	smul.u32 @!p0 $0xF7A, s2;
	p2 =	seq.s32 @!p0 s5, $0x0  }
0x1f: {  	s9 =	smul.u32 $0xF7A, s1;
	s8 =	simm.s32 @!p0 $0x1BF5;
	p2 =	por !p2, p0  }
0x20: {  	[sflag:s8] =	ssyncset.s32 @!p0 $0xFFFFF086;
	s6 =	sadd.s32 @!p0 s3, s7;
	s7 =	simm.s32 @!p0 $0x108  }
0x21: {  	s3 =	sadd.s32 s3, s9;
	s6 =	sadd.s32 @!p0 $0x88, s6;
	s7 =	simm.s32 @p2 $0x1082  }
0x22: {  	[simem:s7], [sflag:s8] =	dma.local @!p0 [hbm:s6], $0xF7A  }
0x23: {  	s9 =	sor.u32 $0xD0000000, s2;
	s6 =	simm.s32 $0x108;
	_ =	swait.ge @!p0 [sflag:s8], $0x0  }
0x24: {  	s3 =	sadd.s32 $0x88, s3;
	s6 =	simm.s32 @!p1 $0x1082;
	[sflag:s4] =	ssyncset.s32 $0xFFFFF086  }
0x25: {  	[simem:s6], [sflag:s4] =	dma.local [hbm:s3], $0xF7A  }
0x26: {  	[smem:$0x3F93] =	sst s1;
	(tag) =	ssettag s2;
	_ =	strace s9  }
0x27: {  	s1 =	sld [smem:$0x3FA3]  }
0x28: {  	s2 =	sld [smem:$0x3FA4]  }
0x29: {  	s4 =	sld [smem:$0x3FA6]  }
0x2a: {  	p0 =	seq.s32 s5, $0x0;
	s5 =	sld [smem:$0x3FA7]  }
0x2b: {  	s6 =	sld [smem:$0x3FA8]  }
0x2c: {  	s7 =	sld [smem:$0x3FA9]  }
0x2d: {  	s3 =	simm.s32 $0x108;
	s8 =	sld [smem:$0x3FAA]  }
0x2e: {  	s3 =	simm.s32 @!p0 $0x1082;
	s9 =	sld [smem:$0x3FAB]  }
0x2f: {  	lr =	sadd.s32 s0, s3;
	s0 =	sld [smem:$0x3FA2]  }
0x30: {  	s3 =	sld [smem:$0x3FA5]  }
0x31: {  	[smem:$0x3FAE] =	sst s10  }
0x32: {  	s10 =	sld [smem:$0x3FAC];
	_ =	sdelay $0x3  }
0x33: {  	p0 =	seq.s32 s10, $0x1;
	s10 =	sld [smem:$0x3FAE];
	_ =	sdelay $0x3  }
0x34: {  	[smem:$0x3FAE] =	sst s10  }
0x35: {  	s10 =	sld [smem:$0x3FAD];
	_ =	sdelay $0x3  }
0x36: {  	p1 =	seq.s32 s10, $0x1;
	s10 =	sld [smem:$0x3FAE];
	_ =	sdelay $0x3  }
0x37: {  	[smem:$0x3FAE] =	sst s10  }
0x38: {  	s10 =	sld [smem:$0x3FAF]  }
0x39: {  	_ = 	snop;
	(pc) =	sbr.ind lr, $3  }
0x3a: {  	_ = 	snop  }
0x3b: {  	_ = 	snop  }
0x3c: {  	p2 =	seq.s32 s10, $0x1;
	s10 =	sld [smem:$0x3FAE]  }
0x3d: {  	_ =	shalt  }
0x3e: {  	_ =	shalt  }
0x3f: {  	_ =	shalt  }
0x40: {  	_ =	shalt  }
0x41: {  	_ =	shalt  }
0x42: {  	_ =	shalt  }
0x43: {  	_ =	shalt  }
0x44: {  	_ =	shalt  }
0x45: {  	_ =	shalt  }
0x46: {  	_ =	shalt  }
0x47: {  	_ =	shalt  }
0x48: {  	_ =	shalt  }
0x49: {  	_ =	shalt  }
0x4a: {  	_ =	shalt  }
0x4b: {  	_ =	shalt  }
0x4c: {  	_ =	shalt  }
0x4d: {  	_ =	shalt  }
0x4e: {  	_ =	shalt  }
0x4f: {  	_ =	shalt  }
0x50: {  	_ =	shalt  }
0x51: {  	_ =	shalt  }
0x52: {  	_ =	shalt  }
0x53: {  	_ =	shalt  }
0x54: {  	_ =	shalt  }
0x55: {  	_ =	shalt  }
0x56: {  	_ =	shalt  }
0x57: {  	_ =	shalt  }
0x58: {  	_ =	shalt  }
0x59: {  	_ =	shalt  }
0x5a: {  	_ =	shalt  }
0x5b: {  	_ =	shalt  }
0x5c: {  	_ =	shalt  }
0x5d: {  	_ =	shalt  }
0x5e: {  	_ =	shalt  }
0x5f: {  	_ =	shalt  }
0x60: {  	_ =	shalt  }
0x61: {  	_ =	shalt  }
0x62: {  	_ =	shalt  }
0x63: {  	_ =	shalt  }
0x64: {  	_ =	shalt  }
0x65: {  	_ =	shalt  }
0x66: {  	_ =	shalt  }
0x67: {  	_ =	shalt  }
0x68: {  	_ =	shalt  }
0x69: {  	_ =	shalt  }
0x6a: {  	_ =	shalt  }
0x6b: {  	_ =	shalt  }
0x6c: {  	_ =	shalt  }
0x6d: {  	_ =	shalt  }
0x6e: {  	_ =	shalt  }
0x6f: {  	_ =	shalt  }
0x70: {  	_ =	shalt  }
0x71: {  	_ =	shalt  }
0x72: {  	_ =	shalt  }
0x73: {  	_ =	shalt  }
0x74: {  	_ =	shalt  }
0x75: {  	_ =	shalt  }
0x76: {  	_ =	shalt  }
0x77: {  	_ =	shalt  }
0x78: {  	_ =	shalt  }
0x79: {  	_ =	shalt  }
0x7a: {  	_ =	shalt  }
0x7b: {  	_ =	shalt  }
0x7c: {  	_ =	shalt  }
0x7d: {  	_ =	shalt  }
0x7e: {  	_ =	shalt  }
0x7f: {  	_ =	shalt  }
0x80: {  	_ =	shalt  }
0x81: {  	_ =	shalt  }
0x82: {  	_ =	shalt  }
0x83: {  	_ =	shalt  }
0x84: {  	_ =	shalt  }
0x85: {  	_ =	shalt  }
0x86: {  	_ =	shalt  }
0x87: {  	_ =	shalt  }
.Lfunc_end0:
.L_simem_size_0:
called_computation_lowered:
.L_overlay_start_0:
0x88: {  	s2 =	sld [smem:$0x3FD9]  }
0x89: {  	s3 =	sld [smem:$0x3FFE];
	_ =	sdelay $0x1  }
0x8a: {  	s1 =	srdreg.scid  }
0x8b: {  	s0 =	sand.u32 $0x1, s1  }
0x8c: {  	s17 =	sshll.u32 s0, $0xA;
	s2 =	sadd.s32 s3, s2  }
0x8d: {  	s2 =	sadd.s32 s2, s17  }
0x8e: {  	[smem:$0x3FBA] =	sst s2  }
0x8f: {  	_ = 	snop  }
0x90: {  	s2 =	sld [smem:$0x3FC9]  }
0x91: {  	s18 =	sld [smem:$0x3FBE]  }
0x92: {  	s4 =	sld [smem:$0x3FBD]  }
0x93: {  	s5 =	sld [smem:$0x3FBC];
	(tm) =	ssettm $0x1  }
0x94: {  	s6 =	sld [smem:$0x3FFB];
	_ =	sdelay $0x3  }
0x95: {  	_ =	strace s6  }
0x96: {  	s6 =	sld [smem:$0x3FFC];
	_ =	sdelay $0x3  }
0x97: {  	_ =	strace s6  }
0x98: {  	s6 =	sld [smem:$0x3FFD];
	_ =	sdelay $0x3  }
0x99: {  	_ =	strace s6  }
0x9a: {  	_ =	strace $0x8FFFFFFF  }
0x9b: {  	s19 =	sld [smem:$0x3FDB];
	_ =	sdelay $0x1  }
0x9c: {  	s7 =	simm.s32 $_scs_section_size  }
0x9d: {  	s8 =	simm.s32 $_size__tile_overlayer_lowered;
	s9 =	simm.s32 $_tile_overlayer_lowered  }
0x9e: {  	s22 =	simm.s32 $0x1BFF;
	s21 =	sshll.u32 s9, $0x1;
	s6 =	sadd.s32 s7, s19  }
0x9f: {  	s10 =	simm.s32 $0x0;
	s20 =	sshll.u32 s8, $0x1;
	s8 =	sadd.s32 s21, s6  }
0xa0: {  	[timem:s10], [sflag:s22] =	dma.local [hbm:s8], s20  }
0xa1: {  	_ =	swait.ge [sflag:s22], s20  }
0xa2: {  	s7 =	ssub.s32 $0x0, s20;
	[sflag:s22] =	ssyncset.done $0x0  }
0xa3: {  	[sflag:s22] =	ssyncadd.s32 s7;
	_ =	sdelay $0x1  }
0xa4: {  	s23 =	simm.s32 $0x1B8B  }
0xa5: {  	_ =	swait.ge [sflag:s23], $0x1  }
0xa6: {  	[sflag:s23] =	ssyncset.done $0x0  }
0xa7: {  	s25 =	simm.s32 $0x1B8E;
	s24 =	sld [smem:$0x3FFE];
	[sflag:s23] =	ssyncadd.s32 $0xFFFFFFFF  }
0xa8: {  	s26 =	simm.s32 $execute0_lowered;
	[smem:$0x3FD2] =	sst s25  }
0xa9: {  	s8 =	sshll.u32 s26, $0x1;
	_ =	strace $0x80000046;
	[dreg:$0x1] =	wrdreg $0xFFFFFFFF  }
0xaa: {  	s28 =	simm.s32 $_size_execute0_lowered;
	s6 =	sadd.s32 s6, s8;
	[dreg:$0x0] =	wrdreg $0x0  }
0xab: {  	s8 =	sshll.u32 s28, $0x1;
	[dreg:$0x2] =	wrdreg s6  }
0xac: {  	[dreg:$0x3] =	wrdreg s8  }
0xad: {  	[dreg:$0x4] =	wrdreg $0xC0  }
0xae: {  	_ =	task [dreg:s10], $0x5FFFF  }
0xaf: {  	[dreg:$0x1] =	wrdreg $0xFFFFFFFF  }
0xb0: {  	[dreg:$0x0] =	wrdreg $0x60  }
0xb1: {  	[dreg:$0x2] =	wrdreg s24  }
0xb2: {  	[dreg:$0x3] =	wrdreg s18  }
0xb3: {  	[dreg:$0x4] =	wrdreg s4  }
0xb4: {  	[dreg:$0x5] =	wrdreg s5  }
0xb5: {  	[dreg:$0x6] =	wrdreg s2  }
0xb6: {  	[dreg:$0x7] =	wrdreg $0xE9000  }
0xb7: {  	[dreg:$0x8] =	wrdreg $0x16D000  }
0xb8: {  	[dreg:$0x9] =	wrdreg $0x9  }
0xb9: {  	_ =	task.clear_ibuf [dreg:s10], $0xAFFFF;
	_ =	strace $0x90000046  }
0xba: {  	s29 =	simm.s32 $0x9;
	_ =	strace $0x80000048  }
0xbb: {  	_ =	swait.ge [sflag:s29], $0x1  }
0xbc: {  	[sflag:s29] =	ssyncadd.s32 $0xFFFFFFFF  }
0xbd: {  	_ =	strace $0x90000048  }
0xbe: {  	_ =	sfence  }
0xbf: {  	s30 =	sld [smem:$0x0];
	_ =	sdelay $0x2  }
0xc0: {  	s31 =	sshll.u32 s1, $0xD;
	s1 =	sshrl.u32 s1, $0x2  }
0xc1: {  	s3 =	sand.u32 $0x4000, s31;
	s1 =	sadd.s32 s1, s30  }
0xc2: {  	s0 =	sor.u32 s3, s0;
	s1 =	sshll.u32 s1, $0x11  }
0xc3: {  	s0 =	sor.u32 s1, s0  }
0xc4: {  	s0 =	sadd.s32 $0x8F2B, s0  }
0xc5: {  	[sflag:s0] =	ssyncadd.remote.s32 $0x1  }
0xc6: {  	_ =	sfence.sel $0xFFFF  }
0xc7: {  	[dreg:$0x0] =	wrdreg $0xFFFFFFFF;
	(pc) =	sbr.abs _section_cstart, $3  }
0xc8: {  	[dreg:$0x1] =	wrdreg $0xFFFFFFFF  }
0xc9: {  	_ =	task.clear_ibuf [dreg:s10], $0x2FFFF;
	_ =	strace $0x9FFFFFFF  }
0xca: {  	(tm) =	ssettm $0x7FFFFFFF  }
0xcb: {  	_ =	shalt  }
tec
execute0_lowered:
.L_overlay_start_1:
0x0: {  	(tag) =	ssettag $0x1  }
0x1: {  	s2 =	rddreg [dreg:$0x0]  }
0x2: {  	s5 =	rddreg [dreg:$0x1];
	s1 =	simm.s32 $0x0;
	s0 =	srdreg.scid  }
0x3: {  	s14 =	stileid.u32;
	[smem:$0x7FF] =	sst s1;
	s13 =	sand.u32 $0x1, s0  }
0x4: {  	s6 =	sadd.s32 $0xB800, s2;
	s18 =	sshll.u32 s14, $0x7;
	s7 =	sadd.s32 $0x1A00, s2  }
0x5: {  	s4 =	sadd.s32 $0x15600, s2;
	s8 =	sadd.s32 $0x35600, s2;
	s12 =	sshll.u32 s14, $0xC  }
0x6: {  	s20 =	smul.u32 $0x4E20, s14;
	s3 =	sshll.u32 s13, $0x6;
	s11 =	sshll.u32 s13, $0x10  }
0x7: {  	s9 =	ssub.s32 $0x2, s13;
	s0 =	sor.u32 s3, s18;
	s19 =	sor.u32 s12, s11  }
0x8: {  	s10 =	sshrl.u32 s9, $0x1;
	s3 =	sshll.u32 s0, $0x4;
	s11 =	sadd.s32 s4, s19  }
0x9: {  	s21 =	sor.u32 $0x400, s19;
	s12 =	sadd.s32 s8, s19;
	[dreg:$0x8] =	wrdreg s11  }
0xa: {  	s23 =	sor.u32 $0x800, s19;
	[dreg:$0x9] =	wrdreg s12;
	s22 =	sadd.s32 s4, s21  }
0xb: {  	s2 =	sadd.s32 s3, s2;
	s11 =	sadd.s32 s8, s21;
	[dreg:$0xa] =	wrdreg s22  }
0xc: {  	s3 =	ssub.s32 s9, s10;
	s24 =	sadd.s32 s4, s23;
	[dreg:$0xb] =	wrdreg s11  }
0xd: {  	s25 =	sadd.s32 s8, s23;
	s9 =	sor.u32 $0xC00, s19;
	[dreg:$0xc] =	wrdreg s24  }
0xe: {  	s10 =	sshrl.u32 s20, $0x3;
	[dreg:$0xd] =	wrdreg s25;
	s4 =	sadd.s32 s4, s9  }
0xf: {  	s26 =	sadd.s32 $0xFA, s10;
	s9 =	sadd.s32 s8, s9;
	[dreg:$0xe] =	wrdreg s4  }
0x10: {  	[dreg:$0xf] =	wrdreg s9;
	s12 =	sadd.s32 s6, s26  }
0x11: {  	s15 =	sadd.s32 s7, s26;
	[dreg:$0x10] =	wrdreg s12  }
0x12: {  	s17 =	sadd.s32 $0x1F4, s10;
	s16 =	sadd.s32 s5, s26;
	[dreg:$0x11] =	wrdreg s15  }
0x13: {  	s18 =	sadd.s32 s6, s17;
	[dreg:$0x12] =	wrdreg s16  }
0x14: {  	s19 =	sadd.s32 s7, s17;
	[dreg:$0x13] =	wrdreg s18  }
0x15: {  	s20 =	sadd.s32 $0x2EE, s10;
	s4 =	sadd.s32 s5, s17;
	[dreg:$0x14] =	wrdreg s19  }
0x16: {  	s21 =	sadd.s32 s6, s20;
	[dreg:$0x15] =	wrdreg s4  }
0x17: {  	s23 =	sadd.s32 s7, s20;
	[dreg:$0x16] =	wrdreg s21  }
0x18: {  	s22 =	sadd.s32 $0x3E8, s10;
	s8 =	sadd.s32 s5, s20;
	[dreg:$0x17] =	wrdreg s23  }
0x19: {  	s24 =	sadd.s32 s6, s22;
	[dreg:$0x18] =	wrdreg s8  }
0x1a: {  	s25 =	sadd.s32 s7, s22;
	[dreg:$0x19] =	wrdreg s24  }
0x1b: {  	[dreg:$0x1a] =	wrdreg s25  }
0x1c: {  	s26 =	sadd.s32 $0x4E2, s10;
	s4 =	sadd.s32 s5, s22;
	s8 =	rddreg [dreg:$0x5]  }
0x1d: {  	s9 =	sadd.s32 s6, s26;
	[dreg:$0x1b] =	wrdreg s4  }
0x1e: {  	s11 =	sadd.s32 s7, s26;
	[dreg:$0x1c] =	wrdreg s9  }
0x1f: {  	s25 =	sadd.s32 s6, s10;
	[dreg:$0x1d] =	wrdreg s11  }
0x20: {  	[smem:$0x7EC] =	sst s25  }
0x21: {  	s12 =	sadd.s32 $0x5DC, s10;
	s4 =	sadd.s32 s5, s26;
	s11 =	rddreg [dreg:$0x6]  }
0x22: {  	s15 =	sadd.s32 s6, s12;
	[dreg:$0x1e] =	wrdreg s4  }
0x23: {  	s16 =	sadd.s32 s7, s12;
	[dreg:$0x1f] =	wrdreg s15  }
0x24: {  	s18 =	sadd.s32 $0x6D6, s10;
	s17 =	sadd.s32 s5, s12;
	[smem:$0x7E4] =	sst s16  }
0x25: {  	s31 =	simm.s32 $0x4000;
	s19 =	sadd.s32 s6, s18;
	[smem:$0x7E5] =	sst s17  }
0x26: {  	s21 =	sadd.s32 $0x7D0, s10;
	s20 =	sadd.s32 s7, s18;
	[smem:$0x7E6] =	sst s19  }
0x27: {  	s29 =	simm.s32 $0x8800;
	s22 =	sadd.s32 s6, s21;
	[smem:$0x7E7] =	sst s20  }
0x28: {  	s30 =	sshll.u32 s14, $0x8;
	s23 =	sadd.s32 s7, s21;
	[smem:$0x7E9] =	sst s22  }
0x29: {  	v0 =	vmov s13;
	s13 =	simm.s32 $0x4800;
	s24 =	sadd.s32 s5, s21;
	[smem:$0x7EA] =	sst s23  }
0x2a: {  	s28 =	smax.u32 s3, $0x1;
	s26 =	sadd.s32 s7, s10;
	[smem:$0x7EB] =	sst s24  }
0x2b: {  	s3 =	simm.s32 $0x2;
	s9 =	sadd.s32 s5, s10;
	[smem:$0x7ED] =	sst s26  }
0x2c: {  	s10 =	sadd.s32 $0x8CA, s10;
	s4 =	sadd.s32 s5, s18;
	[smem:$0x7EE] =	sst s9  }
0x2d: {  	s12 =	smul.u32 $0x8400, s14;
	s6 =	sadd.s32 s6, s10;
	[smem:$0x7E8] =	sst s4  }
0x2e: {  	s15 =	sadd.s32 s7, s10;
	s5 =	sadd.s32 s5, s10;
	s4 =	rddreg [dreg:$0x4]  }
0x2f: {  	s26 =	sor.u32 $0x4000, s0;
	s0 =	sor.u32 $0x4020, s0;
	[smem:$0x7EF] =	sst s6  }
0x30: {  	s7 =	simm.s32 $0x1000;
	s9 =	simm.s32 $0x1;
	[smem:$0x7F0] =	sst s15  }
0x31: {  	s10 =	simm.s32 $0x40;
	[smem:$0x7F1] =	sst s5;
	s22 =	sadd.s32 s12, s8  }
0x32: {  	s23 =	sadd.s32 s12, s11;
	_ =	strace $0x80000047;
	[smem:$0x7F8] =	sst s22  }
0x33: {  	s16 =	sadd.s32 $0x2000, s12;
	s18 =	sadd.s32 $0x4000, s12;
	[smem:$0x7F9] =	sst s23  }
0x34: {  	s20 =	sadd.s32 $0x6000, s12;
	s24 =	sadd.s32 $0x8000, s12;
	[smem:$0x7FC] =	sst s26  }
0x35: {  	s12 =	simm.s32 $0xA800;
	s17 =	sadd.s32 s16, s8;
	[smem:$0x7FD] =	sst s0  }
0x36: {  	s15 =	simm.s32 $0x6800;
	s5 =	sadd.s32 s16, s11;
	[smem:$0x7F2] =	sst s17  }
0x37: {  	s19 =	sadd.s32 s18, s8;
	s6 =	sadd.s32 s18, s11;
	[smem:$0x7F3] =	sst s5  }
0x38: {  	s21 =	sadd.s32 s20, s8;
	s25 =	sadd.s32 s24, s8;
	[smem:$0x7F4] =	sst s19  }
0x39: {  	s26 =	sadd.s32 $0x55800, s2;
	s0 =	simm.s32 $0x4;
	[smem:$0x7F5] =	sst s6  }
0x3a: {  	s16 =	simm.s32 $0xC800;
	[smem:$0x7F6] =	sst s21;
	s5 =	sadd.s32 s20, s11  }
0x3b: {  	[smem:$0x7FA] =	sst s25;
	s25 =	sadd.s32 $0x55600, s2;
	s2 =	simm.s32 $0x1800  }
0x3c: {  	v1 =	vimm.f32 $0.0e+00;
	v2 =	vimm.f32 $1.000000000e+00;
	v3 =	vimm.s32 $0xFFFFFFFF;
	s6 =	simm.s32 $0x800;
	[smem:$0x7F7] =	sst s5;
	s5 =	sadd.s32 s24, s11  }
0x3d: {  	v4 =	vlaneseq.u32;
	v5 =	vimm.s32 $0x0;
	v6 =	vimm.s32 $0x1000;
	s17 =	simm.s32 $0x0;
	[smem:$0x7FB] =	sst s5;
	s5 =	simm.s32 $0x3  }
.LBB2_1:
0x3e: {  	s14 =	rddreg [dreg:$0x2]  }
0x3f: {  	[tilespmem:s31], [sflag:$0x4] =	stream.linear.gather [hbm4b:s14+s1], $0x400, $0x38;
	[tilespmem:$0x1F100] =	vst v63  }
0x40: {  	_ =	swait.ge [sflag:s0], $0x400  }
0x41: {  	[sflag:s0] =	ssyncset.done $0x0  }
0x42: {  	[sflag:s0] =	ssyncadd.s32 $0xFFFFFC00  }
0x43: {  	s18 =	simm.s32 $0x4400;
	s24 =	rddreg [dreg:$0x3]  }
0x44: {  	[tilespmem:s18], [sflag:$0x4] =	stream.linear.gather [hbm4b:s24+s1], $0x400, $0x38;
	[tilespmem:$0x1F100] =	vst v63  }
0x45: {  	_ =	swait.ge [sflag:s0], $0x400  }
0x46: {  	[sflag:s0] =	ssyncset.done $0x0  }
0x47: {  	s14 =	simm.s32 $0x0;
	s18 =	simm.s32 $0x200;
	[sflag:s0] =	ssyncadd.s32 $0xFFFFFC00  }
.LBB2_2:
0x48: {  	p0 =	sne.s32 s18, $0x7E00;
	[tilespmem:s14+$0xC870] =	vst v2  }
0x49: {  	[tilespmem:s14+$0x8800] =	vst v1  }
0x4a: {  	[tilespmem:s14+$0xC800] =	vst v2  }
0x4b: {  	[tilespmem:s14+$0x8810] =	vst v1  }
0x4c: {  	[tilespmem:s14+$0xC810] =	vst v2  }
0x4d: {  	[tilespmem:s14+$0x8820] =	vst v1  }
0x4e: {  	[tilespmem:s14+$0xC820] =	vst v2  }
0x4f: {  	[tilespmem:s14+$0x8830] =	vst v1  }
0x50: {  	[tilespmem:s14+$0xC830] =	vst v2  }
0x51: {  	[tilespmem:s14+$0x8840] =	vst v1  }
0x52: {  	[tilespmem:s14+$0xC840] =	vst v2  }
.Ltmp0:
0x53: {  	[tilespmem:s14+$0x8850] =	vst v1;
	(pc) =	sbr.rel @p0 .LBB2_2-.Ltmp0, $4  }
0x54: {  	[tilespmem:s14+$0xC850] =	vst v2  }
0x55: {  	[tilespmem:s14+$0x8860] =	vst v1  }
0x56: {  	[tilespmem:s14+$0xC860] =	vst v2  }
0x57: {  	[tilespmem:s14+$0x8870] =	vst v1;
	s14 =	sshra.s32 s18, $0x2;
	s18 =	sadd.s32 $0x200, s18  }
0x58: {  	[tilespmem:s14+$0xC870] =	vst v2  }
0x59: {  	[tilespmem:s14+$0x8800] =	vst v1  }
0x5a: {  	[tilespmem:s14+$0xC800] =	vst v2  }
0x5b: {  	[tilespmem:s14+$0x8810] =	vst v1  }
0x5c: {  	[tilespmem:s14+$0xC810] =	vst v2  }
0x5d: {  	[tilespmem:s14+$0x8820] =	vst v1  }
0x5e: {  	[tilespmem:s14+$0xC820] =	vst v2  }
0x5f: {  	[tilespmem:s14+$0x8830] =	vst v1  }
0x60: {  	[tilespmem:s14+$0xC830] =	vst v2  }
0x61: {  	[tilespmem:s14+$0x8840] =	vst v1  }
0x62: {  	[tilespmem:s14+$0xC840] =	vst v2  }
0x63: {  	[tilespmem:s14+$0x8850] =	vst v1  }
0x64: {  	[tilespmem:s14+$0xC850] =	vst v2  }
0x65: {  	[tilespmem:s14+$0x8860] =	vst v1;
	s22 =	sld [smem:$0x7F8]  }
0x66: {  	[tilespmem:s14+$0xC860] =	vst v2  }
0x67: {  	[tilespmem:s14+$0x8870] =	vst v1;
	s23 =	sld [smem:$0x7F9]  }
0x68: {  	[spmem:s22] =	stream.linear.scatter [tilespmem:s29], [sflag:$0x2], $0x2000, $0x38;
	[tilespmem:$0x1F100] =	vst v63  }
0x69: {  	s24 =	sld [smem:$0x7F2]  }
0x6a: {  	[spmem:s23] =	stream.linear.scatter [tilespmem:s29], [sflag:$0x3], $0x2000, $0x38;
	[tilespmem:$0x1F100] =	vst v63  }
0x6b: {  	s18 =	sld [smem:$0x7F3]  }
0x6c: {  	[spmem:s24] =	stream.linear.scatter [tilespmem:s29], [sflag:$0x2], $0x2000, $0x38;
	[tilespmem:$0x1F100] =	vst v63  }
0x6d: {  	s19 =	sld [smem:$0x7F4]  }
0x6e: {  	[spmem:s18] =	stream.linear.scatter [tilespmem:s29], [sflag:$0x3], $0x2000, $0x38;
	[tilespmem:$0x1F100] =	vst v63  }
0x6f: {  	s20 =	sld [smem:$0x7F5]  }
0x70: {  	[spmem:s19] =	stream.linear.scatter [tilespmem:s29], [sflag:$0x2], $0x2000, $0x38;
	[tilespmem:$0x1F100] =	vst v63  }
0x71: {  	s21 =	sld [smem:$0x7F6]  }
0x72: {  	[spmem:s20] =	stream.linear.scatter [tilespmem:s29], [sflag:$0x3], $0x2000, $0x38;
	[tilespmem:$0x1F100] =	vst v63  }
0x73: {  	s22 =	sld [smem:$0x7F7]  }
0x74: {  	[spmem:s21] =	stream.linear.scatter [tilespmem:s29], [sflag:$0x2], $0x2000, $0x38;
	[tilespmem:$0x1F100] =	vst v63  }
0x75: {  	s23 =	sld [smem:$0x7FA]  }
0x76: {  	[spmem:s22] =	stream.linear.scatter [tilespmem:s29], [sflag:$0x3], $0x2000, $0x38;
	[tilespmem:$0x1F100] =	vst v63  }
0x77: {  	s24 =	sld [smem:$0x7FB]  }
0x78: {  	[spmem:s23] =	stream.linear.scatter [tilespmem:s29], [sflag:$0x2], $0x400, $0x38;
	[tilespmem:$0x1F100] =	vst v63  }
0x79: {  	s14 =	simm.s32 $0x0;
	s18 =	simm.s32 $0x0  }
0x7a: {  	[spmem:s24] =	stream.linear.scatter [tilespmem:s29], [sflag:$0x3], $0x400, $0x38;
	[tilespmem:$0x1F100] =	vst v63  }
.LBB2_4:
0x7b: {  	p0 =	sne.s32 s18, $0x9FC0  }
.Ltmp1:
0x7c: {  	_ = 	snop;
	(pc) =	sbr.rel @p0 .LBB2_4-.Ltmp1, $3  }
0x7d: {  	_ =	sdelay $0x1  }
0x7e: {  	s19 =	sshra.s32 s18, $0x2  }
0x7f: {  	s18 =	sadd.s32 $0x40, s18;
	[tilespmem:s19+$0x1800] =	vst v3  }
0x80: {  	s18 =	simm.s32 $0x4000  }
0x81: {  	s19 =	simm.s32 $0x10;
	v7 =	vld [tilespmem:s18+$0x0]  }
.LBB2_6:
0x82: {  	p0 =	sne.s32 s19, $0x7F0;
	_ =	sdelay $0x3  }
.Ltmp2:
0x83: {  	(pc) =	sbr.rel @p0 .LBB2_6-.Ltmp2, $4  }
0x84: {  	_ = 	snop  }
0x85: {  	v8 =	vor.u32 s14, v4;
	s14 =	smov.u32 s19  }
0x86: {  	s18 =	sadd.s32 $0x10, s18;
	[tilespmem:v7+s2+$0x0] =	vst.idx.msk $0xffff, v8  }
0x87: {  	s19 =	sadd.s32 $0x10, s19;
	v7 =	vld [tilespmem:s18+$0x0]  }
0x88: {  	_ =	sdelay $0x6  }
0x89: {  	v8 =	vor.u32 s14, v4  }
0x8a: {  	[tilespmem:v7+s2+$0x0] =	vst.idx.msk $0xffff, v8  }
0x8b: {  	_ =	swait.ge [sflag:s3], $0x2000  }
0x8c: {  	[sflag:s3] =	ssyncset.done $0x0  }
0x8d: {  	[sflag:s3] =	ssyncadd.s32 $0xFFFFE000  }
0x8e: {  	_ =	swait.ge [sflag:s5], $0x2000  }
0x8f: {  	[sflag:s5] =	ssyncset.done $0x0  }
0x90: {  	[sflag:s5] =	ssyncadd.s32 $0xFFFFE000  }
0x91: {  	_ =	swait.ge [sflag:s3], $0x2000  }
0x92: {  	[sflag:s3] =	ssyncset.done $0x0  }
0x93: {  	[sflag:s3] =	ssyncadd.s32 $0xFFFFE000  }
0x94: {  	_ =	swait.ge [sflag:s5], $0x2000  }
0x95: {  	[sflag:s5] =	ssyncset.done $0x0  }
0x96: {  	[sflag:s5] =	ssyncadd.s32 $0xFFFFE000  }
0x97: {  	_ =	swait.ge [sflag:s3], $0x2000  }
0x98: {  	[sflag:s3] =	ssyncset.done $0x0  }
0x99: {  	[sflag:s3] =	ssyncadd.s32 $0xFFFFE000  }
0x9a: {  	_ =	swait.ge [sflag:s5], $0x2000  }
0x9b: {  	[sflag:s5] =	ssyncset.done $0x0  }
0x9c: {  	[sflag:s5] =	ssyncadd.s32 $0xFFFFE000  }
0x9d: {  	_ =	swait.ge [sflag:s3], $0x2000  }
0x9e: {  	[sflag:s3] =	ssyncset.done $0x0  }
0x9f: {  	[sflag:s3] =	ssyncadd.s32 $0xFFFFE000  }
0xa0: {  	_ =	swait.ge [sflag:s5], $0x2000  }
0xa1: {  	[sflag:s5] =	ssyncset.done $0x0  }
0xa2: {  	[sflag:s5] =	ssyncadd.s32 $0xFFFFE000  }
0xa3: {  	_ =	swait.ge [sflag:s3], $0x400  }
0xa4: {  	[sflag:s3] =	ssyncset.done $0x0  }
0xa5: {  	[sflag:s3] =	ssyncadd.s32 $0xFFFFFC00  }
0xa6: {  	_ =	swait.ge [sflag:s5], $0x400  }
0xa7: {  	[sflag:s5] =	ssyncset.done $0x0  }
0xa8: {  	[sflag:s5] =	ssyncadd.s32 $0xFFFFFC00  }
0xa9: {  	[bflag:$0x0] =	sbarrier.arrive $0xFFFF  }
0xaa: {  	s18 =	sld [smem:$0x7EC];
	_ =	sdelay $0x1  }
0xab: {  	s14 =	simm.s32 $0x0;
	s22 =	sld [smem:$0x7ED]  }
0xac: {  	[tilespmem:s14], [sflag:$0x1] =	stream.linear.gather [hbm4b:s18+s14], $0x7D0, $0x38;
	[tilespmem:$0x1F100] =	vst v63  }
0xad: {  	s23 =	sld [smem:$0x7EE]  }
0xae: {  	[tilespmem:s6], [sflag:$0x1] =	stream.linear.gather [hbm4b:s22+s14], $0x7D0, $0x38;
	[tilespmem:$0x1F100] =	vst v63  }
0xaf: {  	_ = 	snop  }
0xb0: {  	[tilespmem:s7], [sflag:$0x1] =	stream.linear.gather [hbm4b:s23+s14], $0x7D0, $0x38;
	[tilespmem:$0x1F100] =	vst v63  }
0xb1: {  	_ =	swait.ge [sflag:s9], $0x7D0  }
0xb2: {  	[sflag:s9] =	ssyncset.done $0x0  }
0xb3: {  	[sflag:s9] =	ssyncadd.s32 $0xFFFFF830  }
0xb4: {  	_ =	swait.ge [sflag:s9], $0x7D0  }
0xb5: {  	[sflag:s9] =	ssyncset.done $0x0  }
0xb6: {  	[sflag:s9] =	ssyncadd.s32 $0xFFFFF830  }
0xb7: {  	_ =	swait.ge [sflag:s9], $0x7D0  }
0xb8: {  	[sflag:s9] =	ssyncset.done $0x0  }
0xb9: {  	s24 =	simm.s32 $0x0;
	[sflag:s9] =	ssyncadd.s32 $0xFFFFF830  }
0xba: {  	v7 =	vld [tilespmem:s24+$0x800];
	_ =	sdelay $0x6  }
0xbb: {  	v8 =	vld [tilespmem:s24+$0x1000]  }
0xbc: {  	v7 =	vld.idx.msk [tilespmem:v7+s2+$0x0], $0xffff;
	_ =	sdelay $0x3  }
0xbd: {  	v9 =	vshrl.u32 v8, $0x1  }
0xbe: {  	vm1 =	veq.s32 v9, v0;
	vm0 =	vgt.s32 v7, $0xFFFFFFFF  }
0xbf: {  	vm0 =	vmand vm1, vm0  }
0xc0: {  	v10 =	vld [tilespmem:s24+$0x0];
	v63 =	vmpcnt.ones.xlane vm0;
	_ =	sdelay $0x1  }
0xc1: {  	v9 =	vxor.u32 $0x80000000, v63  }
0xc2: {  	(xrf0) =	vmax.scan.msk.u32 $0xffff, v9  }
0xc3: {  	v8 =	vand.u32 $0x1, v8;
	v7 =	vshll.u32 v7, $0x1  }
0xc4: {  	v7 =	vor.u32 v8, v7;
	[tilespmem:s14+$0x4800] =	vst.msk vm0, v10  }
0xc5: {  	s19 =	simm.s32 $0x80;
	s18 =	simm.s32 $0x10;
	[tilespmem:s14+$0x5800] =	vst.msk vm0, v7  }
.LBB2_8:
0xc6: {  	p0 =	sne.s32 s19, $0x1F00;
	v7 =	vld [tilespmem:s18+$0x800];
	_ =	sdelay $0x1  }
0xc7: {  	v8, _, _ =	vpop (xrf0)  }
0xc8: {  	(v2sf) =	vpush v8, $0xF;
	_ =	sdelay $0x3  }
0xc9: {  	v8 =	vld [tilespmem:s18+$0x1000]  }
0xca: {  	v7 =	vld.idx.msk [tilespmem:v7+s2+$0x0], $0xffff;
	_ =	sdelay $0x3  }
0xcb: {  	v9 =	vand.u32 $0x1, v8  }
0xcc: {  	v8 =	vshrl.u32 v8, $0x1  }
0xcd: {  	vm0 =	vgt.s32 v7, $0xFFFFFFFF;
	vm1 =	veq.s32 v8, v0;
	v7 =	vshll.u32 v7, $0x1  }
0xce: {  	vm0 =	vmand vm1, vm0  }
0xcf: {  	v10 =	vmpcnt.ones.xlane vm0;
	v8 =	vld [tilespmem:s18+$0x0];
	_ =	sdelay $0x1  }
.Ltmp3:
0xd0: {  	v10 =	vxor.u32 $0x80000000, v10;
	s18 =	spop (v2sf);
	(pc) =	sbr.rel @p0 .LBB2_8-.Ltmp3, $4  }
0xd1: {  	(xrf0) =	vmax.scan.msk.u32 $0xffff, v10;
	s14 =	sadd.s32 s18, s14  }
0xd2: {  	s14 =	sadd.s32 $0x80000000, s14  }
0xd3: {  	v7 =	vor.u32 v9, v7;
	[tilespmem:s14+$0x4800] =	vst.msk vm0, v8  }
0xd4: {  	s18 =	sshra.s32 s19, $0x2;
	s19 =	sadd.s32 $0x40, s19;
	[tilespmem:s14+$0x5800] =	vst.msk vm0, v7  }
0xd5: {  	v7 =	vld [tilespmem:s18+$0x800];
	_ =	sdelay $0x6  }
0xd6: {  	v8 =	vld [tilespmem:s18+$0x1000]  }
0xd7: {  	v7 =	vld.idx.msk [tilespmem:v7+s2+$0x0], $0xffff;
	_ =	sdelay $0x3  }
0xd8: {  	v9 =	vshrl.u32 v8, $0x1  }
0xd9: {  	vm1 =	veq.s32 v9, v0;
	vm0 =	vgt.s32 v7, $0xFFFFFFFF  }
0xda: {  	v10, _, _ =	vpop (xrf0);
	vm0 =	vmand vm1, vm0  }
0xdb: {  	(v2sf) =	vpush v10, $0xF;
	v59 =	vmpcnt.ones.xlane vm0;
	_ =	sdelay $0x1  }
0xdc: {  	v9 =	vxor.u32 $0x80000000, v59  }
0xdd: {  	(xrf0) =	vmax.scan.msk.u32 $0xffff, v9;
	_ =	sdelay $0x5  }
0xde: {  	v9, _, _ =	vpop (xrf0)  }
0xdf: {  	(v2sf) =	vpush v9, $0xF;
	_ =	sdelay $0x2  }
0xe0: {  	v60 =	vld [tilespmem:s18+$0x0];
	_ =	sdelay $0x1  }
0xe1: {  	s20 =	spop (v2sf)  }
0xe2: {  	s14 =	sadd.s32 s20, s14  }
0xe3: {  	v8 =	vand.u32 $0x1, v8;
	v7 =	vshll.u32 v7, $0x1;
	s14 =	sadd.s32 $0x80000000, s14  }
0xe4: {  	v7 =	vor.u32 v8, v7;
	[tilespmem:s14+$0x4800] =	vst.msk vm0, v60  }
0xe5: {  	s21 =	simm.s32 $0x0;
	s19 =	rddreg [dreg:$0x10];
	[tilespmem:s14+$0x5800] =	vst.msk vm0, v7  }
0xe6: {  	[tilespmem:s21], [sflag:$0x1] =	stream.linear.gather [hbm4b:s19+s21], $0x7D0, $0x38;
	[tilespmem:$0x1F100] =	vst v63  }
0xe7: {  	s22 =	rddreg [dreg:$0x11]  }
0xe8: {  	[tilespmem:s6], [sflag:$0x1] =	stream.linear.gather [hbm4b:s22+s21], $0x7D0, $0x38;
	[tilespmem:$0x1F100] =	vst v63  }
0xe9: {  	s20 =	rddreg [dreg:$0x12]  }
0xea: {  	[tilespmem:s7], [sflag:$0x1] =	stream.linear.gather [hbm4b:s20+s21], $0x7D0, $0x38;
	[tilespmem:$0x1F100] =	vst v63  }
0xeb: {  	s23 =	spop (v2sf)  }
0xec: {  	_ =	swait.ge [sflag:s9], $0x7D0  }
0xed: {  	[sflag:s9] =	ssyncset.done $0x0  }
0xee: {  	[sflag:s9] =	ssyncadd.s32 $0xFFFFF830  }
0xef: {  	_ =	swait.ge [sflag:s9], $0x7D0  }
0xf0: {  	[sflag:s9] =	ssyncset.done $0x0  }
0xf1: {  	[sflag:s9] =	ssyncadd.s32 $0xFFFFF830  }
0xf2: {  	_ =	swait.ge [sflag:s9], $0x7D0  }
0xf3: {  	[sflag:s9] =	ssyncset.done $0x0  }
0xf4: {  	s24 =	simm.s32 $0x0;
	[sflag:s9] =	ssyncadd.s32 $0xFFFFF830  }
0xf5: {  	v7 =	vld [tilespmem:s24+$0x800];
	_ =	sdelay $0x6  }
0xf6: {  	v8 =	vld [tilespmem:s24+$0x1000]  }
0xf7: {  	v7 =	vld.idx.msk [tilespmem:v7+s2+$0x0], $0xffff;
	_ =	sdelay $0x3  }
0xf8: {  	v61 =	vshrl.u32 v8, $0x1  }
0xf9: {  	vm15 =	veq.s32 v61, v0;
	vm14 =	vgt.s32 v7, $0xFFFFFFFF  }
0xfa: {  	vm0 =	vmand vm15, vm14  }
0xfb: {  	v62 =	vld [tilespmem:s24+$0x0];
	v63 =	vmpcnt.ones.xlane vm0;
	_ =	sdelay $0x1  }
0xfc: {  	v9 =	vxor.u32 $0x80000000, v63  }
0xfd: {  	s14 =	sadd.s32 s23, s14;
	(xrf0) =	vmax.scan.msk.u32 $0xffff, v9  }
0xfe: {  	s14 =	sadd.s32 $0x80000000, s14;
	v8 =	vand.u32 $0x1, v8;
	v7 =	vshll.u32 v7, $0x1  }
0xff: {  	v7 =	vor.u32 v8, v7;
	[tilespmem:s14+$0x4800] =	vst.msk vm0, v62  }
0x100: {  	s18 =	simm.s32 $0x10;
	s19 =	simm.s32 $0x80;
	[tilespmem:s14+$0x5800] =	vst.msk vm0, v7  }
.LBB2_10:
0x101: {  	p0 =	sne.s32 s19, $0x1F00;
	v7 =	vld [tilespmem:s18+$0x800];
	_ =	sdelay $0x1  }
0x102: {  	v8, _, _ =	vpop (xrf0)  }
0x103: {  	(v2sf) =	vpush v8, $0xF;
	_ =	sdelay $0x3  }
0x104: {  	v8 =	vld [tilespmem:s18+$0x1000]  }
0x105: {  	v7 =	vld.idx.msk [tilespmem:v7+s2+$0x0], $0xffff;
	_ =	sdelay $0x3  }
0x106: {  	v9 =	vand.u32 $0x1, v8  }
0x107: {  	v8 =	vshrl.u32 v8, $0x1  }
0x108: {  	vm0 =	vgt.s32 v7, $0xFFFFFFFF;
	vm1 =	veq.s32 v8, v0;
	v7 =	vshll.u32 v7, $0x1  }
0x109: {  	vm0 =	vmand vm1, vm0  }
0x10a: {  	v10 =	vmpcnt.ones.xlane vm0;
	v8 =	vld [tilespmem:s18+$0x0];
	_ =	sdelay $0x1  }
.Ltmp4:
0x10b: {  	v10 =	vxor.u32 $0x80000000, v10;
	s18 =	spop (v2sf);
	(pc) =	sbr.rel @p0 .LBB2_10-.Ltmp4, $4  }
0x10c: {  	(xrf0) =	vmax.scan.msk.u32 $0xffff, v10;
	s14 =	sadd.s32 s18, s14  }
0x10d: {  	s14 =	sadd.s32 $0x80000000, s14  }
0x10e: {  	v7 =	vor.u32 v9, v7;
	[tilespmem:s14+$0x4800] =	vst.msk vm0, v8  }
0x10f: {  	s18 =	sshra.s32 s19, $0x2;
	s19 =	sadd.s32 $0x40, s19;
	[tilespmem:s14+$0x5800] =	vst.msk vm0, v7  }
0x110: {  	v7 =	vld [tilespmem:s18+$0x800];
	_ =	sdelay $0x6  }
0x111: {  	v8 =	vld [tilespmem:s18+$0x1000]  }
0x112: {  	v7 =	vld.idx.msk [tilespmem:v7+s2+$0x0], $0xffff;
	_ =	sdelay $0x3  }
0x113: {  	v9 =	vshrl.u32 v8, $0x1  }
0x114: {  	vm1 =	veq.s32 v9, v0;
	vm0 =	vgt.s32 v7, $0xFFFFFFFF  }
0x115: {  	vm0 =	vmand vm1, vm0  }
0x116: {  	v60 =	vmpcnt.ones.xlane vm0;
	_ =	sdelay $0x1  }
0x117: {  	v9 =	vxor.u32 $0x80000000, v60  }
0x118: {  	(xrf0) =	vmax.scan.msk.u32 $0xffff, v9;
	_ =	sdelay $0x3  }
0x119: {  	v61, _, _ =	vpop (xrf0)  }
0x11a: {  	(v2sf) =	vpush v61, $0xF  }
0x11b: {  	v62, _, _ =	vpop (xrf0)  }
0x11c: {  	(v2sf) =	vpush v62, $0xF;
	_ =	sdelay $0xa  }
0x11d: {  	v63 =	vld [tilespmem:s18+$0x0];
	_ =	sdelay $0x1  }
0x11e: {  	s22 =	spop (v2sf)  }
0x11f: {  	s14 =	sadd.s32 s22, s14  }
0x120: {  	v8 =	vand.u32 $0x1, v8;
	v7 =	vshll.u32 v7, $0x1;
	s14 =	sadd.s32 $0x80000000, s14;
	s23 =	spop (v2sf)  }
0x121: {  	v7 =	vor.u32 v8, v7;
	[tilespmem:s14+$0x4800] =	vst.msk vm0, v63;
	s18 =	sadd.s32 s23, s14  }
0x122: {  	[tilespmem:s14+$0x5800] =	vst.msk vm0, v7;
	s18 =	sadd.s32 $0x80000000, s18  }
0x123: {  	[tilespmem:s18+$0x4800] =	vst v5;
	s24 =	sadd.s32 $0x3F, s18  }
0x124: {  	[tilespmem:s18+$0x5800] =	vst v6;
	s14 =	sshrl.u32 s24, $0x6  }
0x125: {  	[tilespmem:s18+$0x4810] =	vst v5;
	p0 =	seq.s32 s14, $0x0  }
.Ltmp5:
0x126: {  	[tilespmem:s18+$0x5810] =	vst v6;
	(pc) =	sbr.rel @p0 .LBB2_20-.Ltmp5, $4  }
0x127: {  	[tilespmem:s18+$0x4820] =	vst v5  }
0x128: {  	[tilespmem:s18+$0x5820] =	vst v6  }
0x129: {  	[tilespmem:s18+$0x4830] =	vst v5  }
0x12a: {  	[tilespmem:s18+$0x5830] =	vst v6  }
0x12b: {  	s18 =	simm.s32 $0x5800;
	s19 =	sshll.u32 s14, $0x2  }
0x12c: {  	v7 =	vld [tilespmem:s18+$0x0];
	p0 =	sne.s32 s19, $0x1  }
.Ltmp6:
0x12d: {  	_ = 	snop;
	(pc) =	sbr.rel @!p0 .LBB2_14-.Ltmp6, $4  }
0x12e: {  	s18 =	simm.s32 $0x0  }
0x12f: {  	s20 =	sand.u32 $0x30, s18;
	s21 =	sand.u32 $0xFFFFFF80, s18  }
0x130: {  	s20 =	sor.u32 s20, s21  }
0x131: {  	s19 =	sadd.s32 $0xFFFFFFFF, s19;
	s21 =	simm.s32 $0x0;
	[tilespmem:s20+$0x6800] =	vst v7;
	s20 =	simm.s32 $0x5810  }
.LBB2_13:
0x132: {  	v7 =	vld [tilespmem:s20+$0x0];
	p0 =	sne.s32 s19, $0x1;
	s19 =	sadd.s32 $0xFFFFFFFF, s19  }
.Ltmp7:
0x133: {  	(pc) =	sbr.rel @p0 .LBB2_13-.Ltmp7, $4  }
0x134: {  	s18 =	sadd.s32 $0x20, s18;
	s21 =	sadd.s32 $0x10, s21  }
0x135: {  	s22 =	sand.u32 $0x30, s21;
	s23 =	sand.u32 $0xFFFFFF80, s18  }
0x136: {  	s22 =	sor.u32 s22, s23  }
0x137: {  	s20 =	sadd.s32 $0x10, s20;
	[tilespmem:s22+$0x6800] =	vst v7  }
.LBB2_14:
0x138: {  	p0 =	sne.s32 s14, $0x1  }
.Ltmp8:
0x139: {  	_ = 	snop;
	(pc) =	sbr.rel @p0 .LBB2_16-.Ltmp8, $4  }
0x13a: {  	[tilespmem:s29], [sflag:$0x1] =	stream.indirect.gather [hbm4b:s4+s10], $0x80, s13, s10, $0xb8;
	[tilespmem:$0x1F100] =	vst v63  }
0x13b: {  	_ =	swait.ge [sflag:s9], $0x2000  }
0x13c: {  	[sflag:s9] =	ssyncset.done $0x0  }
0x13d: {  	[sflag:s9] =	ssyncadd.s32 $0xFFFFE000  }
.Ltmp9:
0x13e: {  	(pc) =	sbr.rel .LBB2_19-.Ltmp9, $4  }
0x13f: {  	_ = 	snop  }
0x140: {  	[spmem:s8] =	stream.indirect.scatter.add.f32 [tilespmem:s29], [sflag:$0x2], $0x80, s15, s10, $0xb8;
	[tilespmem:$0x1F100] =	vst v63  }
0x141: {  	_ = 	snop  }
0x142: {  	[spmem:s11] =	stream.indirect.scatter.add.f32 [tilespmem:s16], [sflag:$0x3], $0x80, s15, s10, $0xb8;
	[tilespmem:$0x1F100] =	vst v63  }
.LBB2_16:
0x143: {  	s18 =	simm.s32 $0x4840  }
0x144: {  	[tilespmem:s12], [sflag:$0x1] =	stream.indirect.gather [hbm4b:s4+s10], $0x80, s18, s10, $0xb8;
	[tilespmem:$0x1F100] =	vst v63  }
0x145: {  	_ = 	snop  }
0x146: {  	[spmem:s8] =	stream.indirect.scatter.add.f32 [tilespmem:s29], [sflag:$0x2], $0x80, s15, s10, $0xb8;
	[tilespmem:$0x1F100] =	vst v63  }
0x147: {  	_ = 	snop  }
0x148: {  	[spmem:s11] =	stream.indirect.scatter.add.f32 [tilespmem:s16], [sflag:$0x3], $0x80, s15, s10, $0xb8;
	[tilespmem:$0x1F100] =	vst v63  }
0x149: {  	_ =	swait.ge [sflag:s9], $0x2000  }
0x14a: {  	[sflag:s9] =	ssyncset.done $0x0  }
0x14b: {  	[sflag:s9] =	ssyncadd.s32 $0xFFFFE000  }
0x14c: {  	_ =	swait.ge [sflag:s3], $0x2000  }
0x14d: {  	s24 =	simm.s32 $0x1;
	[sflag:s3] =	ssyncset.done $0x0  }
0x14e: {  	p0 =	sle.u32 s14, $0x2;
	s18 =	sand.u32 $0x1, s24;
	[sflag:s3] =	ssyncadd.s32 $0xFFFFE000  }
0x14f: {  	s20 =	sshll.u32 @!p0 s18, $0xD;
	_ =	swait.ge [sflag:s5], $0x2000  }
0x150: {  	s19 =	simm.s32 $0x4880;
	s20 =	sxor.u32 @!p0 $0x2000, s20;
	[sflag:s5] =	ssyncset.done $0x0  }
0x151: {  	s21 =	simm.s32 @!p0 $0x40;
	s20 =	sor.u32 @!p0 $0x8800, s20;
	[sflag:s5] =	ssyncadd.s32 $0xFFFFE000  }
0x152: {  	[tilespmem:s20], [sflag:$0x1] =	stream.indirect.gather @!p0 [hbm4b:s4+s21], $0x80, s19, s21, $0xb8;
	[tilespmem:$0x1F100] =	vst v63  }
0x153: {  	p0 =	sne.s32 s14, $0x2  }
.Ltmp10:
0x154: {  	_ = 	snop;
	(pc) =	sbr.rel @!p0 .LBB2_18-.Ltmp10, $4  }
0x155: {  	s18 =	sshll.u32 s18, $0xD  }
0x156: {  	s18 =	sor.u32 $0x8800, s18;
	s21 =	simm.s32 $0x6880  }
0x157: {  	[spmem:s8] =	stream.indirect.scatter.add.f32 [tilespmem:s18], [sflag:$0x2], $0x80, s21, s10, $0xb8;
	[tilespmem:$0x1F100] =	vst v63  }
0x158: {  	s19 =	simm.s32 $0x6900;
	s20 =	simm.s32 $0x48C0;
	s18 =	simm.s32 $0x2  }
.LBB2_17:
0x159: {  	[spmem:s11] =	stream.indirect.scatter.add.f32 [tilespmem:s16], [sflag:$0x3], $0x80, s21, s10, $0xb8;
	[tilespmem:$0x1F100] =	vst v63  }
0x15a: {  	s22 =	smov.u32 s18;
	s18 =	sadd.s32 $0x1, s18;
	_ =	swait.ge [sflag:s9], $0x2000  }
0x15b: {  	s21 =	smov.u32 s19;
	p0 =	sne.s32 s14, s18;
	[sflag:s9] =	ssyncset.done $0x0  }
0x15c: {  	[sflag:s9] =	ssyncadd.s32 $0xFFFFE000  }
0x15d: {  	_ =	swait.ge [sflag:s3], $0x2000  }
0x15e: {  	[sflag:s3] =	ssyncset.done $0x0  }
0x15f: {  	s22 =	sand.u32 $0x1, s22;
	p1 =	sge.u32 s18, s14;
	[sflag:s3] =	ssyncadd.s32 $0xFFFFE000  }
0x160: {  	s23 =	sshll.u32 @!p1 s22, $0xD;
	s22 =	sshll.u32 s22, $0xD;
	_ =	swait.ge [sflag:s5], $0x2000  }
0x161: {  	s24 =	simm.s32 @!p1 $0x40;
	s23 =	sxor.u32 @!p1 $0x2000, s23;
	[sflag:s5] =	ssyncset.done $0x0  }
.Ltmp11:
0x162: {  	s23 =	sor.u32 @!p1 $0x8800, s23;
	[sflag:s5] =	ssyncadd.s32 $0xFFFFE000;
	(pc) =	sbr.rel @p0 .LBB2_17-.Ltmp11, $4  }
0x163: {  	[tilespmem:s23], [sflag:$0x1] =	stream.indirect.gather @!p1 [hbm4b:s4+s24], $0x80, s20, s24, $0xb8;
	[tilespmem:$0x1F100] =	vst v63  }
0x164: {  	s22 =	sor.u32 $0x8800, s22  }
0x165: {  	[spmem:s8] =	stream.indirect.scatter.add.f32 [tilespmem:s22], [sflag:$0x2], $0x80, s19, s10, $0xb8;
	[tilespmem:$0x1F100] =	vst v63  }
0x166: {  	s20 =	sadd.s32 $0x40, s20;
	s19 =	sadd.s32 $0x80, s19  }
.LBB2_18:
0x167: {  	[spmem:s11] =	stream.indirect.scatter.add.f32 [tilespmem:s16], [sflag:$0x3], $0x80, s21, s10, $0xb8;
	[tilespmem:$0x1F100] =	vst v63  }
.LBB2_19:
0x168: {  	_ =	swait.ge [sflag:s3], $0x2000  }
0x169: {  	[sflag:s3] =	ssyncset.done $0x0  }
0x16a: {  	[sflag:s3] =	ssyncadd.s32 $0xFFFFE000  }
0x16b: {  	_ =	swait.ge [sflag:s5], $0x2000  }
0x16c: {  	[sflag:s5] =	ssyncset.done $0x0  }
0x16d: {  	[sflag:s5] =	ssyncadd.s32 $0xFFFFE000  }
.LBB2_20:
0x16e: {  	s14 =	simm.s32 $0x0;
	s18 =	rddreg [dreg:$0x13]  }
0x16f: {  	[tilespmem:s14], [sflag:$0x1] =	stream.linear.gather [hbm4b:s18+s14], $0x7D0, $0x38;
	[tilespmem:$0x1F100] =	vst v63  }
0x170: {  	s22 =	rddreg [dreg:$0x14]  }
0x171: {  	[tilespmem:s6], [sflag:$0x1] =	stream.linear.gather [hbm4b:s22+s14], $0x7D0, $0x38;
	[tilespmem:$0x1F100] =	vst v63  }
0x172: {  	s23 =	rddreg [dreg:$0x15]  }
0x173: {  	[tilespmem:s7], [sflag:$0x1] =	stream.linear.gather [hbm4b:s23+s14], $0x7D0, $0x38;
	[tilespmem:$0x1F100] =	vst v63  }
0x174: {  	_ =	swait.ge [sflag:s9], $0x7D0  }
0x175: {  	[sflag:s9] =	ssyncset.done $0x0  }
0x176: {  	[sflag:s9] =	ssyncadd.s32 $0xFFFFF830  }
0x177: {  	_ =	swait.ge [sflag:s9], $0x7D0  }
0x178: {  	[sflag:s9] =	ssyncset.done $0x0  }
0x179: {  	[sflag:s9] =	ssyncadd.s32 $0xFFFFF830  }
0x17a: {  	_ =	swait.ge [sflag:s9], $0x7D0  }
0x17b: {  	[sflag:s9] =	ssyncset.done $0x0  }
0x17c: {  	s24 =	simm.s32 $0x0;
	[sflag:s9] =	ssyncadd.s32 $0xFFFFF830  }
0x17d: {  	v7 =	vld [tilespmem:s24+$0x800];
	_ =	sdelay $0x6  }
0x17e: {  	v8 =	vld [tilespmem:s24+$0x1000]  }
0x17f: {  	v7 =	vld.idx.msk [tilespmem:v7+s2+$0x0], $0xffff;
	_ =	sdelay $0x3  }
0x180: {  	v9 =	vshrl.u32 v8, $0x1  }
0x181: {  	vm1 =	veq.s32 v9, v0;
	vm0 =	vgt.s32 v7, $0xFFFFFFFF  }
0x182: {  	vm0 =	vmand vm1, vm0  }
0x183: {  	v10 =	vld [tilespmem:s24+$0x0];
	v63 =	vmpcnt.ones.xlane vm0;
	_ =	sdelay $0x1  }
0x184: {  	v9 =	vxor.u32 $0x80000000, v63  }
0x185: {  	(xrf0) =	vmax.scan.msk.u32 $0xffff, v9  }
0x186: {  	v8 =	vand.u32 $0x1, v8;
	v7 =	vshll.u32 v7, $0x1  }
0x187: {  	v7 =	vor.u32 v8, v7;
	[tilespmem:s14+$0x4800] =	vst.msk vm0, v10  }
0x188: {  	s19 =	simm.s32 $0x80;
	s18 =	simm.s32 $0x10;
	[tilespmem:s14+$0x5800] =	vst.msk vm0, v7  }
.LBB2_21:
0x189: {  	p0 =	sne.s32 s19, $0x1F00;
	v7 =	vld [tilespmem:s18+$0x800];
	_ =	sdelay $0x1  }
0x18a: {  	v8, _, _ =	vpop (xrf0)  }
0x18b: {  	(v2sf) =	vpush v8, $0xF;
	_ =	sdelay $0x3  }
0x18c: {  	v8 =	vld [tilespmem:s18+$0x1000]  }
0x18d: {  	v7 =	vld.idx.msk [tilespmem:v7+s2+$0x0], $0xffff;
	_ =	sdelay $0x3  }
0x18e: {  	v9 =	vand.u32 $0x1, v8  }
0x18f: {  	v8 =	vshrl.u32 v8, $0x1  }
0x190: {  	vm0 =	vgt.s32 v7, $0xFFFFFFFF;
	vm1 =	veq.s32 v8, v0;
	v7 =	vshll.u32 v7, $0x1  }
0x191: {  	vm0 =	vmand vm1, vm0  }
0x192: {  	v10 =	vmpcnt.ones.xlane vm0;
	v8 =	vld [tilespmem:s18+$0x0];
	_ =	sdelay $0x1  }
.Ltmp12:
0x193: {  	v10 =	vxor.u32 $0x80000000, v10;
	s18 =	spop (v2sf);
	(pc) =	sbr.rel @p0 .LBB2_21-.Ltmp12, $4  }
0x194: {  	(xrf0) =	vmax.scan.msk.u32 $0xffff, v10;
	s14 =	sadd.s32 s18, s14  }
0x195: {  	s14 =	sadd.s32 $0x80000000, s14  }
0x196: {  	v7 =	vor.u32 v9, v7;
	[tilespmem:s14+$0x4800] =	vst.msk vm0, v8  }
0x197: {  	s18 =	sshra.s32 s19, $0x2;
	s19 =	sadd.s32 $0x40, s19;
	[tilespmem:s14+$0x5800] =	vst.msk vm0, v7  }
0x198: {  	v7 =	vld [tilespmem:s18+$0x800];
	_ =	sdelay $0x6  }
0x199: {  	v8 =	vld [tilespmem:s18+$0x1000]  }
0x19a: {  	v7 =	vld.idx.msk [tilespmem:v7+s2+$0x0], $0xffff;
	_ =	sdelay $0x3  }
0x19b: {  	v9 =	vshrl.u32 v8, $0x1  }
0x19c: {  	vm1 =	veq.s32 v9, v0;
	vm0 =	vgt.s32 v7, $0xFFFFFFFF  }
0x19d: {  	v10, _, _ =	vpop (xrf0);
	vm0 =	vmand vm1, vm0  }
0x19e: {  	(v2sf) =	vpush v10, $0xF;
	v59 =	vmpcnt.ones.xlane vm0;
	_ =	sdelay $0x1  }
0x19f: {  	v9 =	vxor.u32 $0x80000000, v59  }
0x1a0: {  	(xrf0) =	vmax.scan.msk.u32 $0xffff, v9;
	_ =	sdelay $0x5  }
0x1a1: {  	v9, _, _ =	vpop (xrf0)  }
0x1a2: {  	(v2sf) =	vpush v9, $0xF;
	_ =	sdelay $0x2  }
0x1a3: {  	v60 =	vld [tilespmem:s18+$0x0];
	_ =	sdelay $0x1  }
0x1a4: {  	s20 =	spop (v2sf)  }
0x1a5: {  	s14 =	sadd.s32 s20, s14  }
0x1a6: {  	v8 =	vand.u32 $0x1, v8;
	v7 =	vshll.u32 v7, $0x1;
	s14 =	sadd.s32 $0x80000000, s14  }
0x1a7: {  	v7 =	vor.u32 v8, v7;
	[tilespmem:s14+$0x4800] =	vst.msk vm0, v60  }
0x1a8: {  	s21 =	simm.s32 $0x0;
	s19 =	rddreg [dreg:$0x16];
	[tilespmem:s14+$0x5800] =	vst.msk vm0, v7  }
0x1a9: {  	[tilespmem:s21], [sflag:$0x1] =	stream.linear.gather [hbm4b:s19+s21], $0x7D0, $0x38;
	[tilespmem:$0x1F100] =	vst v63  }
0x1aa: {  	s22 =	rddreg [dreg:$0x17]  }
0x1ab: {  	[tilespmem:s6], [sflag:$0x1] =	stream.linear.gather [hbm4b:s22+s21], $0x7D0, $0x38;
	[tilespmem:$0x1F100] =	vst v63  }
0x1ac: {  	s20 =	rddreg [dreg:$0x18]  }
0x1ad: {  	[tilespmem:s7], [sflag:$0x1] =	stream.linear.gather [hbm4b:s20+s21], $0x7D0, $0x38;
	[tilespmem:$0x1F100] =	vst v63  }
0x1ae: {  	s23 =	spop (v2sf)  }
0x1af: {  	_ =	swait.ge [sflag:s9], $0x7D0  }
0x1b0: {  	[sflag:s9] =	ssyncset.done $0x0  }
0x1b1: {  	[sflag:s9] =	ssyncadd.s32 $0xFFFFF830  }
0x1b2: {  	_ =	swait.ge [sflag:s9], $0x7D0  }
0x1b3: {  	[sflag:s9] =	ssyncset.done $0x0  }
0x1b4: {  	[sflag:s9] =	ssyncadd.s32 $0xFFFFF830  }
0x1b5: {  	_ =	swait.ge [sflag:s9], $0x7D0  }
0x1b6: {  	[sflag:s9] =	ssyncset.done $0x0  }
0x1b7: {  	s24 =	simm.s32 $0x0;
	[sflag:s9] =	ssyncadd.s32 $0xFFFFF830  }
0x1b8: {  	v7 =	vld [tilespmem:s24+$0x800];
	_ =	sdelay $0x6  }
0x1b9: {  	v8 =	vld [tilespmem:s24+$0x1000]  }
0x1ba: {  	v7 =	vld.idx.msk [tilespmem:v7+s2+$0x0], $0xffff;
	_ =	sdelay $0x3  }
0x1bb: {  	v61 =	vshrl.u32 v8, $0x1  }
0x1bc: {  	vm15 =	veq.s32 v61, v0;
	vm14 =	vgt.s32 v7, $0xFFFFFFFF  }
0x1bd: {  	vm0 =	vmand vm15, vm14  }
0x1be: {  	v62 =	vld [tilespmem:s24+$0x0];
	v63 =	vmpcnt.ones.xlane vm0;
	_ =	sdelay $0x1  }
0x1bf: {  	v9 =	vxor.u32 $0x80000000, v63  }
0x1c0: {  	s14 =	sadd.s32 s23, s14;
	(xrf0) =	vmax.scan.msk.u32 $0xffff, v9  }
0x1c1: {  	s14 =	sadd.s32 $0x80000000, s14;
	v8 =	vand.u32 $0x1, v8;
	v7 =	vshll.u32 v7, $0x1  }
0x1c2: {  	v7 =	vor.u32 v8, v7;
	[tilespmem:s14+$0x4800] =	vst.msk vm0, v62  }
0x1c3: {  	s18 =	simm.s32 $0x10;
	s19 =	simm.s32 $0x80;
	[tilespmem:s14+$0x5800] =	vst.msk vm0, v7  }
.LBB2_23:
0x1c4: {  	p0 =	sne.s32 s19, $0x1F00;
	v7 =	vld [tilespmem:s18+$0x800];
	_ =	sdelay $0x1  }
0x1c5: {  	v8, _, _ =	vpop (xrf0)  }
0x1c6: {  	(v2sf) =	vpush v8, $0xF;
	_ =	sdelay $0x3  }
0x1c7: {  	v8 =	vld [tilespmem:s18+$0x1000]  }
0x1c8: {  	v7 =	vld.idx.msk [tilespmem:v7+s2+$0x0], $0xffff;
	_ =	sdelay $0x3  }
0x1c9: {  	v9 =	vand.u32 $0x1, v8  }
0x1ca: {  	v8 =	vshrl.u32 v8, $0x1  }
0x1cb: {  	vm0 =	vgt.s32 v7, $0xFFFFFFFF;
	vm1 =	veq.s32 v8, v0;
	v7 =	vshll.u32 v7, $0x1  }
0x1cc: {  	vm0 =	vmand vm1, vm0  }
0x1cd: {  	v10 =	vmpcnt.ones.xlane vm0;
	v8 =	vld [tilespmem:s18+$0x0];
	_ =	sdelay $0x1  }
.Ltmp13:
0x1ce: {  	v10 =	vxor.u32 $0x80000000, v10;
	s18 =	spop (v2sf);
	(pc) =	sbr.rel @p0 .LBB2_23-.Ltmp13, $4  }
0x1cf: {  	(xrf0) =	vmax.scan.msk.u32 $0xffff, v10;
	s14 =	sadd.s32 s18, s14  }
0x1d0: {  	s14 =	sadd.s32 $0x80000000, s14  }
0x1d1: {  	v7 =	vor.u32 v9, v7;
	[tilespmem:s14+$0x4800] =	vst.msk vm0, v8  }
0x1d2: {  	s18 =	sshra.s32 s19, $0x2;
	s19 =	sadd.s32 $0x40, s19;
	[tilespmem:s14+$0x5800] =	vst.msk vm0, v7  }
0x1d3: {  	v7 =	vld [tilespmem:s18+$0x800];
	_ =	sdelay $0x6  }
0x1d4: {  	v8 =	vld [tilespmem:s18+$0x1000]  }
0x1d5: {  	v7 =	vld.idx.msk [tilespmem:v7+s2+$0x0], $0xffff;
	_ =	sdelay $0x3  }
0x1d6: {  	v9 =	vshrl.u32 v8, $0x1  }
0x1d7: {  	vm1 =	veq.s32 v9, v0;
	vm0 =	vgt.s32 v7, $0xFFFFFFFF  }
0x1d8: {  	vm0 =	vmand vm1, vm0  }
0x1d9: {  	v60 =	vmpcnt.ones.xlane vm0;
	_ =	sdelay $0x1  }
0x1da: {  	v9 =	vxor.u32 $0x80000000, v60  }
0x1db: {  	(xrf0) =	vmax.scan.msk.u32 $0xffff, v9;
	_ =	sdelay $0x3  }
0x1dc: {  	v61, _, _ =	vpop (xrf0)  }
0x1dd: {  	(v2sf) =	vpush v61, $0xF  }
0x1de: {  	v62, _, _ =	vpop (xrf0)  }
0x1df: {  	(v2sf) =	vpush v62, $0xF;
	_ =	sdelay $0xa  }
0x1e0: {  	v63 =	vld [tilespmem:s18+$0x0];
	_ =	sdelay $0x1  }
0x1e1: {  	s22 =	spop (v2sf)  }
0x1e2: {  	s14 =	sadd.s32 s22, s14  }
0x1e3: {  	v8 =	vand.u32 $0x1, v8;
	v7 =	vshll.u32 v7, $0x1;
	s14 =	sadd.s32 $0x80000000, s14;
	s23 =	spop (v2sf)  }
0x1e4: {  	v7 =	vor.u32 v8, v7;
	[tilespmem:s14+$0x4800] =	vst.msk vm0, v63;
	s18 =	sadd.s32 s23, s14  }
0x1e5: {  	[tilespmem:s14+$0x5800] =	vst.msk vm0, v7;
	s18 =	sadd.s32 $0x80000000, s18  }
0x1e6: {  	[tilespmem:s18+$0x4800] =	vst v5;
	s24 =	sadd.s32 $0x3F, s18  }
0x1e7: {  	[tilespmem:s18+$0x5800] =	vst v6;
	s14 =	sshrl.u32 s24, $0x6  }
0x1e8: {  	[tilespmem:s18+$0x4810] =	vst v5;
	p0 =	seq.s32 s14, $0x0  }
.Ltmp14:
0x1e9: {  	[tilespmem:s18+$0x5810] =	vst v6;
	(pc) =	sbr.rel @p0 .LBB2_33-.Ltmp14, $4  }
0x1ea: {  	[tilespmem:s18+$0x4820] =	vst v5  }
0x1eb: {  	[tilespmem:s18+$0x5820] =	vst v6  }
0x1ec: {  	[tilespmem:s18+$0x4830] =	vst v5  }
0x1ed: {  	[tilespmem:s18+$0x5830] =	vst v6  }
0x1ee: {  	s18 =	simm.s32 $0x5800;
	s19 =	sshll.u32 s14, $0x2  }
0x1ef: {  	v7 =	vld [tilespmem:s18+$0x0];
	p0 =	sne.s32 s19, $0x1  }
.Ltmp15:
0x1f0: {  	_ = 	snop;
	(pc) =	sbr.rel @!p0 .LBB2_27-.Ltmp15, $4  }
0x1f1: {  	s18 =	simm.s32 $0x0  }
0x1f2: {  	s20 =	sand.u32 $0x30, s18;
	s21 =	sand.u32 $0xFFFFFF80, s18  }
0x1f3: {  	s20 =	sor.u32 s20, s21  }
0x1f4: {  	s19 =	sadd.s32 $0xFFFFFFFF, s19;
	s21 =	simm.s32 $0x0;
	[tilespmem:s20+$0x6800] =	vst v7;
	s20 =	simm.s32 $0x5810  }
.LBB2_26:
0x1f5: {  	v7 =	vld [tilespmem:s20+$0x0];
	p0 =	sne.s32 s19, $0x1;
	s19 =	sadd.s32 $0xFFFFFFFF, s19  }
.Ltmp16:
0x1f6: {  	(pc) =	sbr.rel @p0 .LBB2_26-.Ltmp16, $4  }
0x1f7: {  	s18 =	sadd.s32 $0x20, s18;
	s21 =	sadd.s32 $0x10, s21  }
0x1f8: {  	s22 =	sand.u32 $0x30, s21;
	s23 =	sand.u32 $0xFFFFFF80, s18  }
0x1f9: {  	s22 =	sor.u32 s22, s23  }
0x1fa: {  	s20 =	sadd.s32 $0x10, s20;
	[tilespmem:s22+$0x6800] =	vst v7  }
.LBB2_27:
0x1fb: {  	p0 =	sne.s32 s14, $0x1  }
.Ltmp17:
0x1fc: {  	_ = 	snop;
	(pc) =	sbr.rel @p0 .LBB2_29-.Ltmp17, $4  }
0x1fd: {  	[tilespmem:s29], [sflag:$0x1] =	stream.indirect.gather [hbm4b:s4+s10], $0x80, s13, s10, $0xb8;
	[tilespmem:$0x1F100] =	vst v63  }
0x1fe: {  	_ =	swait.ge [sflag:s9], $0x2000  }
0x1ff: {  	[sflag:s9] =	ssyncset.done $0x0  }
0x200: {  	[sflag:s9] =	ssyncadd.s32 $0xFFFFE000  }
.Ltmp18:
0x201: {  	(pc) =	sbr.rel .LBB2_32-.Ltmp18, $4  }
0x202: {  	_ = 	snop  }
0x203: {  	[spmem:s8] =	stream.indirect.scatter.add.f32 [tilespmem:s29], [sflag:$0x2], $0x80, s15, s10, $0xb8;
	[tilespmem:$0x1F100] =	vst v63  }
0x204: {  	_ = 	snop  }
0x205: {  	[spmem:s11] =	stream.indirect.scatter.add.f32 [tilespmem:s16], [sflag:$0x3], $0x80, s15, s10, $0xb8;
	[tilespmem:$0x1F100] =	vst v63  }
.LBB2_29:
0x206: {  	s18 =	simm.s32 $0x4840  }
0x207: {  	[tilespmem:s12], [sflag:$0x1] =	stream.indirect.gather [hbm4b:s4+s10], $0x80, s18, s10, $0xb8;
	[tilespmem:$0x1F100] =	vst v63  }
0x208: {  	_ = 	snop  }
0x209: {  	[spmem:s8] =	stream.indirect.scatter.add.f32 [tilespmem:s29], [sflag:$0x2], $0x80, s15, s10, $0xb8;
	[tilespmem:$0x1F100] =	vst v63  }
0x20a: {  	_ = 	snop  }
0x20b: {  	[spmem:s11] =	stream.indirect.scatter.add.f32 [tilespmem:s16], [sflag:$0x3], $0x80, s15, s10, $0xb8;
	[tilespmem:$0x1F100] =	vst v63  }
0x20c: {  	_ =	swait.ge [sflag:s9], $0x2000  }
0x20d: {  	[sflag:s9] =	ssyncset.done $0x0  }
0x20e: {  	[sflag:s9] =	ssyncadd.s32 $0xFFFFE000  }
0x20f: {  	_ =	swait.ge [sflag:s3], $0x2000  }
0x210: {  	s24 =	simm.s32 $0x1;
	[sflag:s3] =	ssyncset.done $0x0  }
0x211: {  	p0 =	sle.u32 s14, $0x2;
	s18 =	sand.u32 $0x1, s24;
	[sflag:s3] =	ssyncadd.s32 $0xFFFFE000  }
0x212: {  	s20 =	sshll.u32 @!p0 s18, $0xD;
	_ =	swait.ge [sflag:s5], $0x2000  }
0x213: {  	s19 =	simm.s32 $0x4880;
	s20 =	sxor.u32 @!p0 $0x2000, s20;
	[sflag:s5] =	ssyncset.done $0x0  }
0x214: {  	s21 =	simm.s32 @!p0 $0x40;
	s20 =	sor.u32 @!p0 $0x8800, s20;
	[sflag:s5] =	ssyncadd.s32 $0xFFFFE000  }
0x215: {  	[tilespmem:s20], [sflag:$0x1] =	stream.indirect.gather @!p0 [hbm4b:s4+s21], $0x80, s19, s21, $0xb8;
	[tilespmem:$0x1F100] =	vst v63  }
0x216: {  	p0 =	sne.s32 s14, $0x2  }
.Ltmp19:
0x217: {  	_ = 	snop;
	(pc) =	sbr.rel @!p0 .LBB2_31-.Ltmp19, $4  }
0x218: {  	s18 =	sshll.u32 s18, $0xD  }
0x219: {  	s18 =	sor.u32 $0x8800, s18;
	s21 =	simm.s32 $0x6880  }
0x21a: {  	[spmem:s8] =	stream.indirect.scatter.add.f32 [tilespmem:s18], [sflag:$0x2], $0x80, s21, s10, $0xb8;
	[tilespmem:$0x1F100] =	vst v63  }
0x21b: {  	s19 =	simm.s32 $0x6900;
	s20 =	simm.s32 $0x48C0;
	s18 =	simm.s32 $0x2  }
.LBB2_30:
0x21c: {  	[spmem:s11] =	stream.indirect.scatter.add.f32 [tilespmem:s16], [sflag:$0x3], $0x80, s21, s10, $0xb8;
	[tilespmem:$0x1F100] =	vst v63  }
0x21d: {  	s22 =	smov.u32 s18;
	s18 =	sadd.s32 $0x1, s18;
	_ =	swait.ge [sflag:s9], $0x2000  }
0x21e: {  	s21 =	smov.u32 s19;
	p0 =	sne.s32 s14, s18;
	[sflag:s9] =	ssyncset.done $0x0  }
0x21f: {  	[sflag:s9] =	ssyncadd.s32 $0xFFFFE000  }
0x220: {  	_ =	swait.ge [sflag:s3], $0x2000  }
0x221: {  	[sflag:s3] =	ssyncset.done $0x0  }
0x222: {  	s22 =	sand.u32 $0x1, s22;
	p1 =	sge.u32 s18, s14;
	[sflag:s3] =	ssyncadd.s32 $0xFFFFE000  }
0x223: {  	s23 =	sshll.u32 @!p1 s22, $0xD;
	s22 =	sshll.u32 s22, $0xD;
	_ =	swait.ge [sflag:s5], $0x2000  }
0x224: {  	s24 =	simm.s32 @!p1 $0x40;
	s23 =	sxor.u32 @!p1 $0x2000, s23;
	[sflag:s5] =	ssyncset.done $0x0  }
.Ltmp20:
0x225: {  	s23 =	sor.u32 @!p1 $0x8800, s23;
	[sflag:s5] =	ssyncadd.s32 $0xFFFFE000;
	(pc) =	sbr.rel @p0 .LBB2_30-.Ltmp20, $4  }
0x226: {  	[tilespmem:s23], [sflag:$0x1] =	stream.indirect.gather @!p1 [hbm4b:s4+s24], $0x80, s20, s24, $0xb8;
	[tilespmem:$0x1F100] =	vst v63  }
0x227: {  	s22 =	sor.u32 $0x8800, s22  }
0x228: {  	[spmem:s8] =	stream.indirect.scatter.add.f32 [tilespmem:s22], [sflag:$0x2], $0x80, s19, s10, $0xb8;
	[tilespmem:$0x1F100] =	vst v63  }
0x229: {  	s20 =	sadd.s32 $0x40, s20;
	s19 =	sadd.s32 $0x80, s19  }
.LBB2_31:
0x22a: {  	[spmem:s11] =	stream.indirect.scatter.add.f32 [tilespmem:s16], [sflag:$0x3], $0x80, s21, s10, $0xb8;
	[tilespmem:$0x1F100] =	vst v63  }
.LBB2_32:
0x22b: {  	_ =	swait.ge [sflag:s3], $0x2000  }
0x22c: {  	[sflag:s3] =	ssyncset.done $0x0  }
0x22d: {  	[sflag:s3] =	ssyncadd.s32 $0xFFFFE000  }
0x22e: {  	_ =	swait.ge [sflag:s5], $0x2000  }
0x22f: {  	[sflag:s5] =	ssyncset.done $0x0  }
0x230: {  	[sflag:s5] =	ssyncadd.s32 $0xFFFFE000  }
.LBB2_33:
0x231: {  	s14 =	simm.s32 $0x0;
	s18 =	rddreg [dreg:$0x19]  }
0x232: {  	[tilespmem:s14], [sflag:$0x1] =	stream.linear.gather [hbm4b:s18+s14], $0x7D0, $0x38;
	[tilespmem:$0x1F100] =	vst v63  }
0x233: {  	s22 =	rddreg [dreg:$0x1a]  }
0x234: {  	[tilespmem:s6], [sflag:$0x1] =	stream.linear.gather [hbm4b:s22+s14], $0x7D0, $0x38;
	[tilespmem:$0x1F100] =	vst v63  }
0x235: {  	s23 =	rddreg [dreg:$0x1b]  }
0x236: {  	[tilespmem:s7], [sflag:$0x1] =	stream.linear.gather [hbm4b:s23+s14], $0x7D0, $0x38;
	[tilespmem:$0x1F100] =	vst v63  }
0x237: {  	_ =	swait.ge [sflag:s9], $0x7D0  }
0x238: {  	[sflag:s9] =	ssyncset.done $0x0  }
0x239: {  	[sflag:s9] =	ssyncadd.s32 $0xFFFFF830  }
0x23a: {  	_ =	swait.ge [sflag:s9], $0x7D0  }
0x23b: {  	[sflag:s9] =	ssyncset.done $0x0  }
0x23c: {  	[sflag:s9] =	ssyncadd.s32 $0xFFFFF830  }
0x23d: {  	_ =	swait.ge [sflag:s9], $0x7D0  }
0x23e: {  	[sflag:s9] =	ssyncset.done $0x0  }
0x23f: {  	s24 =	simm.s32 $0x0;
	[sflag:s9] =	ssyncadd.s32 $0xFFFFF830  }
0x240: {  	v7 =	vld [tilespmem:s24+$0x800];
	_ =	sdelay $0x6  }
0x241: {  	v8 =	vld [tilespmem:s24+$0x1000]  }
0x242: {  	v7 =	vld.idx.msk [tilespmem:v7+s2+$0x0], $0xffff;
	_ =	sdelay $0x3  }
0x243: {  	v9 =	vshrl.u32 v8, $0x1  }
0x244: {  	vm1 =	veq.s32 v9, v0;
	vm0 =	vgt.s32 v7, $0xFFFFFFFF  }
0x245: {  	vm0 =	vmand vm1, vm0  }
0x246: {  	v10 =	vld [tilespmem:s24+$0x0];
	v63 =	vmpcnt.ones.xlane vm0;
	_ =	sdelay $0x1  }
0x247: {  	v9 =	vxor.u32 $0x80000000, v63  }
0x248: {  	(xrf0) =	vmax.scan.msk.u32 $0xffff, v9  }
0x249: {  	v8 =	vand.u32 $0x1, v8;
	v7 =	vshll.u32 v7, $0x1  }
0x24a: {  	v7 =	vor.u32 v8, v7;
	[tilespmem:s14+$0x4800] =	vst.msk vm0, v10  }
0x24b: {  	s19 =	simm.s32 $0x80;
	s18 =	simm.s32 $0x10;
	[tilespmem:s14+$0x5800] =	vst.msk vm0, v7  }
.LBB2_34:
0x24c: {  	p0 =	sne.s32 s19, $0x1F00;
	v7 =	vld [tilespmem:s18+$0x800];
	_ =	sdelay $0x1  }
0x24d: {  	v8, _, _ =	vpop (xrf0)  }
0x24e: {  	(v2sf) =	vpush v8, $0xF;
	_ =	sdelay $0x3  }
0x24f: {  	v8 =	vld [tilespmem:s18+$0x1000]  }
0x250: {  	v7 =	vld.idx.msk [tilespmem:v7+s2+$0x0], $0xffff;
	_ =	sdelay $0x3  }
0x251: {  	v9 =	vand.u32 $0x1, v8  }
0x252: {  	v8 =	vshrl.u32 v8, $0x1  }
0x253: {  	vm0 =	vgt.s32 v7, $0xFFFFFFFF;
	vm1 =	veq.s32 v8, v0;
	v7 =	vshll.u32 v7, $0x1  }
0x254: {  	vm0 =	vmand vm1, vm0  }
0x255: {  	v10 =	vmpcnt.ones.xlane vm0;
	v8 =	vld [tilespmem:s18+$0x0];
	_ =	sdelay $0x1  }
.Ltmp21:
0x256: {  	v10 =	vxor.u32 $0x80000000, v10;
	s18 =	spop (v2sf);
	(pc) =	sbr.rel @p0 .LBB2_34-.Ltmp21, $4  }
0x257: {  	(xrf0) =	vmax.scan.msk.u32 $0xffff, v10;
	s14 =	sadd.s32 s18, s14  }
0x258: {  	s14 =	sadd.s32 $0x80000000, s14  }
0x259: {  	v7 =	vor.u32 v9, v7;
	[tilespmem:s14+$0x4800] =	vst.msk vm0, v8  }
0x25a: {  	s18 =	sshra.s32 s19, $0x2;
	s19 =	sadd.s32 $0x40, s19;
	[tilespmem:s14+$0x5800] =	vst.msk vm0, v7  }
0x25b: {  	v7 =	vld [tilespmem:s18+$0x800];
	_ =	sdelay $0x6  }
0x25c: {  	v8 =	vld [tilespmem:s18+$0x1000]  }
0x25d: {  	v7 =	vld.idx.msk [tilespmem:v7+s2+$0x0], $0xffff;
	_ =	sdelay $0x3  }
0x25e: {  	v9 =	vshrl.u32 v8, $0x1  }
0x25f: {  	vm1 =	veq.s32 v9, v0;
	vm0 =	vgt.s32 v7, $0xFFFFFFFF  }
0x260: {  	v10, _, _ =	vpop (xrf0);
	vm0 =	vmand vm1, vm0  }
0x261: {  	(v2sf) =	vpush v10, $0xF;
	v59 =	vmpcnt.ones.xlane vm0;
	_ =	sdelay $0x1  }
0x262: {  	v9 =	vxor.u32 $0x80000000, v59  }
0x263: {  	(xrf0) =	vmax.scan.msk.u32 $0xffff, v9;
	_ =	sdelay $0x5  }
0x264: {  	v9, _, _ =	vpop (xrf0)  }
0x265: {  	(v2sf) =	vpush v9, $0xF;
	_ =	sdelay $0x2  }
0x266: {  	v60 =	vld [tilespmem:s18+$0x0];
	_ =	sdelay $0x1  }
0x267: {  	s20 =	spop (v2sf)  }
0x268: {  	s14 =	sadd.s32 s20, s14  }
0x269: {  	v8 =	vand.u32 $0x1, v8;
	v7 =	vshll.u32 v7, $0x1;
	s14 =	sadd.s32 $0x80000000, s14  }
0x26a: {  	v7 =	vor.u32 v8, v7;
	[tilespmem:s14+$0x4800] =	vst.msk vm0, v60  }
0x26b: {  	s21 =	simm.s32 $0x0;
	s19 =	rddreg [dreg:$0x1c];
	[tilespmem:s14+$0x5800] =	vst.msk vm0, v7  }
0x26c: {  	[tilespmem:s21], [sflag:$0x1] =	stream.linear.gather [hbm4b:s19+s21], $0x7D0, $0x38;
	[tilespmem:$0x1F100] =	vst v63  }
0x26d: {  	s22 =	rddreg [dreg:$0x1d]  }
0x26e: {  	[tilespmem:s6], [sflag:$0x1] =	stream.linear.gather [hbm4b:s22+s21], $0x7D0, $0x38;
	[tilespmem:$0x1F100] =	vst v63  }
0x26f: {  	s20 =	rddreg [dreg:$0x1e]  }
0x270: {  	[tilespmem:s7], [sflag:$0x1] =	stream.linear.gather [hbm4b:s20+s21], $0x7D0, $0x38;
	[tilespmem:$0x1F100] =	vst v63  }
0x271: {  	s23 =	spop (v2sf)  }
0x272: {  	_ =	swait.ge [sflag:s9], $0x7D0  }
0x273: {  	[sflag:s9] =	ssyncset.done $0x0  }
0x274: {  	[sflag:s9] =	ssyncadd.s32 $0xFFFFF830  }
0x275: {  	_ =	swait.ge [sflag:s9], $0x7D0  }
0x276: {  	[sflag:s9] =	ssyncset.done $0x0  }
0x277: {  	[sflag:s9] =	ssyncadd.s32 $0xFFFFF830  }
0x278: {  	_ =	swait.ge [sflag:s9], $0x7D0  }
0x279: {  	[sflag:s9] =	ssyncset.done $0x0  }
0x27a: {  	s24 =	simm.s32 $0x0;
	[sflag:s9] =	ssyncadd.s32 $0xFFFFF830  }
0x27b: {  	v7 =	vld [tilespmem:s24+$0x800];
	_ =	sdelay $0x6  }
0x27c: {  	v8 =	vld [tilespmem:s24+$0x1000]  }
0x27d: {  	v7 =	vld.idx.msk [tilespmem:v7+s2+$0x0], $0xffff;
	_ =	sdelay $0x3  }
0x27e: {  	v61 =	vshrl.u32 v8, $0x1  }
0x27f: {  	vm15 =	veq.s32 v61, v0;
	vm14 =	vgt.s32 v7, $0xFFFFFFFF  }
0x280: {  	vm0 =	vmand vm15, vm14  }
0x281: {  	v62 =	vld [tilespmem:s24+$0x0];
	v63 =	vmpcnt.ones.xlane vm0;
	_ =	sdelay $0x1  }
0x282: {  	v9 =	vxor.u32 $0x80000000, v63  }
0x283: {  	s14 =	sadd.s32 s23, s14;
	(xrf0) =	vmax.scan.msk.u32 $0xffff, v9  }
0x284: {  	s14 =	sadd.s32 $0x80000000, s14;
	v8 =	vand.u32 $0x1, v8;
	v7 =	vshll.u32 v7, $0x1  }
0x285: {  	v7 =	vor.u32 v8, v7;
	[tilespmem:s14+$0x4800] =	vst.msk vm0, v62  }
0x286: {  	s18 =	simm.s32 $0x10;
	s19 =	simm.s32 $0x80;
	[tilespmem:s14+$0x5800] =	vst.msk vm0, v7  }
.LBB2_36:
0x287: {  	p0 =	sne.s32 s19, $0x1F00;
	v7 =	vld [tilespmem:s18+$0x800];
	_ =	sdelay $0x1  }
0x288: {  	v8, _, _ =	vpop (xrf0)  }
0x289: {  	(v2sf) =	vpush v8, $0xF;
	_ =	sdelay $0x3  }
0x28a: {  	v8 =	vld [tilespmem:s18+$0x1000]  }
0x28b: {  	v7 =	vld.idx.msk [tilespmem:v7+s2+$0x0], $0xffff;
	_ =	sdelay $0x3  }
0x28c: {  	v9 =	vand.u32 $0x1, v8  }
0x28d: {  	v8 =	vshrl.u32 v8, $0x1  }
0x28e: {  	vm0 =	vgt.s32 v7, $0xFFFFFFFF;
	vm1 =	veq.s32 v8, v0;
	v7 =	vshll.u32 v7, $0x1  }
0x28f: {  	vm0 =	vmand vm1, vm0  }
0x290: {  	v10 =	vmpcnt.ones.xlane vm0;
	v8 =	vld [tilespmem:s18+$0x0];
	_ =	sdelay $0x1  }
.Ltmp22:
0x291: {  	v10 =	vxor.u32 $0x80000000, v10;
	s18 =	spop (v2sf);
	(pc) =	sbr.rel @p0 .LBB2_36-.Ltmp22, $4  }
0x292: {  	(xrf0) =	vmax.scan.msk.u32 $0xffff, v10;
	s14 =	sadd.s32 s18, s14  }
0x293: {  	s14 =	sadd.s32 $0x80000000, s14  }
0x294: {  	v7 =	vor.u32 v9, v7;
	[tilespmem:s14+$0x4800] =	vst.msk vm0, v8  }
0x295: {  	s18 =	sshra.s32 s19, $0x2;
	s19 =	sadd.s32 $0x40, s19;
	[tilespmem:s14+$0x5800] =	vst.msk vm0, v7  }
0x296: {  	v7 =	vld [tilespmem:s18+$0x800];
	_ =	sdelay $0x6  }
0x297: {  	v8 =	vld [tilespmem:s18+$0x1000]  }
0x298: {  	v7 =	vld.idx.msk [tilespmem:v7+s2+$0x0], $0xffff;
	_ =	sdelay $0x3  }
0x299: {  	v9 =	vshrl.u32 v8, $0x1  }
0x29a: {  	vm1 =	veq.s32 v9, v0;
	vm0 =	vgt.s32 v7, $0xFFFFFFFF  }
0x29b: {  	vm0 =	vmand vm1, vm0  }
0x29c: {  	v60 =	vmpcnt.ones.xlane vm0;
	_ =	sdelay $0x1  }
0x29d: {  	v9 =	vxor.u32 $0x80000000, v60  }
0x29e: {  	(xrf0) =	vmax.scan.msk.u32 $0xffff, v9;
	_ =	sdelay $0x3  }
0x29f: {  	v61, _, _ =	vpop (xrf0)  }
0x2a0: {  	(v2sf) =	vpush v61, $0xF  }
0x2a1: {  	v62, _, _ =	vpop (xrf0)  }
0x2a2: {  	(v2sf) =	vpush v62, $0xF;
	_ =	sdelay $0xa  }
0x2a3: {  	v63 =	vld [tilespmem:s18+$0x0];
	_ =	sdelay $0x1  }
0x2a4: {  	s22 =	spop (v2sf)  }
0x2a5: {  	s14 =	sadd.s32 s22, s14  }
0x2a6: {  	v8 =	vand.u32 $0x1, v8;
	v7 =	vshll.u32 v7, $0x1;
	s14 =	sadd.s32 $0x80000000, s14;
	s23 =	spop (v2sf)  }
0x2a7: {  	v7 =	vor.u32 v8, v7;
	[tilespmem:s14+$0x4800] =	vst.msk vm0, v63;
	s18 =	sadd.s32 s23, s14  }
0x2a8: {  	[tilespmem:s14+$0x5800] =	vst.msk vm0, v7;
	s18 =	sadd.s32 $0x80000000, s18  }
0x2a9: {  	[tilespmem:s18+$0x4800] =	vst v5;
	s24 =	sadd.s32 $0x3F, s18  }
0x2aa: {  	[tilespmem:s18+$0x5800] =	vst v6;
	s14 =	sshrl.u32 s24, $0x6  }
0x2ab: {  	[tilespmem:s18+$0x4810] =	vst v5;
	p0 =	seq.s32 s14, $0x0  }
.Ltmp23:
0x2ac: {  	[tilespmem:s18+$0x5810] =	vst v6;
	(pc) =	sbr.rel @p0 .LBB2_46-.Ltmp23, $4  }
0x2ad: {  	[tilespmem:s18+$0x4820] =	vst v5  }
0x2ae: {  	[tilespmem:s18+$0x5820] =	vst v6  }
0x2af: {  	[tilespmem:s18+$0x4830] =	vst v5  }
0x2b0: {  	[tilespmem:s18+$0x5830] =	vst v6  }
0x2b1: {  	s18 =	simm.s32 $0x5800;
	s19 =	sshll.u32 s14, $0x2  }
0x2b2: {  	v7 =	vld [tilespmem:s18+$0x0];
	p0 =	sne.s32 s19, $0x1  }
.Ltmp24:
0x2b3: {  	_ = 	snop;
	(pc) =	sbr.rel @!p0 .LBB2_40-.Ltmp24, $4  }
0x2b4: {  	s18 =	simm.s32 $0x0  }
0x2b5: {  	s20 =	sand.u32 $0x30, s18;
	s21 =	sand.u32 $0xFFFFFF80, s18  }
0x2b6: {  	s20 =	sor.u32 s20, s21  }
0x2b7: {  	s19 =	sadd.s32 $0xFFFFFFFF, s19;
	s21 =	simm.s32 $0x0;
	[tilespmem:s20+$0x6800] =	vst v7;
	s20 =	simm.s32 $0x5810  }
.LBB2_39:
0x2b8: {  	v7 =	vld [tilespmem:s20+$0x0];
	p0 =	sne.s32 s19, $0x1;
	s19 =	sadd.s32 $0xFFFFFFFF, s19  }
.Ltmp25:
0x2b9: {  	(pc) =	sbr.rel @p0 .LBB2_39-.Ltmp25, $4  }
0x2ba: {  	s18 =	sadd.s32 $0x20, s18;
	s21 =	sadd.s32 $0x10, s21  }
0x2bb: {  	s22 =	sand.u32 $0x30, s21;
	s23 =	sand.u32 $0xFFFFFF80, s18  }
0x2bc: {  	s22 =	sor.u32 s22, s23  }
0x2bd: {  	s20 =	sadd.s32 $0x10, s20;
	[tilespmem:s22+$0x6800] =	vst v7  }
.LBB2_40:
0x2be: {  	p0 =	sne.s32 s14, $0x1  }
.Ltmp26:
0x2bf: {  	_ = 	snop;
	(pc) =	sbr.rel @p0 .LBB2_42-.Ltmp26, $4  }
0x2c0: {  	[tilespmem:s29], [sflag:$0x1] =	stream.indirect.gather [hbm4b:s4+s10], $0x80, s13, s10, $0xb8;
	[tilespmem:$0x1F100] =	vst v63  }
0x2c1: {  	_ =	swait.ge [sflag:s9], $0x2000  }
0x2c2: {  	[sflag:s9] =	ssyncset.done $0x0  }
0x2c3: {  	[sflag:s9] =	ssyncadd.s32 $0xFFFFE000  }
.Ltmp27:
0x2c4: {  	(pc) =	sbr.rel .LBB2_45-.Ltmp27, $4  }
0x2c5: {  	_ = 	snop  }
0x2c6: {  	[spmem:s8] =	stream.indirect.scatter.add.f32 [tilespmem:s29], [sflag:$0x2], $0x80, s15, s10, $0xb8;
	[tilespmem:$0x1F100] =	vst v63  }
0x2c7: {  	_ = 	snop  }
0x2c8: {  	[spmem:s11] =	stream.indirect.scatter.add.f32 [tilespmem:s16], [sflag:$0x3], $0x80, s15, s10, $0xb8;
	[tilespmem:$0x1F100] =	vst v63  }
.LBB2_42:
0x2c9: {  	s18 =	simm.s32 $0x4840  }
0x2ca: {  	[tilespmem:s12], [sflag:$0x1] =	stream.indirect.gather [hbm4b:s4+s10], $0x80, s18, s10, $0xb8;
	[tilespmem:$0x1F100] =	vst v63  }
0x2cb: {  	_ = 	snop  }
0x2cc: {  	[spmem:s8] =	stream.indirect.scatter.add.f32 [tilespmem:s29], [sflag:$0x2], $0x80, s15, s10, $0xb8;
	[tilespmem:$0x1F100] =	vst v63  }
0x2cd: {  	_ = 	snop  }
0x2ce: {  	[spmem:s11] =	stream.indirect.scatter.add.f32 [tilespmem:s16], [sflag:$0x3], $0x80, s15, s10, $0xb8;
	[tilespmem:$0x1F100] =	vst v63  }
0x2cf: {  	_ =	swait.ge [sflag:s9], $0x2000  }
0x2d0: {  	[sflag:s9] =	ssyncset.done $0x0  }
0x2d1: {  	[sflag:s9] =	ssyncadd.s32 $0xFFFFE000  }
0x2d2: {  	_ =	swait.ge [sflag:s3], $0x2000  }
0x2d3: {  	s24 =	simm.s32 $0x1;
	[sflag:s3] =	ssyncset.done $0x0  }
0x2d4: {  	p0 =	sle.u32 s14, $0x2;
	s18 =	sand.u32 $0x1, s24;
	[sflag:s3] =	ssyncadd.s32 $0xFFFFE000  }
0x2d5: {  	s20 =	sshll.u32 @!p0 s18, $0xD;
	_ =	swait.ge [sflag:s5], $0x2000  }
0x2d6: {  	s19 =	simm.s32 $0x4880;
	s20 =	sxor.u32 @!p0 $0x2000, s20;
	[sflag:s5] =	ssyncset.done $0x0  }
0x2d7: {  	s21 =	simm.s32 @!p0 $0x40;
	s20 =	sor.u32 @!p0 $0x8800, s20;
	[sflag:s5] =	ssyncadd.s32 $0xFFFFE000  }
0x2d8: {  	[tilespmem:s20], [sflag:$0x1] =	stream.indirect.gather @!p0 [hbm4b:s4+s21], $0x80, s19, s21, $0xb8;
	[tilespmem:$0x1F100] =	vst v63  }
0x2d9: {  	p0 =	sne.s32 s14, $0x2  }
.Ltmp28:
0x2da: {  	_ = 	snop;
	(pc) =	sbr.rel @!p0 .LBB2_44-.Ltmp28, $4  }
0x2db: {  	s18 =	sshll.u32 s18, $0xD  }
0x2dc: {  	s18 =	sor.u32 $0x8800, s18;
	s21 =	simm.s32 $0x6880  }
0x2dd: {  	[spmem:s8] =	stream.indirect.scatter.add.f32 [tilespmem:s18], [sflag:$0x2], $0x80, s21, s10, $0xb8;
	[tilespmem:$0x1F100] =	vst v63  }
0x2de: {  	s19 =	simm.s32 $0x6900;
	s20 =	simm.s32 $0x48C0;
	s18 =	simm.s32 $0x2  }
.LBB2_43:
0x2df: {  	[spmem:s11] =	stream.indirect.scatter.add.f32 [tilespmem:s16], [sflag:$0x3], $0x80, s21, s10, $0xb8;
	[tilespmem:$0x1F100] =	vst v63  }
0x2e0: {  	s22 =	smov.u32 s18;
	s18 =	sadd.s32 $0x1, s18;
	_ =	swait.ge [sflag:s9], $0x2000  }
0x2e1: {  	s21 =	smov.u32 s19;
	p0 =	sne.s32 s14, s18;
	[sflag:s9] =	ssyncset.done $0x0  }
0x2e2: {  	[sflag:s9] =	ssyncadd.s32 $0xFFFFE000  }
0x2e3: {  	_ =	swait.ge [sflag:s3], $0x2000  }
0x2e4: {  	[sflag:s3] =	ssyncset.done $0x0  }
0x2e5: {  	s22 =	sand.u32 $0x1, s22;
	p1 =	sge.u32 s18, s14;
	[sflag:s3] =	ssyncadd.s32 $0xFFFFE000  }
0x2e6: {  	s23 =	sshll.u32 @!p1 s22, $0xD;
	s22 =	sshll.u32 s22, $0xD;
	_ =	swait.ge [sflag:s5], $0x2000  }
0x2e7: {  	s24 =	simm.s32 @!p1 $0x40;
	s23 =	sxor.u32 @!p1 $0x2000, s23;
	[sflag:s5] =	ssyncset.done $0x0  }
.Ltmp29:
0x2e8: {  	s23 =	sor.u32 @!p1 $0x8800, s23;
	[sflag:s5] =	ssyncadd.s32 $0xFFFFE000;
	(pc) =	sbr.rel @p0 .LBB2_43-.Ltmp29, $4  }
0x2e9: {  	[tilespmem:s23], [sflag:$0x1] =	stream.indirect.gather @!p1 [hbm4b:s4+s24], $0x80, s20, s24, $0xb8;
	[tilespmem:$0x1F100] =	vst v63  }
0x2ea: {  	s22 =	sor.u32 $0x8800, s22  }
0x2eb: {  	[spmem:s8] =	stream.indirect.scatter.add.f32 [tilespmem:s22], [sflag:$0x2], $0x80, s19, s10, $0xb8;
	[tilespmem:$0x1F100] =	vst v63  }
0x2ec: {  	s20 =	sadd.s32 $0x40, s20;
	s19 =	sadd.s32 $0x80, s19  }
.LBB2_44:
0x2ed: {  	[spmem:s11] =	stream.indirect.scatter.add.f32 [tilespmem:s16], [sflag:$0x3], $0x80, s21, s10, $0xb8;
	[tilespmem:$0x1F100] =	vst v63  }
.LBB2_45:
0x2ee: {  	_ =	swait.ge [sflag:s3], $0x2000  }
0x2ef: {  	[sflag:s3] =	ssyncset.done $0x0  }
0x2f0: {  	[sflag:s3] =	ssyncadd.s32 $0xFFFFE000  }
0x2f1: {  	_ =	swait.ge [sflag:s5], $0x2000  }
0x2f2: {  	[sflag:s5] =	ssyncset.done $0x0  }
0x2f3: {  	[sflag:s5] =	ssyncadd.s32 $0xFFFFE000  }
.LBB2_46:
0x2f4: {  	s18 =	rddreg [dreg:$0x1f]  }
0x2f5: {  	s14 =	simm.s32 $0x0;
	s22 =	sld [smem:$0x7E4]  }
0x2f6: {  	[tilespmem:s14], [sflag:$0x1] =	stream.linear.gather [hbm4b:s18+s14], $0x7D0, $0x38;
	[tilespmem:$0x1F100] =	vst v63  }
0x2f7: {  	s23 =	sld [smem:$0x7E5]  }
0x2f8: {  	[tilespmem:s6], [sflag:$0x1] =	stream.linear.gather [hbm4b:s22+s14], $0x7D0, $0x38;
	[tilespmem:$0x1F100] =	vst v63  }
0x2f9: {  	_ = 	snop  }
0x2fa: {  	[tilespmem:s7], [sflag:$0x1] =	stream.linear.gather [hbm4b:s23+s14], $0x7D0, $0x38;
	[tilespmem:$0x1F100] =	vst v63  }
0x2fb: {  	_ =	swait.ge [sflag:s9], $0x7D0  }
0x2fc: {  	[sflag:s9] =	ssyncset.done $0x0  }
0x2fd: {  	[sflag:s9] =	ssyncadd.s32 $0xFFFFF830  }
0x2fe: {  	_ =	swait.ge [sflag:s9], $0x7D0  }
0x2ff: {  	[sflag:s9] =	ssyncset.done $0x0  }
0x300: {  	[sflag:s9] =	ssyncadd.s32 $0xFFFFF830  }
0x301: {  	_ =	swait.ge [sflag:s9], $0x7D0  }
0x302: {  	[sflag:s9] =	ssyncset.done $0x0  }
0x303: {  	s24 =	simm.s32 $0x0;
	[sflag:s9] =	ssyncadd.s32 $0xFFFFF830  }
0x304: {  	v7 =	vld [tilespmem:s24+$0x800];
	_ =	sdelay $0x6  }
0x305: {  	v8 =	vld [tilespmem:s24+$0x1000]  }
0x306: {  	v7 =	vld.idx.msk [tilespmem:v7+s2+$0x0], $0xffff;
	_ =	sdelay $0x3  }
0x307: {  	v9 =	vshrl.u32 v8, $0x1  }
0x308: {  	vm1 =	veq.s32 v9, v0;
	vm0 =	vgt.s32 v7, $0xFFFFFFFF  }
0x309: {  	vm0 =	vmand vm1, vm0  }
0x30a: {  	v10 =	vld [tilespmem:s24+$0x0];
	v63 =	vmpcnt.ones.xlane vm0;
	_ =	sdelay $0x1  }
0x30b: {  	v9 =	vxor.u32 $0x80000000, v63  }
0x30c: {  	(xrf0) =	vmax.scan.msk.u32 $0xffff, v9  }
0x30d: {  	v8 =	vand.u32 $0x1, v8;
	v7 =	vshll.u32 v7, $0x1  }
0x30e: {  	v7 =	vor.u32 v8, v7;
	[tilespmem:s14+$0x4800] =	vst.msk vm0, v10  }
0x30f: {  	s19 =	simm.s32 $0x80;
	s18 =	simm.s32 $0x10;
	[tilespmem:s14+$0x5800] =	vst.msk vm0, v7  }
.LBB2_47:
0x310: {  	p0 =	sne.s32 s19, $0x1F00;
	v7 =	vld [tilespmem:s18+$0x800];
	_ =	sdelay $0x1  }
0x311: {  	v8, _, _ =	vpop (xrf0)  }
0x312: {  	(v2sf) =	vpush v8, $0xF;
	_ =	sdelay $0x3  }
0x313: {  	v8 =	vld [tilespmem:s18+$0x1000]  }
0x314: {  	v7 =	vld.idx.msk [tilespmem:v7+s2+$0x0], $0xffff;
	_ =	sdelay $0x3  }
0x315: {  	v9 =	vand.u32 $0x1, v8  }
0x316: {  	v8 =	vshrl.u32 v8, $0x1  }
0x317: {  	vm0 =	vgt.s32 v7, $0xFFFFFFFF;
	vm1 =	veq.s32 v8, v0;
	v7 =	vshll.u32 v7, $0x1  }
0x318: {  	vm0 =	vmand vm1, vm0  }
0x319: {  	v10 =	vmpcnt.ones.xlane vm0;
	v8 =	vld [tilespmem:s18+$0x0];
	_ =	sdelay $0x1  }
.Ltmp30:
0x31a: {  	v10 =	vxor.u32 $0x80000000, v10;
	s18 =	spop (v2sf);
	(pc) =	sbr.rel @p0 .LBB2_47-.Ltmp30, $4  }
0x31b: {  	(xrf0) =	vmax.scan.msk.u32 $0xffff, v10;
	s14 =	sadd.s32 s18, s14  }
0x31c: {  	s14 =	sadd.s32 $0x80000000, s14  }
0x31d: {  	v7 =	vor.u32 v9, v7;
	[tilespmem:s14+$0x4800] =	vst.msk vm0, v8  }
0x31e: {  	s18 =	sshra.s32 s19, $0x2;
	s19 =	sadd.s32 $0x40, s19;
	[tilespmem:s14+$0x5800] =	vst.msk vm0, v7  }
0x31f: {  	v7 =	vld [tilespmem:s18+$0x800];
	_ =	sdelay $0x6  }
0x320: {  	v8 =	vld [tilespmem:s18+$0x1000]  }
0x321: {  	v7 =	vld.idx.msk [tilespmem:v7+s2+$0x0], $0xffff;
	_ =	sdelay $0x3  }
0x322: {  	v9 =	vshrl.u32 v8, $0x1  }
0x323: {  	vm1 =	veq.s32 v9, v0;
	vm0 =	vgt.s32 v7, $0xFFFFFFFF  }
0x324: {  	v10, _, _ =	vpop (xrf0);
	vm0 =	vmand vm1, vm0  }
0x325: {  	(v2sf) =	vpush v10, $0xF;
	v59 =	vmpcnt.ones.xlane vm0;
	_ =	sdelay $0x1  }
0x326: {  	v9 =	vxor.u32 $0x80000000, v59  }
0x327: {  	(xrf0) =	vmax.scan.msk.u32 $0xffff, v9;
	_ =	sdelay $0x5  }
0x328: {  	v9, _, _ =	vpop (xrf0)  }
0x329: {  	(v2sf) =	vpush v9, $0xF;
	_ =	sdelay $0x2  }
0x32a: {  	v60 =	vld [tilespmem:s18+$0x0];
	_ =	sdelay $0x1  }
0x32b: {  	s20 =	spop (v2sf)  }
0x32c: {  	s14 =	sadd.s32 s20, s14  }
0x32d: {  	s19 =	sld [smem:$0x7E6];
	v8 =	vand.u32 $0x1, v8;
	v7 =	vshll.u32 v7, $0x1;
	s14 =	sadd.s32 $0x80000000, s14  }
0x32e: {  	v7 =	vor.u32 v8, v7;
	[tilespmem:s14+$0x4800] =	vst.msk vm0, v60  }
0x32f: {  	s21 =	simm.s32 $0x0;
	s22 =	sld [smem:$0x7E7];
	[tilespmem:s14+$0x5800] =	vst.msk vm0, v7  }
0x330: {  	[tilespmem:s21], [sflag:$0x1] =	stream.linear.gather [hbm4b:s19+s21], $0x7D0, $0x38;
	[tilespmem:$0x1F100] =	vst v63  }
0x331: {  	s20 =	sld [smem:$0x7E8]  }
0x332: {  	[tilespmem:s6], [sflag:$0x1] =	stream.linear.gather [hbm4b:s22+s21], $0x7D0, $0x38;
	[tilespmem:$0x1F100] =	vst v63  }
0x333: {  	_ = 	snop  }
0x334: {  	[tilespmem:s7], [sflag:$0x1] =	stream.linear.gather [hbm4b:s20+s21], $0x7D0, $0x38;
	[tilespmem:$0x1F100] =	vst v63  }
0x335: {  	s23 =	spop (v2sf)  }
0x336: {  	_ =	swait.ge [sflag:s9], $0x7D0  }
0x337: {  	[sflag:s9] =	ssyncset.done $0x0  }
0x338: {  	[sflag:s9] =	ssyncadd.s32 $0xFFFFF830  }
0x339: {  	_ =	swait.ge [sflag:s9], $0x7D0  }
0x33a: {  	[sflag:s9] =	ssyncset.done $0x0  }
0x33b: {  	[sflag:s9] =	ssyncadd.s32 $0xFFFFF830  }
0x33c: {  	_ =	swait.ge [sflag:s9], $0x7D0  }
0x33d: {  	[sflag:s9] =	ssyncset.done $0x0  }
0x33e: {  	s24 =	simm.s32 $0x0;
	[sflag:s9] =	ssyncadd.s32 $0xFFFFF830  }
0x33f: {  	v7 =	vld [tilespmem:s24+$0x800];
	_ =	sdelay $0x6  }
0x340: {  	v8 =	vld [tilespmem:s24+$0x1000]  }
0x341: {  	v7 =	vld.idx.msk [tilespmem:v7+s2+$0x0], $0xffff;
	_ =	sdelay $0x3  }
0x342: {  	v61 =	vshrl.u32 v8, $0x1  }
0x343: {  	vm15 =	veq.s32 v61, v0;
	vm14 =	vgt.s32 v7, $0xFFFFFFFF  }
0x344: {  	vm0 =	vmand vm15, vm14  }
0x345: {  	v62 =	vld [tilespmem:s24+$0x0];
	v63 =	vmpcnt.ones.xlane vm0;
	_ =	sdelay $0x1  }
0x346: {  	v9 =	vxor.u32 $0x80000000, v63  }
0x347: {  	s14 =	sadd.s32 s23, s14;
	(xrf0) =	vmax.scan.msk.u32 $0xffff, v9  }
0x348: {  	s14 =	sadd.s32 $0x80000000, s14;
	v8 =	vand.u32 $0x1, v8;
	v7 =	vshll.u32 v7, $0x1  }
0x349: {  	v7 =	vor.u32 v8, v7;
	[tilespmem:s14+$0x4800] =	vst.msk vm0, v62  }
0x34a: {  	s18 =	simm.s32 $0x10;
	s19 =	simm.s32 $0x80;
	[tilespmem:s14+$0x5800] =	vst.msk vm0, v7  }
.LBB2_49:
0x34b: {  	p0 =	sne.s32 s19, $0x1F00;
	v7 =	vld [tilespmem:s18+$0x800];
	_ =	sdelay $0x1  }
0x34c: {  	v8, _, _ =	vpop (xrf0)  }
0x34d: {  	(v2sf) =	vpush v8, $0xF;
	_ =	sdelay $0x3  }
0x34e: {  	v8 =	vld [tilespmem:s18+$0x1000]  }
0x34f: {  	v7 =	vld.idx.msk [tilespmem:v7+s2+$0x0], $0xffff;
	_ =	sdelay $0x3  }
0x350: {  	v9 =	vand.u32 $0x1, v8  }
0x351: {  	v8 =	vshrl.u32 v8, $0x1  }
0x352: {  	vm0 =	vgt.s32 v7, $0xFFFFFFFF;
	vm1 =	veq.s32 v8, v0;
	v7 =	vshll.u32 v7, $0x1  }
0x353: {  	vm0 =	vmand vm1, vm0  }
0x354: {  	v10 =	vmpcnt.ones.xlane vm0;
	v8 =	vld [tilespmem:s18+$0x0];
	_ =	sdelay $0x1  }
.Ltmp31:
0x355: {  	v10 =	vxor.u32 $0x80000000, v10;
	s18 =	spop (v2sf);
	(pc) =	sbr.rel @p0 .LBB2_49-.Ltmp31, $4  }
0x356: {  	(xrf0) =	vmax.scan.msk.u32 $0xffff, v10;
	s14 =	sadd.s32 s18, s14  }
0x357: {  	s14 =	sadd.s32 $0x80000000, s14  }
0x358: {  	v7 =	vor.u32 v9, v7;
	[tilespmem:s14+$0x4800] =	vst.msk vm0, v8  }
0x359: {  	s18 =	sshra.s32 s19, $0x2;
	s19 =	sadd.s32 $0x40, s19;
	[tilespmem:s14+$0x5800] =	vst.msk vm0, v7  }
0x35a: {  	v7 =	vld [tilespmem:s18+$0x800];
	_ =	sdelay $0x6  }
0x35b: {  	v8 =	vld [tilespmem:s18+$0x1000]  }
0x35c: {  	v7 =	vld.idx.msk [tilespmem:v7+s2+$0x0], $0xffff;
	_ =	sdelay $0x3  }
0x35d: {  	v9 =	vshrl.u32 v8, $0x1  }
0x35e: {  	vm1 =	veq.s32 v9, v0;
	vm0 =	vgt.s32 v7, $0xFFFFFFFF  }
0x35f: {  	vm0 =	vmand vm1, vm0  }
0x360: {  	v60 =	vmpcnt.ones.xlane vm0;
	_ =	sdelay $0x1  }
0x361: {  	v9 =	vxor.u32 $0x80000000, v60  }
0x362: {  	(xrf0) =	vmax.scan.msk.u32 $0xffff, v9;
	_ =	sdelay $0x3  }
0x363: {  	v61, _, _ =	vpop (xrf0)  }
0x364: {  	(v2sf) =	vpush v61, $0xF  }
0x365: {  	v62, _, _ =	vpop (xrf0)  }
0x366: {  	(v2sf) =	vpush v62, $0xF;
	_ =	sdelay $0xa  }
0x367: {  	v63 =	vld [tilespmem:s18+$0x0];
	_ =	sdelay $0x1  }
0x368: {  	s22 =	spop (v2sf)  }
0x369: {  	s14 =	sadd.s32 s22, s14  }
0x36a: {  	v8 =	vand.u32 $0x1, v8;
	v7 =	vshll.u32 v7, $0x1;
	s14 =	sadd.s32 $0x80000000, s14;
	s23 =	spop (v2sf)  }
0x36b: {  	v7 =	vor.u32 v8, v7;
	[tilespmem:s14+$0x4800] =	vst.msk vm0, v63;
	s18 =	sadd.s32 s23, s14  }
0x36c: {  	[tilespmem:s14+$0x5800] =	vst.msk vm0, v7;
	s18 =	sadd.s32 $0x80000000, s18  }
0x36d: {  	[tilespmem:s18+$0x4800] =	vst v5;
	s24 =	sadd.s32 $0x3F, s18  }
0x36e: {  	[tilespmem:s18+$0x5800] =	vst v6;
	s14 =	sshrl.u32 s24, $0x6  }
0x36f: {  	[tilespmem:s18+$0x4810] =	vst v5;
	p0 =	seq.s32 s14, $0x0  }
.Ltmp32:
0x370: {  	[tilespmem:s18+$0x5810] =	vst v6;
	(pc) =	sbr.rel @p0 .LBB2_59-.Ltmp32, $4  }
0x371: {  	[tilespmem:s18+$0x4820] =	vst v5  }
0x372: {  	[tilespmem:s18+$0x5820] =	vst v6  }
0x373: {  	[tilespmem:s18+$0x4830] =	vst v5  }
0x374: {  	[tilespmem:s18+$0x5830] =	vst v6  }
0x375: {  	s18 =	simm.s32 $0x5800;
	s19 =	sshll.u32 s14, $0x2  }
0x376: {  	v7 =	vld [tilespmem:s18+$0x0];
	p0 =	sne.s32 s19, $0x1  }
.Ltmp33:
0x377: {  	_ = 	snop;
	(pc) =	sbr.rel @!p0 .LBB2_53-.Ltmp33, $4  }
0x378: {  	s18 =	simm.s32 $0x0  }
0x379: {  	s20 =	sand.u32 $0x30, s18;
	s21 =	sand.u32 $0xFFFFFF80, s18  }
0x37a: {  	s20 =	sor.u32 s20, s21  }
0x37b: {  	s19 =	sadd.s32 $0xFFFFFFFF, s19;
	s21 =	simm.s32 $0x0;
	[tilespmem:s20+$0x6800] =	vst v7;
	s20 =	simm.s32 $0x5810  }
.LBB2_52:
0x37c: {  	v7 =	vld [tilespmem:s20+$0x0];
	p0 =	sne.s32 s19, $0x1;
	s19 =	sadd.s32 $0xFFFFFFFF, s19  }
.Ltmp34:
0x37d: {  	(pc) =	sbr.rel @p0 .LBB2_52-.Ltmp34, $4  }
0x37e: {  	s18 =	sadd.s32 $0x20, s18;
	s21 =	sadd.s32 $0x10, s21  }
0x37f: {  	s22 =	sand.u32 $0x30, s21;
	s23 =	sand.u32 $0xFFFFFF80, s18  }
0x380: {  	s22 =	sor.u32 s22, s23  }
0x381: {  	s20 =	sadd.s32 $0x10, s20;
	[tilespmem:s22+$0x6800] =	vst v7  }
.LBB2_53:
0x382: {  	p0 =	sne.s32 s14, $0x1  }
.Ltmp35:
0x383: {  	_ = 	snop;
	(pc) =	sbr.rel @p0 .LBB2_55-.Ltmp35, $4  }
0x384: {  	[tilespmem:s29], [sflag:$0x1] =	stream.indirect.gather [hbm4b:s4+s10], $0x80, s13, s10, $0xb8;
	[tilespmem:$0x1F100] =	vst v63  }
0x385: {  	_ =	swait.ge [sflag:s9], $0x2000  }
0x386: {  	[sflag:s9] =	ssyncset.done $0x0  }
0x387: {  	[sflag:s9] =	ssyncadd.s32 $0xFFFFE000  }
.Ltmp36:
0x388: {  	(pc) =	sbr.rel .LBB2_58-.Ltmp36, $4  }
0x389: {  	_ = 	snop  }
0x38a: {  	[spmem:s8] =	stream.indirect.scatter.add.f32 [tilespmem:s29], [sflag:$0x2], $0x80, s15, s10, $0xb8;
	[tilespmem:$0x1F100] =	vst v63  }
0x38b: {  	_ = 	snop  }
0x38c: {  	[spmem:s11] =	stream.indirect.scatter.add.f32 [tilespmem:s16], [sflag:$0x3], $0x80, s15, s10, $0xb8;
	[tilespmem:$0x1F100] =	vst v63  }
.LBB2_55:
0x38d: {  	s18 =	simm.s32 $0x4840  }
0x38e: {  	[tilespmem:s12], [sflag:$0x1] =	stream.indirect.gather [hbm4b:s4+s10], $0x80, s18, s10, $0xb8;
	[tilespmem:$0x1F100] =	vst v63  }
0x38f: {  	_ = 	snop  }
0x390: {  	[spmem:s8] =	stream.indirect.scatter.add.f32 [tilespmem:s29], [sflag:$0x2], $0x80, s15, s10, $0xb8;
	[tilespmem:$0x1F100] =	vst v63  }
0x391: {  	_ = 	snop  }
0x392: {  	[spmem:s11] =	stream.indirect.scatter.add.f32 [tilespmem:s16], [sflag:$0x3], $0x80, s15, s10, $0xb8;
	[tilespmem:$0x1F100] =	vst v63  }
0x393: {  	_ =	swait.ge [sflag:s9], $0x2000  }
0x394: {  	[sflag:s9] =	ssyncset.done $0x0  }
0x395: {  	[sflag:s9] =	ssyncadd.s32 $0xFFFFE000  }
0x396: {  	_ =	swait.ge [sflag:s3], $0x2000  }
0x397: {  	s24 =	simm.s32 $0x1;
	[sflag:s3] =	ssyncset.done $0x0  }
0x398: {  	p0 =	sle.u32 s14, $0x2;
	s18 =	sand.u32 $0x1, s24;
	[sflag:s3] =	ssyncadd.s32 $0xFFFFE000  }
0x399: {  	s20 =	sshll.u32 @!p0 s18, $0xD;
	_ =	swait.ge [sflag:s5], $0x2000  }
0x39a: {  	s19 =	simm.s32 $0x4880;
	s20 =	sxor.u32 @!p0 $0x2000, s20;
	[sflag:s5] =	ssyncset.done $0x0  }
0x39b: {  	s21 =	simm.s32 @!p0 $0x40;
	s20 =	sor.u32 @!p0 $0x8800, s20;
	[sflag:s5] =	ssyncadd.s32 $0xFFFFE000  }
0x39c: {  	[tilespmem:s20], [sflag:$0x1] =	stream.indirect.gather @!p0 [hbm4b:s4+s21], $0x80, s19, s21, $0xb8;
	[tilespmem:$0x1F100] =	vst v63  }
0x39d: {  	p0 =	sne.s32 s14, $0x2  }
.Ltmp37:
0x39e: {  	_ = 	snop;
	(pc) =	sbr.rel @!p0 .LBB2_57-.Ltmp37, $4  }
0x39f: {  	s18 =	sshll.u32 s18, $0xD  }
0x3a0: {  	s18 =	sor.u32 $0x8800, s18;
	s21 =	simm.s32 $0x6880  }
0x3a1: {  	[spmem:s8] =	stream.indirect.scatter.add.f32 [tilespmem:s18], [sflag:$0x2], $0x80, s21, s10, $0xb8;
	[tilespmem:$0x1F100] =	vst v63  }
0x3a2: {  	s19 =	simm.s32 $0x6900;
	s20 =	simm.s32 $0x48C0;
	s18 =	simm.s32 $0x2  }
.LBB2_56:
0x3a3: {  	[spmem:s11] =	stream.indirect.scatter.add.f32 [tilespmem:s16], [sflag:$0x3], $0x80, s21, s10, $0xb8;
	[tilespmem:$0x1F100] =	vst v63  }
0x3a4: {  	s22 =	smov.u32 s18;
	s18 =	sadd.s32 $0x1, s18;
	_ =	swait.ge [sflag:s9], $0x2000  }
0x3a5: {  	s21 =	smov.u32 s19;
	p0 =	sne.s32 s14, s18;
	[sflag:s9] =	ssyncset.done $0x0  }
0x3a6: {  	[sflag:s9] =	ssyncadd.s32 $0xFFFFE000  }
0x3a7: {  	_ =	swait.ge [sflag:s3], $0x2000  }
0x3a8: {  	[sflag:s3] =	ssyncset.done $0x0  }
0x3a9: {  	s22 =	sand.u32 $0x1, s22;
	p1 =	sge.u32 s18, s14;
	[sflag:s3] =	ssyncadd.s32 $0xFFFFE000  }
0x3aa: {  	s23 =	sshll.u32 @!p1 s22, $0xD;
	s22 =	sshll.u32 s22, $0xD;
	_ =	swait.ge [sflag:s5], $0x2000  }
0x3ab: {  	s24 =	simm.s32 @!p1 $0x40;
	s23 =	sxor.u32 @!p1 $0x2000, s23;
	[sflag:s5] =	ssyncset.done $0x0  }
.Ltmp38:
0x3ac: {  	s23 =	sor.u32 @!p1 $0x8800, s23;
	[sflag:s5] =	ssyncadd.s32 $0xFFFFE000;
	(pc) =	sbr.rel @p0 .LBB2_56-.Ltmp38, $4  }
0x3ad: {  	[tilespmem:s23], [sflag:$0x1] =	stream.indirect.gather @!p1 [hbm4b:s4+s24], $0x80, s20, s24, $0xb8;
	[tilespmem:$0x1F100] =	vst v63  }
0x3ae: {  	s22 =	sor.u32 $0x8800, s22  }
0x3af: {  	[spmem:s8] =	stream.indirect.scatter.add.f32 [tilespmem:s22], [sflag:$0x2], $0x80, s19, s10, $0xb8;
	[tilespmem:$0x1F100] =	vst v63  }
0x3b0: {  	s20 =	sadd.s32 $0x40, s20;
	s19 =	sadd.s32 $0x80, s19  }
.LBB2_57:
0x3b1: {  	[spmem:s11] =	stream.indirect.scatter.add.f32 [tilespmem:s16], [sflag:$0x3], $0x80, s21, s10, $0xb8;
	[tilespmem:$0x1F100] =	vst v63  }
.LBB2_58:
0x3b2: {  	_ =	swait.ge [sflag:s3], $0x2000  }
0x3b3: {  	[sflag:s3] =	ssyncset.done $0x0  }
0x3b4: {  	[sflag:s3] =	ssyncadd.s32 $0xFFFFE000  }
0x3b5: {  	_ =	swait.ge [sflag:s5], $0x2000  }
0x3b6: {  	[sflag:s5] =	ssyncset.done $0x0  }
0x3b7: {  	[sflag:s5] =	ssyncadd.s32 $0xFFFFE000  }
.LBB2_59:
0x3b8: {  	s18 =	sld [smem:$0x7E9];
	_ =	sdelay $0x1  }
0x3b9: {  	s14 =	simm.s32 $0x0;
	s22 =	sld [smem:$0x7EA]  }
0x3ba: {  	[tilespmem:s14], [sflag:$0x1] =	stream.linear.gather [hbm4b:s18+s14], $0x7D0, $0x38;
	[tilespmem:$0x1F100] =	vst v63  }
0x3bb: {  	s23 =	sld [smem:$0x7EB]  }
0x3bc: {  	[tilespmem:s6], [sflag:$0x1] =	stream.linear.gather [hbm4b:s22+s14], $0x7D0, $0x38;
	[tilespmem:$0x1F100] =	vst v63  }
0x3bd: {  	_ = 	snop  }
0x3be: {  	[tilespmem:s7], [sflag:$0x1] =	stream.linear.gather [hbm4b:s23+s14], $0x7D0, $0x38;
	[tilespmem:$0x1F100] =	vst v63  }
0x3bf: {  	_ =	swait.ge [sflag:s9], $0x7D0  }
0x3c0: {  	[sflag:s9] =	ssyncset.done $0x0  }
0x3c1: {  	[sflag:s9] =	ssyncadd.s32 $0xFFFFF830  }
0x3c2: {  	_ =	swait.ge [sflag:s9], $0x7D0  }
0x3c3: {  	[sflag:s9] =	ssyncset.done $0x0  }
0x3c4: {  	[sflag:s9] =	ssyncadd.s32 $0xFFFFF830  }
0x3c5: {  	_ =	swait.ge [sflag:s9], $0x7D0  }
0x3c6: {  	[sflag:s9] =	ssyncset.done $0x0  }
0x3c7: {  	s24 =	simm.s32 $0x0;
	[sflag:s9] =	ssyncadd.s32 $0xFFFFF830  }
0x3c8: {  	v7 =	vld [tilespmem:s24+$0x800];
	_ =	sdelay $0x6  }
0x3c9: {  	v8 =	vld [tilespmem:s24+$0x1000]  }
0x3ca: {  	v7 =	vld.idx.msk [tilespmem:v7+s2+$0x0], $0xffff;
	_ =	sdelay $0x3  }
0x3cb: {  	v9 =	vshrl.u32 v8, $0x1  }
0x3cc: {  	vm1 =	veq.s32 v9, v0;
	vm0 =	vgt.s32 v7, $0xFFFFFFFF  }
0x3cd: {  	vm0 =	vmand vm1, vm0  }
0x3ce: {  	v10 =	vld [tilespmem:s24+$0x0];
	v63 =	vmpcnt.ones.xlane vm0;
	_ =	sdelay $0x1  }
0x3cf: {  	v9 =	vxor.u32 $0x80000000, v63  }
0x3d0: {  	(xrf0) =	vmax.scan.msk.u32 $0xffff, v9  }
0x3d1: {  	v8 =	vand.u32 $0x1, v8;
	v7 =	vshll.u32 v7, $0x1  }
0x3d2: {  	v7 =	vor.u32 v8, v7;
	[tilespmem:s14+$0x4800] =	vst.msk vm0, v10  }
0x3d3: {  	s19 =	simm.s32 $0x80;
	s18 =	simm.s32 $0x10;
	[tilespmem:s14+$0x5800] =	vst.msk vm0, v7  }
.LBB2_60:
0x3d4: {  	p0 =	sne.s32 s19, $0x1F00;
	v7 =	vld [tilespmem:s18+$0x800];
	_ =	sdelay $0x1  }
0x3d5: {  	v8, _, _ =	vpop (xrf0)  }
0x3d6: {  	(v2sf) =	vpush v8, $0xF;
	_ =	sdelay $0x3  }
0x3d7: {  	v8 =	vld [tilespmem:s18+$0x1000]  }
0x3d8: {  	v7 =	vld.idx.msk [tilespmem:v7+s2+$0x0], $0xffff;
	_ =	sdelay $0x3  }
0x3d9: {  	v9 =	vand.u32 $0x1, v8  }
0x3da: {  	v8 =	vshrl.u32 v8, $0x1  }
0x3db: {  	vm0 =	vgt.s32 v7, $0xFFFFFFFF;
	vm1 =	veq.s32 v8, v0;
	v7 =	vshll.u32 v7, $0x1  }
0x3dc: {  	vm0 =	vmand vm1, vm0  }
0x3dd: {  	v10 =	vmpcnt.ones.xlane vm0;
	v8 =	vld [tilespmem:s18+$0x0];
	_ =	sdelay $0x1  }
.Ltmp39:
0x3de: {  	v10 =	vxor.u32 $0x80000000, v10;
	s18 =	spop (v2sf);
	(pc) =	sbr.rel @p0 .LBB2_60-.Ltmp39, $4  }
0x3df: {  	(xrf0) =	vmax.scan.msk.u32 $0xffff, v10;
	s14 =	sadd.s32 s18, s14  }
0x3e0: {  	s14 =	sadd.s32 $0x80000000, s14  }
0x3e1: {  	v7 =	vor.u32 v9, v7;
	[tilespmem:s14+$0x4800] =	vst.msk vm0, v8  }
0x3e2: {  	s18 =	sshra.s32 s19, $0x2;
	s19 =	sadd.s32 $0x40, s19;
	[tilespmem:s14+$0x5800] =	vst.msk vm0, v7  }
0x3e3: {  	v7 =	vld [tilespmem:s18+$0x800];
	_ =	sdelay $0x6  }
0x3e4: {  	v8 =	vld [tilespmem:s18+$0x1000]  }
0x3e5: {  	v7 =	vld.idx.msk [tilespmem:v7+s2+$0x0], $0xffff;
	_ =	sdelay $0x3  }
0x3e6: {  	v9 =	vshrl.u32 v8, $0x1  }
0x3e7: {  	vm1 =	veq.s32 v9, v0;
	vm0 =	vgt.s32 v7, $0xFFFFFFFF  }
0x3e8: {  	v10, _, _ =	vpop (xrf0);
	vm0 =	vmand vm1, vm0  }
0x3e9: {  	(v2sf) =	vpush v10, $0xF;
	v59 =	vmpcnt.ones.xlane vm0;
	_ =	sdelay $0x1  }
0x3ea: {  	v9 =	vxor.u32 $0x80000000, v59  }
0x3eb: {  	(xrf0) =	vmax.scan.msk.u32 $0xffff, v9;
	_ =	sdelay $0x5  }
0x3ec: {  	v9, _, _ =	vpop (xrf0)  }
0x3ed: {  	(v2sf) =	vpush v9, $0xF;
	_ =	sdelay $0x2  }
0x3ee: {  	v60 =	vld [tilespmem:s18+$0x0];
	_ =	sdelay $0x1  }
0x3ef: {  	s20 =	spop (v2sf)  }
0x3f0: {  	s14 =	sadd.s32 s20, s14  }
0x3f1: {  	s19 =	sld [smem:$0x7EF];
	v8 =	vand.u32 $0x1, v8;
	v7 =	vshll.u32 v7, $0x1;
	s14 =	sadd.s32 $0x80000000, s14  }
0x3f2: {  	v7 =	vor.u32 v8, v7;
	[tilespmem:s14+$0x4800] =	vst.msk vm0, v60  }
0x3f3: {  	s21 =	simm.s32 $0x0;
	s22 =	sld [smem:$0x7F0];
	[tilespmem:s14+$0x5800] =	vst.msk vm0, v7  }
0x3f4: {  	[tilespmem:s21], [sflag:$0x1] =	stream.linear.gather [hbm4b:s19+s21], $0x7D0, $0x38;
	[tilespmem:$0x1F100] =	vst v63  }
0x3f5: {  	s20 =	sld [smem:$0x7F1]  }
0x3f6: {  	[tilespmem:s6], [sflag:$0x1] =	stream.linear.gather [hbm4b:s22+s21], $0x7D0, $0x38;
	[tilespmem:$0x1F100] =	vst v63  }
0x3f7: {  	_ = 	snop  }
0x3f8: {  	[tilespmem:s7], [sflag:$0x1] =	stream.linear.gather [hbm4b:s20+s21], $0x7D0, $0x38;
	[tilespmem:$0x1F100] =	vst v63  }
0x3f9: {  	s23 =	spop (v2sf)  }
0x3fa: {  	_ =	swait.ge [sflag:s9], $0x7D0  }
0x3fb: {  	[sflag:s9] =	ssyncset.done $0x0  }
0x3fc: {  	[sflag:s9] =	ssyncadd.s32 $0xFFFFF830  }
0x3fd: {  	_ =	swait.ge [sflag:s9], $0x7D0  }
0x3fe: {  	[sflag:s9] =	ssyncset.done $0x0  }
0x3ff: {  	[sflag:s9] =	ssyncadd.s32 $0xFFFFF830  }
0x400: {  	_ =	swait.ge [sflag:s9], $0x7D0  }
0x401: {  	[sflag:s9] =	ssyncset.done $0x0  }
0x402: {  	s24 =	simm.s32 $0x0;
	[sflag:s9] =	ssyncadd.s32 $0xFFFFF830  }
0x403: {  	v7 =	vld [tilespmem:s24+$0x800];
	_ =	sdelay $0x6  }
0x404: {  	v8 =	vld [tilespmem:s24+$0x1000]  }
0x405: {  	v7 =	vld.idx.msk [tilespmem:v7+s2+$0x0], $0xffff;
	_ =	sdelay $0x3  }
0x406: {  	v61 =	vshrl.u32 v8, $0x1  }
0x407: {  	vm15 =	veq.s32 v61, v0;
	vm14 =	vgt.s32 v7, $0xFFFFFFFF  }
0x408: {  	vm0 =	vmand vm15, vm14  }
0x409: {  	v62 =	vld [tilespmem:s24+$0x0];
	v63 =	vmpcnt.ones.xlane vm0;
	_ =	sdelay $0x1  }
0x40a: {  	v9 =	vxor.u32 $0x80000000, v63  }
0x40b: {  	s14 =	sadd.s32 s23, s14;
	(xrf0) =	vmax.scan.msk.u32 $0xffff, v9  }
0x40c: {  	s14 =	sadd.s32 $0x80000000, s14;
	v8 =	vand.u32 $0x1, v8;
	v7 =	vshll.u32 v7, $0x1  }
0x40d: {  	v7 =	vor.u32 v8, v7;
	[tilespmem:s14+$0x4800] =	vst.msk vm0, v62  }
0x40e: {  	s18 =	simm.s32 $0x10;
	s19 =	simm.s32 $0x80;
	[tilespmem:s14+$0x5800] =	vst.msk vm0, v7  }
.LBB2_62:
0x40f: {  	p0 =	sne.s32 s19, $0x1F00;
	v7 =	vld [tilespmem:s18+$0x800];
	_ =	sdelay $0x1  }
0x410: {  	v8, _, _ =	vpop (xrf0)  }
0x411: {  	(v2sf) =	vpush v8, $0xF;
	_ =	sdelay $0x3  }
0x412: {  	v8 =	vld [tilespmem:s18+$0x1000]  }
0x413: {  	v7 =	vld.idx.msk [tilespmem:v7+s2+$0x0], $0xffff;
	_ =	sdelay $0x3  }
0x414: {  	v9 =	vand.u32 $0x1, v8  }
0x415: {  	v8 =	vshrl.u32 v8, $0x1  }
0x416: {  	vm0 =	vgt.s32 v7, $0xFFFFFFFF;
	vm1 =	veq.s32 v8, v0;
	v7 =	vshll.u32 v7, $0x1  }
0x417: {  	vm0 =	vmand vm1, vm0  }
0x418: {  	v10 =	vmpcnt.ones.xlane vm0;
	v8 =	vld [tilespmem:s18+$0x0];
	_ =	sdelay $0x1  }
.Ltmp40:
0x419: {  	v10 =	vxor.u32 $0x80000000, v10;
	s18 =	spop (v2sf);
	(pc) =	sbr.rel @p0 .LBB2_62-.Ltmp40, $4  }
0x41a: {  	(xrf0) =	vmax.scan.msk.u32 $0xffff, v10;
	s14 =	sadd.s32 s18, s14  }
0x41b: {  	s14 =	sadd.s32 $0x80000000, s14  }
0x41c: {  	v7 =	vor.u32 v9, v7;
	[tilespmem:s14+$0x4800] =	vst.msk vm0, v8  }
0x41d: {  	s18 =	sshra.s32 s19, $0x2;
	s19 =	sadd.s32 $0x40, s19;
	[tilespmem:s14+$0x5800] =	vst.msk vm0, v7  }
0x41e: {  	v7 =	vld [tilespmem:s18+$0x800];
	_ =	sdelay $0x6  }
0x41f: {  	v8 =	vld [tilespmem:s18+$0x1000]  }
0x420: {  	v7 =	vld.idx.msk [tilespmem:v7+s2+$0x0], $0xffff;
	_ =	sdelay $0x3  }
0x421: {  	v9 =	vshrl.u32 v8, $0x1  }
0x422: {  	vm1 =	veq.s32 v9, v0;
	vm0 =	vgt.s32 v7, $0xFFFFFFFF  }
0x423: {  	vm0 =	vmand vm1, vm0  }
0x424: {  	v60 =	vmpcnt.ones.xlane vm0;
	_ =	sdelay $0x1  }
0x425: {  	v9 =	vxor.u32 $0x80000000, v60  }
0x426: {  	(xrf0) =	vmax.scan.msk.u32 $0xffff, v9;
	_ =	sdelay $0x3  }
0x427: {  	v61, _, _ =	vpop (xrf0)  }
0x428: {  	(v2sf) =	vpush v61, $0xF  }
0x429: {  	v62, _, _ =	vpop (xrf0)  }
0x42a: {  	(v2sf) =	vpush v62, $0xF;
	_ =	sdelay $0xa  }
0x42b: {  	v63 =	vld [tilespmem:s18+$0x0];
	_ =	sdelay $0x1  }
0x42c: {  	s22 =	spop (v2sf)  }
0x42d: {  	s14 =	sadd.s32 s22, s14  }
0x42e: {  	v8 =	vand.u32 $0x1, v8;
	v7 =	vshll.u32 v7, $0x1;
	s14 =	sadd.s32 $0x80000000, s14;
	s23 =	spop (v2sf)  }
0x42f: {  	v7 =	vor.u32 v8, v7;
	[tilespmem:s14+$0x4800] =	vst.msk vm0, v63;
	s18 =	sadd.s32 s23, s14  }
0x430: {  	[tilespmem:s14+$0x5800] =	vst.msk vm0, v7;
	s18 =	sadd.s32 $0x80000000, s18  }
0x431: {  	[tilespmem:s18+$0x4800] =	vst v5;
	s24 =	sadd.s32 $0x3F, s18  }
0x432: {  	[tilespmem:s18+$0x5800] =	vst v6;
	s14 =	sshrl.u32 s24, $0x6  }
0x433: {  	[tilespmem:s18+$0x4810] =	vst v5;
	p0 =	seq.s32 s14, $0x0  }
.Ltmp41:
0x434: {  	[tilespmem:s18+$0x5810] =	vst v6;
	(pc) =	sbr.rel @p0 .LBB2_72-.Ltmp41, $4  }
0x435: {  	[tilespmem:s18+$0x4820] =	vst v5  }
0x436: {  	[tilespmem:s18+$0x5820] =	vst v6  }
0x437: {  	[tilespmem:s18+$0x4830] =	vst v5  }
0x438: {  	[tilespmem:s18+$0x5830] =	vst v6  }
0x439: {  	s18 =	simm.s32 $0x5800;
	s19 =	sshll.u32 s14, $0x2  }
0x43a: {  	v7 =	vld [tilespmem:s18+$0x0];
	p0 =	sne.s32 s19, $0x1  }
.Ltmp42:
0x43b: {  	_ = 	snop;
	(pc) =	sbr.rel @!p0 .LBB2_66-.Ltmp42, $4  }
0x43c: {  	s18 =	simm.s32 $0x0  }
0x43d: {  	s20 =	sand.u32 $0x30, s18;
	s21 =	sand.u32 $0xFFFFFF80, s18  }
0x43e: {  	s20 =	sor.u32 s20, s21  }
0x43f: {  	s19 =	sadd.s32 $0xFFFFFFFF, s19;
	s21 =	simm.s32 $0x0;
	[tilespmem:s20+$0x6800] =	vst v7;
	s20 =	simm.s32 $0x5810  }
.LBB2_65:
0x440: {  	v7 =	vld [tilespmem:s20+$0x0];
	p0 =	sne.s32 s19, $0x1;
	s19 =	sadd.s32 $0xFFFFFFFF, s19  }
.Ltmp43:
0x441: {  	(pc) =	sbr.rel @p0 .LBB2_65-.Ltmp43, $4  }
0x442: {  	s18 =	sadd.s32 $0x20, s18;
	s21 =	sadd.s32 $0x10, s21  }
0x443: {  	s22 =	sand.u32 $0x30, s21;
	s23 =	sand.u32 $0xFFFFFF80, s18  }
0x444: {  	s22 =	sor.u32 s22, s23  }
0x445: {  	s20 =	sadd.s32 $0x10, s20;
	[tilespmem:s22+$0x6800] =	vst v7  }
.LBB2_66:
0x446: {  	p0 =	sne.s32 s14, $0x1  }
.Ltmp44:
0x447: {  	_ = 	snop;
	(pc) =	sbr.rel @p0 .LBB2_68-.Ltmp44, $4  }
0x448: {  	[tilespmem:s29], [sflag:$0x1] =	stream.indirect.gather [hbm4b:s4+s10], $0x80, s13, s10, $0xb8;
	[tilespmem:$0x1F100] =	vst v63  }
0x449: {  	_ =	swait.ge [sflag:s9], $0x2000  }
0x44a: {  	[sflag:s9] =	ssyncset.done $0x0  }
0x44b: {  	[sflag:s9] =	ssyncadd.s32 $0xFFFFE000  }
.Ltmp45:
0x44c: {  	(pc) =	sbr.rel .LBB2_71-.Ltmp45, $4  }
0x44d: {  	_ = 	snop  }
0x44e: {  	[spmem:s8] =	stream.indirect.scatter.add.f32 [tilespmem:s29], [sflag:$0x2], $0x80, s15, s10, $0xb8;
	[tilespmem:$0x1F100] =	vst v63  }
0x44f: {  	_ = 	snop  }
0x450: {  	[spmem:s11] =	stream.indirect.scatter.add.f32 [tilespmem:s16], [sflag:$0x3], $0x80, s15, s10, $0xb8;
	[tilespmem:$0x1F100] =	vst v63  }
.LBB2_68:
0x451: {  	s18 =	simm.s32 $0x4840  }
0x452: {  	[tilespmem:s12], [sflag:$0x1] =	stream.indirect.gather [hbm4b:s4+s10], $0x80, s18, s10, $0xb8;
	[tilespmem:$0x1F100] =	vst v63  }
0x453: {  	_ = 	snop  }
0x454: {  	[spmem:s8] =	stream.indirect.scatter.add.f32 [tilespmem:s29], [sflag:$0x2], $0x80, s15, s10, $0xb8;
	[tilespmem:$0x1F100] =	vst v63  }
0x455: {  	_ = 	snop  }
0x456: {  	[spmem:s11] =	stream.indirect.scatter.add.f32 [tilespmem:s16], [sflag:$0x3], $0x80, s15, s10, $0xb8;
	[tilespmem:$0x1F100] =	vst v63  }
0x457: {  	_ =	swait.ge [sflag:s9], $0x2000  }
0x458: {  	[sflag:s9] =	ssyncset.done $0x0  }
0x459: {  	[sflag:s9] =	ssyncadd.s32 $0xFFFFE000  }
0x45a: {  	_ =	swait.ge [sflag:s3], $0x2000  }
0x45b: {  	s24 =	simm.s32 $0x1;
	[sflag:s3] =	ssyncset.done $0x0  }
0x45c: {  	p0 =	sle.u32 s14, $0x2;
	s18 =	sand.u32 $0x1, s24;
	[sflag:s3] =	ssyncadd.s32 $0xFFFFE000  }
0x45d: {  	s20 =	sshll.u32 @!p0 s18, $0xD;
	_ =	swait.ge [sflag:s5], $0x2000  }
0x45e: {  	s19 =	simm.s32 $0x4880;
	s20 =	sxor.u32 @!p0 $0x2000, s20;
	[sflag:s5] =	ssyncset.done $0x0  }
0x45f: {  	s21 =	simm.s32 @!p0 $0x40;
	s20 =	sor.u32 @!p0 $0x8800, s20;
	[sflag:s5] =	ssyncadd.s32 $0xFFFFE000  }
0x460: {  	[tilespmem:s20], [sflag:$0x1] =	stream.indirect.gather @!p0 [hbm4b:s4+s21], $0x80, s19, s21, $0xb8;
	[tilespmem:$0x1F100] =	vst v63  }
0x461: {  	p0 =	sne.s32 s14, $0x2  }
.Ltmp46:
0x462: {  	_ = 	snop;
	(pc) =	sbr.rel @!p0 .LBB2_70-.Ltmp46, $4  }
0x463: {  	s18 =	sshll.u32 s18, $0xD  }
0x464: {  	s18 =	sor.u32 $0x8800, s18;
	s21 =	simm.s32 $0x6880  }
0x465: {  	[spmem:s8] =	stream.indirect.scatter.add.f32 [tilespmem:s18], [sflag:$0x2], $0x80, s21, s10, $0xb8;
	[tilespmem:$0x1F100] =	vst v63  }
0x466: {  	s19 =	simm.s32 $0x6900;
	s20 =	simm.s32 $0x48C0;
	s18 =	simm.s32 $0x2  }
.LBB2_69:
0x467: {  	[spmem:s11] =	stream.indirect.scatter.add.f32 [tilespmem:s16], [sflag:$0x3], $0x80, s21, s10, $0xb8;
	[tilespmem:$0x1F100] =	vst v63  }
0x468: {  	s22 =	smov.u32 s18;
	s18 =	sadd.s32 $0x1, s18;
	_ =	swait.ge [sflag:s9], $0x2000  }
0x469: {  	s21 =	smov.u32 s19;
	p0 =	sne.s32 s14, s18;
	[sflag:s9] =	ssyncset.done $0x0  }
0x46a: {  	[sflag:s9] =	ssyncadd.s32 $0xFFFFE000  }
0x46b: {  	_ =	swait.ge [sflag:s3], $0x2000  }
0x46c: {  	[sflag:s3] =	ssyncset.done $0x0  }
0x46d: {  	s22 =	sand.u32 $0x1, s22;
	p1 =	sge.u32 s18, s14;
	[sflag:s3] =	ssyncadd.s32 $0xFFFFE000  }
0x46e: {  	s23 =	sshll.u32 @!p1 s22, $0xD;
	s22 =	sshll.u32 s22, $0xD;
	_ =	swait.ge [sflag:s5], $0x2000  }
0x46f: {  	s24 =	simm.s32 @!p1 $0x40;
	s23 =	sxor.u32 @!p1 $0x2000, s23;
	[sflag:s5] =	ssyncset.done $0x0  }
.Ltmp47:
0x470: {  	s23 =	sor.u32 @!p1 $0x8800, s23;
	[sflag:s5] =	ssyncadd.s32 $0xFFFFE000;
	(pc) =	sbr.rel @p0 .LBB2_69-.Ltmp47, $4  }
0x471: {  	[tilespmem:s23], [sflag:$0x1] =	stream.indirect.gather @!p1 [hbm4b:s4+s24], $0x80, s20, s24, $0xb8;
	[tilespmem:$0x1F100] =	vst v63  }
0x472: {  	s22 =	sor.u32 $0x8800, s22  }
0x473: {  	[spmem:s8] =	stream.indirect.scatter.add.f32 [tilespmem:s22], [sflag:$0x2], $0x80, s19, s10, $0xb8;
	[tilespmem:$0x1F100] =	vst v63  }
0x474: {  	s20 =	sadd.s32 $0x40, s20;
	s19 =	sadd.s32 $0x80, s19  }
.LBB2_70:
0x475: {  	[spmem:s11] =	stream.indirect.scatter.add.f32 [tilespmem:s16], [sflag:$0x3], $0x80, s21, s10, $0xb8;
	[tilespmem:$0x1F100] =	vst v63  }
.LBB2_71:
0x476: {  	_ =	swait.ge [sflag:s3], $0x2000  }
0x477: {  	[sflag:s3] =	ssyncset.done $0x0  }
0x478: {  	[sflag:s3] =	ssyncadd.s32 $0xFFFFE000  }
0x479: {  	_ =	swait.ge [sflag:s5], $0x2000  }
0x47a: {  	[sflag:s5] =	ssyncset.done $0x0  }
0x47b: {  	[sflag:s5] =	ssyncadd.s32 $0xFFFFE000  }
.LBB2_72:
0x47c: {  	v7 =	vor.u32 s30, v4  }
0x47d: {  	v7 =	vand.u32 $0x7FF, v7;
	_ =	sdelay $0x3  }
0x47e: {  	[bflag:$0x0] =	sbarrier.arrive $0xFFFF  }
0x47f: {  	v7 =	vld.idx.msk [tilespmem:v7+s31+$0x0], $0xffff;
	_ =	sdelay $0x7  }
0x480: {  	v7 =	vld.idx.msk [tilespmem:v7+s2+$0x0], $0xffff  }
0x481: {  	s18 =	sadd.s32 $0x10, s30;
	s19 =	simm.s32 $0x0  }
0x482: {  	s14 =	simm.s32 $0x40;
	s21 =	simm.s32 $0x80;
	s20 =	smov.u32 s30;
	v8 =	vor.u32 s18, v4  }
.LBB2_73:
0x483: {  	p0 =	sne.s32 s21, $0x3C0;
	v8 =	vand.u32 $0x7FF, v8  }
0x484: {  	v9 =	vmov s20;
	s20 =	smov.u32 s18  }
0x485: {  	v9 =	vshrl.u32 v9, $0xB;
	v7 =	vshll.u32 v7, $0x1  }
0x486: {  	s22 =	sshra.s32 s19, $0x2;
	s19 =	smov.u32 s14;
	s14 =	smov.u32 s21;
	v7 =	vadd.s32 v9, v7  }
0x487: {  	[tilespmem:s22+$0xE800] =	vst v7  }
0x488: {  	v7 =	vld.idx.msk [tilespmem:v8+s31+$0x0], $0xffff;
	_ =	sdelay $0x6  }
.Ltmp48:
0x489: {  	(pc) =	sbr.rel @p0 .LBB2_73-.Ltmp48, $3  }
0x48a: {  	v7 =	vld.idx.msk [tilespmem:v7+s2+$0x0], $0xffff;
	_ =	sdelay $0x1  }
0x48b: {  	s18 =	sadd.s32 $0x10, s18  }
0x48c: {  	s21 =	sadd.s32 $0x40, s21;
	v8 =	vor.u32 s18, v4  }
0x48d: {  	v8 =	vand.u32 $0x7FF, v8  }
0x48e: {  	v9 =	vmov s20  }
0x48f: {  	v9 =	vshrl.u32 v9, $0xB;
	v7 =	vshll.u32 v7, $0x1  }
0x490: {  	s19 =	sshra.s32 s19, $0x2;
	v7 =	vadd.s32 v9, v7  }
0x491: {  	[tilespmem:s19+$0xE800] =	vst v7  }
0x492: {  	v7 =	vld.idx.msk [tilespmem:v8+s31+$0x0], $0xffff;
	_ =	sdelay $0x7  }
0x493: {  	v7 =	vld.idx.msk [tilespmem:v7+s2+$0x0], $0xffff;
	_ =	sdelay $0x3  }
0x494: {  	v8 =	vmov s18  }
0x495: {  	v8 =	vshrl.u32 v8, $0xB;
	v7 =	vshll.u32 v7, $0x1  }
0x496: {  	s14 =	sshra.s32 s14, $0x2;
	v7 =	vadd.s32 v8, v7  }
0x497: {  	s24 =	simm.s32 $0xE800;
	[tilespmem:s14+$0xE800] =	vst v7  }
0x498: {  	[tilespmem:s29], [sflag:$0x1] =	stream.indirect.gather [spmem:s8], $0x80, s24, s10, $0xb8;
	[tilespmem:$0x1F100] =	vst v63  }
0x499: {  	_ = 	snop  }
0x49a: {  	[tilespmem:s12], [sflag:$0x3] =	stream.indirect.gather [spmem:s11], $0x80, s24, s10, $0xb8;
	[tilespmem:$0x1F100] =	vst v63  }
0x49b: {  	_ =	swait.ge [sflag:s9], $0x2000  }
0x49c: {  	[sflag:s9] =	ssyncset.done $0x0  }
0x49d: {  	s18 =	rddreg [dreg:$0x8];
	[sflag:s9] =	ssyncadd.s32 $0xFFFFE000  }
0x49e: {  	[hbm4b:s18+s1] =	stream.linear.scatter [tilespmem:s29], [sflag:$0x4], $0x2000, $0x38;
	[tilespmem:$0x1F100] =	vst v63  }
0x49f: {  	_ =	swait.ge [sflag:s0], $0x2000  }
0x4a0: {  	[sflag:s0] =	ssyncset.done $0x0  }
0x4a1: {  	[sflag:s0] =	ssyncadd.s32 $0xFFFFE000  }
0x4a2: {  	_ =	swait.ge [sflag:s5], $0x2000  }
0x4a3: {  	[sflag:s5] =	ssyncset.done $0x0  }
0x4a4: {  	s19 =	rddreg [dreg:$0x9];
	[sflag:s5] =	ssyncadd.s32 $0xFFFFE000  }
0x4a5: {  	[hbm4b:s19+s1] =	stream.linear.scatter [tilespmem:s12], [sflag:$0x4], $0x2000, $0x38;
	[tilespmem:$0x1F100] =	vst v63  }
0x4a6: {  	_ =	swait.ge [sflag:s0], $0x2000  }
0x4a7: {  	[sflag:s0] =	ssyncset.done $0x0  }
0x4a8: {  	s20 =	simm.s32 $0xE840;
	[sflag:s0] =	ssyncadd.s32 $0xFFFFE000  }
0x4a9: {  	[tilespmem:s29], [sflag:$0x1] =	stream.indirect.gather [spmem:s8], $0x80, s20, s10, $0xb8;
	[tilespmem:$0x1F100] =	vst v63  }
0x4aa: {  	_ = 	snop  }
0x4ab: {  	[tilespmem:s12], [sflag:$0x3] =	stream.indirect.gather [spmem:s11], $0x80, s20, s10, $0xb8;
	[tilespmem:$0x1F100] =	vst v63  }
0x4ac: {  	_ =	swait.ge [sflag:s9], $0x2000  }
0x4ad: {  	[sflag:s9] =	ssyncset.done $0x0  }
0x4ae: {  	s21 =	rddreg [dreg:$0xa];
	[sflag:s9] =	ssyncadd.s32 $0xFFFFE000  }
0x4af: {  	[hbm4b:s21+s1] =	stream.linear.scatter [tilespmem:s29], [sflag:$0x4], $0x2000, $0x38;
	[tilespmem:$0x1F100] =	vst v63  }
0x4b0: {  	_ =	swait.ge [sflag:s0], $0x2000  }
0x4b1: {  	[sflag:s0] =	ssyncset.done $0x0  }
0x4b2: {  	[sflag:s0] =	ssyncadd.s32 $0xFFFFE000  }
0x4b3: {  	_ =	swait.ge [sflag:s5], $0x2000  }
0x4b4: {  	[sflag:s5] =	ssyncset.done $0x0  }
0x4b5: {  	s22 =	rddreg [dreg:$0xb];
	[sflag:s5] =	ssyncadd.s32 $0xFFFFE000  }
0x4b6: {  	[hbm4b:s22+s1] =	stream.linear.scatter [tilespmem:s12], [sflag:$0x4], $0x2000, $0x38;
	[tilespmem:$0x1F100] =	vst v63  }
0x4b7: {  	_ =	swait.ge [sflag:s0], $0x2000  }
0x4b8: {  	[sflag:s0] =	ssyncset.done $0x0  }
0x4b9: {  	s23 =	simm.s32 $0xE880;
	[sflag:s0] =	ssyncadd.s32 $0xFFFFE000  }
0x4ba: {  	[tilespmem:s29], [sflag:$0x1] =	stream.indirect.gather [spmem:s8], $0x80, s23, s10, $0xb8;
	[tilespmem:$0x1F100] =	vst v63  }
0x4bb: {  	_ = 	snop  }
0x4bc: {  	[tilespmem:s12], [sflag:$0x3] =	stream.indirect.gather [spmem:s11], $0x80, s23, s10, $0xb8;
	[tilespmem:$0x1F100] =	vst v63  }
0x4bd: {  	_ =	swait.ge [sflag:s9], $0x2000  }
0x4be: {  	[sflag:s9] =	ssyncset.done $0x0  }
0x4bf: {  	s24 =	rddreg [dreg:$0xc];
	[sflag:s9] =	ssyncadd.s32 $0xFFFFE000  }
0x4c0: {  	[hbm4b:s24+s1] =	stream.linear.scatter [tilespmem:s29], [sflag:$0x4], $0x2000, $0x38;
	[tilespmem:$0x1F100] =	vst v63  }
0x4c1: {  	_ =	swait.ge [sflag:s0], $0x2000  }
0x4c2: {  	[sflag:s0] =	ssyncset.done $0x0  }
0x4c3: {  	[sflag:s0] =	ssyncadd.s32 $0xFFFFE000  }
0x4c4: {  	_ =	swait.ge [sflag:s5], $0x2000  }
0x4c5: {  	[sflag:s5] =	ssyncset.done $0x0  }
0x4c6: {  	s18 =	rddreg [dreg:$0xd];
	[sflag:s5] =	ssyncadd.s32 $0xFFFFE000  }
0x4c7: {  	[hbm4b:s18+s1] =	stream.linear.scatter [tilespmem:s12], [sflag:$0x4], $0x2000, $0x38;
	[tilespmem:$0x1F100] =	vst v63  }
0x4c8: {  	_ =	swait.ge [sflag:s0], $0x2000  }
0x4c9: {  	[sflag:s0] =	ssyncset.done $0x0  }
0x4ca: {  	s19 =	simm.s32 $0xE8C0;
	[sflag:s0] =	ssyncadd.s32 $0xFFFFE000  }
0x4cb: {  	[tilespmem:s29], [sflag:$0x1] =	stream.indirect.gather [spmem:s8], $0x80, s19, s10, $0xb8;
	[tilespmem:$0x1F100] =	vst v63  }
0x4cc: {  	_ = 	snop  }
0x4cd: {  	[tilespmem:s12], [sflag:$0x3] =	stream.indirect.gather [spmem:s11], $0x80, s19, s10, $0xb8;
	[tilespmem:$0x1F100] =	vst v63  }
0x4ce: {  	_ =	swait.ge [sflag:s9], $0x2000  }
0x4cf: {  	[sflag:s9] =	ssyncset.done $0x0  }
0x4d0: {  	s20 =	rddreg [dreg:$0xe];
	[sflag:s9] =	ssyncadd.s32 $0xFFFFE000  }
0x4d1: {  	[hbm4b:s20+s1] =	stream.linear.scatter [tilespmem:s29], [sflag:$0x4], $0x2000, $0x38;
	[tilespmem:$0x1F100] =	vst v63  }
0x4d2: {  	_ =	swait.ge [sflag:s0], $0x2000  }
0x4d3: {  	[sflag:s0] =	ssyncset.done $0x0  }
0x4d4: {  	[sflag:s0] =	ssyncadd.s32 $0xFFFFE000  }
0x4d5: {  	_ =	swait.ge [sflag:s5], $0x2000  }
0x4d6: {  	[sflag:s5] =	ssyncset.done $0x0  }
0x4d7: {  	s21 =	rddreg [dreg:$0xf];
	[sflag:s5] =	ssyncadd.s32 $0xFFFFE000  }
0x4d8: {  	[hbm4b:s21+s1] =	stream.linear.scatter [tilespmem:s12], [sflag:$0x4], $0x2000, $0x38;
	[tilespmem:$0x1F100] =	vst v63  }
0x4d9: {  	_ =	swait.ge [sflag:s0], $0x2000  }
0x4da: {  	s22 =	sld [smem:$0x7FC]  }
0x4db: {  	[sflag:s0] =	ssyncset.done $0x0  }
0x4dc: {  	s23 =	simm.s32 $0x20;
	s24 =	sld [smem:$0x7FD];
	[sflag:s0] =	ssyncadd.s32 $0xFFFFE000  }
0x4dd: {  	[tilespmem:s29], [sflag:$0x1] =	stream.indirect.gather [hbm4b:s4+s23], $0x80, s22, s23, $0xb8;
	[tilespmem:$0x1F100] =	vst v63  }
0x4de: {  	_ = 	snop  }
0x4df: {  	[tilespmem:s12], [sflag:$0x3] =	stream.indirect.gather [hbm4b:s4+s23], $0x80, s24, s23, $0xb8;
	[tilespmem:$0x1F100] =	vst v63  }
0x4e0: {  	_ =	swait.ge [sflag:s9], $0x1000  }
0x4e1: {  	[sflag:s9] =	ssyncset.done $0x0  }
0x4e2: {  	[sflag:s9] =	ssyncadd.s32 $0xFFFFF000  }
0x4e3: {  	[hbm4b:s25+s1] =	stream.linear.scatter [tilespmem:s29], [sflag:$0x4], $0x1000, $0x38;
	[tilespmem:$0x1F100] =	vst v63  }
0x4e4: {  	_ =	swait.ge [sflag:s0], $0x1000  }
0x4e5: {  	[sflag:s0] =	ssyncset.done $0x0  }
0x4e6: {  	[sflag:s0] =	ssyncadd.s32 $0xFFFFF000  }
0x4e7: {  	s17 =	sadd.s32 $0x1, s17;
	_ =	swait.ge [sflag:s5], $0x1000  }
0x4e8: {  	p0 =	sne.s32 s17, s28;
	[sflag:s5] =	ssyncset.done $0x0  }
.Ltmp49:
0x4e9: {  	[sflag:s5] =	ssyncadd.s32 $0xFFFFF000;
	(pc) =	sbr.rel @p0 .LBB2_1-.Ltmp49, $4  }
0x4ea: {  	[hbm4b:s26+s1] =	stream.linear.scatter [tilespmem:s12], [sflag:$0x4], $0x1000, $0x38;
	[tilespmem:$0x1F100] =	vst v63  }
0x4eb: {  	_ =	swait.ge [sflag:s0], $0x1000  }
0x4ec: {  	[sflag:s0] =	ssyncset.done $0x0  }
0x4ed: {  	[sflag:s0] =	ssyncadd.s32 $0xFFFFF000  }
0x4ee: {  	_ =	sfence.sel $0x180000  }
0x4ef: {  	[bflag:$0x0] =	sbarrier.arrive $0xFFFF  }
0x4f0: {  	_ =	strace $0x90000047  }
0x4f1: {  	s0 =	stileid.u32;
	[bflag:$0x2] =	sbarrier.arrive $0xFFFF  }
0x4f2: {  	p0 =	sne.s32 s0, $0x0;
	s0 =	rddreg [dreg:$0x7]  }
0x4f3: {  	s0 =	sadd.s32 @!p0 $0x100000, s0  }
0x4f4: {  	[sflag:s0] =	ssyncadd.tile.s32 @!p0 $0x1;
	_ =	shalt  }
.Lfunc_end2:
_tile_overlayer_lowered:
.L_overlay_start_2:
0x4f5: {  	(tag) =	ssettag $0x2  }
0x4f6: {  	s0 =	rddreg [dreg:$0x0];
	s2 =	stileid.u32  }
0x4f7: {  	s1 =	rddreg [dreg:$0x1];
	p0 =	sne.s32 s2, $0x0  }
0x4f8: {  	s3 =	rddreg [dreg:$0x2];
	[bflag:$0x3] =	sbarrier.arrive $0xFFFF;
	s2 =	simm.s32 @!p0 $0x1C04  }
0x4f9: {  	[timem:s3], [sflag:s2] =	dma.local @!p0 [hbm:s0], s1  }
0x4fa: {  	s0 =	simm.s32 @!p0 $0x4  }
0x4fb: {  	_ =	swait.ge @!p0 [sflag:s0], s1  }
0x4fc: {  	s1 =	ssub.s32 @!p0 $0x0, s1;
	[sflag:s0] =	ssyncset.done @!p0 $0x0  }
0x4fd: {  	[sflag:s0] =	ssyncadd.s32 @!p0 s1  }
0x4fe: {  	[bflag:$0x3] =	sbarrier.arrive $0xFFFF  }
0x4ff: {  	_ =	shalt  }

</sc_bundles>
